<compile_context>
chip_gen: v7x
topology: tpu7x:2x2x1
jax: 0.10.2.dev20260603
libtpu: 0.0.44.dev20260713+nightly
codegen_flags: <defaults>
</compile_context>

<pallas_src>
import functools

import jax
import jax.numpy as jnp
from jax import lax
from jax.experimental import pallas as pl
from jax.experimental.pallas import tpu as pltpu
from jax.experimental.pallas import tpu_sc as plsc

_N = 4096
_E = 65536
_B = 2048
_H = 128
_EPS = 1e-8
_KEEP = 0.3
_NOISE = _EPS / _KEEP
_T3 = (_NOISE * _NOISE) * _KEEP * _N

_NC, _NS, _L = 2, 16, 16
_NW = _NC * _NS
_NN = _N * _N

_EPT = _E // _NW
_EPS_T = _E // _NS
_NCHUNK = _EPS_T // 128
_ZCH = 32768
_STRIPE = 256
_PASS = (_N // _NC) // _STRIPE
_SPW = _STRIPE * _N

_QB = 32


def _edge_mlp_body(x_ref, w1_ref, b1_ref, w2_ref, b2_ref, o_ref):
    x = x_ref[...]
    h = jnp.maximum(x * w1_ref[...] + b1_ref[...], 0.0)
    o_ref[...] = jnp.sum(h * w2_ref[...], axis=1, keepdims=True) + b2_ref[...]


def _edge_mlp(x_col, w1, b1row, w2row, b2):
    blk = 8192
    return pl.pallas_call(
        _edge_mlp_body,
        grid=(_E // blk,),
        in_specs=[
            pl.BlockSpec((blk, 1), lambda i: (i, 0)),
            pl.BlockSpec((1, _H), lambda i: (0, 0)),
            pl.BlockSpec((1, _H), lambda i: (0, 0)),
            pl.BlockSpec((1, _H), lambda i: (0, 0)),
            pl.BlockSpec((1, 1), lambda i: (0, 0)),
        ],
        out_specs=pl.BlockSpec((blk, 1), lambda i: (i, 0)),
        out_shape=jax.ShapeDtypeStruct((_E, 1), jnp.float32),
    )(x_col, w1, b1row, w2row, b2)


def _sc_body(rows_hbm, cols_hbm, ew_hbm, nsfp_hbm, a_hbm,
             zbuf, rbuf, cbuf, idxbuf, ones, nidx, evals, acc, sacc, dsem):
    cid = lax.axis_index("c")
    sid = lax.axis_index("s")
    wid = cid * _NS + sid
    zeros16 = jnp.zeros((16,), jnp.float32)

    def zfill(i, carry):
        zbuf[pl.ds(i * 16, 16)] = zeros16
        return carry
    lax.fori_loop(0, _ZCH // 16, zfill, 0)
    for k in range(128 // 16):
        ones[pl.ds(k * 16, 16)] = jnp.full((16,), 1.0, jnp.float32)

    @pl.when(sid == 0)
    def _():
        pltpu.sync_copy(zbuf.at[pl.ds(0, _N)], acc)
    plsc.subcore_barrier()
    nbase = wid * (_EPT // 128)
    pltpu.sync_copy(cols_hbm.at[pl.ds(nbase, _EPT // 128)], nidx)
    pltpu.sync_copy(ew_hbm.at[pl.ds(nbase, _EPT // 128)], evals)
    for j in range(_EPT // 128):
        pltpu.sync_copy(evals.at[j], acc.at[nidx.at[j]], add=True)
    plsc.subcore_barrier()

    @pl.when(sid == 0)
    def _():
        pltpu.sync_copy(acc, nsfp_hbm.at[cid])

    ebase = sid * _NCHUNK
    pltpu.sync_copy(rows_hbm.at[pl.ds(ebase, _NCHUNK)], rbuf)
    pltpu.sync_copy(cols_hbm.at[pl.ds(ebase, _NCHUNK)], cbuf)
    my = sid * (_SPW // _NS)

    def one_pass(p, carry):
        base = cid * (_N // _NC) + p * _STRIPE
        zc = [pltpu.async_copy(zbuf, sacc.at[pl.ds(my + k * _ZCH, _ZCH)], dsem)
              for k in range((_SPW // _NS) // _ZCH)]
        for c in zc:
            c.wait()
        plsc.subcore_barrier()

        scopies = []
        for j in range(_NCHUNK):
            def sfill(k, carry, j=j):
                r = rbuf[j, pl.ds(k * 16, 16)]
                c = cbuf[j, pl.ds(k * 16, 16)]
                keep = (r >= base) & (r < base + _STRIPE)
                idxbuf[j, pl.ds(k * 16, 16)] = jnp.where(
                    keep, (r - base) * _N + c, _SPW)
                return carry
            lax.fori_loop(0, 128 // 16, sfill, 0)
            scopies.append(
                pltpu.async_copy(ones, sacc.at[idxbuf.at[j]], dsem))
        for c in scopies:
            c.wait()
        plsc.subcore_barrier()

        hb = base * _N + my
        oc = [pltpu.async_copy(sacc.at[pl.ds(my + k * _ZCH, _ZCH)],
                               a_hbm.at[pl.ds(hb + k * _ZCH, _ZCH)], dsem)
              for k in range((_SPW // _NS) // _ZCH)]
        for c in oc:
            c.wait()
        return carry

    lax.fori_loop(0, _PASS, one_pass, 0)


def _sc_build(rows, cols, ew):
    mesh = plsc.VectorSubcoreMesh(core_axis_name="c", subcore_axis_name="s")
    fn = pl.kernel(
        _sc_body,
        out_type=(
            jax.ShapeDtypeStruct((_NC, _N), jnp.float32),
            jax.ShapeDtypeStruct((_NN,), jnp.float32),
        ),
        mesh=mesh,
        scratch_types=[
            pltpu.VMEM((_ZCH,), jnp.float32),
            pltpu.VMEM((_NCHUNK, 128), jnp.int32),
            pltpu.VMEM((_NCHUNK, 128), jnp.int32),
            pltpu.VMEM((_NCHUNK, 128), jnp.int32),
            pltpu.VMEM((128,), jnp.float32),
            pltpu.VMEM((_EPT // 128, 128), jnp.int32),
            pltpu.VMEM((_EPT // 128, 128), jnp.float32),
            pltpu.VMEM_SHARED((_N,), jnp.float32),
            pltpu.VMEM_SHARED((_SPW + 8,), jnp.float32),
            pltpu.SemaphoreType.DMA,
        ],
    )
    return fn(rows.reshape(_E // 128, 128), cols.reshape(_E // 128, 128),
              ew.reshape(_E // 128, 128))


def _node_mlp_body(nsfp_ref, w1_ref, b1_ref, w2_ref, b2_ref, w_ref, w2o_ref):
    nsf = jnp.sum(nsfp_ref[...], axis=0)[:, None]
    h = jnp.maximum(nsf * w1_ref[...] + b1_ref[...], 0.0)
    w = jnp.sum(h * w2_ref[...], axis=1, keepdims=True) + b2_ref[...]
    w_ref[...] = w
    w2o_ref[...] = w * w


def _node_mlp(nsfp, w1, b1row, w2row, b2):
    return pl.pallas_call(
        _node_mlp_body,
        out_shape=(
            jax.ShapeDtypeStruct((_N, 1), jnp.float32),
            jax.ShapeDtypeStruct((_N, 1), jnp.float32),
        ),
    )(nsfp, w1, b1row, w2row, b2)


def _query_body(src_ref, dst_ref, *refs):
    row_refs = refs[:2 * _QB]
    w2_ref, w1_ref, b1_ref, w2p_ref, b2_ref, o_ref = refs[2 * _QB:]
    a_s = jnp.concatenate([r[0] for r in row_refs[:_QB]], axis=0)
    a_d = jnp.concatenate([r[0] for r in row_refs[_QB:]], axis=0)
    w2 = w2_ref[...]
    out_struct = jnp.sum(a_s * a_d * w2, axis=1, keepdims=True)
    s2s = jnp.sum(a_s * w2, axis=1, keepdims=True) + _T3
    s2d = jnp.sum(a_d * w2, axis=1, keepdims=True) + _T3
    ratio = out_struct * lax.rsqrt(s2s * s2d)
    h = jnp.maximum(ratio * w1_ref[...] + b1_ref[...], 0.0)
    o_ref[...] = jnp.sum(h * w2p_ref[...], axis=1, keepdims=True) + b2_ref[...]


def _query_kernel(src, dst, a3d, w2row, w1, b1row, w2prow, b2):
    row_spec = lambda q, is_dst: pl.BlockSpec(
        (1, 1, _N),
        (lambda b, srcr, dstr: (dstr[b * _QB + q], 0, 0)) if is_dst
        else (lambda b, srcr, dstr: (srcr[b * _QB + q], 0, 0)),
    )
    const2 = lambda shape: pl.BlockSpec(shape, lambda b, srcr, dstr: (0, 0))
    grid_spec = pltpu.PrefetchScalarGridSpec(
        num_scalar_prefetch=2,
        grid=(_B // _QB,),
        in_specs=(
            [row_spec(q, False) for q in range(_QB)]
            + [row_spec(q, True) for q in range(_QB)]
            + [const2((1, _N)), const2((1, _H)), const2((1, _H)),
               const2((1, _H)), const2((1, 1))]
        ),
        out_specs=pl.BlockSpec((_QB, 1), lambda b, srcr, dstr: (b, 0)),
    )
    return pl.pallas_call(
        _query_body,
        grid_spec=grid_spec,
        out_shape=jax.ShapeDtypeStruct((_B, 1), jnp.float32),
    )(src, dst, *([a3d] * (2 * _QB)), w2row, w1, b1row, w2prow, b2)


def kernel(edge_index, edge_weight, query_edges,
           f_edge_W1, f_edge_b1, f_edge_W2, f_edge_b2,
           f_node_W1, f_node_b1, f_node_W2, f_node_b2,
           g_phi_W1, g_phi_b1, g_phi_W2, g_phi_b2):
    rows = edge_index[0]
    cols = edge_index[1]
    src = query_edges[0]
    dst = query_edges[1]

    ew = _edge_mlp(edge_weight[:, None], f_edge_W1,
                   f_edge_b1.reshape(1, _H), f_edge_W2.reshape(1, _H),
                   f_edge_b2.reshape(1, 1))

    nsfp, a_flat = _sc_build(rows, cols, ew[:, 0])

    node_struct_feat, w2col = _node_mlp(
        nsfp, f_node_W1, f_node_b1.reshape(1, _H),
        f_node_W2.reshape(1, _H), f_node_b2.reshape(1, 1))

    a3d = a_flat.reshape(_N, 1, _N)
    out_struct_n = _query_kernel(
        src, dst, a3d, w2col.reshape(1, _N), g_phi_W1,
        g_phi_b1.reshape(1, _H), g_phi_W2.reshape(1, _H),
        g_phi_b2.reshape(1, 1))

    return (out_struct_n, node_struct_feat)

# --- scband reference (transcript-rebuilt; emitter-appended) ---
"""Pipeline reference for scband-mlstruct-89000312308385 (READ-ONLY COPY).

The authoritative reference and input builder live on the scoring server;
editing this copy changes nothing except your own understanding.
"""

import jax, jax.numpy as jnp
import numpy as np

N_NODES = 4096
F_DROPOUT = 0.7
EPS = 1e-08


def _mlp2(x, W1, b1, W2, b2):
    # Linear -> (Dropout: identity in eval) -> ReLU -> Linear
    h = jnp.maximum(x @ W1 + b1, 0.0)
    return h @ W2 + b2


def _random_fill(mat, key):
    # F.dropout applied to an eps-filled matrix (training=True default in torch);
    # implemented with a fixed key for determinism.
    keep = jax.random.bernoulli(key, 1.0 - F_DROPOUT, mat.shape)
    noise = jnp.where(keep, EPS / (1.0 - F_DROPOUT), 0.0).astype(mat.dtype)
    return mat + noise


def setup_inputs(seed: int = 0):
    key = jax.random.key(seed)
    ks = jax.random.split(key, 16)
    E = 65536
    B = 2048
    d = 128
    inp = {}
    inp['edge_index'] = jax.random.randint(ks[0], (2, E), 0, N_NODES, dtype=jnp.int32)
    inp['edge_weight'] = jax.random.uniform(ks[1], (E,), dtype=jnp.float32)
    inp['query_edges'] = jax.random.randint(ks[2], (2, B), 0, N_NODES, dtype=jnp.int32)
    names = ['f_edge', 'f_node', 'g_phi']
    for i, nm in enumerate(names):
        inp[nm + '_W1'] = jax.random.normal(ks[3 + 4 * i], (1, d), dtype=jnp.float32) * 0.1
        inp[nm + '_b1'] = jax.random.normal(ks[4 + 4 * i], (d,), dtype=jnp.float32) * 0.1
        inp[nm + '_W2'] = jax.random.normal(ks[5 + 4 * i], (d, 1), dtype=jnp.float32) * 0.1
        inp[nm + '_b2'] = jax.random.normal(ks[6 + 4 * i], (1,), dtype=jnp.float32) * 0.1
    return inp


def reference(edge_index, edge_weight, query_edges,
              f_edge_W1, f_edge_b1, f_edge_W2, f_edge_b2,
              f_node_W1, f_node_b1, f_node_W2, f_node_b2,
              g_phi_W1, g_phi_b1, g_phi_W2, g_phi_b2):
    rows = edge_index[0]
    cols = edge_index[1]
    # f_edge on edge weights
    edge_weight_A = _mlp2(edge_weight[:, None], f_edge_W1, f_edge_b1, f_edge_W2, f_edge_b2)  # [E,1]
    # scatter_add over destination columns -> per-node structural feature
    node_struct_feat = jax.ops.segment_sum(edge_weight_A, cols, num_segments=N_NODES)  # [N,1]
    node_struct_feat = _mlp2(node_struct_feat, f_node_W1, f_node_b1, f_node_W2, f_node_b2)  # [N,1]
    # binary adjacency (edge_w=False path: A.data stays 1)
    A = jnp.zeros((N_NODES, N_NODES), dtype=jnp.float32).at[rows, cols].set(1.0)
    src = query_edges[0]
    dst = query_edges[1]
    w = node_struct_feat[:, 0]
    mat_src = A[src] * w[None, :]  # [B,N]
    mat_dst = A[dst] * w[None, :]  # [B,N]
    # diag(mat_src @ mat_dst^T)
    out_struct = jnp.sum(mat_src * mat_dst, axis=-1)  # [B]
    k = jax.random.key(42)
    k1, k2 = jax.random.split(k)
    ms = _random_fill(mat_src, k1)
    md = _random_fill(mat_dst, k2)
    d_src = jnp.linalg.norm(ms, axis=-1)
    d_dst = jnp.linalg.norm(md, axis=-1)
    D = d_src * d_dst
    out_struct_n = _mlp2((out_struct / D)[:, None], g_phi_W1, g_phi_b1, g_phi_W2, g_phi_b2)  # [B,1]
    return (out_struct_n, node_struct_feat)

if __name__ == "__main__":
    import jax
    _d = setup_inputs()
    print(jax.jit(kernel)(*tuple(_d.values())))

</pallas_src>

<mosaic_0001>
#map = affine_map<(d0, d1) -> (0, 0)>
#map1 = affine_map<(d0, d1) -> (0)>
module attributes {stable_mosaic.version = 14 : i64} {
  func.func @_sc_body(%arg0: i32, %arg1: i32, %arg2: memref<512x128xi32, #tpu.memory_space<hbm>>, %arg3: memref<512x128xi32, #tpu.memory_space<hbm>>, %arg4: memref<512x128xf32, #tpu.memory_space<hbm>>, %arg5: memref<2x4096xf32, #tpu.memory_space<hbm>>, %arg6: memref<16777216xf32, #tpu.memory_space<hbm>>, %arg7: memref<32768xf32, #tpu.memory_space<vmem>>, %arg8: memref<32x128xi32, #tpu.memory_space<vmem>>, %arg9: memref<32x128xi32, #tpu.memory_space<vmem>>, %arg10: memref<32x128xi32, #tpu.memory_space<vmem>>, %arg11: memref<128xf32, #tpu.memory_space<vmem>>, %arg12: memref<16x128xi32, #tpu.memory_space<vmem>>, %arg13: memref<16x128xf32, #tpu.memory_space<vmem>>, %arg14: memref<4096xf32, #tpu.memory_space<vmem_shared>>, %arg15: memref<1048584xf32, #tpu.memory_space<vmem_shared>>, %arg16: memref<!tpu.dma_semaphore, #tpu.memory_space<semaphore_mem>>) attributes {dimension_semantics = [#tpu.dimension_semantics<core_parallel>, #tpu.dimension_semantics<subcore_parallel>], iteration_bounds = array<i64: 2, 16>, scalar_prefetch = 0 : i64, scratch_operands = 10 : i64, tpu.core_type = #tpu.core_type<sc_vector_subcore>, window_params = [{transform_indices = #map}, {transform_indices = #map}, {transform_indices = #map}, {transform_indices = #map}, {transform_indices = #map1}]} {
    %mul3A = arith.constant 16 : i32
    %mul3A_0 = arith.muli %arg0, %mul3A : i32
    %add3A = arith.addi %mul3A_0, %arg1 : i32
    %broadcast_in_dim3A = arith.constant 0.000000e+00 : f32
    %broadcast_in_dim3A_1 = vector.broadcast %broadcast_in_dim3A : f32 to vector<16xf32>
    %scan3A = arith.constant 0 : i32
    %scan3A_2 = arith.constant 0 : i32
    %scan3A_3 = arith.constant 2048 : i32
    %scan3A_4 = arith.addi %scan3A_2, %scan3A_3 : i32
    %scan3A_5 = arith.constant 1 : i32
    scf.for %scan3A_105 = %scan3A_2 to %scan3A_4 step %scan3A_5  : i32 {
      %mul3A_106 = arith.constant 16 : i32
      %mul3A_107 = arith.muli %scan3A_105, %mul3A_106 : i32
      %swap3A_108 = arith.index_cast %mul3A_107 : i32 to index
      %swap3A_109 = tpu.vector_load %arg7[%swap3A_108] {strides = array<i32>} : memref<32768xf32, #tpu.memory_space<vmem>>, vector<16xf32>,
      %swap3A_110 = vector.shape_cast %swap3A_109 : vector<16xf32> to vector<16xf32>
      %swap3A_111 = vector.shape_cast %broadcast_in_dim3A_1 : vector<16xf32> to vector<16xf32>
      tpu.vector_store %arg7[%swap3A_108], %swap3A_111 {strides = array<i32>} : memref<32768xf32, #tpu.memory_space<vmem>>, vector<16xf32>,
    }
    %scan3A_6 = arith.constant 2048 : i32
    %broadcast_in_dim3A_7 = arith.constant 1.000000e+00 : f32
    %broadcast_in_dim3A_8 = vector.broadcast %broadcast_in_dim3A_7 : f32 to vector<16xf32>
    %swap3A = arith.constant 0 : index
    %swap3A_9 = tpu.vector_load %arg11[%swap3A] {strides = array<i32>} : memref<128xf32, #tpu.memory_space<vmem>>, vector<16xf32>,
    %swap3A_10 = vector.shape_cast %swap3A_9 : vector<16xf32> to vector<16xf32>
    %swap3A_11 = vector.shape_cast %broadcast_in_dim3A_8 : vector<16xf32> to vector<16xf32>
    tpu.vector_store %arg11[%swap3A], %swap3A_11 {strides = array<i32>} : memref<128xf32, #tpu.memory_space<vmem>>, vector<16xf32>,
    %broadcast_in_dim3A_12 = arith.constant 1.000000e+00 : f32
    %broadcast_in_dim3A_13 = vector.broadcast %broadcast_in_dim3A_12 : f32 to vector<16xf32>
    %swap3A_14 = arith.constant 16 : index
    %swap3A_15 = tpu.vector_load %arg11[%swap3A_14] {strides = array<i32>} : memref<128xf32, #tpu.memory_space<vmem>>, vector<16xf32>,
    %swap3A_16 = vector.shape_cast %swap3A_15 : vector<16xf32> to vector<16xf32>
    %swap3A_17 = vector.shape_cast %broadcast_in_dim3A_13 : vector<16xf32> to vector<16xf32>
    tpu.vector_store %arg11[%swap3A_14], %swap3A_17 {strides = array<i32>} : memref<128xf32, #tpu.memory_space<vmem>>, vector<16xf32>,
    %broadcast_in_dim3A_18 = arith.constant 1.000000e+00 : f32
    %broadcast_in_dim3A_19 = vector.broadcast %broadcast_in_dim3A_18 : f32 to vector<16xf32>
    %swap3A_20 = arith.constant 32 : index
    %swap3A_21 = tpu.vector_load %arg11[%swap3A_20] {strides = array<i32>} : memref<128xf32, #tpu.memory_space<vmem>>, vector<16xf32>,
    %swap3A_22 = vector.shape_cast %swap3A_21 : vector<16xf32> to vector<16xf32>
    %swap3A_23 = vector.shape_cast %broadcast_in_dim3A_19 : vector<16xf32> to vector<16xf32>
    tpu.vector_store %arg11[%swap3A_20], %swap3A_23 {strides = array<i32>} : memref<128xf32, #tpu.memory_space<vmem>>, vector<16xf32>,
    %broadcast_in_dim3A_24 = arith.constant 1.000000e+00 : f32
    %broadcast_in_dim3A_25 = vector.broadcast %broadcast_in_dim3A_24 : f32 to vector<16xf32>
    %swap3A_26 = arith.constant 48 : index
    %swap3A_27 = tpu.vector_load %arg11[%swap3A_26] {strides = array<i32>} : memref<128xf32, #tpu.memory_space<vmem>>, vector<16xf32>,
    %swap3A_28 = vector.shape_cast %swap3A_27 : vector<16xf32> to vector<16xf32>
    %swap3A_29 = vector.shape_cast %broadcast_in_dim3A_25 : vector<16xf32> to vector<16xf32>
    tpu.vector_store %arg11[%swap3A_26], %swap3A_29 {strides = array<i32>} : memref<128xf32, #tpu.memory_space<vmem>>, vector<16xf32>,
    %broadcast_in_dim3A_30 = arith.constant 1.000000e+00 : f32
    %broadcast_in_dim3A_31 = vector.broadcast %broadcast_in_dim3A_30 : f32 to vector<16xf32>
    %swap3A_32 = arith.constant 64 : index
    %swap3A_33 = tpu.vector_load %arg11[%swap3A_32] {strides = array<i32>} : memref<128xf32, #tpu.memory_space<vmem>>, vector<16xf32>,
    %swap3A_34 = vector.shape_cast %swap3A_33 : vector<16xf32> to vector<16xf32>
    %swap3A_35 = vector.shape_cast %broadcast_in_dim3A_31 : vector<16xf32> to vector<16xf32>
    tpu.vector_store %arg11[%swap3A_32], %swap3A_35 {strides = array<i32>} : memref<128xf32, #tpu.memory_space<vmem>>, vector<16xf32>,
    %broadcast_in_dim3A_36 = arith.constant 1.000000e+00 : f32
    %broadcast_in_dim3A_37 = vector.broadcast %broadcast_in_dim3A_36 : f32 to vector<16xf32>
    %swap3A_38 = arith.constant 80 : index
    %swap3A_39 = tpu.vector_load %arg11[%swap3A_38] {strides = array<i32>} : memref<128xf32, #tpu.memory_space<vmem>>, vector<16xf32>,
    %swap3A_40 = vector.shape_cast %swap3A_39 : vector<16xf32> to vector<16xf32>
    %swap3A_41 = vector.shape_cast %broadcast_in_dim3A_37 : vector<16xf32> to vector<16xf32>
    tpu.vector_store %arg11[%swap3A_38], %swap3A_41 {strides = array<i32>} : memref<128xf32, #tpu.memory_space<vmem>>, vector<16xf32>,
    %broadcast_in_dim3A_42 = arith.constant 1.000000e+00 : f32
    %broadcast_in_dim3A_43 = vector.broadcast %broadcast_in_dim3A_42 : f32 to vector<16xf32>
    %swap3A_44 = arith.constant 96 : index
    %swap3A_45 = tpu.vector_load %arg11[%swap3A_44] {strides = array<i32>} : memref<128xf32, #tpu.memory_space<vmem>>, vector<16xf32>,
    %swap3A_46 = vector.shape_cast %swap3A_45 : vector<16xf32> to vector<16xf32>
    %swap3A_47 = vector.shape_cast %broadcast_in_dim3A_43 : vector<16xf32> to vector<16xf32>
    tpu.vector_store %arg11[%swap3A_44], %swap3A_47 {strides = array<i32>} : memref<128xf32, #tpu.memory_space<vmem>>, vector<16xf32>,
    %broadcast_in_dim3A_48 = arith.constant 1.000000e+00 : f32
    %broadcast_in_dim3A_49 = vector.broadcast %broadcast_in_dim3A_48 : f32 to vector<16xf32>
    %swap3A_50 = arith.constant 112 : index
    %swap3A_51 = tpu.vector_load %arg11[%swap3A_50] {strides = array<i32>} : memref<128xf32, #tpu.memory_space<vmem>>, vector<16xf32>,
    %swap3A_52 = vector.shape_cast %swap3A_51 : vector<16xf32> to vector<16xf32>
    %swap3A_53 = vector.shape_cast %broadcast_in_dim3A_49 : vector<16xf32> to vector<16xf32>
    tpu.vector_store %arg11[%swap3A_50], %swap3A_53 {strides = array<i32>} : memref<128xf32, #tpu.memory_space<vmem>>, vector<16xf32>,
    %eq3A = arith.constant 0 : i32
    %eq3A_54 = arith.cmpi eq, %arg1, %eq3A : i32
    %convert_element_type3A = arith.extui %eq3A_54 : i1 to i32
    %cond3A = arith.constant 0 : i32
    %cond3A_55 = arith.cmpi ne, %convert_element_type3A, %cond3A : i32
    scf.if %cond3A_55 {
      "tpu.region"() ({
        %run_scoped3A_105 = tpu.sem_alloc : memref<!tpu.dma_semaphore, #tpu.memory_space<semaphore_mem>>
        %dma_start3A = arith.constant 0 : i32
        %dma_start3A_106 = tpu.memref_slice %arg7[%dma_start3A] : memref<32768xf32, #tpu.memory_space<vmem>> -> memref<4096xf32, #tpu.memory_space<vmem>>
        %dma_start3A_107 = arith.constant 0 : i32
        %dma_start3A_108 = tpu.memref_slice %arg7[%dma_start3A_107] : memref<32768xf32, #tpu.memory_space<vmem>> -> memref<4096xf32, #tpu.memory_space<vmem>>
        tpu.enqueue_dma source(%dma_start3A_108 : memref<4096xf32, #tpu.memory_space<vmem>>) target(%arg14 : memref<4096xf32, #tpu.memory_space<vmem_shared>>) target_semaphore(%run_scoped3A_105 : memref<!tpu.dma_semaphore, #tpu.memory_space<semaphore_mem>>)
        %dma_wait3A = arith.constant 0 : i32
        %dma_wait3A_109 = tpu.memref_slice %arg7[%dma_wait3A] : memref<32768xf32, #tpu.memory_space<vmem>> -> memref<4096xf32, #tpu.memory_space<vmem>>
        %dma_wait3A_110 = arith.constant 0 : i32
        %dma_wait3A_111 = tpu.memref_slice %arg7[%dma_wait3A_110] : memref<32768xf32, #tpu.memory_space<vmem>> -> memref<4096xf32, #tpu.memory_space<vmem>>
        tpu.wait_dma2 semaphore(%run_scoped3A_105 : memref<!tpu.dma_semaphore, #tpu.memory_space<semaphore_mem>>) src(%dma_wait3A_111 : memref<4096xf32, #tpu.memory_space<vmem>>) dst(%arg14 : memref<4096xf32, #tpu.memory_space<vmem_shared>>)
        tpu.yield
      }) : () -> ()
    } else {
    }
    %barrier3A = arith.constant 0 : index
    tpu.barrier barrier_id(%barrier3A)
    %mul3A_56 = arith.constant 16 : i32
    %mul3A_57 = arith.muli %add3A, %mul3A_56 : i32
    "tpu.region"() ({
      %run_scoped3A_105 = tpu.sem_alloc : memref<!tpu.dma_semaphore, #tpu.memory_space<semaphore_mem>>
      %dma_start3A = arith.constant 0 : i32
      %dma_start3A_106 = tpu.memref_slice %arg3[%mul3A_57, %dma_start3A] : memref<512x128xi32, #tpu.memory_space<hbm>> -> memref<16x128xi32, #tpu.memory_space<hbm>>
      %dma_start3A_107 = arith.constant 0 : i32
      %dma_start3A_108 = tpu.memref_slice %arg3[%mul3A_57, %dma_start3A_107] : memref<512x128xi32, #tpu.memory_space<hbm>> -> memref<16x128xi32, #tpu.memory_space<hbm>>
      tpu.enqueue_dma source(%dma_start3A_108 : memref<16x128xi32, #tpu.memory_space<hbm>>) target(%arg12 : memref<16x128xi32, #tpu.memory_space<vmem>>) target_semaphore(%run_scoped3A_105 : memref<!tpu.dma_semaphore, #tpu.memory_space<semaphore_mem>>)
      %dma_wait3A = arith.constant 0 : i32
      %dma_wait3A_109 = tpu.memref_slice %arg3[%mul3A_57, %dma_wait3A] : memref<512x128xi32, #tpu.memory_space<hbm>> -> memref<16x128xi32, #tpu.memory_space<hbm>>
      %dma_wait3A_110 = arith.constant 0 : i32
      %dma_wait3A_111 = tpu.memref_slice %arg3[%mul3A_57, %dma_wait3A_110] : memref<512x128xi32, #tpu.memory_space<hbm>> -> memref<16x128xi32, #tpu.memory_space<hbm>>
      tpu.wait_dma2 semaphore(%run_scoped3A_105 : memref<!tpu.dma_semaphore, #tpu.memory_space<semaphore_mem>>) src(%dma_wait3A_111 : memref<16x128xi32, #tpu.memory_space<hbm>>) dst(%arg12 : memref<16x128xi32, #tpu.memory_space<vmem>>)
      tpu.yield
    }) : () -> ()
    "tpu.region"() ({
      %run_scoped3A_105 = tpu.sem_alloc : memref<!tpu.dma_semaphore, #tpu.memory_space<semaphore_mem>>
      %dma_start3A = arith.constant 0 : i32
      %dma_start3A_106 = tpu.memref_slice %arg4[%mul3A_57, %dma_start3A] : memref<512x128xf32, #tpu.memory_space<hbm>> -> memref<16x128xf32, #tpu.memory_space<hbm>>
      %dma_start3A_107 = arith.constant 0 : i32
      %dma_start3A_108 = tpu.memref_slice %arg4[%mul3A_57, %dma_start3A_107] : memref<512x128xf32, #tpu.memory_space<hbm>> -> memref<16x128xf32, #tpu.memory_space<hbm>>
      tpu.enqueue_dma source(%dma_start3A_108 : memref<16x128xf32, #tpu.memory_space<hbm>>) target(%arg13 : memref<16x128xf32, #tpu.memory_space<vmem>>) target_semaphore(%run_scoped3A_105 : memref<!tpu.dma_semaphore, #tpu.memory_space<semaphore_mem>>)
      %dma_wait3A = arith.constant 0 : i32
      %dma_wait3A_109 = tpu.memref_slice %arg4[%mul3A_57, %dma_wait3A] : memref<512x128xf32, #tpu.memory_space<hbm>> -> memref<16x128xf32, #tpu.memory_space<hbm>>
      %dma_wait3A_110 = arith.constant 0 : i32
      %dma_wait3A_111 = tpu.memref_slice %arg4[%mul3A_57, %dma_wait3A_110] : memref<512x128xf32, #tpu.memory_space<hbm>> -> memref<16x128xf32, #tpu.memory_space<hbm>>
      tpu.wait_dma2 semaphore(%run_scoped3A_105 : memref<!tpu.dma_semaphore, #tpu.memory_space<semaphore_mem>>) src(%dma_wait3A_111 : memref<16x128xf32, #tpu.memory_space<hbm>>) dst(%arg13 : memref<16x128xf32, #tpu.memory_space<vmem>>)
      tpu.yield
    }) : () -> ()
    %run_scoped3A = arith.constant 0 : i32
    %run_scoped3A_58 = arith.constant 0 : i32
    "tpu.region"() ({
      %run_scoped3A_105 = tpu.sem_alloc : memref<!tpu.dma_semaphore, #tpu.memory_space<semaphore_mem>>
      %dma_start3A = arith.constant 0 : i32
      %dma_start3A_106 = tpu.memref_slice %arg13[%run_scoped3A, %dma_start3A] : memref<16x128xf32, #tpu.memory_space<vmem>> -> memref<1x128xf32, #tpu.memory_space<vmem>>
      %dma_start3A_107 = tpu.memref_squeeze %dma_start3A_106 : memref<1x128xf32, #tpu.memory_space<vmem>> -> memref<128xf32, #tpu.memory_space<vmem>>
      %dma_start3A_108 = arith.constant 0 : i32
      %dma_start3A_109 = tpu.memref_slice %arg12[%run_scoped3A_58, %dma_start3A_108] : memref<16x128xi32, #tpu.memory_space<vmem>> -> memref<1x128xi32, #tpu.memory_space<vmem>>
      %dma_start3A_110 = tpu.memref_squeeze %dma_start3A_109 : memref<1x128xi32, #tpu.memory_space<vmem>> -> memref<128xi32, #tpu.memory_space<vmem>>
      %dma_start3A_111 = arith.constant 0 : i32
      %dma_start3A_112 = tpu.memref_slice %arg14[%dma_start3A_111] : memref<4096xf32, #tpu.memory_space<vmem_shared>> -> memref<4096xf32, #tpu.memory_space<vmem_shared>>
      tpu.enqueue_indirect_dma source(%dma_start3A_107 : memref<128xf32, #tpu.memory_space<vmem>>) target(%dma_start3A_112 : memref<4096xf32, #tpu.memory_space<vmem_shared>>) offsets(%dma_start3A_110 : memref<128xi32, #tpu.memory_space<vmem>>) semaphore(%run_scoped3A_105 : memref<!tpu.dma_semaphore, #tpu.memory_space<semaphore_mem>>) {add = true}
      %dma_wait3A = arith.constant 0 : i32
      %dma_wait3A_113 = tpu.memref_slice %arg13[%run_scoped3A, %dma_wait3A] : memref<16x128xf32, #tpu.memory_space<vmem>> -> memref<1x128xf32, #tpu.memory_space<vmem>>
      %dma_wait3A_114 = tpu.memref_squeeze %dma_wait3A_113 : memref<1x128xf32, #tpu.memory_space<vmem>> -> memref<128xf32, #tpu.memory_space<vmem>>
      %dma_wait3A_115 = arith.constant 0 : i32
      %dma_wait3A_116 = tpu.memref_slice %arg12[%run_scoped3A_58, %dma_wait3A_115] : memref<16x128xi32, #tpu.memory_space<vmem>> -> memref<1x128xi32, #tpu.memory_space<vmem>>
      %dma_wait3A_117 = tpu.memref_squeeze %dma_wait3A_116 : memref<1x128xi32, #tpu.memory_space<vmem>> -> memref<128xi32, #tpu.memory_space<vmem>>
      %dma_wait3A_118 = arith.constant 0 : i32
      %dma_wait3A_119 = tpu.memref_slice %arg14[%dma_wait3A_118] : memref<4096xf32, #tpu.memory_space<vmem_shared>> -> memref<4096xf32, #tpu.memory_space<vmem_shared>>
      tpu.wait_indirect_dma semaphore(%run_scoped3A_105 : memref<!tpu.dma_semaphore, #tpu.memory_space<semaphore_mem>>) src(%dma_wait3A_114 : memref<128xf32, #tpu.memory_space<vmem>>) dst(%dma_wait3A_119 : memref<4096xf32, #tpu.memory_space<vmem_shared>>)
      tpu.yield
    }) : () -> ()
    %run_scoped3A_59 = arith.constant 1 : i32
    %run_scoped3A_60 = arith.constant 1 : i32
    "tpu.region"() ({
      %run_scoped3A_105 = tpu.sem_alloc : memref<!tpu.dma_semaphore, #tpu.memory_space<semaphore_mem>>
      %dma_start3A = arith.constant 0 : i32
      %dma_start3A_106 = tpu.memref_slice %arg13[%run_scoped3A_59, %dma_start3A] : memref<16x128xf32, #tpu.memory_space<vmem>> -> memref<1x128xf32, #tpu.memory_space<vmem>>
      %dma_start3A_107 = tpu.memref_squeeze %dma_start3A_106 : memref<1x128xf32, #tpu.memory_space<vmem>> -> memref<128xf32, #tpu.memory_space<vmem>>
      %dma_start3A_108 = arith.constant 0 : i32
      %dma_start3A_109 = tpu.memref_slice %arg12[%run_scoped3A_60, %dma_start3A_108] : memref<16x128xi32, #tpu.memory_space<vmem>> -> memref<1x128xi32, #tpu.memory_space<vmem>>
      %dma_start3A_110 = tpu.memref_squeeze %dma_start3A_109 : memref<1x128xi32, #tpu.memory_space<vmem>> -> memref<128xi32, #tpu.memory_space<vmem>>
      %dma_start3A_111 = arith.constant 0 : i32
      %dma_start3A_112 = tpu.memref_slice %arg14[%dma_start3A_111] : memref<4096xf32, #tpu.memory_space<vmem_shared>> -> memref<4096xf32, #tpu.memory_space<vmem_shared>>
      tpu.enqueue_indirect_dma source(%dma_start3A_107 : memref<128xf32, #tpu.memory_space<vmem>>) target(%dma_start3A_112 : memref<4096xf32, #tpu.memory_space<vmem_shared>>) offsets(%dma_start3A_110 : memref<128xi32, #tpu.memory_space<vmem>>) semaphore(%run_scoped3A_105 : memref<!tpu.dma_semaphore, #tpu.memory_space<semaphore_mem>>) {add = true}
      %dma_wait3A = arith.constant 0 : i32
      %dma_wait3A_113 = tpu.memref_slice %arg13[%run_scoped3A_59, %dma_wait3A] : memref<16x128xf32, #tpu.memory_space<vmem>> -> memref<1x128xf32, #tpu.memory_space<vmem>>
      %dma_wait3A_114 = tpu.memref_squeeze %dma_wait3A_113 : memref<1x128xf32, #tpu.memory_space<vmem>> -> memref<128xf32, #tpu.memory_space<vmem>>
      %dma_wait3A_115 = arith.constant 0 : i32
      %dma_wait3A_116 = tpu.memref_slice %arg12[%run_scoped3A_60, %dma_wait3A_115] : memref<16x128xi32, #tpu.memory_space<vmem>> -> memref<1x128xi32, #tpu.memory_space<vmem>>
      %dma_wait3A_117 = tpu.memref_squeeze %dma_wait3A_116 : memref<1x128xi32, #tpu.memory_space<vmem>> -> memref<128xi32, #tpu.memory_space<vmem>>
      %dma_wait3A_118 = arith.constant 0 : i32
      %dma_wait3A_119 = tpu.memref_slice %arg14[%dma_wait3A_118] : memref<4096xf32, #tpu.memory_space<vmem_shared>> -> memref<4096xf32, #tpu.memory_space<vmem_shared>>
      tpu.wait_indirect_dma semaphore(%run_scoped3A_105 : memref<!tpu.dma_semaphore, #tpu.memory_space<semaphore_mem>>) src(%dma_wait3A_114 : memref<128xf32, #tpu.memory_space<vmem>>) dst(%dma_wait3A_119 : memref<4096xf32, #tpu.memory_space<vmem_shared>>)
      tpu.yield
    }) : () -> ()
    %run_scoped3A_61 = arith.constant 2 : i32
    %run_scoped3A_62 = arith.constant 2 : i32
    "tpu.region"() ({
      %run_scoped3A_105 = tpu.sem_alloc : memref<!tpu.dma_semaphore, #tpu.memory_space<semaphore_mem>>
      %dma_start3A = arith.constant 0 : i32
      %dma_start3A_106 = tpu.memref_slice %arg13[%run_scoped3A_61, %dma_start3A] : memref<16x128xf32, #tpu.memory_space<vmem>> -> memref<1x128xf32, #tpu.memory_space<vmem>>
      %dma_start3A_107 = tpu.memref_squeeze %dma_start3A_106 : memref<1x128xf32, #tpu.memory_space<vmem>> -> memref<128xf32, #tpu.memory_space<vmem>>
      %dma_start3A_108 = arith.constant 0 : i32
      %dma_start3A_109 = tpu.memref_slice %arg12[%run_scoped3A_62, %dma_start3A_108] : memref<16x128xi32, #tpu.memory_space<vmem>> -> memref<1x128xi32, #tpu.memory_space<vmem>>
      %dma_start3A_110 = tpu.memref_squeeze %dma_start3A_109 : memref<1x128xi32, #tpu.memory_space<vmem>> -> memref<128xi32, #tpu.memory_space<vmem>>
      %dma_start3A_111 = arith.constant 0 : i32
      %dma_start3A_112 = tpu.memref_slice %arg14[%dma_start3A_111] : memref<4096xf32, #tpu.memory_space<vmem_shared>> -> memref<4096xf32, #tpu.memory_space<vmem_shared>>
      tpu.enqueue_indirect_dma source(%dma_start3A_107 : memref<128xf32, #tpu.memory_space<vmem>>) target(%dma_start3A_112 : memref<4096xf32, #tpu.memory_space<vmem_shared>>) offsets(%dma_start3A_110 : memref<128xi32, #tpu.memory_space<vmem>>) semaphore(%run_scoped3A_105 : memref<!tpu.dma_semaphore, #tpu.memory_space<semaphore_mem>>) {add = true}
      %dma_wait3A = arith.constant 0 : i32
      %dma_wait3A_113 = tpu.memref_slice %arg13[%run_scoped3A_61, %dma_wait3A] : memref<16x128xf32, #tpu.memory_space<vmem>> -> memref<1x128xf32, #tpu.memory_space<vmem>>
      %dma_wait3A_114 = tpu.memref_squeeze %dma_wait3A_113 : memref<1x128xf32, #tpu.memory_space<vmem>> -> memref<128xf32, #tpu.memory_space<vmem>>
      %dma_wait3A_115 = arith.constant 0 : i32
      %dma_wait3A_116 = tpu.memref_slice %arg12[%run_scoped3A_62, %dma_wait3A_115] : memref<16x128xi32, #tpu.memory_space<vmem>> -> memref<1x128xi32, #tpu.memory_space<vmem>>
      %dma_wait3A_117 = tpu.memref_squeeze %dma_wait3A_116 : memref<1x128xi32, #tpu.memory_space<vmem>> -> memref<128xi32, #tpu.memory_space<vmem>>
      %dma_wait3A_118 = arith.constant 0 : i32
      %dma_wait3A_119 = tpu.memref_slice %arg14[%dma_wait3A_118] : memref<4096xf32, #tpu.memory_space<vmem_shared>> -> memref<4096xf32, #tpu.memory_space<vmem_shared>>
      tpu.wait_indirect_dma semaphore(%run_scoped3A_105 : memref<!tpu.dma_semaphore, #tpu.memory_space<semaphore_mem>>) src(%dma_wait3A_114 : memref<128xf32, #tpu.memory_space<vmem>>) dst(%dma_wait3A_119 : memref<4096xf32, #tpu.memory_space<vmem_shared>>)
      tpu.yield
    }) : () -> ()
    %run_scoped3A_63 = arith.constant 3 : i32
    %run_scoped3A_64 = arith.constant 3 : i32
    "tpu.region"() ({
      %run_scoped3A_105 = tpu.sem_alloc : memref<!tpu.dma_semaphore, #tpu.memory_space<semaphore_mem>>
      %dma_start3A = arith.constant 0 : i32
      %dma_start3A_106 = tpu.memref_slice %arg13[%run_scoped3A_63, %dma_start3A] : memref<16x128xf32, #tpu.memory_space<vmem>> -> memref<1x128xf32, #tpu.memory_space<vmem>>
      %dma_start3A_107 = tpu.memref_squeeze %dma_start3A_106 : memref<1x128xf32, #tpu.memory_space<vmem>> -> memref<128xf32, #tpu.memory_space<vmem>>
      %dma_start3A_108 = arith.constant 0 : i32
      %dma_start3A_109 = tpu.memref_slice %arg12[%run_scoped3A_64, %dma_start3A_108] : memref<16x128xi32, #tpu.memory_space<vmem>> -> memref<1x128xi32, #tpu.memory_space<vmem>>
      %dma_start3A_110 = tpu.memref_squeeze %dma_start3A_109 : memref<1x128xi32, #tpu.memory_space<vmem>> -> memref<128xi32, #tpu.memory_space<vmem>>
      %dma_start3A_111 = arith.constant 0 : i32
      %dma_start3A_112 = tpu.memref_slice %arg14[%dma_start3A_111] : memref<4096xf32, #tpu.memory_space<vmem_shared>> -> memref<4096xf32, #tpu.memory_space<vmem_shared>>
      tpu.enqueue_indirect_dma source(%dma_start3A_107 : memref<128xf32, #tpu.memory_space<vmem>>) target(%dma_start3A_112 : memref<4096xf32, #tpu.memory_space<vmem_shared>>) offsets(%dma_start3A_110 : memref<128xi32, #tpu.memory_space<vmem>>) semaphore(%run_scoped3A_105 : memref<!tpu.dma_semaphore, #tpu.memory_space<semaphore_mem>>) {add = true}
      %dma_wait3A = arith.constant 0 : i32
      %dma_wait3A_113 = tpu.memref_slice %arg13[%run_scoped3A_63, %dma_wait3A] : memref<16x128xf32, #tpu.memory_space<vmem>> -> memref<1x128xf32, #tpu.memory_space<vmem>>
      %dma_wait3A_114 = tpu.memref_squeeze %dma_wait3A_113 : memref<1x128xf32, #tpu.memory_space<vmem>> -> memref<128xf32, #tpu.memory_space<vmem>>
      %dma_wait3A_115 = arith.constant 0 : i32
      %dma_wait3A_116 = tpu.memref_slice %arg12[%run_scoped3A_64, %dma_wait3A_115] : memref<16x128xi32, #tpu.memory_space<vmem>> -> memref<1x128xi32, #tpu.memory_space<vmem>>
      %dma_wait3A_117 = tpu.memref_squeeze %dma_wait3A_116 : memref<1x128xi32, #tpu.memory_space<vmem>> -> memref<128xi32, #tpu.memory_space<vmem>>
      %dma_wait3A_118 = arith.constant 0 : i32
      %dma_wait3A_119 = tpu.memref_slice %arg14[%dma_wait3A_118] : memref<4096xf32, #tpu.memory_space<vmem_shared>> -> memref<4096xf32, #tpu.memory_space<vmem_shared>>
      tpu.wait_indirect_dma semaphore(%run_scoped3A_105 : memref<!tpu.dma_semaphore, #tpu.memory_space<semaphore_mem>>) src(%dma_wait3A_114 : memref<128xf32, #tpu.memory_space<vmem>>) dst(%dma_wait3A_119 : memref<4096xf32, #tpu.memory_space<vmem_shared>>)
      tpu.yield
    }) : () -> ()
    %run_scoped3A_65 = arith.constant 4 : i32
    %run_scoped3A_66 = arith.constant 4 : i32
    "tpu.region"() ({
      %run_scoped3A_105 = tpu.sem_alloc : memref<!tpu.dma_semaphore, #tpu.memory_space<semaphore_mem>>
      %dma_start3A = arith.constant 0 : i32
      %dma_start3A_106 = tpu.memref_slice %arg13[%run_scoped3A_65, %dma_start3A] : memref<16x128xf32, #tpu.memory_space<vmem>> -> memref<1x128xf32, #tpu.memory_space<vmem>>
      %dma_start3A_107 = tpu.memref_squeeze %dma_start3A_106 : memref<1x128xf32, #tpu.memory_space<vmem>> -> memref<128xf32, #tpu.memory_space<vmem>>
      %dma_start3A_108 = arith.constant 0 : i32
      %dma_start3A_109 = tpu.memref_slice %arg12[%run_scoped3A_66, %dma_start3A_108] : memref<16x128xi32, #tpu.memory_space<vmem>> -> memref<1x128xi32, #tpu.memory_space<vmem>>
      %dma_start3A_110 = tpu.memref_squeeze %dma_start3A_109 : memref<1x128xi32, #tpu.memory_space<vmem>> -> memref<128xi32, #tpu.memory_space<vmem>>
      %dma_start3A_111 = arith.constant 0 : i32
      %dma_start3A_112 = tpu.memref_slice %arg14[%dma_start3A_111] : memref<4096xf32, #tpu.memory_space<vmem_shared>> -> memref<4096xf32, #tpu.memory_space<vmem_shared>>
      tpu.enqueue_indirect_dma source(%dma_start3A_107 : memref<128xf32, #tpu.memory_space<vmem>>) target(%dma_start3A_112 : memref<4096xf32, #tpu.memory_space<vmem_shared>>) offsets(%dma_start3A_110 : memref<128xi32, #tpu.memory_space<vmem>>) semaphore(%run_scoped3A_105 : memref<!tpu.dma_semaphore, #tpu.memory_space<semaphore_mem>>) {add = true}
      %dma_wait3A = arith.constant 0 : i32
      %dma_wait3A_113 = tpu.memref_slice %arg13[%run_scoped3A_65, %dma_wait3A] : memref<16x128xf32, #tpu.memory_space<vmem>> -> memref<1x128xf32, #tpu.memory_space<vmem>>
      %dma_wait3A_114 = tpu.memref_squeeze %dma_wait3A_113 : memref<1x128xf32, #tpu.memory_space<vmem>> -> memref<128xf32, #tpu.memory_space<vmem>>
      %dma_wait3A_115 = arith.constant 0 : i32
      %dma_wait3A_116 = tpu.memref_slice %arg12[%run_scoped3A_66, %dma_wait3A_115] : memref<16x128xi32, #tpu.memory_space<vmem>> -> memref<1x128xi32, #tpu.memory_space<vmem>>
      %dma_wait3A_117 = tpu.memref_squeeze %dma_wait3A_116 : memref<1x128xi32, #tpu.memory_space<vmem>> -> memref<128xi32, #tpu.memory_space<vmem>>
      %dma_wait3A_118 = arith.constant 0 : i32
      %dma_wait3A_119 = tpu.memref_slice %arg14[%dma_wait3A_118] : memref<4096xf32, #tpu.memory_space<vmem_shared>> -> memref<4096xf32, #tpu.memory_space<vmem_shared>>
      tpu.wait_indirect_dma semaphore(%run_scoped3A_105 : memref<!tpu.dma_semaphore, #tpu.memory_space<semaphore_mem>>) src(%dma_wait3A_114 : memref<128xf32, #tpu.memory_space<vmem>>) dst(%dma_wait3A_119 : memref<4096xf32, #tpu.memory_space<vmem_shared>>)
      tpu.yield
    }) : () -> ()
    %run_scoped3A_67 = arith.constant 5 : i32
    %run_scoped3A_68 = arith.constant 5 : i32
    "tpu.region"() ({
      %run_scoped3A_105 = tpu.sem_alloc : memref<!tpu.dma_semaphore, #tpu.memory_space<semaphore_mem>>
      %dma_start3A = arith.constant 0 : i32
      %dma_start3A_106 = tpu.memref_slice %arg13[%run_scoped3A_67, %dma_start3A] : memref<16x128xf32, #tpu.memory_space<vmem>> -> memref<1x128xf32, #tpu.memory_space<vmem>>
      %dma_start3A_107 = tpu.memref_squeeze %dma_start3A_106 : memref<1x128xf32, #tpu.memory_space<vmem>> -> memref<128xf32, #tpu.memory_space<vmem>>
      %dma_start3A_108 = arith.constant 0 : i32
      %dma_start3A_109 = tpu.memref_slice %arg12[%run_scoped3A_68, %dma_start3A_108] : memref<16x128xi32, #tpu.memory_space<vmem>> -> memref<1x128xi32, #tpu.memory_space<vmem>>
      %dma_start3A_110 = tpu.memref_squeeze %dma_start3A_109 : memref<1x128xi32, #tpu.memory_space<vmem>> -> memref<128xi32, #tpu.memory_space<vmem>>
      %dma_start3A_111 = arith.constant 0 : i32
      %dma_start3A_112 = tpu.memref_slice %arg14[%dma_start3A_111] : memref<4096xf32, #tpu.memory_space<vmem_shared>> -> memref<4096xf32, #tpu.memory_space<vmem_shared>>
      tpu.enqueue_indirect_dma source(%dma_start3A_107 : memref<128xf32, #tpu.memory_space<vmem>>) target(%dma_start3A_112 : memref<4096xf32, #tpu.memory_space<vmem_shared>>) offsets(%dma_start3A_110 : memref<128xi32, #tpu.memory_space<vmem>>) semaphore(%run_scoped3A_105 : memref<!tpu.dma_semaphore, #tpu.memory_space<semaphore_mem>>) {add = true}
      %dma_wait3A = arith.constant 0 : i32
      %dma_wait3A_113 = tpu.memref_slice %arg13[%run_scoped3A_67, %dma_wait3A] : memref<16x128xf32, #tpu.memory_space<vmem>> -> memref<1x128xf32, #tpu.memory_space<vmem>>
      %dma_wait3A_114 = tpu.memref_squeeze %dma_wait3A_113 : memref<1x128xf32, #tpu.memory_space<vmem>> -> memref<128xf32, #tpu.memory_space<vmem>>
      %dma_wait3A_115 = arith.constant 0 : i32
      %dma_wait3A_116 = tpu.memref_slice %arg12[%run_scoped3A_68, %dma_wait3A_115] : memref<16x128xi32, #tpu.memory_space<vmem>> -> memref<1x128xi32, #tpu.memory_space<vmem>>
      %dma_wait3A_117 = tpu.memref_squeeze %dma_wait3A_116 : memref<1x128xi32, #tpu.memory_space<vmem>> -> memref<128xi32, #tpu.memory_space<vmem>>
      %dma_wait3A_118 = arith.constant 0 : i32
      %dma_wait3A_119 = tpu.memref_slice %arg14[%dma_wait3A_118] : memref<4096xf32, #tpu.memory_space<vmem_shared>> -> memref<4096xf32, #tpu.memory_space<vmem_shared>>
      tpu.wait_indirect_dma semaphore(%run_scoped3A_105 : memref<!tpu.dma_semaphore, #tpu.memory_space<semaphore_mem>>) src(%dma_wait3A_114 : memref<128xf32, #tpu.memory_space<vmem>>) dst(%dma_wait3A_119 : memref<4096xf32, #tpu.memory_space<vmem_shared>>)
      tpu.yield
    }) : () -> ()
    %run_scoped3A_69 = arith.constant 6 : i32
    %run_scoped3A_70 = arith.constant 6 : i32
    "tpu.region"() ({
      %run_scoped3A_105 = tpu.sem_alloc : memref<!tpu.dma_semaphore, #tpu.memory_space<semaphore_mem>>
      %dma_start3A = arith.constant 0 : i32
      %dma_start3A_106 = tpu.memref_slice %arg13[%run_scoped3A_69, %dma_start3A] : memref<16x128xf32, #tpu.memory_space<vmem>> -> memref<1x128xf32, #tpu.memory_space<vmem>>
      %dma_start3A_107 = tpu.memref_squeeze %dma_start3A_106 : memref<1x128xf32, #tpu.memory_space<vmem>> -> memref<128xf32, #tpu.memory_space<vmem>>
      %dma_start3A_108 = arith.constant 0 : i32
      %dma_start3A_109 = tpu.memref_slice %arg12[%run_scoped3A_70, %dma_start3A_108] : memref<16x128xi32, #tpu.memory_space<vmem>> -> memref<1x128xi32, #tpu.memory_space<vmem>>
      %dma_start3A_110 = tpu.memref_squeeze %dma_start3A_109 : memref<1x128xi32, #tpu.memory_space<vmem>> -> memref<128xi32, #tpu.memory_space<vmem>>
      %dma_start3A_111 = arith.constant 0 : i32
      %dma_start3A_112 = tpu.memref_slice %arg14[%dma_start3A_111] : memref<4096xf32, #tpu.memory_space<vmem_shared>> -> memref<4096xf32, #tpu.memory_space<vmem_shared>>
      tpu.enqueue_indirect_dma source(%dma_start3A_107 : memref<128xf32, #tpu.memory_space<vmem>>) target(%dma_start3A_112 : memref<4096xf32, #tpu.memory_space<vmem_shared>>) offsets(%dma_start3A_110 : memref<128xi32, #tpu.memory_space<vmem>>) semaphore(%run_scoped3A_105 : memref<!tpu.dma_semaphore, #tpu.memory_space<semaphore_mem>>) {add = true}
      %dma_wait3A = arith.constant 0 : i32
      %dma_wait3A_113 = tpu.memref_slice %arg13[%run_scoped3A_69, %dma_wait3A] : memref<16x128xf32, #tpu.memory_space<vmem>> -> memref<1x128xf32, #tpu.memory_space<vmem>>
      %dma_wait3A_114 = tpu.memref_squeeze %dma_wait3A_113 : memref<1x128xf32, #tpu.memory_space<vmem>> -> memref<128xf32, #tpu.memory_space<vmem>>
      %dma_wait3A_115 = arith.constant 0 : i32
      %dma_wait3A_116 = tpu.memref_slice %arg12[%run_scoped3A_70, %dma_wait3A_115] : memref<16x128xi32, #tpu.memory_space<vmem>> -> memref<1x128xi32, #tpu.memory_space<vmem>>
      %dma_wait3A_117 = tpu.memref_squeeze %dma_wait3A_116 : memref<1x128xi32, #tpu.memory_space<vmem>> -> memref<128xi32, #tpu.memory_space<vmem>>
      %dma_wait3A_118 = arith.constant 0 : i32
      %dma_wait3A_119 = tpu.memref_slice %arg14[%dma_wait3A_118] : memref<4096xf32, #tpu.memory_space<vmem_shared>> -> memref<4096xf32, #tpu.memory_space<vmem_shared>>
      tpu.wait_indirect_dma semaphore(%run_scoped3A_105 : memref<!tpu.dma_semaphore, #tpu.memory_space<semaphore_mem>>) src(%dma_wait3A_114 : memref<128xf32, #tpu.memory_space<vmem>>) dst(%dma_wait3A_119 : memref<4096xf32, #tpu.memory_space<vmem_shared>>)
      tpu.yield
    }) : () -> ()
    %run_scoped3A_71 = arith.constant 7 : i32
    %run_scoped3A_72 = arith.constant 7 : i32
    "tpu.region"() ({
      %run_scoped3A_105 = tpu.sem_alloc : memref<!tpu.dma_semaphore, #tpu.memory_space<semaphore_mem>>
      %dma_start3A = arith.constant 0 : i32
      %dma_start3A_106 = tpu.memref_slice %arg13[%run_scoped3A_71, %dma_start3A] : memref<16x128xf32, #tpu.memory_space<vmem>> -> memref<1x128xf32, #tpu.memory_space<vmem>>
      %dma_start3A_107 = tpu.memref_squeeze %dma_start3A_106 : memref<1x128xf32, #tpu.memory_space<vmem>> -> memref<128xf32, #tpu.memory_space<vmem>>
      %dma_start3A_108 = arith.constant 0 : i32
      %dma_start3A_109 = tpu.memref_slice %arg12[%run_scoped3A_72, %dma_start3A_108] : memref<16x128xi32, #tpu.memory_space<vmem>> -> memref<1x128xi32, #tpu.memory_space<vmem>>
      %dma_start3A_110 = tpu.memref_squeeze %dma_start3A_109 : memref<1x128xi32, #tpu.memory_space<vmem>> -> memref<128xi32, #tpu.memory_space<vmem>>
      %dma_start3A_111 = arith.constant 0 : i32
      %dma_start3A_112 = tpu.memref_slice %arg14[%dma_start3A_111] : memref<4096xf32, #tpu.memory_space<vmem_shared>> -> memref<4096xf32, #tpu.memory_space<vmem_shared>>
      tpu.enqueue_indirect_dma source(%dma_start3A_107 : memref<128xf32, #tpu.memory_space<vmem>>) target(%dma_start3A_112 : memref<4096xf32, #tpu.memory_space<vmem_shared>>) offsets(%dma_start3A_110 : memref<128xi32, #tpu.memory_space<vmem>>) semaphore(%run_scoped3A_105 : memref<!tpu.dma_semaphore, #tpu.memory_space<semaphore_mem>>) {add = true}
      %dma_wait3A = arith.constant 0 : i32
      %dma_wait3A_113 = tpu.memref_slice %arg13[%run_scoped3A_71, %dma_wait3A] : memref<16x128xf32, #tpu.memory_space<vmem>> -> memref<1x128xf32, #tpu.memory_space<vmem>>
      %dma_wait3A_114 = tpu.memref_squeeze %dma_wait3A_113 : memref<1x128xf32, #tpu.memory_space<vmem>> -> memref<128xf32, #tpu.memory_space<vmem>>
      %dma_wait3A_115 = arith.constant 0 : i32
      %dma_wait3A_116 = tpu.memref_slice %arg12[%run_scoped3A_72, %dma_wait3A_115] : memref<16x128xi32, #tpu.memory_space<vmem>> -> memref<1x128xi32, #tpu.memory_space<vmem>>
      %dma_wait3A_117 = tpu.memref_squeeze %dma_wait3A_116 : memref<1x128xi32, #tpu.memory_space<vmem>> -> memref<128xi32, #tpu.memory_space<vmem>>
      %dma_wait3A_118 = arith.constant 0 : i32
      %dma_wait3A_119 = tpu.memref_slice %arg14[%dma_wait3A_118] : memref<4096xf32, #tpu.memory_space<vmem_shared>> -> memref<4096xf32, #tpu.memory_space<vmem_shared>>
      tpu.wait_indirect_dma semaphore(%run_scoped3A_105 : memref<!tpu.dma_semaphore, #tpu.memory_space<semaphore_mem>>) src(%dma_wait3A_114 : memref<128xf32, #tpu.memory_space<vmem>>) dst(%dma_wait3A_119 : memref<4096xf32, #tpu.memory_space<vmem_shared>>)
      tpu.yield
    }) : () -> ()
    %run_scoped3A_73 = arith.constant 8 : i32
    %run_scoped3A_74 = arith.constant 8 : i32
    "tpu.region"() ({
      %run_scoped3A_105 = tpu.sem_alloc : memref<!tpu.dma_semaphore, #tpu.memory_space<semaphore_mem>>
      %dma_start3A = arith.constant 0 : i32
      %dma_start3A_106 = tpu.memref_slice %arg13[%run_scoped3A_73, %dma_start3A] : memref<16x128xf32, #tpu.memory_space<vmem>> -> memref<1x128xf32, #tpu.memory_space<vmem>>
      %dma_start3A_107 = tpu.memref_squeeze %dma_start3A_106 : memref<1x128xf32, #tpu.memory_space<vmem>> -> memref<128xf32, #tpu.memory_space<vmem>>
      %dma_start3A_108 = arith.constant 0 : i32
      %dma_start3A_109 = tpu.memref_slice %arg12[%run_scoped3A_74, %dma_start3A_108] : memref<16x128xi32, #tpu.memory_space<vmem>> -> memref<1x128xi32, #tpu.memory_space<vmem>>
      %dma_start3A_110 = tpu.memref_squeeze %dma_start3A_109 : memref<1x128xi32, #tpu.memory_space<vmem>> -> memref<128xi32, #tpu.memory_space<vmem>>
      %dma_start3A_111 = arith.constant 0 : i32
      %dma_start3A_112 = tpu.memref_slice %arg14[%dma_start3A_111] : memref<4096xf32, #tpu.memory_space<vmem_shared>> -> memref<4096xf32, #tpu.memory_space<vmem_shared>>
      tpu.enqueue_indirect_dma source(%dma_start3A_107 : memref<128xf32, #tpu.memory_space<vmem>>) target(%dma_start3A_112 : memref<4096xf32, #tpu.memory_space<vmem_shared>>) offsets(%dma_start3A_110 : memref<128xi32, #tpu.memory_space<vmem>>) semaphore(%run_scoped3A_105 : memref<!tpu.dma_semaphore, #tpu.memory_space<semaphore_mem>>) {add = true}
      %dma_wait3A = arith.constant 0 : i32
      %dma_wait3A_113 = tpu.memref_slice %arg13[%run_scoped3A_73, %dma_wait3A] : memref<16x128xf32, #tpu.memory_space<vmem>> -> memref<1x128xf32, #tpu.memory_space<vmem>>
      %dma_wait3A_114 = tpu.memref_squeeze %dma_wait3A_113 : memref<1x128xf32, #tpu.memory_space<vmem>> -> memref<128xf32, #tpu.memory_space<vmem>>
      %dma_wait3A_115 = arith.constant 0 : i32
      %dma_wait3A_116 = tpu.memref_slice %arg12[%run_scoped3A_74, %dma_wait3A_115] : memref<16x128xi32, #tpu.memory_space<vmem>> -> memref<1x128xi32, #tpu.memory_space<vmem>>
      %dma_wait3A_117 = tpu.memref_squeeze %dma_wait3A_116 : memref<1x128xi32, #tpu.memory_space<vmem>> -> memref<128xi32, #tpu.memory_space<vmem>>
      %dma_wait3A_118 = arith.constant 0 : i32
      %dma_wait3A_119 = tpu.memref_slice %arg14[%dma_wait3A_118] : memref<4096xf32, #tpu.memory_space<vmem_shared>> -> memref<4096xf32, #tpu.memory_space<vmem_shared>>
      tpu.wait_indirect_dma semaphore(%run_scoped3A_105 : memref<!tpu.dma_semaphore, #tpu.memory_space<semaphore_mem>>) src(%dma_wait3A_114 : memref<128xf32, #tpu.memory_space<vmem>>) dst(%dma_wait3A_119 : memref<4096xf32, #tpu.memory_space<vmem_shared>>)
      tpu.yield
    }) : () -> ()
    %run_scoped3A_75 = arith.constant 9 : i32
    %run_scoped3A_76 = arith.constant 9 : i32
    "tpu.region"() ({
      %run_scoped3A_105 = tpu.sem_alloc : memref<!tpu.dma_semaphore, #tpu.memory_space<semaphore_mem>>
      %dma_start3A = arith.constant 0 : i32
      %dma_start3A_106 = tpu.memref_slice %arg13[%run_scoped3A_75, %dma_start3A] : memref<16x128xf32, #tpu.memory_space<vmem>> -> memref<1x128xf32, #tpu.memory_space<vmem>>
      %dma_start3A_107 = tpu.memref_squeeze %dma_start3A_106 : memref<1x128xf32, #tpu.memory_space<vmem>> -> memref<128xf32, #tpu.memory_space<vmem>>
      %dma_start3A_108 = arith.constant 0 : i32
      %dma_start3A_109 = tpu.memref_slice %arg12[%run_scoped3A_76, %dma_start3A_108] : memref<16x128xi32, #tpu.memory_space<vmem>> -> memref<1x128xi32, #tpu.memory_space<vmem>>
      %dma_start3A_110 = tpu.memref_squeeze %dma_start3A_109 : memref<1x128xi32, #tpu.memory_space<vmem>> -> memref<128xi32, #tpu.memory_space<vmem>>
      %dma_start3A_111 = arith.constant 0 : i32
      %dma_start3A_112 = tpu.memref_slice %arg14[%dma_start3A_111] : memref<4096xf32, #tpu.memory_space<vmem_shared>> -> memref<4096xf32, #tpu.memory_space<vmem_shared>>
      tpu.enqueue_indirect_dma source(%dma_start3A_107 : memref<128xf32, #tpu.memory_space<vmem>>) target(%dma_start3A_112 : memref<4096xf32, #tpu.memory_space<vmem_shared>>) offsets(%dma_start3A_110 : memref<128xi32, #tpu.memory_space<vmem>>) semaphore(%run_scoped3A_105 : memref<!tpu.dma_semaphore, #tpu.memory_space<semaphore_mem>>) {add = true}
      %dma_wait3A = arith.constant 0 : i32
      %dma_wait3A_113 = tpu.memref_slice %arg13[%run_scoped3A_75, %dma_wait3A] : memref<16x128xf32, #tpu.memory_space<vmem>> -> memref<1x128xf32, #tpu.memory_space<vmem>>
      %dma_wait3A_114 = tpu.memref_squeeze %dma_wait3A_113 : memref<1x128xf32, #tpu.memory_space<vmem>> -> memref<128xf32, #tpu.memory_space<vmem>>
      %dma_wait3A_115 = arith.constant 0 : i32
      %dma_wait3A_116 = tpu.memref_slice %arg12[%run_scoped3A_76, %dma_wait3A_115] : memref<16x128xi32, #tpu.memory_space<vmem>> -> memref<1x128xi32, #tpu.memory_space<vmem>>
      %dma_wait3A_117 = tpu.memref_squeeze %dma_wait3A_116 : memref<1x128xi32, #tpu.memory_space<vmem>> -> memref<128xi32, #tpu.memory_space<vmem>>
      %dma_wait3A_118 = arith.constant 0 : i32
      %dma_wait3A_119 = tpu.memref_slice %arg14[%dma_wait3A_118] : memref<4096xf32, #tpu.memory_space<vmem_shared>> -> memref<4096xf32, #tpu.memory_space<vmem_shared>>
      tpu.wait_indirect_dma semaphore(%run_scoped3A_105 : memref<!tpu.dma_semaphore, #tpu.memory_space<semaphore_mem>>) src(%dma_wait3A_114 : memref<128xf32, #tpu.memory_space<vmem>>) dst(%dma_wait3A_119 : memref<4096xf32, #tpu.memory_space<vmem_shared>>)
      tpu.yield
    }) : () -> ()
    %run_scoped3A_77 = arith.constant 10 : i32
    %run_scoped3A_78 = arith.constant 10 : i32
    "tpu.region"() ({
      %run_scoped3A_105 = tpu.sem_alloc : memref<!tpu.dma_semaphore, #tpu.memory_space<semaphore_mem>>
      %dma_start3A = arith.constant 0 : i32
      %dma_start3A_106 = tpu.memref_slice %arg13[%run_scoped3A_77, %dma_start3A] : memref<16x128xf32, #tpu.memory_space<vmem>> -> memref<1x128xf32, #tpu.memory_space<vmem>>
      %dma_start3A_107 = tpu.memref_squeeze %dma_start3A_106 : memref<1x128xf32, #tpu.memory_space<vmem>> -> memref<128xf32, #tpu.memory_space<vmem>>
      %dma_start3A_108 = arith.constant 0 : i32
      %dma_start3A_109 = tpu.memref_slice %arg12[%run_scoped3A_78, %dma_start3A_108] : memref<16x128xi32, #tpu.memory_space<vmem>> -> memref<1x128xi32, #tpu.memory_space<vmem>>
      %dma_start3A_110 = tpu.memref_squeeze %dma_start3A_109 : memref<1x128xi32, #tpu.memory_space<vmem>> -> memref<128xi32, #tpu.memory_space<vmem>>
      %dma_start3A_111 = arith.constant 0 : i32
      %dma_start3A_112 = tpu.memref_slice %arg14[%dma_start3A_111] : memref<4096xf32, #tpu.memory_space<vmem_shared>> -> memref<4096xf32, #tpu.memory_space<vmem_shared>>
      tpu.enqueue_indirect_dma source(%dma_start3A_107 : memref<128xf32, #tpu.memory_space<vmem>>) target(%dma_start3A_112 : memref<4096xf32, #tpu.memory_space<vmem_shared>>) offsets(%dma_start3A_110 : memref<128xi32, #tpu.memory_space<vmem>>) semaphore(%run_scoped3A_105 : memref<!tpu.dma_semaphore, #tpu.memory_space<semaphore_mem>>) {add = true}
      %dma_wait3A = arith.constant 0 : i32
      %dma_wait3A_113 = tpu.memref_slice %arg13[%run_scoped3A_77, %dma_wait3A] : memref<16x128xf32, #tpu.memory_space<vmem>> -> memref<1x128xf32, #tpu.memory_space<vmem>>
      %dma_wait3A_114 = tpu.memref_squeeze %dma_wait3A_113 : memref<1x128xf32, #tpu.memory_space<vmem>> -> memref<128xf32, #tpu.memory_space<vmem>>
      %dma_wait3A_115 = arith.constant 0 : i32
      %dma_wait3A_116 = tpu.memref_slice %arg12[%run_scoped3A_78, %dma_wait3A_115] : memref<16x128xi32, #tpu.memory_space<vmem>> -> memref<1x128xi32, #tpu.memory_space<vmem>>
      %dma_wait3A_117 = tpu.memref_squeeze %dma_wait3A_116 : memref<1x128xi32, #tpu.memory_space<vmem>> -> memref<128xi32, #tpu.memory_space<vmem>>
      %dma_wait3A_118 = arith.constant 0 : i32
      %dma_wait3A_119 = tpu.memref_slice %arg14[%dma_wait3A_118] : memref<4096xf32, #tpu.memory_space<vmem_shared>> -> memref<4096xf32, #tpu.memory_space<vmem_shared>>
      tpu.wait_indirect_dma semaphore(%run_scoped3A_105 : memref<!tpu.dma_semaphore, #tpu.memory_space<semaphore_mem>>) src(%dma_wait3A_114 : memref<128xf32, #tpu.memory_space<vmem>>) dst(%dma_wait3A_119 : memref<4096xf32, #tpu.memory_space<vmem_shared>>)
      tpu.yield
    }) : () -> ()
    %run_scoped3A_79 = arith.constant 11 : i32
    %run_scoped3A_80 = arith.constant 11 : i32
    "tpu.region"() ({
      %run_scoped3A_105 = tpu.sem_alloc : memref<!tpu.dma_semaphore, #tpu.memory_space<semaphore_mem>>
      %dma_start3A = arith.constant 0 : i32
      %dma_start3A_106 = tpu.memref_slice %arg13[%run_scoped3A_79, %dma_start3A] : memref<16x128xf32, #tpu.memory_space<vmem>> -> memref<1x128xf32, #tpu.memory_space<vmem>>
      %dma_start3A_107 = tpu.memref_squeeze %dma_start3A_106 : memref<1x128xf32, #tpu.memory_space<vmem>> -> memref<128xf32, #tpu.memory_space<vmem>>
      %dma_start3A_108 = arith.constant 0 : i32
      %dma_start3A_109 = tpu.memref_slice %arg12[%run_scoped3A_80, %dma_start3A_108] : memref<16x128xi32, #tpu.memory_space<vmem>> -> memref<1x128xi32, #tpu.memory_space<vmem>>
      %dma_start3A_110 = tpu.memref_squeeze %dma_start3A_109 : memref<1x128xi32, #tpu.memory_space<vmem>> -> memref<128xi32, #tpu.memory_space<vmem>>
      %dma_start3A_111 = arith.constant 0 : i32
      %dma_start3A_112 = tpu.memref_slice %arg14[%dma_start3A_111] : memref<4096xf32, #tpu.memory_space<vmem_shared>> -> memref<4096xf32, #tpu.memory_space<vmem_shared>>
      tpu.enqueue_indirect_dma source(%dma_start3A_107 : memref<128xf32, #tpu.memory_space<vmem>>) target(%dma_start3A_112 : memref<4096xf32, #tpu.memory_space<vmem_shared>>) offsets(%dma_start3A_110 : memref<128xi32, #tpu.memory_space<vmem>>) semaphore(%run_scoped3A_105 : memref<!tpu.dma_semaphore, #tpu.memory_space<semaphore_mem>>) {add = true}
      %dma_wait3A = arith.constant 0 : i32
      %dma_wait3A_113 = tpu.memref_slice %arg13[%run_scoped3A_79, %dma_wait3A] : memref<16x128xf32, #tpu.memory_space<vmem>> -> memref<1x128xf32, #tpu.memory_space<vmem>>
      %dma_wait3A_114 = tpu.memref_squeeze %dma_wait3A_113 : memref<1x128xf32, #tpu.memory_space<vmem>> -> memref<128xf32, #tpu.memory_space<vmem>>
      %dma_wait3A_115 = arith.constant 0 : i32
      %dma_wait3A_116 = tpu.memref_slice %arg12[%run_scoped3A_80, %dma_wait3A_115] : memref<16x128xi32, #tpu.memory_space<vmem>> -> memref<1x128xi32, #tpu.memory_space<vmem>>
      %dma_wait3A_117 = tpu.memref_squeeze %dma_wait3A_116 : memref<1x128xi32, #tpu.memory_space<vmem>> -> memref<128xi32, #tpu.memory_space<vmem>>
      %dma_wait3A_118 = arith.constant 0 : i32
      %dma_wait3A_119 = tpu.memref_slice %arg14[%dma_wait3A_118] : memref<4096xf32, #tpu.memory_space<vmem_shared>> -> memref<4096xf32, #tpu.memory_space<vmem_shared>>
      tpu.wait_indirect_dma semaphore(%run_scoped3A_105 : memref<!tpu.dma_semaphore, #tpu.memory_space<semaphore_mem>>) src(%dma_wait3A_114 : memref<128xf32, #tpu.memory_space<vmem>>) dst(%dma_wait3A_119 : memref<4096xf32, #tpu.memory_space<vmem_shared>>)
      tpu.yield
    }) : () -> ()
    %run_scoped3A_81 = arith.constant 12 : i32
    %run_scoped3A_82 = arith.constant 12 : i32
    "tpu.region"() ({
      %run_scoped3A_105 = tpu.sem_alloc : memref<!tpu.dma_semaphore, #tpu.memory_space<semaphore_mem>>
      %dma_start3A = arith.constant 0 : i32
      %dma_start3A_106 = tpu.memref_slice %arg13[%run_scoped3A_81, %dma_start3A] : memref<16x128xf32, #tpu.memory_space<vmem>> -> memref<1x128xf32, #tpu.memory_space<vmem>>
      %dma_start3A_107 = tpu.memref_squeeze %dma_start3A_106 : memref<1x128xf32, #tpu.memory_space<vmem>> -> memref<128xf32, #tpu.memory_space<vmem>>
      %dma_start3A_108 = arith.constant 0 : i32
      %dma_start3A_109 = tpu.memref_slice %arg12[%run_scoped3A_82, %dma_start3A_108] : memref<16x128xi32, #tpu.memory_space<vmem>> -> memref<1x128xi32, #tpu.memory_space<vmem>>
      %dma_start3A_110 = tpu.memref_squeeze %dma_start3A_109 : memref<1x128xi32, #tpu.memory_space<vmem>> -> memref<128xi32, #tpu.memory_space<vmem>>
      %dma_start3A_111 = arith.constant 0 : i32
      %dma_start3A_112 = tpu.memref_slice %arg14[%dma_start3A_111] : memref<4096xf32, #tpu.memory_space<vmem_shared>> -> memref<4096xf32, #tpu.memory_space<vmem_shared>>
      tpu.enqueue_indirect_dma source(%dma_start3A_107 : memref<128xf32, #tpu.memory_space<vmem>>) target(%dma_start3A_112 : memref<4096xf32, #tpu.memory_space<vmem_shared>>) offsets(%dma_start3A_110 : memref<128xi32, #tpu.memory_space<vmem>>) semaphore(%run_scoped3A_105 : memref<!tpu.dma_semaphore, #tpu.memory_space<semaphore_mem>>) {add = true}
      %dma_wait3A = arith.constant 0 : i32
      %dma_wait3A_113 = tpu.memref_slice %arg13[%run_scoped3A_81, %dma_wait3A] : memref<16x128xf32, #tpu.memory_space<vmem>> -> memref<1x128xf32, #tpu.memory_space<vmem>>
      %dma_wait3A_114 = tpu.memref_squeeze %dma_wait3A_113 : memref<1x128xf32, #tpu.memory_space<vmem>> -> memref<128xf32, #tpu.memory_space<vmem>>
      %dma_wait3A_115 = arith.constant 0 : i32
      %dma_wait3A_116 = tpu.memref_slice %arg12[%run_scoped3A_82, %dma_wait3A_115] : memref<16x128xi32, #tpu.memory_space<vmem>> -> memref<1x128xi32, #tpu.memory_space<vmem>>
      %dma_wait3A_117 = tpu.memref_squeeze %dma_wait3A_116 : memref<1x128xi32, #tpu.memory_space<vmem>> -> memref<128xi32, #tpu.memory_space<vmem>>
      %dma_wait3A_118 = arith.constant 0 : i32
      %dma_wait3A_119 = tpu.memref_slice %arg14[%dma_wait3A_118] : memref<4096xf32, #tpu.memory_space<vmem_shared>> -> memref<4096xf32, #tpu.memory_space<vmem_shared>>
      tpu.wait_indirect_dma semaphore(%run_scoped3A_105 : memref<!tpu.dma_semaphore, #tpu.memory_space<semaphore_mem>>) src(%dma_wait3A_114 : memref<128xf32, #tpu.memory_space<vmem>>) dst(%dma_wait3A_119 : memref<4096xf32, #tpu.memory_space<vmem_shared>>)
      tpu.yield
    }) : () -> ()
    %run_scoped3A_83 = arith.constant 13 : i32
    %run_scoped3A_84 = arith.constant 13 : i32
    "tpu.region"() ({
      %run_scoped3A_105 = tpu.sem_alloc : memref<!tpu.dma_semaphore, #tpu.memory_space<semaphore_mem>>
      %dma_start3A = arith.constant 0 : i32
      %dma_start3A_106 = tpu.memref_slice %arg13[%run_scoped3A_83, %dma_start3A] : memref<16x128xf32, #tpu.memory_space<vmem>> -> memref<1x128xf32, #tpu.memory_space<vmem>>
      %dma_start3A_107 = tpu.memref_squeeze %dma_start3A_106 : memref<1x128xf32, #tpu.memory_space<vmem>> -> memref<128xf32, #tpu.memory_space<vmem>>
      %dma_start3A_108 = arith.constant 0 : i32
      %dma_start3A_109 = tpu.memref_slice %arg12[%run_scoped3A_84, %dma_start3A_108] : memref<16x128xi32, #tpu.memory_space<vmem>> -> memref<1x128xi32, #tpu.memory_space<vmem>>
      %dma_start3A_110 = tpu.memref_squeeze %dma_start3A_109 : memref<1x128xi32, #tpu.memory_space<vmem>> -> memref<128xi32, #tpu.memory_space<vmem>>
      %dma_start3A_111 = arith.constant 0 : i32
      %dma_start3A_112 = tpu.memref_slice %arg14[%dma_start3A_111] : memref<4096xf32, #tpu.memory_space<vmem_shared>> -> memref<4096xf32, #tpu.memory_space<vmem_shared>>
      tpu.enqueue_indirect_dma source(%dma_start3A_107 : memref<128xf32, #tpu.memory_space<vmem>>) target(%dma_start3A_112 : memref<4096xf32, #tpu.memory_space<vmem_shared>>) offsets(%dma_start3A_110 : memref<128xi32, #tpu.memory_space<vmem>>) semaphore(%run_scoped3A_105 : memref<!tpu.dma_semaphore, #tpu.memory_space<semaphore_mem>>) {add = true}
      %dma_wait3A = arith.constant 0 : i32
      %dma_wait3A_113 = tpu.memref_slice %arg13[%run_scoped3A_83, %dma_wait3A] : memref<16x128xf32, #tpu.memory_space<vmem>> -> memref<1x128xf32, #tpu.memory_space<vmem>>
      %dma_wait3A_114 = tpu.memref_squeeze %dma_wait3A_113 : memref<1x128xf32, #tpu.memory_space<vmem>> -> memref<128xf32, #tpu.memory_space<vmem>>
      %dma_wait3A_115 = arith.constant 0 : i32
      %dma_wait3A_116 = tpu.memref_slice %arg12[%run_scoped3A_84, %dma_wait3A_115] : memref<16x128xi32, #tpu.memory_space<vmem>> -> memref<1x128xi32, #tpu.memory_space<vmem>>
      %dma_wait3A_117 = tpu.memref_squeeze %dma_wait3A_116 : memref<1x128xi32, #tpu.memory_space<vmem>> -> memref<128xi32, #tpu.memory_space<vmem>>
      %dma_wait3A_118 = arith.constant 0 : i32
      %dma_wait3A_119 = tpu.memref_slice %arg14[%dma_wait3A_118] : memref<4096xf32, #tpu.memory_space<vmem_shared>> -> memref<4096xf32, #tpu.memory_space<vmem_shared>>
      tpu.wait_indirect_dma semaphore(%run_scoped3A_105 : memref<!tpu.dma_semaphore, #tpu.memory_space<semaphore_mem>>) src(%dma_wait3A_114 : memref<128xf32, #tpu.memory_space<vmem>>) dst(%dma_wait3A_119 : memref<4096xf32, #tpu.memory_space<vmem_shared>>)
      tpu.yield
    }) : () -> ()
    %run_scoped3A_85 = arith.constant 14 : i32
    %run_scoped3A_86 = arith.constant 14 : i32
    "tpu.region"() ({
      %run_scoped3A_105 = tpu.sem_alloc : memref<!tpu.dma_semaphore, #tpu.memory_space<semaphore_mem>>
      %dma_start3A = arith.constant 0 : i32
      %dma_start3A_106 = tpu.memref_slice %arg13[%run_scoped3A_85, %dma_start3A] : memref<16x128xf32, #tpu.memory_space<vmem>> -> memref<1x128xf32, #tpu.memory_space<vmem>>
      %dma_start3A_107 = tpu.memref_squeeze %dma_start3A_106 : memref<1x128xf32, #tpu.memory_space<vmem>> -> memref<128xf32, #tpu.memory_space<vmem>>
      %dma_start3A_108 = arith.constant 0 : i32
      %dma_start3A_109 = tpu.memref_slice %arg12[%run_scoped3A_86, %dma_start3A_108] : memref<16x128xi32, #tpu.memory_space<vmem>> -> memref<1x128xi32, #tpu.memory_space<vmem>>
      %dma_start3A_110 = tpu.memref_squeeze %dma_start3A_109 : memref<1x128xi32, #tpu.memory_space<vmem>> -> memref<128xi32, #tpu.memory_space<vmem>>
      %dma_start3A_111 = arith.constant 0 : i32
      %dma_start3A_112 = tpu.memref_slice %arg14[%dma_start3A_111] : memref<4096xf32, #tpu.memory_space<vmem_shared>> -> memref<4096xf32, #tpu.memory_space<vmem_shared>>
      tpu.enqueue_indirect_dma source(%dma_start3A_107 : memref<128xf32, #tpu.memory_space<vmem>>) target(%dma_start3A_112 : memref<4096xf32, #tpu.memory_space<vmem_shared>>) offsets(%dma_start3A_110 : memref<128xi32, #tpu.memory_space<vmem>>) semaphore(%run_scoped3A_105 : memref<!tpu.dma_semaphore, #tpu.memory_space<semaphore_mem>>) {add = true}
      %dma_wait3A = arith.constant 0 : i32
      %dma_wait3A_113 = tpu.memref_slice %arg13[%run_scoped3A_85, %dma_wait3A] : memref<16x128xf32, #tpu.memory_space<vmem>> -> memref<1x128xf32, #tpu.memory_space<vmem>>
      %dma_wait3A_114 = tpu.memref_squeeze %dma_wait3A_113 : memref<1x128xf32, #tpu.memory_space<vmem>> -> memref<128xf32, #tpu.memory_space<vmem>>
      %dma_wait3A_115 = arith.constant 0 : i32
      %dma_wait3A_116 = tpu.memref_slice %arg12[%run_scoped3A_86, %dma_wait3A_115] : memref<16x128xi32, #tpu.memory_space<vmem>> -> memref<1x128xi32, #tpu.memory_space<vmem>>
      %dma_wait3A_117 = tpu.memref_squeeze %dma_wait3A_116 : memref<1x128xi32, #tpu.memory_space<vmem>> -> memref<128xi32, #tpu.memory_space<vmem>>
      %dma_wait3A_118 = arith.constant 0 : i32
      %dma_wait3A_119 = tpu.memref_slice %arg14[%dma_wait3A_118] : memref<4096xf32, #tpu.memory_space<vmem_shared>> -> memref<4096xf32, #tpu.memory_space<vmem_shared>>
      tpu.wait_indirect_dma semaphore(%run_scoped3A_105 : memref<!tpu.dma_semaphore, #tpu.memory_space<semaphore_mem>>) src(%dma_wait3A_114 : memref<128xf32, #tpu.memory_space<vmem>>) dst(%dma_wait3A_119 : memref<4096xf32, #tpu.memory_space<vmem_shared>>)
      tpu.yield
    }) : () -> ()
    %run_scoped3A_87 = arith.constant 15 : i32
    %run_scoped3A_88 = arith.constant 15 : i32
    "tpu.region"() ({
      %run_scoped3A_105 = tpu.sem_alloc : memref<!tpu.dma_semaphore, #tpu.memory_space<semaphore_mem>>
      %dma_start3A = arith.constant 0 : i32
      %dma_start3A_106 = tpu.memref_slice %arg13[%run_scoped3A_87, %dma_start3A] : memref<16x128xf32, #tpu.memory_space<vmem>> -> memref<1x128xf32, #tpu.memory_space<vmem>>
      %dma_start3A_107 = tpu.memref_squeeze %dma_start3A_106 : memref<1x128xf32, #tpu.memory_space<vmem>> -> memref<128xf32, #tpu.memory_space<vmem>>
      %dma_start3A_108 = arith.constant 0 : i32
      %dma_start3A_109 = tpu.memref_slice %arg12[%run_scoped3A_88, %dma_start3A_108] : memref<16x128xi32, #tpu.memory_space<vmem>> -> memref<1x128xi32, #tpu.memory_space<vmem>>
      %dma_start3A_110 = tpu.memref_squeeze %dma_start3A_109 : memref<1x128xi32, #tpu.memory_space<vmem>> -> memref<128xi32, #tpu.memory_space<vmem>>
      %dma_start3A_111 = arith.constant 0 : i32
      %dma_start3A_112 = tpu.memref_slice %arg14[%dma_start3A_111] : memref<4096xf32, #tpu.memory_space<vmem_shared>> -> memref<4096xf32, #tpu.memory_space<vmem_shared>>
      tpu.enqueue_indirect_dma source(%dma_start3A_107 : memref<128xf32, #tpu.memory_space<vmem>>) target(%dma_start3A_112 : memref<4096xf32, #tpu.memory_space<vmem_shared>>) offsets(%dma_start3A_110 : memref<128xi32, #tpu.memory_space<vmem>>) semaphore(%run_scoped3A_105 : memref<!tpu.dma_semaphore, #tpu.memory_space<semaphore_mem>>) {add = true}
      %dma_wait3A = arith.constant 0 : i32
      %dma_wait3A_113 = tpu.memref_slice %arg13[%run_scoped3A_87, %dma_wait3A] : memref<16x128xf32, #tpu.memory_space<vmem>> -> memref<1x128xf32, #tpu.memory_space<vmem>>
      %dma_wait3A_114 = tpu.memref_squeeze %dma_wait3A_113 : memref<1x128xf32, #tpu.memory_space<vmem>> -> memref<128xf32, #tpu.memory_space<vmem>>
      %dma_wait3A_115 = arith.constant 0 : i32
      %dma_wait3A_116 = tpu.memref_slice %arg12[%run_scoped3A_88, %dma_wait3A_115] : memref<16x128xi32, #tpu.memory_space<vmem>> -> memref<1x128xi32, #tpu.memory_space<vmem>>
      %dma_wait3A_117 = tpu.memref_squeeze %dma_wait3A_116 : memref<1x128xi32, #tpu.memory_space<vmem>> -> memref<128xi32, #tpu.memory_space<vmem>>
      %dma_wait3A_118 = arith.constant 0 : i32
      %dma_wait3A_119 = tpu.memref_slice %arg14[%dma_wait3A_118] : memref<4096xf32, #tpu.memory_space<vmem_shared>> -> memref<4096xf32, #tpu.memory_space<vmem_shared>>
      tpu.wait_indirect_dma semaphore(%run_scoped3A_105 : memref<!tpu.dma_semaphore, #tpu.memory_space<semaphore_mem>>) src(%dma_wait3A_114 : memref<128xf32, #tpu.memory_space<vmem>>) dst(%dma_wait3A_119 : memref<4096xf32, #tpu.memory_space<vmem_shared>>)
      tpu.yield
    }) : () -> ()
    %barrier3A_89 = arith.constant 0 : index
    tpu.barrier barrier_id(%barrier3A_89)
    %eq3A_90 = arith.constant 0 : i32
    %eq3A_91 = arith.cmpi eq, %arg1, %eq3A_90 : i32
    %convert_element_type3A_92 = arith.extui %eq3A_91 : i1 to i32
    %cond3A_93 = arith.constant 0 : i32
    %cond3A_94 = arith.cmpi ne, %convert_element_type3A_92, %cond3A_93 : i32
    scf.if %cond3A_94 {
      "tpu.region"() ({
        %run_scoped3A_105 = tpu.sem_alloc : memref<!tpu.dma_semaphore, #tpu.memory_space<semaphore_mem>>
        %dma_start3A = arith.constant 0 : i32
        %dma_start3A_106 = tpu.memref_slice %arg5[%arg0, %dma_start3A] : memref<2x4096xf32, #tpu.memory_space<hbm>> -> memref<1x4096xf32, #tpu.memory_space<hbm>>
        %dma_start3A_107 = tpu.memref_squeeze %dma_start3A_106 : memref<1x4096xf32, #tpu.memory_space<hbm>> -> memref<4096xf32, #tpu.memory_space<hbm>>
        tpu.enqueue_dma source(%arg14 : memref<4096xf32, #tpu.memory_space<vmem_shared>>) target(%dma_start3A_107 : memref<4096xf32, #tpu.memory_space<hbm>>) target_semaphore(%run_scoped3A_105 : memref<!tpu.dma_semaphore, #tpu.memory_space<semaphore_mem>>)
        %dma_wait3A = arith.constant 0 : i32
        %dma_wait3A_108 = tpu.memref_slice %arg5[%arg0, %dma_wait3A] : memref<2x4096xf32, #tpu.memory_space<hbm>> -> memref<1x4096xf32, #tpu.memory_space<hbm>>
        %dma_wait3A_109 = tpu.memref_squeeze %dma_wait3A_108 : memref<1x4096xf32, #tpu.memory_space<hbm>> -> memref<4096xf32, #tpu.memory_space<hbm>>
        tpu.wait_dma2 semaphore(%run_scoped3A_105 : memref<!tpu.dma_semaphore, #tpu.memory_space<semaphore_mem>>) src(%arg14 : memref<4096xf32, #tpu.memory_space<vmem_shared>>) dst(%dma_wait3A_109 : memref<4096xf32, #tpu.memory_space<hbm>>)
        tpu.yield
      }) : () -> ()
    } else {
    }
    %mul3A_95 = arith.constant 32 : i32
    %mul3A_96 = arith.muli %arg1, %mul3A_95 : i32
    "tpu.region"() ({
      %run_scoped3A_105 = tpu.sem_alloc : memref<!tpu.dma_semaphore, #tpu.memory_space<semaphore_mem>>
      %dma_start3A = arith.constant 0 : i32
      %dma_start3A_106 = tpu.memref_slice %arg2[%mul3A_96, %dma_start3A] : memref<512x128xi32, #tpu.memory_space<hbm>> -> memref<32x128xi32, #tpu.memory_space<hbm>>
      %dma_start3A_107 = arith.constant 0 : i32
      %dma_start3A_108 = tpu.memref_slice %arg2[%mul3A_96, %dma_start3A_107] : memref<512x128xi32, #tpu.memory_space<hbm>> -> memref<32x128xi32, #tpu.memory_space<hbm>>
      tpu.enqueue_dma source(%dma_start3A_108 : memref<32x128xi32, #tpu.memory_space<hbm>>) target(%arg8 : memref<32x128xi32, #tpu.memory_space<vmem>>) target_semaphore(%run_scoped3A_105 : memref<!tpu.dma_semaphore, #tpu.memory_space<semaphore_mem>>)
      %dma_wait3A = arith.constant 0 : i32
      %dma_wait3A_109 = tpu.memref_slice %arg2[%mul3A_96, %dma_wait3A] : memref<512x128xi32, #tpu.memory_space<hbm>> -> memref<32x128xi32, #tpu.memory_space<hbm>>
      %dma_wait3A_110 = arith.constant 0 : i32
      %dma_wait3A_111 = tpu.memref_slice %arg2[%mul3A_96, %dma_wait3A_110] : memref<512x128xi32, #tpu.memory_space<hbm>> -> memref<32x128xi32, #tpu.memory_space<hbm>>
      tpu.wait_dma2 semaphore(%run_scoped3A_105 : memref<!tpu.dma_semaphore, #tpu.memory_space<semaphore_mem>>) src(%dma_wait3A_111 : memref<32x128xi32, #tpu.memory_space<hbm>>) dst(%arg8 : memref<32x128xi32, #tpu.memory_space<vmem>>)
      tpu.yield
    }) : () -> ()
    "tpu.region"() ({
      %run_scoped3A_105 = tpu.sem_alloc : memref<!tpu.dma_semaphore, #tpu.memory_space<semaphore_mem>>
      %dma_start3A = arith.constant 0 : i32
      %dma_start3A_106 = tpu.memref_slice %arg3[%mul3A_96, %dma_start3A] : memref<512x128xi32, #tpu.memory_space<hbm>> -> memref<32x128xi32, #tpu.memory_space<hbm>>
      %dma_start3A_107 = arith.constant 0 : i32
      %dma_start3A_108 = tpu.memref_slice %arg3[%mul3A_96, %dma_start3A_107] : memref<512x128xi32, #tpu.memory_space<hbm>> -> memref<32x128xi32, #tpu.memory_space<hbm>>
      tpu.enqueue_dma source(%dma_start3A_108 : memref<32x128xi32, #tpu.memory_space<hbm>>) target(%arg9 : memref<32x128xi32, #tpu.memory_space<vmem>>) target_semaphore(%run_scoped3A_105 : memref<!tpu.dma_semaphore, #tpu.memory_space<semaphore_mem>>)
      %dma_wait3A = arith.constant 0 : i32
      %dma_wait3A_109 = tpu.memref_slice %arg3[%mul3A_96, %dma_wait3A] : memref<512x128xi32, #tpu.memory_space<hbm>> -> memref<32x128xi32, #tpu.memory_space<hbm>>
      %dma_wait3A_110 = arith.constant 0 : i32
      %dma_wait3A_111 = tpu.memref_slice %arg3[%mul3A_96, %dma_wait3A_110] : memref<512x128xi32, #tpu.memory_space<hbm>> -> memref<32x128xi32, #tpu.memory_space<hbm>>
      tpu.wait_dma2 semaphore(%run_scoped3A_105 : memref<!tpu.dma_semaphore, #tpu.memory_space<semaphore_mem>>) src(%dma_wait3A_111 : memref<32x128xi32, #tpu.memory_space<hbm>>) dst(%arg9 : memref<32x128xi32, #tpu.memory_space<vmem>>)
      tpu.yield
    }) : () -> ()
    %mul3A_97 = arith.constant 65536 : i32
    %mul3A_98 = arith.muli %arg1, %mul3A_97 : i32
    %scan3A_99 = arith.constant 0 : i32
    %scan3A_100 = arith.constant 0 : i32
    %scan3A_101 = arith.constant 8 : i32
    %scan3A_102 = arith.addi %scan3A_100, %scan3A_101 : i32
    %scan3A_103 = arith.constant 1 : i32
    scf.for %scan3A_105 = %scan3A_100 to %scan3A_102 step %scan3A_103  : i32 {
      %mul3A_106 = arith.constant 2048 : i32
      %mul3A_107 = arith.muli %arg0, %mul3A_106 : i32
      %mul3A_108 = arith.constant 256 : i32
      %mul3A_109 = arith.muli %scan3A_105, %mul3A_108 : i32
      %add3A_110 = arith.addi %mul3A_107, %mul3A_109 : i32
      %add3A_111 = arith.constant 0 : i32
      %add3A_112 = arith.addi %mul3A_98, %add3A_111 : i32
      %dma_start3A = tpu.memref_slice %arg15[%add3A_112] : memref<1048584xf32, #tpu.memory_space<vmem_shared>> -> memref<32768xf32, #tpu.memory_space<vmem_shared>>
      %dma_start3A_113 = tpu.memref_slice %arg15[%add3A_112] : memref<1048584xf32, #tpu.memory_space<vmem_shared>> -> memref<32768xf32, #tpu.memory_space<vmem_shared>>
      tpu.enqueue_dma source(%arg7 : memref<32768xf32, #tpu.memory_space<vmem>>) target(%dma_start3A_113 : memref<32768xf32, #tpu.memory_space<vmem_shared>>) target_semaphore(%arg16 : memref<!tpu.dma_semaphore, #tpu.memory_space<semaphore_mem>>)
      %add3A_114 = arith.constant 32768 : i32
      %add3A_115 = arith.addi %mul3A_98, %add3A_114 : i32
      %dma_start3A_116 = tpu.memref_slice %arg15[%add3A_115] : memref<1048584xf32, #tpu.memory_space<vmem_shared>> -> memref<32768xf32, #tpu.memory_space<vmem_shared>>
      %dma_start3A_117 = tpu.memref_slice %arg15[%add3A_115] : memref<1048584xf32, #tpu.memory_space<vmem_shared>> -> memref<32768xf32, #tpu.memory_space<vmem_shared>>
      tpu.enqueue_dma source(%arg7 : memref<32768xf32, #tpu.memory_space<vmem>>) target(%dma_start3A_117 : memref<32768xf32, #tpu.memory_space<vmem_shared>>) target_semaphore(%arg16 : memref<!tpu.dma_semaphore, #tpu.memory_space<semaphore_mem>>)
      %dma_wait3A = tpu.memref_slice %arg15[%add3A_112] : memref<1048584xf32, #tpu.memory_space<vmem_shared>> -> memref<32768xf32, #tpu.memory_space<vmem_shared>>
      %dma_wait3A_118 = tpu.memref_slice %arg15[%add3A_112] : memref<1048584xf32, #tpu.memory_space<vmem_shared>> -> memref<32768xf32, #tpu.memory_space<vmem_shared>>
      tpu.wait_dma2 semaphore(%arg16 : memref<!tpu.dma_semaphore, #tpu.memory_space<semaphore_mem>>) src(%arg7 : memref<32768xf32, #tpu.memory_space<vmem>>) dst(%dma_wait3A_118 : memref<32768xf32, #tpu.memory_space<vmem_shared>>)
      %dma_wait3A_119 = tpu.memref_slice %arg15[%add3A_115] : memref<1048584xf32, #tpu.memory_space<vmem_shared>> -> memref<32768xf32, #tpu.memory_space<vmem_shared>>
      %dma_wait3A_120 = tpu.memref_slice %arg15[%add3A_115] : memref<1048584xf32, #tpu.memory_space<vmem_shared>> -> memref<32768xf32, #tpu.memory_space<vmem_shared>>
      tpu.wait_dma2 semaphore(%arg16 : memref<!tpu.dma_semaphore, #tpu.memory_space<semaphore_mem>>) src(%arg7 : memref<32768xf32, #tpu.memory_space<vmem>>) dst(%dma_wait3A_120 : memref<32768xf32, #tpu.memory_space<vmem_shared>>)
      %barrier3A_121 = arith.constant 0 : index
      tpu.barrier barrier_id(%barrier3A_121)
      %scan3A_122 = arith.constant 0 : i32
      %scan3A_123 = arith.constant 0 : i32
      %scan3A_124 = arith.constant 8 : i32
      %scan3A_125 = arith.addi %scan3A_123, %scan3A_124 : i32
      %scan3A_126 = arith.constant 1 : i32
      scf.for %scan3A_718 = %scan3A_123 to %scan3A_125 step %scan3A_126  : i32 {
        %mul3A_719 = arith.constant 16 : i32
        %mul3A_720 = arith.muli %scan3A_718, %mul3A_719 : i32
        %get3A = arith.constant 0 : i32
        %get3A_721 = arith.index_cast %get3A : i32 to index
        %get3A_722 = arith.index_cast %mul3A_720 : i32 to index
        %get3A_723 = tpu.vector_load %arg8[%get3A_721, %get3A_722] {strides = array<i32>} : memref<32x128xi32, #tpu.memory_space<vmem>>, vector<1x16xi32>,
        %get3A_724 = vector.shape_cast %get3A_723 : vector<1x16xi32> to vector<16xi32>
        %mul3A_725 = arith.constant 16 : i32
        %mul3A_726 = arith.muli %scan3A_718, %mul3A_725 : i32
        %get3A_727 = arith.constant 0 : i32
        %get3A_728 = arith.index_cast %get3A_727 : i32 to index
        %get3A_729 = arith.index_cast %mul3A_726 : i32 to index
        %get3A_730 = tpu.vector_load %arg9[%get3A_728, %get3A_729] {strides = array<i32>} : memref<32x128xi32, #tpu.memory_space<vmem>>, vector<1x16xi32>,
        %get3A_731 = vector.shape_cast %get3A_730 : vector<1x16xi32> to vector<16xi32>
        %ge3A = vector.broadcast %add3A_110 : i32 to vector<16xi32>
        %ge3A_732 = arith.cmpi sge, %get3A_724, %ge3A : vector<16xi32>
        %add3A_733 = arith.constant 256 : i32
        %add3A_734 = arith.addi %add3A_110, %add3A_733 : i32
        %lt3A = vector.broadcast %add3A_734 : i32 to vector<16xi32>
        %lt3A_735 = arith.cmpi slt, %get3A_724, %lt3A : vector<16xi32>
        %and3A = arith.andi %ge3A_732, %lt3A_735 : vector<16xi1>
        %sub3A = vector.broadcast %add3A_110 : i32 to vector<16xi32>
        %sub3A_736 = arith.subi %get3A_724, %sub3A : vector<16xi32>
        %mul3A_737 = arith.constant 4096 : i32
        %mul3A_738 = vector.broadcast %mul3A_737 : i32 to vector<16xi32>
        %mul3A_739 = arith.muli %sub3A_736, %mul3A_738 : vector<16xi32>
        %add3A_740 = arith.addi %mul3A_739, %get3A_731 : vector<16xi32>
        %jit3A = arith.constant 1048576 : i32
        %broadcast_in_dim3A_741 = vector.broadcast %jit3A : i32 to vector<16xi32>
        %select_n3A = arith.select %and3A, %add3A_740, %broadcast_in_dim3A_741 : vector<16xi1>, vector<16xi32>
        %mul3A_742 = arith.constant 16 : i32
        %mul3A_743 = arith.muli %scan3A_718, %mul3A_742 : i32
        %swap3A_744 = arith.constant 0 : i32
        %swap3A_745 = arith.index_cast %swap3A_744 : i32 to index
        %swap3A_746 = arith.index_cast %mul3A_743 : i32 to index
        %swap3A_747 = tpu.vector_load %arg10[%swap3A_745, %swap3A_746] {strides = array<i32>} : memref<32x128xi32, #tpu.memory_space<vmem>>, vector<1x16xi32>,
        %swap3A_748 = vector.shape_cast %swap3A_747 : vector<1x16xi32> to vector<16xi32>
        %swap3A_749 = vector.shape_cast %select_n3A : vector<16xi32> to vector<1x16xi32>
        tpu.vector_store %arg10[%swap3A_745, %swap3A_746], %swap3A_749 {strides = array<i32>} : memref<32x128xi32, #tpu.memory_space<vmem>>, vector<1x16xi32>,
      }
      %scan3A_127 = arith.constant 8 : i32
      %dma_start3A_128 = arith.constant 0 : i32
      %dma_start3A_129 = arith.constant 0 : i32
      %dma_start3A_130 = tpu.memref_slice %arg10[%dma_start3A_128, %dma_start3A_129] : memref<32x128xi32, #tpu.memory_space<vmem>> -> memref<1x128xi32, #tpu.memory_space<vmem>>
      %dma_start3A_131 = tpu.memref_squeeze %dma_start3A_130 : memref<1x128xi32, #tpu.memory_space<vmem>> -> memref<128xi32, #tpu.memory_space<vmem>>
      %dma_start3A_132 = arith.constant 0 : i32
      %dma_start3A_133 = tpu.memref_slice %arg15[%dma_start3A_132] : memref<1048584xf32, #tpu.memory_space<vmem_shared>> -> memref<1048584xf32, #tpu.memory_space<vmem_shared>>
      tpu.enqueue_indirect_dma source(%arg11 : memref<128xf32, #tpu.memory_space<vmem>>) target(%dma_start3A_133 : memref<1048584xf32, #tpu.memory_space<vmem_shared>>) offsets(%dma_start3A_131 : memref<128xi32, #tpu.memory_space<vmem>>) semaphore(%arg16 : memref<!tpu.dma_semaphore, #tpu.memory_space<semaphore_mem>>)
      %scan3A_134 = arith.constant 0 : i32
      %scan3A_135 = arith.constant 0 : i32
      %scan3A_136 = arith.constant 8 : i32
      %scan3A_137 = arith.addi %scan3A_135, %scan3A_136 : i32
      %scan3A_138 = arith.constant 1 : i32
      scf.for %scan3A_718 = %scan3A_135 to %scan3A_137 step %scan3A_138  : i32 {
        %mul3A_719 = arith.constant 16 : i32
        %mul3A_720 = arith.muli %scan3A_718, %mul3A_719 : i32
        %get3A = arith.constant 1 : i32
        %get3A_721 = arith.index_cast %get3A : i32 to index
        %get3A_722 = arith.index_cast %mul3A_720 : i32 to index
        %get3A_723 = tpu.vector_load %arg8[%get3A_721, %get3A_722] {strides = array<i32>} : memref<32x128xi32, #tpu.memory_space<vmem>>, vector<1x16xi32>,
        %get3A_724 = vector.shape_cast %get3A_723 : vector<1x16xi32> to vector<16xi32>
        %mul3A_725 = arith.constant 16 : i32
        %mul3A_726 = arith.muli %scan3A_718, %mul3A_725 : i32
        %get3A_727 = arith.constant 1 : i32
        %get3A_728 = arith.index_cast %get3A_727 : i32 to index
        %get3A_729 = arith.index_cast %mul3A_726 : i32 to index
        %get3A_730 = tpu.vector_load %arg9[%get3A_728, %get3A_729] {strides = array<i32>} : memref<32x128xi32, #tpu.memory_space<vmem>>, vector<1x16xi32>,
        %get3A_731 = vector.shape_cast %get3A_730 : vector<1x16xi32> to vector<16xi32>
        %ge3A = vector.broadcast %add3A_110 : i32 to vector<16xi32>
        %ge3A_732 = arith.cmpi sge, %get3A_724, %ge3A : vector<16xi32>
        %add3A_733 = arith.constant 256 : i32
        %add3A_734 = arith.addi %add3A_110, %add3A_733 : i32
        %lt3A = vector.broadcast %add3A_734 : i32 to vector<16xi32>
        %lt3A_735 = arith.cmpi slt, %get3A_724, %lt3A : vector<16xi32>
        %and3A = arith.andi %ge3A_732, %lt3A_735 : vector<16xi1>
        %sub3A = vector.broadcast %add3A_110 : i32 to vector<16xi32>
        %sub3A_736 = arith.subi %get3A_724, %sub3A : vector<16xi32>
        %mul3A_737 = arith.constant 4096 : i32
        %mul3A_738 = vector.broadcast %mul3A_737 : i32 to vector<16xi32>
        %mul3A_739 = arith.muli %sub3A_736, %mul3A_738 : vector<16xi32>
        %add3A_740 = arith.addi %mul3A_739, %get3A_731 : vector<16xi32>
        %jit3A = arith.constant 1048576 : i32
        %broadcast_in_dim3A_741 = vector.broadcast %jit3A : i32 to vector<16xi32>
        %select_n3A = arith.select %and3A, %add3A_740, %broadcast_in_dim3A_741 : vector<16xi1>, vector<16xi32>
        %mul3A_742 = arith.constant 16 : i32
        %mul3A_743 = arith.muli %scan3A_718, %mul3A_742 : i32
        %swap3A_744 = arith.constant 1 : i32
        %swap3A_745 = arith.index_cast %swap3A_744 : i32 to index
        %swap3A_746 = arith.index_cast %mul3A_743 : i32 to index
        %swap3A_747 = tpu.vector_load %arg10[%swap3A_745, %swap3A_746] {strides = array<i32>} : memref<32x128xi32, #tpu.memory_space<vmem>>, vector<1x16xi32>,
        %swap3A_748 = vector.shape_cast %swap3A_747 : vector<1x16xi32> to vector<16xi32>
        %swap3A_749 = vector.shape_cast %select_n3A : vector<16xi32> to vector<1x16xi32>
        tpu.vector_store %arg10[%swap3A_745, %swap3A_746], %swap3A_749 {strides = array<i32>} : memref<32x128xi32, #tpu.memory_space<vmem>>, vector<1x16xi32>,
      }
      %scan3A_139 = arith.constant 8 : i32
      %dma_start3A_140 = arith.constant 1 : i32
      %dma_start3A_141 = arith.constant 0 : i32
      %dma_start3A_142 = tpu.memref_slice %arg10[%dma_start3A_140, %dma_start3A_141] : memref<32x128xi32, #tpu.memory_space<vmem>> -> memref<1x128xi32, #tpu.memory_space<vmem>>
      %dma_start3A_143 = tpu.memref_squeeze %dma_start3A_142 : memref<1x128xi32, #tpu.memory_space<vmem>> -> memref<128xi32, #tpu.memory_space<vmem>>
      %dma_start3A_144 = arith.constant 0 : i32
      %dma_start3A_145 = tpu.memref_slice %arg15[%dma_start3A_144] : memref<1048584xf32, #tpu.memory_space<vmem_shared>> -> memref<1048584xf32, #tpu.memory_space<vmem_shared>>
      tpu.enqueue_indirect_dma source(%arg11 : memref<128xf32, #tpu.memory_space<vmem>>) target(%dma_start3A_145 : memref<1048584xf32, #tpu.memory_space<vmem_shared>>) offsets(%dma_start3A_143 : memref<128xi32, #tpu.memory_space<vmem>>) semaphore(%arg16 : memref<!tpu.dma_semaphore, #tpu.memory_space<semaphore_mem>>)
      %scan3A_146 = arith.constant 0 : i32
      %scan3A_147 = arith.constant 0 : i32
      %scan3A_148 = arith.constant 8 : i32
      %scan3A_149 = arith.addi %scan3A_147, %scan3A_148 : i32
      %scan3A_150 = arith.constant 1 : i32
      scf.for %scan3A_718 = %scan3A_147 to %scan3A_149 step %scan3A_150  : i32 {
        %mul3A_719 = arith.constant 16 : i32
        %mul3A_720 = arith.muli %scan3A_718, %mul3A_719 : i32
        %get3A = arith.constant 2 : i32
        %get3A_721 = arith.index_cast %get3A : i32 to index
        %get3A_722 = arith.index_cast %mul3A_720 : i32 to index
        %get3A_723 = tpu.vector_load %arg8[%get3A_721, %get3A_722] {strides = array<i32>} : memref<32x128xi32, #tpu.memory_space<vmem>>, vector<1x16xi32>,
        %get3A_724 = vector.shape_cast %get3A_723 : vector<1x16xi32> to vector<16xi32>
        %mul3A_725 = arith.constant 16 : i32
        %mul3A_726 = arith.muli %scan3A_718, %mul3A_725 : i32
        %get3A_727 = arith.constant 2 : i32
        %get3A_728 = arith.index_cast %get3A_727 : i32 to index
        %get3A_729 = arith.index_cast %mul3A_726 : i32 to index
        %get3A_730 = tpu.vector_load %arg9[%get3A_728, %get3A_729] {strides = array<i32>} : memref<32x128xi32, #tpu.memory_space<vmem>>, vector<1x16xi32>,
        %get3A_731 = vector.shape_cast %get3A_730 : vector<1x16xi32> to vector<16xi32>
        %ge3A = vector.broadcast %add3A_110 : i32 to vector<16xi32>
        %ge3A_732 = arith.cmpi sge, %get3A_724, %ge3A : vector<16xi32>
        %add3A_733 = arith.constant 256 : i32
        %add3A_734 = arith.addi %add3A_110, %add3A_733 : i32
        %lt3A = vector.broadcast %add3A_734 : i32 to vector<16xi32>
        %lt3A_735 = arith.cmpi slt, %get3A_724, %lt3A : vector<16xi32>
        %and3A = arith.andi %ge3A_732, %lt3A_735 : vector<16xi1>
        %sub3A = vector.broadcast %add3A_110 : i32 to vector<16xi32>
        %sub3A_736 = arith.subi %get3A_724, %sub3A : vector<16xi32>
        %mul3A_737 = arith.constant 4096 : i32
        %mul3A_738 = vector.broadcast %mul3A_737 : i32 to vector<16xi32>
        %mul3A_739 = arith.muli %sub3A_736, %mul3A_738 : vector<16xi32>
        %add3A_740 = arith.addi %mul3A_739, %get3A_731 : vector<16xi32>
        %jit3A = arith.constant 1048576 : i32
        %broadcast_in_dim3A_741 = vector.broadcast %jit3A : i32 to vector<16xi32>
        %select_n3A = arith.select %and3A, %add3A_740, %broadcast_in_dim3A_741 : vector<16xi1>, vector<16xi32>
        %mul3A_742 = arith.constant 16 : i32
        %mul3A_743 = arith.muli %scan3A_718, %mul3A_742 : i32
        %swap3A_744 = arith.constant 2 : i32
        %swap3A_745 = arith.index_cast %swap3A_744 : i32 to index
        %swap3A_746 = arith.index_cast %mul3A_743 : i32 to index
        %swap3A_747 = tpu.vector_load %arg10[%swap3A_745, %swap3A_746] {strides = array<i32>} : memref<32x128xi32, #tpu.memory_space<vmem>>, vector<1x16xi32>,
        %swap3A_748 = vector.shape_cast %swap3A_747 : vector<1x16xi32> to vector<16xi32>
        %swap3A_749 = vector.shape_cast %select_n3A : vector<16xi32> to vector<1x16xi32>
        tpu.vector_store %arg10[%swap3A_745, %swap3A_746], %swap3A_749 {strides = array<i32>} : memref<32x128xi32, #tpu.memory_space<vmem>>, vector<1x16xi32>,
      }
      %scan3A_151 = arith.constant 8 : i32
      %dma_start3A_152 = arith.constant 2 : i32
      %dma_start3A_153 = arith.constant 0 : i32
      %dma_start3A_154 = tpu.memref_slice %arg10[%dma_start3A_152, %dma_start3A_153] : memref<32x128xi32, #tpu.memory_space<vmem>> -> memref<1x128xi32, #tpu.memory_space<vmem>>
      %dma_start3A_155 = tpu.memref_squeeze %dma_start3A_154 : memref<1x128xi32, #tpu.memory_space<vmem>> -> memref<128xi32, #tpu.memory_space<vmem>>
      %dma_start3A_156 = arith.constant 0 : i32
      %dma_start3A_157 = tpu.memref_slice %arg15[%dma_start3A_156] : memref<1048584xf32, #tpu.memory_space<vmem_shared>> -> memref<1048584xf32, #tpu.memory_space<vmem_shared>>
      tpu.enqueue_indirect_dma source(%arg11 : memref<128xf32, #tpu.memory_space<vmem>>) target(%dma_start3A_157 : memref<1048584xf32, #tpu.memory_space<vmem_shared>>) offsets(%dma_start3A_155 : memref<128xi32, #tpu.memory_space<vmem>>) semaphore(%arg16 : memref<!tpu.dma_semaphore, #tpu.memory_space<semaphore_mem>>)
      %scan3A_158 = arith.constant 0 : i32
      %scan3A_159 = arith.constant 0 : i32
      %scan3A_160 = arith.constant 8 : i32
      %scan3A_161 = arith.addi %scan3A_159, %scan3A_160 : i32
      %scan3A_162 = arith.constant 1 : i32
      scf.for %scan3A_718 = %scan3A_159 to %scan3A_161 step %scan3A_162  : i32 {
        %mul3A_719 = arith.constant 16 : i32
        %mul3A_720 = arith.muli %scan3A_718, %mul3A_719 : i32
        %get3A = arith.constant 3 : i32
        %get3A_721 = arith.index_cast %get3A : i32 to index
        %get3A_722 = arith.index_cast %mul3A_720 : i32 to index
        %get3A_723 = tpu.vector_load %arg8[%get3A_721, %get3A_722] {strides = array<i32>} : memref<32x128xi32, #tpu.memory_space<vmem>>, vector<1x16xi32>,
        %get3A_724 = vector.shape_cast %get3A_723 : vector<1x16xi32> to vector<16xi32>
        %mul3A_725 = arith.constant 16 : i32
        %mul3A_726 = arith.muli %scan3A_718, %mul3A_725 : i32
        %get3A_727 = arith.constant 3 : i32
        %get3A_728 = arith.index_cast %get3A_727 : i32 to index
        %get3A_729 = arith.index_cast %mul3A_726 : i32 to index
        %get3A_730 = tpu.vector_load %arg9[%get3A_728, %get3A_729] {strides = array<i32>} : memref<32x128xi32, #tpu.memory_space<vmem>>, vector<1x16xi32>,
        %get3A_731 = vector.shape_cast %get3A_730 : vector<1x16xi32> to vector<16xi32>
        %ge3A = vector.broadcast %add3A_110 : i32 to vector<16xi32>
        %ge3A_732 = arith.cmpi sge, %get3A_724, %ge3A : vector<16xi32>
        %add3A_733 = arith.constant 256 : i32
        %add3A_734 = arith.addi %add3A_110, %add3A_733 : i32
        %lt3A = vector.broadcast %add3A_734 : i32 to vector<16xi32>
        %lt3A_735 = arith.cmpi slt, %get3A_724, %lt3A : vector<16xi32>
        %and3A = arith.andi %ge3A_732, %lt3A_735 : vector<16xi1>
        %sub3A = vector.broadcast %add3A_110 : i32 to vector<16xi32>
        %sub3A_736 = arith.subi %get3A_724, %sub3A : vector<16xi32>
        %mul3A_737 = arith.constant 4096 : i32
        %mul3A_738 = vector.broadcast %mul3A_737 : i32 to vector<16xi32>
        %mul3A_739 = arith.muli %sub3A_736, %mul3A_738 : vector<16xi32>
        %add3A_740 = arith.addi %mul3A_739, %get3A_731 : vector<16xi32>
        %jit3A = arith.constant 1048576 : i32
        %broadcast_in_dim3A_741 = vector.broadcast %jit3A : i32 to vector<16xi32>
        %select_n3A = arith.select %and3A, %add3A_740, %broadcast_in_dim3A_741 : vector<16xi1>, vector<16xi32>
        %mul3A_742 = arith.constant 16 : i32
        %mul3A_743 = arith.muli %scan3A_718, %mul3A_742 : i32
        %swap3A_744 = arith.constant 3 : i32
        %swap3A_745 = arith.index_cast %swap3A_744 : i32 to index
        %swap3A_746 = arith.index_cast %mul3A_743 : i32 to index
        %swap3A_747 = tpu.vector_load %arg10[%swap3A_745, %swap3A_746] {strides = array<i32>} : memref<32x128xi32, #tpu.memory_space<vmem>>, vector<1x16xi32>,
        %swap3A_748 = vector.shape_cast %swap3A_747 : vector<1x16xi32> to vector<16xi32>
        %swap3A_749 = vector.shape_cast %select_n3A : vector<16xi32> to vector<1x16xi32>
        tpu.vector_store %arg10[%swap3A_745, %swap3A_746], %swap3A_749 {strides = array<i32>} : memref<32x128xi32, #tpu.memory_space<vmem>>, vector<1x16xi32>,
      }
      %scan3A_163 = arith.constant 8 : i32
      %dma_start3A_164 = arith.constant 3 : i32
      %dma_start3A_165 = arith.constant 0 : i32
      %dma_start3A_166 = tpu.memref_slice %arg10[%dma_start3A_164, %dma_start3A_165] : memref<32x128xi32, #tpu.memory_space<vmem>> -> memref<1x128xi32, #tpu.memory_space<vmem>>
      %dma_start3A_167 = tpu.memref_squeeze %dma_start3A_166 : memref<1x128xi32, #tpu.memory_space<vmem>> -> memref<128xi32, #tpu.memory_space<vmem>>
      %dma_start3A_168 = arith.constant 0 : i32
      %dma_start3A_169 = tpu.memref_slice %arg15[%dma_start3A_168] : memref<1048584xf32, #tpu.memory_space<vmem_shared>> -> memref<1048584xf32, #tpu.memory_space<vmem_shared>>
      tpu.enqueue_indirect_dma source(%arg11 : memref<128xf32, #tpu.memory_space<vmem>>) target(%dma_start3A_169 : memref<1048584xf32, #tpu.memory_space<vmem_shared>>) offsets(%dma_start3A_167 : memref<128xi32, #tpu.memory_space<vmem>>) semaphore(%arg16 : memref<!tpu.dma_semaphore, #tpu.memory_space<semaphore_mem>>)
      %scan3A_170 = arith.constant 0 : i32
      %scan3A_171 = arith.constant 0 : i32
      %scan3A_172 = arith.constant 8 : i32
      %scan3A_173 = arith.addi %scan3A_171, %scan3A_172 : i32
      %scan3A_174 = arith.constant 1 : i32
      scf.for %scan3A_718 = %scan3A_171 to %scan3A_173 step %scan3A_174  : i32 {
        %mul3A_719 = arith.constant 16 : i32
        %mul3A_720 = arith.muli %scan3A_718, %mul3A_719 : i32
        %get3A = arith.constant 4 : i32
        %get3A_721 = arith.index_cast %get3A : i32 to index
        %get3A_722 = arith.index_cast %mul3A_720 : i32 to index
        %get3A_723 = tpu.vector_load %arg8[%get3A_721, %get3A_722] {strides = array<i32>} : memref<32x128xi32, #tpu.memory_space<vmem>>, vector<1x16xi32>,
        %get3A_724 = vector.shape_cast %get3A_723 : vector<1x16xi32> to vector<16xi32>
        %mul3A_725 = arith.constant 16 : i32
        %mul3A_726 = arith.muli %scan3A_718, %mul3A_725 : i32
        %get3A_727 = arith.constant 4 : i32
        %get3A_728 = arith.index_cast %get3A_727 : i32 to index
        %get3A_729 = arith.index_cast %mul3A_726 : i32 to index
        %get3A_730 = tpu.vector_load %arg9[%get3A_728, %get3A_729] {strides = array<i32>} : memref<32x128xi32, #tpu.memory_space<vmem>>, vector<1x16xi32>,
        %get3A_731 = vector.shape_cast %get3A_730 : vector<1x16xi32> to vector<16xi32>
        %ge3A = vector.broadcast %add3A_110 : i32 to vector<16xi32>
        %ge3A_732 = arith.cmpi sge, %get3A_724, %ge3A : vector<16xi32>
        %add3A_733 = arith.constant 256 : i32
        %add3A_734 = arith.addi %add3A_110, %add3A_733 : i32
        %lt3A = vector.broadcast %add3A_734 : i32 to vector<16xi32>
        %lt3A_735 = arith.cmpi slt, %get3A_724, %lt3A : vector<16xi32>
        %and3A = arith.andi %ge3A_732, %lt3A_735 : vector<16xi1>
        %sub3A = vector.broadcast %add3A_110 : i32 to vector<16xi32>
        %sub3A_736 = arith.subi %get3A_724, %sub3A : vector<16xi32>
        %mul3A_737 = arith.constant 4096 : i32
        %mul3A_738 = vector.broadcast %mul3A_737 : i32 to vector<16xi32>
        %mul3A_739 = arith.muli %sub3A_736, %mul3A_738 : vector<16xi32>
        %add3A_740 = arith.addi %mul3A_739, %get3A_731 : vector<16xi32>
        %jit3A = arith.constant 1048576 : i32
        %broadcast_in_dim3A_741 = vector.broadcast %jit3A : i32 to vector<16xi32>
        %select_n3A = arith.select %and3A, %add3A_740, %broadcast_in_dim3A_741 : vector<16xi1>, vector<16xi32>
        %mul3A_742 = arith.constant 16 : i32
        %mul3A_743 = arith.muli %scan3A_718, %mul3A_742 : i32
        %swap3A_744 = arith.constant 4 : i32
        %swap3A_745 = arith.index_cast %swap3A_744 : i32 to index
        %swap3A_746 = arith.index_cast %mul3A_743 : i32 to index
        %swap3A_747 = tpu.vector_load %arg10[%swap3A_745, %swap3A_746] {strides = array<i32>} : memref<32x128xi32, #tpu.memory_space<vmem>>, vector<1x16xi32>,
        %swap3A_748 = vector.shape_cast %swap3A_747 : vector<1x16xi32> to vector<16xi32>
        %swap3A_749 = vector.shape_cast %select_n3A : vector<16xi32> to vector<1x16xi32>
        tpu.vector_store %arg10[%swap3A_745, %swap3A_746], %swap3A_749 {strides = array<i32>} : memref<32x128xi32, #tpu.memory_space<vmem>>, vector<1x16xi32>,
      }
      %scan3A_175 = arith.constant 8 : i32
      %dma_start3A_176 = arith.constant 4 : i32
      %dma_start3A_177 = arith.constant 0 : i32
      %dma_start3A_178 = tpu.memref_slice %arg10[%dma_start3A_176, %dma_start3A_177] : memref<32x128xi32, #tpu.memory_space<vmem>> -> memref<1x128xi32, #tpu.memory_space<vmem>>
      %dma_start3A_179 = tpu.memref_squeeze %dma_start3A_178 : memref<1x128xi32, #tpu.memory_space<vmem>> -> memref<128xi32, #tpu.memory_space<vmem>>
      %dma_start3A_180 = arith.constant 0 : i32
      %dma_start3A_181 = tpu.memref_slice %arg15[%dma_start3A_180] : memref<1048584xf32, #tpu.memory_space<vmem_shared>> -> memref<1048584xf32, #tpu.memory_space<vmem_shared>>
      tpu.enqueue_indirect_dma source(%arg11 : memref<128xf32, #tpu.memory_space<vmem>>) target(%dma_start3A_181 : memref<1048584xf32, #tpu.memory_space<vmem_shared>>) offsets(%dma_start3A_179 : memref<128xi32, #tpu.memory_space<vmem>>) semaphore(%arg16 : memref<!tpu.dma_semaphore, #tpu.memory_space<semaphore_mem>>)
      %scan3A_182 = arith.constant 0 : i32
      %scan3A_183 = arith.constant 0 : i32
      %scan3A_184 = arith.constant 8 : i32
      %scan3A_185 = arith.addi %scan3A_183, %scan3A_184 : i32
      %scan3A_186 = arith.constant 1 : i32
      scf.for %scan3A_718 = %scan3A_183 to %scan3A_185 step %scan3A_186  : i32 {
        %mul3A_719 = arith.constant 16 : i32
        %mul3A_720 = arith.muli %scan3A_718, %mul3A_719 : i32
        %get3A = arith.constant 5 : i32
        %get3A_721 = arith.index_cast %get3A : i32 to index
        %get3A_722 = arith.index_cast %mul3A_720 : i32 to index
        %get3A_723 = tpu.vector_load %arg8[%get3A_721, %get3A_722] {strides = array<i32>} : memref<32x128xi32, #tpu.memory_space<vmem>>, vector<1x16xi32>,
        %get3A_724 = vector.shape_cast %get3A_723 : vector<1x16xi32> to vector<16xi32>
        %mul3A_725 = arith.constant 16 : i32
        %mul3A_726 = arith.muli %scan3A_718, %mul3A_725 : i32
        %get3A_727 = arith.constant 5 : i32
        %get3A_728 = arith.index_cast %get3A_727 : i32 to index
        %get3A_729 = arith.index_cast %mul3A_726 : i32 to index
        %get3A_730 = tpu.vector_load %arg9[%get3A_728, %get3A_729] {strides = array<i32>} : memref<32x128xi32, #tpu.memory_space<vmem>>, vector<1x16xi32>,
        %get3A_731 = vector.shape_cast %get3A_730 : vector<1x16xi32> to vector<16xi32>
        %ge3A = vector.broadcast %add3A_110 : i32 to vector<16xi32>
        %ge3A_732 = arith.cmpi sge, %get3A_724, %ge3A : vector<16xi32>
        %add3A_733 = arith.constant 256 : i32
        %add3A_734 = arith.addi %add3A_110, %add3A_733 : i32
        %lt3A = vector.broadcast %add3A_734 : i32 to vector<16xi32>
        %lt3A_735 = arith.cmpi slt, %get3A_724, %lt3A : vector<16xi32>
        %and3A = arith.andi %ge3A_732, %lt3A_735 : vector<16xi1>
        %sub3A = vector.broadcast %add3A_110 : i32 to vector<16xi32>
        %sub3A_736 = arith.subi %get3A_724, %sub3A : vector<16xi32>
        %mul3A_737 = arith.constant 4096 : i32
        %mul3A_738 = vector.broadcast %mul3A_737 : i32 to vector<16xi32>
        %mul3A_739 = arith.muli %sub3A_736, %mul3A_738 : vector<16xi32>
        %add3A_740 = arith.addi %mul3A_739, %get3A_731 : vector<16xi32>
        %jit3A = arith.constant 1048576 : i32
        %broadcast_in_dim3A_741 = vector.broadcast %jit3A : i32 to vector<16xi32>
        %select_n3A = arith.select %and3A, %add3A_740, %broadcast_in_dim3A_741 : vector<16xi1>, vector<16xi32>
        %mul3A_742 = arith.constant 16 : i32
        %mul3A_743 = arith.muli %scan3A_718, %mul3A_742 : i32
        %swap3A_744 = arith.constant 5 : i32
        %swap3A_745 = arith.index_cast %swap3A_744 : i32 to index
        %swap3A_746 = arith.index_cast %mul3A_743 : i32 to index
        %swap3A_747 = tpu.vector_load %arg10[%swap3A_745, %swap3A_746] {strides = array<i32>} : memref<32x128xi32, #tpu.memory_space<vmem>>, vector<1x16xi32>,
        %swap3A_748 = vector.shape_cast %swap3A_747 : vector<1x16xi32> to vector<16xi32>
        %swap3A_749 = vector.shape_cast %select_n3A : vector<16xi32> to vector<1x16xi32>
        tpu.vector_store %arg10[%swap3A_745, %swap3A_746], %swap3A_749 {strides = array<i32>} : memref<32x128xi32, #tpu.memory_space<vmem>>, vector<1x16xi32>,
      }
      %scan3A_187 = arith.constant 8 : i32
      %dma_start3A_188 = arith.constant 5 : i32
      %dma_start3A_189 = arith.constant 0 : i32
      %dma_start3A_190 = tpu.memref_slice %arg10[%dma_start3A_188, %dma_start3A_189] : memref<32x128xi32, #tpu.memory_space<vmem>> -> memref<1x128xi32, #tpu.memory_space<vmem>>
      %dma_start3A_191 = tpu.memref_squeeze %dma_start3A_190 : memref<1x128xi32, #tpu.memory_space<vmem>> -> memref<128xi32, #tpu.memory_space<vmem>>
      %dma_start3A_192 = arith.constant 0 : i32
      %dma_start3A_193 = tpu.memref_slice %arg15[%dma_start3A_192] : memref<1048584xf32, #tpu.memory_space<vmem_shared>> -> memref<1048584xf32, #tpu.memory_space<vmem_shared>>
      tpu.enqueue_indirect_dma source(%arg11 : memref<128xf32, #tpu.memory_space<vmem>>) target(%dma_start3A_193 : memref<1048584xf32, #tpu.memory_space<vmem_shared>>) offsets(%dma_start3A_191 : memref<128xi32, #tpu.memory_space<vmem>>) semaphore(%arg16 : memref<!tpu.dma_semaphore, #tpu.memory_space<semaphore_mem>>)
      %scan3A_194 = arith.constant 0 : i32
      %scan3A_195 = arith.constant 0 : i32
      %scan3A_196 = arith.constant 8 : i32
      %scan3A_197 = arith.addi %scan3A_195, %scan3A_196 : i32
      %scan3A_198 = arith.constant 1 : i32
      scf.for %scan3A_718 = %scan3A_195 to %scan3A_197 step %scan3A_198  : i32 {
        %mul3A_719 = arith.constant 16 : i32
        %mul3A_720 = arith.muli %scan3A_718, %mul3A_719 : i32
        %get3A = arith.constant 6 : i32
        %get3A_721 = arith.index_cast %get3A : i32 to index
        %get3A_722 = arith.index_cast %mul3A_720 : i32 to index
        %get3A_723 = tpu.vector_load %arg8[%get3A_721, %get3A_722] {strides = array<i32>} : memref<32x128xi32, #tpu.memory_space<vmem>>, vector<1x16xi32>,
        %get3A_724 = vector.shape_cast %get3A_723 : vector<1x16xi32> to vector<16xi32>
        %mul3A_725 = arith.constant 16 : i32
        %mul3A_726 = arith.muli %scan3A_718, %mul3A_725 : i32
        %get3A_727 = arith.constant 6 : i32
        %get3A_728 = arith.index_cast %get3A_727 : i32 to index
        %get3A_729 = arith.index_cast %mul3A_726 : i32 to index
        %get3A_730 = tpu.vector_load %arg9[%get3A_728, %get3A_729] {strides = array<i32>} : memref<32x128xi32, #tpu.memory_space<vmem>>, vector<1x16xi32>,
        %get3A_731 = vector.shape_cast %get3A_730 : vector<1x16xi32> to vector<16xi32>
        %ge3A = vector.broadcast %add3A_110 : i32 to vector<16xi32>
        %ge3A_732 = arith.cmpi sge, %get3A_724, %ge3A : vector<16xi32>
        %add3A_733 = arith.constant 256 : i32
        %add3A_734 = arith.addi %add3A_110, %add3A_733 : i32
        %lt3A = vector.broadcast %add3A_734 : i32 to vector<16xi32>
        %lt3A_735 = arith.cmpi slt, %get3A_724, %lt3A : vector<16xi32>
        %and3A = arith.andi %ge3A_732, %lt3A_735 : vector<16xi1>
        %sub3A = vector.broadcast %add3A_110 : i32 to vector<16xi32>
        %sub3A_736 = arith.subi %get3A_724, %sub3A : vector<16xi32>
        %mul3A_737 = arith.constant 4096 : i32
        %mul3A_738 = vector.broadcast %mul3A_737 : i32 to vector<16xi32>
        %mul3A_739 = arith.muli %sub3A_736, %mul3A_738 : vector<16xi32>
        %add3A_740 = arith.addi %mul3A_739, %get3A_731 : vector<16xi32>
        %jit3A = arith.constant 1048576 : i32
        %broadcast_in_dim3A_741 = vector.broadcast %jit3A : i32 to vector<16xi32>
        %select_n3A = arith.select %and3A, %add3A_740, %broadcast_in_dim3A_741 : vector<16xi1>, vector<16xi32>
        %mul3A_742 = arith.constant 16 : i32
        %mul3A_743 = arith.muli %scan3A_718, %mul3A_742 : i32
        %swap3A_744 = arith.constant 6 : i32
        %swap3A_745 = arith.index_cast %swap3A_744 : i32 to index
        %swap3A_746 = arith.index_cast %mul3A_743 : i32 to index
        %swap3A_747 = tpu.vector_load %arg10[%swap3A_745, %swap3A_746] {strides = array<i32>} : memref<32x128xi32, #tpu.memory_space<vmem>>, vector<1x16xi32>,
        %swap3A_748 = vector.shape_cast %swap3A_747 : vector<1x16xi32> to vector<16xi32>
        %swap3A_749 = vector.shape_cast %select_n3A : vector<16xi32> to vector<1x16xi32>
        tpu.vector_store %arg10[%swap3A_745, %swap3A_746], %swap3A_749 {strides = array<i32>} : memref<32x128xi32, #tpu.memory_space<vmem>>, vector<1x16xi32>,
      }
      %scan3A_199 = arith.constant 8 : i32
      %dma_start3A_200 = arith.constant 6 : i32
      %dma_start3A_201 = arith.constant 0 : i32
      %dma_start3A_202 = tpu.memref_slice %arg10[%dma_start3A_200, %dma_start3A_201] : memref<32x128xi32, #tpu.memory_space<vmem>> -> memref<1x128xi32, #tpu.memory_space<vmem>>
      %dma_start3A_203 = tpu.memref_squeeze %dma_start3A_202 : memref<1x128xi32, #tpu.memory_space<vmem>> -> memref<128xi32, #tpu.memory_space<vmem>>
      %dma_start3A_204 = arith.constant 0 : i32
      %dma_start3A_205 = tpu.memref_slice %arg15[%dma_start3A_204] : memref<1048584xf32, #tpu.memory_space<vmem_shared>> -> memref<1048584xf32, #tpu.memory_space<vmem_shared>>
      tpu.enqueue_indirect_dma source(%arg11 : memref<128xf32, #tpu.memory_space<vmem>>) target(%dma_start3A_205 : memref<1048584xf32, #tpu.memory_space<vmem_shared>>) offsets(%dma_start3A_203 : memref<128xi32, #tpu.memory_space<vmem>>) semaphore(%arg16 : memref<!tpu.dma_semaphore, #tpu.memory_space<semaphore_mem>>)
      %scan3A_206 = arith.constant 0 : i32
      %scan3A_207 = arith.constant 0 : i32
      %scan3A_208 = arith.constant 8 : i32
      %scan3A_209 = arith.addi %scan3A_207, %scan3A_208 : i32
      %scan3A_210 = arith.constant 1 : i32
      scf.for %scan3A_718 = %scan3A_207 to %scan3A_209 step %scan3A_210  : i32 {
        %mul3A_719 = arith.constant 16 : i32
        %mul3A_720 = arith.muli %scan3A_718, %mul3A_719 : i32
        %get3A = arith.constant 7 : i32
        %get3A_721 = arith.index_cast %get3A : i32 to index
        %get3A_722 = arith.index_cast %mul3A_720 : i32 to index
        %get3A_723 = tpu.vector_load %arg8[%get3A_721, %get3A_722] {strides = array<i32>} : memref<32x128xi32, #tpu.memory_space<vmem>>, vector<1x16xi32>,
        %get3A_724 = vector.shape_cast %get3A_723 : vector<1x16xi32> to vector<16xi32>
        %mul3A_725 = arith.constant 16 : i32
        %mul3A_726 = arith.muli %scan3A_718, %mul3A_725 : i32
        %get3A_727 = arith.constant 7 : i32
        %get3A_728 = arith.index_cast %get3A_727 : i32 to index
        %get3A_729 = arith.index_cast %mul3A_726 : i32 to index
        %get3A_730 = tpu.vector_load %arg9[%get3A_728, %get3A_729] {strides = array<i32>} : memref<32x128xi32, #tpu.memory_space<vmem>>, vector<1x16xi32>,
        %get3A_731 = vector.shape_cast %get3A_730 : vector<1x16xi32> to vector<16xi32>
        %ge3A = vector.broadcast %add3A_110 : i32 to vector<16xi32>
        %ge3A_732 = arith.cmpi sge, %get3A_724, %ge3A : vector<16xi32>
        %add3A_733 = arith.constant 256 : i32
        %add3A_734 = arith.addi %add3A_110, %add3A_733 : i32
        %lt3A = vector.broadcast %add3A_734 : i32 to vector<16xi32>
        %lt3A_735 = arith.cmpi slt, %get3A_724, %lt3A : vector<16xi32>
        %and3A = arith.andi %ge3A_732, %lt3A_735 : vector<16xi1>
        %sub3A = vector.broadcast %add3A_110 : i32 to vector<16xi32>
        %sub3A_736 = arith.subi %get3A_724, %sub3A : vector<16xi32>
        %mul3A_737 = arith.constant 4096 : i32
        %mul3A_738 = vector.broadcast %mul3A_737 : i32 to vector<16xi32>
        %mul3A_739 = arith.muli %sub3A_736, %mul3A_738 : vector<16xi32>
        %add3A_740 = arith.addi %mul3A_739, %get3A_731 : vector<16xi32>
        %jit3A = arith.constant 1048576 : i32
        %broadcast_in_dim3A_741 = vector.broadcast %jit3A : i32 to vector<16xi32>
        %select_n3A = arith.select %and3A, %add3A_740, %broadcast_in_dim3A_741 : vector<16xi1>, vector<16xi32>
        %mul3A_742 = arith.constant 16 : i32
        %mul3A_743 = arith.muli %scan3A_718, %mul3A_742 : i32
        %swap3A_744 = arith.constant 7 : i32
        %swap3A_745 = arith.index_cast %swap3A_744 : i32 to index
        %swap3A_746 = arith.index_cast %mul3A_743 : i32 to index
        %swap3A_747 = tpu.vector_load %arg10[%swap3A_745, %swap3A_746] {strides = array<i32>} : memref<32x128xi32, #tpu.memory_space<vmem>>, vector<1x16xi32>,
        %swap3A_748 = vector.shape_cast %swap3A_747 : vector<1x16xi32> to vector<16xi32>
        %swap3A_749 = vector.shape_cast %select_n3A : vector<16xi32> to vector<1x16xi32>
        tpu.vector_store %arg10[%swap3A_745, %swap3A_746], %swap3A_749 {strides = array<i32>} : memref<32x128xi32, #tpu.memory_space<vmem>>, vector<1x16xi32>,
      }
      %scan3A_211 = arith.constant 8 : i32
      %dma_start3A_212 = arith.constant 7 : i32
      %dma_start3A_213 = arith.constant 0 : i32
      %dma_start3A_214 = tpu.memref_slice %arg10[%dma_start3A_212, %dma_start3A_213] : memref<32x128xi32, #tpu.memory_space<vmem>> -> memref<1x128xi32, #tpu.memory_space<vmem>>
      %dma_start3A_215 = tpu.memref_squeeze %dma_start3A_214 : memref<1x128xi32, #tpu.memory_space<vmem>> -> memref<128xi32, #tpu.memory_space<vmem>>
      %dma_start3A_216 = arith.constant 0 : i32
      %dma_start3A_217 = tpu.memref_slice %arg15[%dma_start3A_216] : memref<1048584xf32, #tpu.memory_space<vmem_shared>> -> memref<1048584xf32, #tpu.memory_space<vmem_shared>>
      tpu.enqueue_indirect_dma source(%arg11 : memref<128xf32, #tpu.memory_space<vmem>>) target(%dma_start3A_217 : memref<1048584xf32, #tpu.memory_space<vmem_shared>>) offsets(%dma_start3A_215 : memref<128xi32, #tpu.memory_space<vmem>>) semaphore(%arg16 : memref<!tpu.dma_semaphore, #tpu.memory_space<semaphore_mem>>)
      %scan3A_218 = arith.constant 0 : i32
      %scan3A_219 = arith.constant 0 : i32
      %scan3A_220 = arith.constant 8 : i32
      %scan3A_221 = arith.addi %scan3A_219, %scan3A_220 : i32
      %scan3A_222 = arith.constant 1 : i32
      scf.for %scan3A_718 = %scan3A_219 to %scan3A_221 step %scan3A_222  : i32 {
        %mul3A_719 = arith.constant 16 : i32
        %mul3A_720 = arith.muli %scan3A_718, %mul3A_719 : i32
        %get3A = arith.constant 8 : i32
        %get3A_721 = arith.index_cast %get3A : i32 to index
        %get3A_722 = arith.index_cast %mul3A_720 : i32 to index
        %get3A_723 = tpu.vector_load %arg8[%get3A_721, %get3A_722] {strides = array<i32>} : memref<32x128xi32, #tpu.memory_space<vmem>>, vector<1x16xi32>,
        %get3A_724 = vector.shape_cast %get3A_723 : vector<1x16xi32> to vector<16xi32>
        %mul3A_725 = arith.constant 16 : i32
        %mul3A_726 = arith.muli %scan3A_718, %mul3A_725 : i32
        %get3A_727 = arith.constant 8 : i32
        %get3A_728 = arith.index_cast %get3A_727 : i32 to index
        %get3A_729 = arith.index_cast %mul3A_726 : i32 to index
        %get3A_730 = tpu.vector_load %arg9[%get3A_728, %get3A_729] {strides = array<i32>} : memref<32x128xi32, #tpu.memory_space<vmem>>, vector<1x16xi32>,
        %get3A_731 = vector.shape_cast %get3A_730 : vector<1x16xi32> to vector<16xi32>
        %ge3A = vector.broadcast %add3A_110 : i32 to vector<16xi32>
        %ge3A_732 = arith.cmpi sge, %get3A_724, %ge3A : vector<16xi32>
        %add3A_733 = arith.constant 256 : i32
        %add3A_734 = arith.addi %add3A_110, %add3A_733 : i32
        %lt3A = vector.broadcast %add3A_734 : i32 to vector<16xi32>
        %lt3A_735 = arith.cmpi slt, %get3A_724, %lt3A : vector<16xi32>
        %and3A = arith.andi %ge3A_732, %lt3A_735 : vector<16xi1>
        %sub3A = vector.broadcast %add3A_110 : i32 to vector<16xi32>
        %sub3A_736 = arith.subi %get3A_724, %sub3A : vector<16xi32>
        %mul3A_737 = arith.constant 4096 : i32
        %mul3A_738 = vector.broadcast %mul3A_737 : i32 to vector<16xi32>
        %mul3A_739 = arith.muli %sub3A_736, %mul3A_738 : vector<16xi32>
        %add3A_740 = arith.addi %mul3A_739, %get3A_731 : vector<16xi32>
        %jit3A = arith.constant 1048576 : i32
        %broadcast_in_dim3A_741 = vector.broadcast %jit3A : i32 to vector<16xi32>
        %select_n3A = arith.select %and3A, %add3A_740, %broadcast_in_dim3A_741 : vector<16xi1>, vector<16xi32>
        %mul3A_742 = arith.constant 16 : i32
        %mul3A_743 = arith.muli %scan3A_718, %mul3A_742 : i32
        %swap3A_744 = arith.constant 8 : i32
        %swap3A_745 = arith.index_cast %swap3A_744 : i32 to index
        %swap3A_746 = arith.index_cast %mul3A_743 : i32 to index
        %swap3A_747 = tpu.vector_load %arg10[%swap3A_745, %swap3A_746] {strides = array<i32>} : memref<32x128xi32, #tpu.memory_space<vmem>>, vector<1x16xi32>,
        %swap3A_748 = vector.shape_cast %swap3A_747 : vector<1x16xi32> to vector<16xi32>
        %swap3A_749 = vector.shape_cast %select_n3A : vector<16xi32> to vector<1x16xi32>
        tpu.vector_store %arg10[%swap3A_745, %swap3A_746], %swap3A_749 {strides = array<i32>} : memref<32x128xi32, #tpu.memory_space<vmem>>, vector<1x16xi32>,
      }
      %scan3A_223 = arith.constant 8 : i32
      %dma_start3A_224 = arith.constant 8 : i32
      %dma_start3A_225 = arith.constant 0 : i32
      %dma_start3A_226 = tpu.memref_slice %arg10[%dma_start3A_224, %dma_start3A_225] : memref<32x128xi32, #tpu.memory_space<vmem>> -> memref<1x128xi32, #tpu.memory_space<vmem>>
      %dma_start3A_227 = tpu.memref_squeeze %dma_start3A_226 : memref<1x128xi32, #tpu.memory_space<vmem>> -> memref<128xi32, #tpu.memory_space<vmem>>
      %dma_start3A_228 = arith.constant 0 : i32
      %dma_start3A_229 = tpu.memref_slice %arg15[%dma_start3A_228] : memref<1048584xf32, #tpu.memory_space<vmem_shared>> -> memref<1048584xf32, #tpu.memory_space<vmem_shared>>
      tpu.enqueue_indirect_dma source(%arg11 : memref<128xf32, #tpu.memory_space<vmem>>) target(%dma_start3A_229 : memref<1048584xf32, #tpu.memory_space<vmem_shared>>) offsets(%dma_start3A_227 : memref<128xi32, #tpu.memory_space<vmem>>) semaphore(%arg16 : memref<!tpu.dma_semaphore, #tpu.memory_space<semaphore_mem>>)
      %scan3A_230 = arith.constant 0 : i32
      %scan3A_231 = arith.constant 0 : i32
      %scan3A_232 = arith.constant 8 : i32
      %scan3A_233 = arith.addi %scan3A_231, %scan3A_232 : i32
      %scan3A_234 = arith.constant 1 : i32
      scf.for %scan3A_718 = %scan3A_231 to %scan3A_233 step %scan3A_234  : i32 {
        %mul3A_719 = arith.constant 16 : i32
        %mul3A_720 = arith.muli %scan3A_718, %mul3A_719 : i32
        %get3A = arith.constant 9 : i32
        %get3A_721 = arith.index_cast %get3A : i32 to index
        %get3A_722 = arith.index_cast %mul3A_720 : i32 to index
        %get3A_723 = tpu.vector_load %arg8[%get3A_721, %get3A_722] {strides = array<i32>} : memref<32x128xi32, #tpu.memory_space<vmem>>, vector<1x16xi32>,
        %get3A_724 = vector.shape_cast %get3A_723 : vector<1x16xi32> to vector<16xi32>
        %mul3A_725 = arith.constant 16 : i32
        %mul3A_726 = arith.muli %scan3A_718, %mul3A_725 : i32
        %get3A_727 = arith.constant 9 : i32
        %get3A_728 = arith.index_cast %get3A_727 : i32 to index
        %get3A_729 = arith.index_cast %mul3A_726 : i32 to index
        %get3A_730 = tpu.vector_load %arg9[%get3A_728, %get3A_729] {strides = array<i32>} : memref<32x128xi32, #tpu.memory_space<vmem>>, vector<1x16xi32>,
        %get3A_731 = vector.shape_cast %get3A_730 : vector<1x16xi32> to vector<16xi32>
        %ge3A = vector.broadcast %add3A_110 : i32 to vector<16xi32>
        %ge3A_732 = arith.cmpi sge, %get3A_724, %ge3A : vector<16xi32>
        %add3A_733 = arith.constant 256 : i32
        %add3A_734 = arith.addi %add3A_110, %add3A_733 : i32
        %lt3A = vector.broadcast %add3A_734 : i32 to vector<16xi32>
        %lt3A_735 = arith.cmpi slt, %get3A_724, %lt3A : vector<16xi32>
        %and3A = arith.andi %ge3A_732, %lt3A_735 : vector<16xi1>
        %sub3A = vector.broadcast %add3A_110 : i32 to vector<16xi32>
        %sub3A_736 = arith.subi %get3A_724, %sub3A : vector<16xi32>
        %mul3A_737 = arith.constant 4096 : i32
        %mul3A_738 = vector.broadcast %mul3A_737 : i32 to vector<16xi32>
        %mul3A_739 = arith.muli %sub3A_736, %mul3A_738 : vector<16xi32>
        %add3A_740 = arith.addi %mul3A_739, %get3A_731 : vector<16xi32>
        %jit3A = arith.constant 1048576 : i32
        %broadcast_in_dim3A_741 = vector.broadcast %jit3A : i32 to vector<16xi32>
        %select_n3A = arith.select %and3A, %add3A_740, %broadcast_in_dim3A_741 : vector<16xi1>, vector<16xi32>
        %mul3A_742 = arith.constant 16 : i32
        %mul3A_743 = arith.muli %scan3A_718, %mul3A_742 : i32
        %swap3A_744 = arith.constant 9 : i32
        %swap3A_745 = arith.index_cast %swap3A_744 : i32 to index
        %swap3A_746 = arith.index_cast %mul3A_743 : i32 to index
        %swap3A_747 = tpu.vector_load %arg10[%swap3A_745, %swap3A_746] {strides = array<i32>} : memref<32x128xi32, #tpu.memory_space<vmem>>, vector<1x16xi32>,
        %swap3A_748 = vector.shape_cast %swap3A_747 : vector<1x16xi32> to vector<16xi32>
        %swap3A_749 = vector.shape_cast %select_n3A : vector<16xi32> to vector<1x16xi32>
        tpu.vector_store %arg10[%swap3A_745, %swap3A_746], %swap3A_749 {strides = array<i32>} : memref<32x128xi32, #tpu.memory_space<vmem>>, vector<1x16xi32>,
      }
      %scan3A_235 = arith.constant 8 : i32
      %dma_start3A_236 = arith.constant 9 : i32
      %dma_start3A_237 = arith.constant 0 : i32
      %dma_start3A_238 = tpu.memref_slice %arg10[%dma_start3A_236, %dma_start3A_237] : memref<32x128xi32, #tpu.memory_space<vmem>> -> memref<1x128xi32, #tpu.memory_space<vmem>>
      %dma_start3A_239 = tpu.memref_squeeze %dma_start3A_238 : memref<1x128xi32, #tpu.memory_space<vmem>> -> memref<128xi32, #tpu.memory_space<vmem>>
      %dma_start3A_240 = arith.constant 0 : i32
      %dma_start3A_241 = tpu.memref_slice %arg15[%dma_start3A_240] : memref<1048584xf32, #tpu.memory_space<vmem_shared>> -> memref<1048584xf32, #tpu.memory_space<vmem_shared>>
      tpu.enqueue_indirect_dma source(%arg11 : memref<128xf32, #tpu.memory_space<vmem>>) target(%dma_start3A_241 : memref<1048584xf32, #tpu.memory_space<vmem_shared>>) offsets(%dma_start3A_239 : memref<128xi32, #tpu.memory_space<vmem>>) semaphore(%arg16 : memref<!tpu.dma_semaphore, #tpu.memory_space<semaphore_mem>>)
      %scan3A_242 = arith.constant 0 : i32
      %scan3A_243 = arith.constant 0 : i32
      %scan3A_244 = arith.constant 8 : i32
      %scan3A_245 = arith.addi %scan3A_243, %scan3A_244 : i32
      %scan3A_246 = arith.constant 1 : i32
      scf.for %scan3A_718 = %scan3A_243 to %scan3A_245 step %scan3A_246  : i32 {
        %mul3A_719 = arith.constant 16 : i32
        %mul3A_720 = arith.muli %scan3A_718, %mul3A_719 : i32
        %get3A = arith.constant 10 : i32
        %get3A_721 = arith.index_cast %get3A : i32 to index
        %get3A_722 = arith.index_cast %mul3A_720 : i32 to index
        %get3A_723 = tpu.vector_load %arg8[%get3A_721, %get3A_722] {strides = array<i32>} : memref<32x128xi32, #tpu.memory_space<vmem>>, vector<1x16xi32>,
        %get3A_724 = vector.shape_cast %get3A_723 : vector<1x16xi32> to vector<16xi32>
        %mul3A_725 = arith.constant 16 : i32
        %mul3A_726 = arith.muli %scan3A_718, %mul3A_725 : i32
        %get3A_727 = arith.constant 10 : i32
        %get3A_728 = arith.index_cast %get3A_727 : i32 to index
        %get3A_729 = arith.index_cast %mul3A_726 : i32 to index
        %get3A_730 = tpu.vector_load %arg9[%get3A_728, %get3A_729] {strides = array<i32>} : memref<32x128xi32, #tpu.memory_space<vmem>>, vector<1x16xi32>,
        %get3A_731 = vector.shape_cast %get3A_730 : vector<1x16xi32> to vector<16xi32>
        %ge3A = vector.broadcast %add3A_110 : i32 to vector<16xi32>
        %ge3A_732 = arith.cmpi sge, %get3A_724, %ge3A : vector<16xi32>
        %add3A_733 = arith.constant 256 : i32
        %add3A_734 = arith.addi %add3A_110, %add3A_733 : i32
        %lt3A = vector.broadcast %add3A_734 : i32 to vector<16xi32>
        %lt3A_735 = arith.cmpi slt, %get3A_724, %lt3A : vector<16xi32>
        %and3A = arith.andi %ge3A_732, %lt3A_735 : vector<16xi1>
        %sub3A = vector.broadcast %add3A_110 : i32 to vector<16xi32>
        %sub3A_736 = arith.subi %get3A_724, %sub3A : vector<16xi32>
        %mul3A_737 = arith.constant 4096 : i32
        %mul3A_738 = vector.broadcast %mul3A_737 : i32 to vector<16xi32>
        %mul3A_739 = arith.muli %sub3A_736, %mul3A_738 : vector<16xi32>
        %add3A_740 = arith.addi %mul3A_739, %get3A_731 : vector<16xi32>
        %jit3A = arith.constant 1048576 : i32
        %broadcast_in_dim3A_741 = vector.broadcast %jit3A : i32 to vector<16xi32>
        %select_n3A = arith.select %and3A, %add3A_740, %broadcast_in_dim3A_741 : vector<16xi1>, vector<16xi32>
        %mul3A_742 = arith.constant 16 : i32
        %mul3A_743 = arith.muli %scan3A_718, %mul3A_742 : i32
        %swap3A_744 = arith.constant 10 : i32
        %swap3A_745 = arith.index_cast %swap3A_744 : i32 to index
        %swap3A_746 = arith.index_cast %mul3A_743 : i32 to index
        %swap3A_747 = tpu.vector_load %arg10[%swap3A_745, %swap3A_746] {strides = array<i32>} : memref<32x128xi32, #tpu.memory_space<vmem>>, vector<1x16xi32>,
        %swap3A_748 = vector.shape_cast %swap3A_747 : vector<1x16xi32> to vector<16xi32>
        %swap3A_749 = vector.shape_cast %select_n3A : vector<16xi32> to vector<1x16xi32>
        tpu.vector_store %arg10[%swap3A_745, %swap3A_746], %swap3A_749 {strides = array<i32>} : memref<32x128xi32, #tpu.memory_space<vmem>>, vector<1x16xi32>,
      }
      %scan3A_247 = arith.constant 8 : i32
      %dma_start3A_248 = arith.constant 10 : i32
      %dma_start3A_249 = arith.constant 0 : i32
      %dma_start3A_250 = tpu.memref_slice %arg10[%dma_start3A_248, %dma_start3A_249] : memref<32x128xi32, #tpu.memory_space<vmem>> -> memref<1x128xi32, #tpu.memory_space<vmem>>
      %dma_start3A_251 = tpu.memref_squeeze %dma_start3A_250 : memref<1x128xi32, #tpu.memory_space<vmem>> -> memref<128xi32, #tpu.memory_space<vmem>>
      %dma_start3A_252 = arith.constant 0 : i32
      %dma_start3A_253 = tpu.memref_slice %arg15[%dma_start3A_252] : memref<1048584xf32, #tpu.memory_space<vmem_shared>> -> memref<1048584xf32, #tpu.memory_space<vmem_shared>>
      tpu.enqueue_indirect_dma source(%arg11 : memref<128xf32, #tpu.memory_space<vmem>>) target(%dma_start3A_253 : memref<1048584xf32, #tpu.memory_space<vmem_shared>>) offsets(%dma_start3A_251 : memref<128xi32, #tpu.memory_space<vmem>>) semaphore(%arg16 : memref<!tpu.dma_semaphore, #tpu.memory_space<semaphore_mem>>)
      %scan3A_254 = arith.constant 0 : i32
      %scan3A_255 = arith.constant 0 : i32
      %scan3A_256 = arith.constant 8 : i32
      %scan3A_257 = arith.addi %scan3A_255, %scan3A_256 : i32
      %scan3A_258 = arith.constant 1 : i32
      scf.for %scan3A_718 = %scan3A_255 to %scan3A_257 step %scan3A_258  : i32 {
        %mul3A_719 = arith.constant 16 : i32
        %mul3A_720 = arith.muli %scan3A_718, %mul3A_719 : i32
        %get3A = arith.constant 11 : i32
        %get3A_721 = arith.index_cast %get3A : i32 to index
        %get3A_722 = arith.index_cast %mul3A_720 : i32 to index
        %get3A_723 = tpu.vector_load %arg8[%get3A_721, %get3A_722] {strides = array<i32>} : memref<32x128xi32, #tpu.memory_space<vmem>>, vector<1x16xi32>,
        %get3A_724 = vector.shape_cast %get3A_723 : vector<1x16xi32> to vector<16xi32>
        %mul3A_725 = arith.constant 16 : i32
        %mul3A_726 = arith.muli %scan3A_718, %mul3A_725 : i32
        %get3A_727 = arith.constant 11 : i32
        %get3A_728 = arith.index_cast %get3A_727 : i32 to index
        %get3A_729 = arith.index_cast %mul3A_726 : i32 to index
        %get3A_730 = tpu.vector_load %arg9[%get3A_728, %get3A_729] {strides = array<i32>} : memref<32x128xi32, #tpu.memory_space<vmem>>, vector<1x16xi32>,
        %get3A_731 = vector.shape_cast %get3A_730 : vector<1x16xi32> to vector<16xi32>
        %ge3A = vector.broadcast %add3A_110 : i32 to vector<16xi32>
        %ge3A_732 = arith.cmpi sge, %get3A_724, %ge3A : vector<16xi32>
        %add3A_733 = arith.constant 256 : i32
        %add3A_734 = arith.addi %add3A_110, %add3A_733 : i32
        %lt3A = vector.broadcast %add3A_734 : i32 to vector<16xi32>
        %lt3A_735 = arith.cmpi slt, %get3A_724, %lt3A : vector<16xi32>
        %and3A = arith.andi %ge3A_732, %lt3A_735 : vector<16xi1>
        %sub3A = vector.broadcast %add3A_110 : i32 to vector<16xi32>
        %sub3A_736 = arith.subi %get3A_724, %sub3A : vector<16xi32>
        %mul3A_737 = arith.constant 4096 : i32
        %mul3A_738 = vector.broadcast %mul3A_737 : i32 to vector<16xi32>
        %mul3A_739 = arith.muli %sub3A_736, %mul3A_738 : vector<16xi32>
        %add3A_740 = arith.addi %mul3A_739, %get3A_731 : vector<16xi32>
        %jit3A = arith.constant 1048576 : i32
        %broadcast_in_dim3A_741 = vector.broadcast %jit3A : i32 to vector<16xi32>
        %select_n3A = arith.select %and3A, %add3A_740, %broadcast_in_dim3A_741 : vector<16xi1>, vector<16xi32>
        %mul3A_742 = arith.constant 16 : i32
        %mul3A_743 = arith.muli %scan3A_718, %mul3A_742 : i32
        %swap3A_744 = arith.constant 11 : i32
        %swap3A_745 = arith.index_cast %swap3A_744 : i32 to index
        %swap3A_746 = arith.index_cast %mul3A_743 : i32 to index
        %swap3A_747 = tpu.vector_load %arg10[%swap3A_745, %swap3A_746] {strides = array<i32>} : memref<32x128xi32, #tpu.memory_space<vmem>>, vector<1x16xi32>,
        %swap3A_748 = vector.shape_cast %swap3A_747 : vector<1x16xi32> to vector<16xi32>
        %swap3A_749 = vector.shape_cast %select_n3A : vector<16xi32> to vector<1x16xi32>
        tpu.vector_store %arg10[%swap3A_745, %swap3A_746], %swap3A_749 {strides = array<i32>} : memref<32x128xi32, #tpu.memory_space<vmem>>, vector<1x16xi32>,
      }
      %scan3A_259 = arith.constant 8 : i32
      %dma_start3A_260 = arith.constant 11 : i32
      %dma_start3A_261 = arith.constant 0 : i32
      %dma_start3A_262 = tpu.memref_slice %arg10[%dma_start3A_260, %dma_start3A_261] : memref<32x128xi32, #tpu.memory_space<vmem>> -> memref<1x128xi32, #tpu.memory_space<vmem>>
      %dma_start3A_263 = tpu.memref_squeeze %dma_start3A_262 : memref<1x128xi32, #tpu.memory_space<vmem>> -> memref<128xi32, #tpu.memory_space<vmem>>
      %dma_start3A_264 = arith.constant 0 : i32
      %dma_start3A_265 = tpu.memref_slice %arg15[%dma_start3A_264] : memref<1048584xf32, #tpu.memory_space<vmem_shared>> -> memref<1048584xf32, #tpu.memory_space<vmem_shared>>
      tpu.enqueue_indirect_dma source(%arg11 : memref<128xf32, #tpu.memory_space<vmem>>) target(%dma_start3A_265 : memref<1048584xf32, #tpu.memory_space<vmem_shared>>) offsets(%dma_start3A_263 : memref<128xi32, #tpu.memory_space<vmem>>) semaphore(%arg16 : memref<!tpu.dma_semaphore, #tpu.memory_space<semaphore_mem>>)
      %scan3A_266 = arith.constant 0 : i32
      %scan3A_267 = arith.constant 0 : i32
      %scan3A_268 = arith.constant 8 : i32
      %scan3A_269 = arith.addi %scan3A_267, %scan3A_268 : i32
      %scan3A_270 = arith.constant 1 : i32
      scf.for %scan3A_718 = %scan3A_267 to %scan3A_269 step %scan3A_270  : i32 {
        %mul3A_719 = arith.constant 16 : i32
        %mul3A_720 = arith.muli %scan3A_718, %mul3A_719 : i32
        %get3A = arith.constant 12 : i32
        %get3A_721 = arith.index_cast %get3A : i32 to index
        %get3A_722 = arith.index_cast %mul3A_720 : i32 to index
        %get3A_723 = tpu.vector_load %arg8[%get3A_721, %get3A_722] {strides = array<i32>} : memref<32x128xi32, #tpu.memory_space<vmem>>, vector<1x16xi32>,
        %get3A_724 = vector.shape_cast %get3A_723 : vector<1x16xi32> to vector<16xi32>
        %mul3A_725 = arith.constant 16 : i32
        %mul3A_726 = arith.muli %scan3A_718, %mul3A_725 : i32
        %get3A_727 = arith.constant 12 : i32
        %get3A_728 = arith.index_cast %get3A_727 : i32 to index
        %get3A_729 = arith.index_cast %mul3A_726 : i32 to index
        %get3A_730 = tpu.vector_load %arg9[%get3A_728, %get3A_729] {strides = array<i32>} : memref<32x128xi32, #tpu.memory_space<vmem>>, vector<1x16xi32>,
        %get3A_731 = vector.shape_cast %get3A_730 : vector<1x16xi32> to vector<16xi32>
        %ge3A = vector.broadcast %add3A_110 : i32 to vector<16xi32>
        %ge3A_732 = arith.cmpi sge, %get3A_724, %ge3A : vector<16xi32>
        %add3A_733 = arith.constant 256 : i32
        %add3A_734 = arith.addi %add3A_110, %add3A_733 : i32
        %lt3A = vector.broadcast %add3A_734 : i32 to vector<16xi32>
        %lt3A_735 = arith.cmpi slt, %get3A_724, %lt3A : vector<16xi32>
        %and3A = arith.andi %ge3A_732, %lt3A_735 : vector<16xi1>
        %sub3A = vector.broadcast %add3A_110 : i32 to vector<16xi32>
        %sub3A_736 = arith.subi %get3A_724, %sub3A : vector<16xi32>
        %mul3A_737 = arith.constant 4096 : i32
        %mul3A_738 = vector.broadcast %mul3A_737 : i32 to vector<16xi32>
        %mul3A_739 = arith.muli %sub3A_736, %mul3A_738 : vector<16xi32>
        %add3A_740 = arith.addi %mul3A_739, %get3A_731 : vector<16xi32>
        %jit3A = arith.constant 1048576 : i32
        %broadcast_in_dim3A_741 = vector.broadcast %jit3A : i32 to vector<16xi32>
        %select_n3A = arith.select %and3A, %add3A_740, %broadcast_in_dim3A_741 : vector<16xi1>, vector<16xi32>
        %mul3A_742 = arith.constant 16 : i32
        %mul3A_743 = arith.muli %scan3A_718, %mul3A_742 : i32
        %swap3A_744 = arith.constant 12 : i32
        %swap3A_745 = arith.index_cast %swap3A_744 : i32 to index
        %swap3A_746 = arith.index_cast %mul3A_743 : i32 to index
        %swap3A_747 = tpu.vector_load %arg10[%swap3A_745, %swap3A_746] {strides = array<i32>} : memref<32x128xi32, #tpu.memory_space<vmem>>, vector<1x16xi32>,
        %swap3A_748 = vector.shape_cast %swap3A_747 : vector<1x16xi32> to vector<16xi32>
        %swap3A_749 = vector.shape_cast %select_n3A : vector<16xi32> to vector<1x16xi32>
        tpu.vector_store %arg10[%swap3A_745, %swap3A_746], %swap3A_749 {strides = array<i32>} : memref<32x128xi32, #tpu.memory_space<vmem>>, vector<1x16xi32>,
      }
      %scan3A_271 = arith.constant 8 : i32
      %dma_start3A_272 = arith.constant 12 : i32
      %dma_start3A_273 = arith.constant 0 : i32
      %dma_start3A_274 = tpu.memref_slice %arg10[%dma_start3A_272, %dma_start3A_273] : memref<32x128xi32, #tpu.memory_space<vmem>> -> memref<1x128xi32, #tpu.memory_space<vmem>>
      %dma_start3A_275 = tpu.memref_squeeze %dma_start3A_274 : memref<1x128xi32, #tpu.memory_space<vmem>> -> memref<128xi32, #tpu.memory_space<vmem>>
      %dma_start3A_276 = arith.constant 0 : i32
      %dma_start3A_277 = tpu.memref_slice %arg15[%dma_start3A_276] : memref<1048584xf32, #tpu.memory_space<vmem_shared>> -> memref<1048584xf32, #tpu.memory_space<vmem_shared>>
      tpu.enqueue_indirect_dma source(%arg11 : memref<128xf32, #tpu.memory_space<vmem>>) target(%dma_start3A_277 : memref<1048584xf32, #tpu.memory_space<vmem_shared>>) offsets(%dma_start3A_275 : memref<128xi32, #tpu.memory_space<vmem>>) semaphore(%arg16 : memref<!tpu.dma_semaphore, #tpu.memory_space<semaphore_mem>>)
      %scan3A_278 = arith.constant 0 : i32
      %scan3A_279 = arith.constant 0 : i32
      %scan3A_280 = arith.constant 8 : i32
      %scan3A_281 = arith.addi %scan3A_279, %scan3A_280 : i32
      %scan3A_282 = arith.constant 1 : i32
      scf.for %scan3A_718 = %scan3A_279 to %scan3A_281 step %scan3A_282  : i32 {
        %mul3A_719 = arith.constant 16 : i32
        %mul3A_720 = arith.muli %scan3A_718, %mul3A_719 : i32
        %get3A = arith.constant 13 : i32
        %get3A_721 = arith.index_cast %get3A : i32 to index
        %get3A_722 = arith.index_cast %mul3A_720 : i32 to index
        %get3A_723 = tpu.vector_load %arg8[%get3A_721, %get3A_722] {strides = array<i32>} : memref<32x128xi32, #tpu.memory_space<vmem>>, vector<1x16xi32>,
        %get3A_724 = vector.shape_cast %get3A_723 : vector<1x16xi32> to vector<16xi32>
        %mul3A_725 = arith.constant 16 : i32
        %mul3A_726 = arith.muli %scan3A_718, %mul3A_725 : i32
        %get3A_727 = arith.constant 13 : i32
        %get3A_728 = arith.index_cast %get3A_727 : i32 to index
        %get3A_729 = arith.index_cast %mul3A_726 : i32 to index
        %get3A_730 = tpu.vector_load %arg9[%get3A_728, %get3A_729] {strides = array<i32>} : memref<32x128xi32, #tpu.memory_space<vmem>>, vector<1x16xi32>,
        %get3A_731 = vector.shape_cast %get3A_730 : vector<1x16xi32> to vector<16xi32>
        %ge3A = vector.broadcast %add3A_110 : i32 to vector<16xi32>
        %ge3A_732 = arith.cmpi sge, %get3A_724, %ge3A : vector<16xi32>
        %add3A_733 = arith.constant 256 : i32
        %add3A_734 = arith.addi %add3A_110, %add3A_733 : i32
        %lt3A = vector.broadcast %add3A_734 : i32 to vector<16xi32>
        %lt3A_735 = arith.cmpi slt, %get3A_724, %lt3A : vector<16xi32>
        %and3A = arith.andi %ge3A_732, %lt3A_735 : vector<16xi1>
        %sub3A = vector.broadcast %add3A_110 : i32 to vector<16xi32>
        %sub3A_736 = arith.subi %get3A_724, %sub3A : vector<16xi32>
        %mul3A_737 = arith.constant 4096 : i32
        %mul3A_738 = vector.broadcast %mul3A_737 : i32 to vector<16xi32>
        %mul3A_739 = arith.muli %sub3A_736, %mul3A_738 : vector<16xi32>
        %add3A_740 = arith.addi %mul3A_739, %get3A_731 : vector<16xi32>
        %jit3A = arith.constant 1048576 : i32
        %broadcast_in_dim3A_741 = vector.broadcast %jit3A : i32 to vector<16xi32>
        %select_n3A = arith.select %and3A, %add3A_740, %broadcast_in_dim3A_741 : vector<16xi1>, vector<16xi32>
        %mul3A_742 = arith.constant 16 : i32
        %mul3A_743 = arith.muli %scan3A_718, %mul3A_742 : i32
        %swap3A_744 = arith.constant 13 : i32
        %swap3A_745 = arith.index_cast %swap3A_744 : i32 to index
        %swap3A_746 = arith.index_cast %mul3A_743 : i32 to index
        %swap3A_747 = tpu.vector_load %arg10[%swap3A_745, %swap3A_746] {strides = array<i32>} : memref<32x128xi32, #tpu.memory_space<vmem>>, vector<1x16xi32>,
        %swap3A_748 = vector.shape_cast %swap3A_747 : vector<1x16xi32> to vector<16xi32>
        %swap3A_749 = vector.shape_cast %select_n3A : vector<16xi32> to vector<1x16xi32>
        tpu.vector_store %arg10[%swap3A_745, %swap3A_746], %swap3A_749 {strides = array<i32>} : memref<32x128xi32, #tpu.memory_space<vmem>>, vector<1x16xi32>,
      }
      %scan3A_283 = arith.constant 8 : i32
      %dma_start3A_284 = arith.constant 13 : i32
      %dma_start3A_285 = arith.constant 0 : i32
      %dma_start3A_286 = tpu.memref_slice %arg10[%dma_start3A_284, %dma_start3A_285] : memref<32x128xi32, #tpu.memory_space<vmem>> -> memref<1x128xi32, #tpu.memory_space<vmem>>
      %dma_start3A_287 = tpu.memref_squeeze %dma_start3A_286 : memref<1x128xi32, #tpu.memory_space<vmem>> -> memref<128xi32, #tpu.memory_space<vmem>>
      %dma_start3A_288 = arith.constant 0 : i32
      %dma_start3A_289 = tpu.memref_slice %arg15[%dma_start3A_288] : memref<1048584xf32, #tpu.memory_space<vmem_shared>> -> memref<1048584xf32, #tpu.memory_space<vmem_shared>>
      tpu.enqueue_indirect_dma source(%arg11 : memref<128xf32, #tpu.memory_space<vmem>>) target(%dma_start3A_289 : memref<1048584xf32, #tpu.memory_space<vmem_shared>>) offsets(%dma_start3A_287 : memref<128xi32, #tpu.memory_space<vmem>>) semaphore(%arg16 : memref<!tpu.dma_semaphore, #tpu.memory_space<semaphore_mem>>)
      %scan3A_290 = arith.constant 0 : i32
      %scan3A_291 = arith.constant 0 : i32
      %scan3A_292 = arith.constant 8 : i32
      %scan3A_293 = arith.addi %scan3A_291, %scan3A_292 : i32
      %scan3A_294 = arith.constant 1 : i32
      scf.for %scan3A_718 = %scan3A_291 to %scan3A_293 step %scan3A_294  : i32 {
        %mul3A_719 = arith.constant 16 : i32
        %mul3A_720 = arith.muli %scan3A_718, %mul3A_719 : i32
        %get3A = arith.constant 14 : i32
        %get3A_721 = arith.index_cast %get3A : i32 to index
        %get3A_722 = arith.index_cast %mul3A_720 : i32 to index
        %get3A_723 = tpu.vector_load %arg8[%get3A_721, %get3A_722] {strides = array<i32>} : memref<32x128xi32, #tpu.memory_space<vmem>>, vector<1x16xi32>,
        %get3A_724 = vector.shape_cast %get3A_723 : vector<1x16xi32> to vector<16xi32>
        %mul3A_725 = arith.constant 16 : i32
        %mul3A_726 = arith.muli %scan3A_718, %mul3A_725 : i32
        %get3A_727 = arith.constant 14 : i32
        %get3A_728 = arith.index_cast %get3A_727 : i32 to index
        %get3A_729 = arith.index_cast %mul3A_726 : i32 to index
        %get3A_730 = tpu.vector_load %arg9[%get3A_728, %get3A_729] {strides = array<i32>} : memref<32x128xi32, #tpu.memory_space<vmem>>, vector<1x16xi32>,
        %get3A_731 = vector.shape_cast %get3A_730 : vector<1x16xi32> to vector<16xi32>
        %ge3A = vector.broadcast %add3A_110 : i32 to vector<16xi32>
        %ge3A_732 = arith.cmpi sge, %get3A_724, %ge3A : vector<16xi32>
        %add3A_733 = arith.constant 256 : i32
        %add3A_734 = arith.addi %add3A_110, %add3A_733 : i32
        %lt3A = vector.broadcast %add3A_734 : i32 to vector<16xi32>
        %lt3A_735 = arith.cmpi slt, %get3A_724, %lt3A : vector<16xi32>
        %and3A = arith.andi %ge3A_732, %lt3A_735 : vector<16xi1>
        %sub3A = vector.broadcast %add3A_110 : i32 to vector<16xi32>
        %sub3A_736 = arith.subi %get3A_724, %sub3A : vector<16xi32>
        %mul3A_737 = arith.constant 4096 : i32
        %mul3A_738 = vector.broadcast %mul3A_737 : i32 to vector<16xi32>
        %mul3A_739 = arith.muli %sub3A_736, %mul3A_738 : vector<16xi32>
        %add3A_740 = arith.addi %mul3A_739, %get3A_731 : vector<16xi32>
        %jit3A = arith.constant 1048576 : i32
        %broadcast_in_dim3A_741 = vector.broadcast %jit3A : i32 to vector<16xi32>
        %select_n3A = arith.select %and3A, %add3A_740, %broadcast_in_dim3A_741 : vector<16xi1>, vector<16xi32>
        %mul3A_742 = arith.constant 16 : i32
        %mul3A_743 = arith.muli %scan3A_718, %mul3A_742 : i32
        %swap3A_744 = arith.constant 14 : i32
        %swap3A_745 = arith.index_cast %swap3A_744 : i32 to index
        %swap3A_746 = arith.index_cast %mul3A_743 : i32 to index
        %swap3A_747 = tpu.vector_load %arg10[%swap3A_745, %swap3A_746] {strides = array<i32>} : memref<32x128xi32, #tpu.memory_space<vmem>>, vector<1x16xi32>,
        %swap3A_748 = vector.shape_cast %swap3A_747 : vector<1x16xi32> to vector<16xi32>
        %swap3A_749 = vector.shape_cast %select_n3A : vector<16xi32> to vector<1x16xi32>
        tpu.vector_store %arg10[%swap3A_745, %swap3A_746], %swap3A_749 {strides = array<i32>} : memref<32x128xi32, #tpu.memory_space<vmem>>, vector<1x16xi32>,
      }
      %scan3A_295 = arith.constant 8 : i32
      %dma_start3A_296 = arith.constant 14 : i32
      %dma_start3A_297 = arith.constant 0 : i32
      %dma_start3A_298 = tpu.memref_slice %arg10[%dma_start3A_296, %dma_start3A_297] : memref<32x128xi32, #tpu.memory_space<vmem>> -> memref<1x128xi32, #tpu.memory_space<vmem>>
      %dma_start3A_299 = tpu.memref_squeeze %dma_start3A_298 : memref<1x128xi32, #tpu.memory_space<vmem>> -> memref<128xi32, #tpu.memory_space<vmem>>
      %dma_start3A_300 = arith.constant 0 : i32
      %dma_start3A_301 = tpu.memref_slice %arg15[%dma_start3A_300] : memref<1048584xf32, #tpu.memory_space<vmem_shared>> -> memref<1048584xf32, #tpu.memory_space<vmem_shared>>
      tpu.enqueue_indirect_dma source(%arg11 : memref<128xf32, #tpu.memory_space<vmem>>) target(%dma_start3A_301 : memref<1048584xf32, #tpu.memory_space<vmem_shared>>) offsets(%dma_start3A_299 : memref<128xi32, #tpu.memory_space<vmem>>) semaphore(%arg16 : memref<!tpu.dma_semaphore, #tpu.memory_space<semaphore_mem>>)
      %scan3A_302 = arith.constant 0 : i32
      %scan3A_303 = arith.constant 0 : i32
      %scan3A_304 = arith.constant 8 : i32
      %scan3A_305 = arith.addi %scan3A_303, %scan3A_304 : i32
      %scan3A_306 = arith.constant 1 : i32
      scf.for %scan3A_718 = %scan3A_303 to %scan3A_305 step %scan3A_306  : i32 {
        %mul3A_719 = arith.constant 16 : i32
        %mul3A_720 = arith.muli %scan3A_718, %mul3A_719 : i32
        %get3A = arith.constant 15 : i32
        %get3A_721 = arith.index_cast %get3A : i32 to index
        %get3A_722 = arith.index_cast %mul3A_720 : i32 to index
        %get3A_723 = tpu.vector_load %arg8[%get3A_721, %get3A_722] {strides = array<i32>} : memref<32x128xi32, #tpu.memory_space<vmem>>, vector<1x16xi32>,
        %get3A_724 = vector.shape_cast %get3A_723 : vector<1x16xi32> to vector<16xi32>
        %mul3A_725 = arith.constant 16 : i32
        %mul3A_726 = arith.muli %scan3A_718, %mul3A_725 : i32
        %get3A_727 = arith.constant 15 : i32
        %get3A_728 = arith.index_cast %get3A_727 : i32 to index
        %get3A_729 = arith.index_cast %mul3A_726 : i32 to index
        %get3A_730 = tpu.vector_load %arg9[%get3A_728, %get3A_729] {strides = array<i32>} : memref<32x128xi32, #tpu.memory_space<vmem>>, vector<1x16xi32>,
        %get3A_731 = vector.shape_cast %get3A_730 : vector<1x16xi32> to vector<16xi32>
        %ge3A = vector.broadcast %add3A_110 : i32 to vector<16xi32>
        %ge3A_732 = arith.cmpi sge, %get3A_724, %ge3A : vector<16xi32>
        %add3A_733 = arith.constant 256 : i32
        %add3A_734 = arith.addi %add3A_110, %add3A_733 : i32
        %lt3A = vector.broadcast %add3A_734 : i32 to vector<16xi32>
        %lt3A_735 = arith.cmpi slt, %get3A_724, %lt3A : vector<16xi32>
        %and3A = arith.andi %ge3A_732, %lt3A_735 : vector<16xi1>
        %sub3A = vector.broadcast %add3A_110 : i32 to vector<16xi32>
        %sub3A_736 = arith.subi %get3A_724, %sub3A : vector<16xi32>
        %mul3A_737 = arith.constant 4096 : i32
        %mul3A_738 = vector.broadcast %mul3A_737 : i32 to vector<16xi32>
        %mul3A_739 = arith.muli %sub3A_736, %mul3A_738 : vector<16xi32>
        %add3A_740 = arith.addi %mul3A_739, %get3A_731 : vector<16xi32>
        %jit3A = arith.constant 1048576 : i32
        %broadcast_in_dim3A_741 = vector.broadcast %jit3A : i32 to vector<16xi32>
        %select_n3A = arith.select %and3A, %add3A_740, %broadcast_in_dim3A_741 : vector<16xi1>, vector<16xi32>
        %mul3A_742 = arith.constant 16 : i32
        %mul3A_743 = arith.muli %scan3A_718, %mul3A_742 : i32
        %swap3A_744 = arith.constant 15 : i32
        %swap3A_745 = arith.index_cast %swap3A_744 : i32 to index
        %swap3A_746 = arith.index_cast %mul3A_743 : i32 to index
        %swap3A_747 = tpu.vector_load %arg10[%swap3A_745, %swap3A_746] {strides = array<i32>} : memref<32x128xi32, #tpu.memory_space<vmem>>, vector<1x16xi32>,
        %swap3A_748 = vector.shape_cast %swap3A_747 : vector<1x16xi32> to vector<16xi32>
        %swap3A_749 = vector.shape_cast %select_n3A : vector<16xi32> to vector<1x16xi32>
        tpu.vector_store %arg10[%swap3A_745, %swap3A_746], %swap3A_749 {strides = array<i32>} : memref<32x128xi32, #tpu.memory_space<vmem>>, vector<1x16xi32>,
      }
      %scan3A_307 = arith.constant 8 : i32
      %dma_start3A_308 = arith.constant 15 : i32
      %dma_start3A_309 = arith.constant 0 : i32
      %dma_start3A_310 = tpu.memref_slice %arg10[%dma_start3A_308, %dma_start3A_309] : memref<32x128xi32, #tpu.memory_space<vmem>> -> memref<1x128xi32, #tpu.memory_space<vmem>>
      %dma_start3A_311 = tpu.memref_squeeze %dma_start3A_310 : memref<1x128xi32, #tpu.memory_space<vmem>> -> memref<128xi32, #tpu.memory_space<vmem>>
      %dma_start3A_312 = arith.constant 0 : i32
      %dma_start3A_313 = tpu.memref_slice %arg15[%dma_start3A_312] : memref<1048584xf32, #tpu.memory_space<vmem_shared>> -> memref<1048584xf32, #tpu.memory_space<vmem_shared>>
      tpu.enqueue_indirect_dma source(%arg11 : memref<128xf32, #tpu.memory_space<vmem>>) target(%dma_start3A_313 : memref<1048584xf32, #tpu.memory_space<vmem_shared>>) offsets(%dma_start3A_311 : memref<128xi32, #tpu.memory_space<vmem>>) semaphore(%arg16 : memref<!tpu.dma_semaphore, #tpu.memory_space<semaphore_mem>>)
      %scan3A_314 = arith.constant 0 : i32
      %scan3A_315 = arith.constant 0 : i32
      %scan3A_316 = arith.constant 8 : i32
      %scan3A_317 = arith.addi %scan3A_315, %scan3A_316 : i32
      %scan3A_318 = arith.constant 1 : i32
      scf.for %scan3A_718 = %scan3A_315 to %scan3A_317 step %scan3A_318  : i32 {
        %mul3A_719 = arith.constant 16 : i32
        %mul3A_720 = arith.muli %scan3A_718, %mul3A_719 : i32
        %get3A = arith.constant 16 : i32
        %get3A_721 = arith.index_cast %get3A : i32 to index
        %get3A_722 = arith.index_cast %mul3A_720 : i32 to index
        %get3A_723 = tpu.vector_load %arg8[%get3A_721, %get3A_722] {strides = array<i32>} : memref<32x128xi32, #tpu.memory_space<vmem>>, vector<1x16xi32>,
        %get3A_724 = vector.shape_cast %get3A_723 : vector<1x16xi32> to vector<16xi32>
        %mul3A_725 = arith.constant 16 : i32
        %mul3A_726 = arith.muli %scan3A_718, %mul3A_725 : i32
        %get3A_727 = arith.constant 16 : i32
        %get3A_728 = arith.index_cast %get3A_727 : i32 to index
        %get3A_729 = arith.index_cast %mul3A_726 : i32 to index
        %get3A_730 = tpu.vector_load %arg9[%get3A_728, %get3A_729] {strides = array<i32>} : memref<32x128xi32, #tpu.memory_space<vmem>>, vector<1x16xi32>,
        %get3A_731 = vector.shape_cast %get3A_730 : vector<1x16xi32> to vector<16xi32>
        %ge3A = vector.broadcast %add3A_110 : i32 to vector<16xi32>
        %ge3A_732 = arith.cmpi sge, %get3A_724, %ge3A : vector<16xi32>
        %add3A_733 = arith.constant 256 : i32
        %add3A_734 = arith.addi %add3A_110, %add3A_733 : i32
        %lt3A = vector.broadcast %add3A_734 : i32 to vector<16xi32>
        %lt3A_735 = arith.cmpi slt, %get3A_724, %lt3A : vector<16xi32>
        %and3A = arith.andi %ge3A_732, %lt3A_735 : vector<16xi1>
        %sub3A = vector.broadcast %add3A_110 : i32 to vector<16xi32>
        %sub3A_736 = arith.subi %get3A_724, %sub3A : vector<16xi32>
        %mul3A_737 = arith.constant 4096 : i32
        %mul3A_738 = vector.broadcast %mul3A_737 : i32 to vector<16xi32>
        %mul3A_739 = arith.muli %sub3A_736, %mul3A_738 : vector<16xi32>
        %add3A_740 = arith.addi %mul3A_739, %get3A_731 : vector<16xi32>
        %jit3A = arith.constant 1048576 : i32
        %broadcast_in_dim3A_741 = vector.broadcast %jit3A : i32 to vector<16xi32>
        %select_n3A = arith.select %and3A, %add3A_740, %broadcast_in_dim3A_741 : vector<16xi1>, vector<16xi32>
        %mul3A_742 = arith.constant 16 : i32
        %mul3A_743 = arith.muli %scan3A_718, %mul3A_742 : i32
        %swap3A_744 = arith.constant 16 : i32
        %swap3A_745 = arith.index_cast %swap3A_744 : i32 to index
        %swap3A_746 = arith.index_cast %mul3A_743 : i32 to index
        %swap3A_747 = tpu.vector_load %arg10[%swap3A_745, %swap3A_746] {strides = array<i32>} : memref<32x128xi32, #tpu.memory_space<vmem>>, vector<1x16xi32>,
        %swap3A_748 = vector.shape_cast %swap3A_747 : vector<1x16xi32> to vector<16xi32>
        %swap3A_749 = vector.shape_cast %select_n3A : vector<16xi32> to vector<1x16xi32>
        tpu.vector_store %arg10[%swap3A_745, %swap3A_746], %swap3A_749 {strides = array<i32>} : memref<32x128xi32, #tpu.memory_space<vmem>>, vector<1x16xi32>,
      }
      %scan3A_319 = arith.constant 8 : i32
      %dma_start3A_320 = arith.constant 16 : i32
      %dma_start3A_321 = arith.constant 0 : i32
      %dma_start3A_322 = tpu.memref_slice %arg10[%dma_start3A_320, %dma_start3A_321] : memref<32x128xi32, #tpu.memory_space<vmem>> -> memref<1x128xi32, #tpu.memory_space<vmem>>
      %dma_start3A_323 = tpu.memref_squeeze %dma_start3A_322 : memref<1x128xi32, #tpu.memory_space<vmem>> -> memref<128xi32, #tpu.memory_space<vmem>>
      %dma_start3A_324 = arith.constant 0 : i32
      %dma_start3A_325 = tpu.memref_slice %arg15[%dma_start3A_324] : memref<1048584xf32, #tpu.memory_space<vmem_shared>> -> memref<1048584xf32, #tpu.memory_space<vmem_shared>>
      tpu.enqueue_indirect_dma source(%arg11 : memref<128xf32, #tpu.memory_space<vmem>>) target(%dma_start3A_325 : memref<1048584xf32, #tpu.memory_space<vmem_shared>>) offsets(%dma_start3A_323 : memref<128xi32, #tpu.memory_space<vmem>>) semaphore(%arg16 : memref<!tpu.dma_semaphore, #tpu.memory_space<semaphore_mem>>)
      %scan3A_326 = arith.constant 0 : i32
      %scan3A_327 = arith.constant 0 : i32
      %scan3A_328 = arith.constant 8 : i32
      %scan3A_329 = arith.addi %scan3A_327, %scan3A_328 : i32
      %scan3A_330 = arith.constant 1 : i32
      scf.for %scan3A_718 = %scan3A_327 to %scan3A_329 step %scan3A_330  : i32 {
        %mul3A_719 = arith.constant 16 : i32
        %mul3A_720 = arith.muli %scan3A_718, %mul3A_719 : i32
        %get3A = arith.constant 17 : i32
        %get3A_721 = arith.index_cast %get3A : i32 to index
        %get3A_722 = arith.index_cast %mul3A_720 : i32 to index
        %get3A_723 = tpu.vector_load %arg8[%get3A_721, %get3A_722] {strides = array<i32>} : memref<32x128xi32, #tpu.memory_space<vmem>>, vector<1x16xi32>,
        %get3A_724 = vector.shape_cast %get3A_723 : vector<1x16xi32> to vector<16xi32>
        %mul3A_725 = arith.constant 16 : i32
        %mul3A_726 = arith.muli %scan3A_718, %mul3A_725 : i32
        %get3A_727 = arith.constant 17 : i32
        %get3A_728 = arith.index_cast %get3A_727 : i32 to index
        %get3A_729 = arith.index_cast %mul3A_726 : i32 to index
        %get3A_730 = tpu.vector_load %arg9[%get3A_728, %get3A_729] {strides = array<i32>} : memref<32x128xi32, #tpu.memory_space<vmem>>, vector<1x16xi32>,
        %get3A_731 = vector.shape_cast %get3A_730 : vector<1x16xi32> to vector<16xi32>
        %ge3A = vector.broadcast %add3A_110 : i32 to vector<16xi32>
        %ge3A_732 = arith.cmpi sge, %get3A_724, %ge3A : vector<16xi32>
        %add3A_733 = arith.constant 256 : i32
        %add3A_734 = arith.addi %add3A_110, %add3A_733 : i32
        %lt3A = vector.broadcast %add3A_734 : i32 to vector<16xi32>
        %lt3A_735 = arith.cmpi slt, %get3A_724, %lt3A : vector<16xi32>
        %and3A = arith.andi %ge3A_732, %lt3A_735 : vector<16xi1>
        %sub3A = vector.broadcast %add3A_110 : i32 to vector<16xi32>
        %sub3A_736 = arith.subi %get3A_724, %sub3A : vector<16xi32>
        %mul3A_737 = arith.constant 4096 : i32
        %mul3A_738 = vector.broadcast %mul3A_737 : i32 to vector<16xi32>
        %mul3A_739 = arith.muli %sub3A_736, %mul3A_738 : vector<16xi32>
        %add3A_740 = arith.addi %mul3A_739, %get3A_731 : vector<16xi32>
        %jit3A = arith.constant 1048576 : i32
        %broadcast_in_dim3A_741 = vector.broadcast %jit3A : i32 to vector<16xi32>
        %select_n3A = arith.select %and3A, %add3A_740, %broadcast_in_dim3A_741 : vector<16xi1>, vector<16xi32>
        %mul3A_742 = arith.constant 16 : i32
        %mul3A_743 = arith.muli %scan3A_718, %mul3A_742 : i32
        %swap3A_744 = arith.constant 17 : i32
        %swap3A_745 = arith.index_cast %swap3A_744 : i32 to index
        %swap3A_746 = arith.index_cast %mul3A_743 : i32 to index
        %swap3A_747 = tpu.vector_load %arg10[%swap3A_745, %swap3A_746] {strides = array<i32>} : memref<32x128xi32, #tpu.memory_space<vmem>>, vector<1x16xi32>,
        %swap3A_748 = vector.shape_cast %swap3A_747 : vector<1x16xi32> to vector<16xi32>
        %swap3A_749 = vector.shape_cast %select_n3A : vector<16xi32> to vector<1x16xi32>
        tpu.vector_store %arg10[%swap3A_745, %swap3A_746], %swap3A_749 {strides = array<i32>} : memref<32x128xi32, #tpu.memory_space<vmem>>, vector<1x16xi32>,
      }
      %scan3A_331 = arith.constant 8 : i32
      %dma_start3A_332 = arith.constant 17 : i32
      %dma_start3A_333 = arith.constant 0 : i32
      %dma_start3A_334 = tpu.memref_slice %arg10[%dma_start3A_332, %dma_start3A_333] : memref<32x128xi32, #tpu.memory_space<vmem>> -> memref<1x128xi32, #tpu.memory_space<vmem>>
      %dma_start3A_335 = tpu.memref_squeeze %dma_start3A_334 : memref<1x128xi32, #tpu.memory_space<vmem>> -> memref<128xi32, #tpu.memory_space<vmem>>
      %dma_start3A_336 = arith.constant 0 : i32
      %dma_start3A_337 = tpu.memref_slice %arg15[%dma_start3A_336] : memref<1048584xf32, #tpu.memory_space<vmem_shared>> -> memref<1048584xf32, #tpu.memory_space<vmem_shared>>
      tpu.enqueue_indirect_dma source(%arg11 : memref<128xf32, #tpu.memory_space<vmem>>) target(%dma_start3A_337 : memref<1048584xf32, #tpu.memory_space<vmem_shared>>) offsets(%dma_start3A_335 : memref<128xi32, #tpu.memory_space<vmem>>) semaphore(%arg16 : memref<!tpu.dma_semaphore, #tpu.memory_space<semaphore_mem>>)
      %scan3A_338 = arith.constant 0 : i32
      %scan3A_339 = arith.constant 0 : i32
      %scan3A_340 = arith.constant 8 : i32
      %scan3A_341 = arith.addi %scan3A_339, %scan3A_340 : i32
      %scan3A_342 = arith.constant 1 : i32
      scf.for %scan3A_718 = %scan3A_339 to %scan3A_341 step %scan3A_342  : i32 {
        %mul3A_719 = arith.constant 16 : i32
        %mul3A_720 = arith.muli %scan3A_718, %mul3A_719 : i32
        %get3A = arith.constant 18 : i32
        %get3A_721 = arith.index_cast %get3A : i32 to index
        %get3A_722 = arith.index_cast %mul3A_720 : i32 to index
        %get3A_723 = tpu.vector_load %arg8[%get3A_721, %get3A_722] {strides = array<i32>} : memref<32x128xi32, #tpu.memory_space<vmem>>, vector<1x16xi32>,
        %get3A_724 = vector.shape_cast %get3A_723 : vector<1x16xi32> to vector<16xi32>
        %mul3A_725 = arith.constant 16 : i32
        %mul3A_726 = arith.muli %scan3A_718, %mul3A_725 : i32
        %get3A_727 = arith.constant 18 : i32
        %get3A_728 = arith.index_cast %get3A_727 : i32 to index
        %get3A_729 = arith.index_cast %mul3A_726 : i32 to index
        %get3A_730 = tpu.vector_load %arg9[%get3A_728, %get3A_729] {strides = array<i32>} : memref<32x128xi32, #tpu.memory_space<vmem>>, vector<1x16xi32>,
        %get3A_731 = vector.shape_cast %get3A_730 : vector<1x16xi32> to vector<16xi32>
        %ge3A = vector.broadcast %add3A_110 : i32 to vector<16xi32>
        %ge3A_732 = arith.cmpi sge, %get3A_724, %ge3A : vector<16xi32>
        %add3A_733 = arith.constant 256 : i32
        %add3A_734 = arith.addi %add3A_110, %add3A_733 : i32
        %lt3A = vector.broadcast %add3A_734 : i32 to vector<16xi32>
        %lt3A_735 = arith.cmpi slt, %get3A_724, %lt3A : vector<16xi32>
        %and3A = arith.andi %ge3A_732, %lt3A_735 : vector<16xi1>
        %sub3A = vector.broadcast %add3A_110 : i32 to vector<16xi32>
        %sub3A_736 = arith.subi %get3A_724, %sub3A : vector<16xi32>
        %mul3A_737 = arith.constant 4096 : i32
        %mul3A_738 = vector.broadcast %mul3A_737 : i32 to vector<16xi32>
        %mul3A_739 = arith.muli %sub3A_736, %mul3A_738 : vector<16xi32>
        %add3A_740 = arith.addi %mul3A_739, %get3A_731 : vector<16xi32>
        %jit3A = arith.constant 1048576 : i32
        %broadcast_in_dim3A_741 = vector.broadcast %jit3A : i32 to vector<16xi32>
        %select_n3A = arith.select %and3A, %add3A_740, %broadcast_in_dim3A_741 : vector<16xi1>, vector<16xi32>
        %mul3A_742 = arith.constant 16 : i32
        %mul3A_743 = arith.muli %scan3A_718, %mul3A_742 : i32
        %swap3A_744 = arith.constant 18 : i32
        %swap3A_745 = arith.index_cast %swap3A_744 : i32 to index
        %swap3A_746 = arith.index_cast %mul3A_743 : i32 to index
        %swap3A_747 = tpu.vector_load %arg10[%swap3A_745, %swap3A_746] {strides = array<i32>} : memref<32x128xi32, #tpu.memory_space<vmem>>, vector<1x16xi32>,
        %swap3A_748 = vector.shape_cast %swap3A_747 : vector<1x16xi32> to vector<16xi32>
        %swap3A_749 = vector.shape_cast %select_n3A : vector<16xi32> to vector<1x16xi32>
        tpu.vector_store %arg10[%swap3A_745, %swap3A_746], %swap3A_749 {strides = array<i32>} : memref<32x128xi32, #tpu.memory_space<vmem>>, vector<1x16xi32>,
      }
      %scan3A_343 = arith.constant 8 : i32
      %dma_start3A_344 = arith.constant 18 : i32
      %dma_start3A_345 = arith.constant 0 : i32
      %dma_start3A_346 = tpu.memref_slice %arg10[%dma_start3A_344, %dma_start3A_345] : memref<32x128xi32, #tpu.memory_space<vmem>> -> memref<1x128xi32, #tpu.memory_space<vmem>>
      %dma_start3A_347 = tpu.memref_squeeze %dma_start3A_346 : memref<1x128xi32, #tpu.memory_space<vmem>> -> memref<128xi32, #tpu.memory_space<vmem>>
      %dma_start3A_348 = arith.constant 0 : i32
      %dma_start3A_349 = tpu.memref_slice %arg15[%dma_start3A_348] : memref<1048584xf32, #tpu.memory_space<vmem_shared>> -> memref<1048584xf32, #tpu.memory_space<vmem_shared>>
      tpu.enqueue_indirect_dma source(%arg11 : memref<128xf32, #tpu.memory_space<vmem>>) target(%dma_start3A_349 : memref<1048584xf32, #tpu.memory_space<vmem_shared>>) offsets(%dma_start3A_347 : memref<128xi32, #tpu.memory_space<vmem>>) semaphore(%arg16 : memref<!tpu.dma_semaphore, #tpu.memory_space<semaphore_mem>>)
      %scan3A_350 = arith.constant 0 : i32
      %scan3A_351 = arith.constant 0 : i32
      %scan3A_352 = arith.constant 8 : i32
      %scan3A_353 = arith.addi %scan3A_351, %scan3A_352 : i32
      %scan3A_354 = arith.constant 1 : i32
      scf.for %scan3A_718 = %scan3A_351 to %scan3A_353 step %scan3A_354  : i32 {
        %mul3A_719 = arith.constant 16 : i32
        %mul3A_720 = arith.muli %scan3A_718, %mul3A_719 : i32
        %get3A = arith.constant 19 : i32
        %get3A_721 = arith.index_cast %get3A : i32 to index
        %get3A_722 = arith.index_cast %mul3A_720 : i32 to index
        %get3A_723 = tpu.vector_load %arg8[%get3A_721, %get3A_722] {strides = array<i32>} : memref<32x128xi32, #tpu.memory_space<vmem>>, vector<1x16xi32>,
        %get3A_724 = vector.shape_cast %get3A_723 : vector<1x16xi32> to vector<16xi32>
        %mul3A_725 = arith.constant 16 : i32
        %mul3A_726 = arith.muli %scan3A_718, %mul3A_725 : i32
        %get3A_727 = arith.constant 19 : i32
        %get3A_728 = arith.index_cast %get3A_727 : i32 to index
        %get3A_729 = arith.index_cast %mul3A_726 : i32 to index
        %get3A_730 = tpu.vector_load %arg9[%get3A_728, %get3A_729] {strides = array<i32>} : memref<32x128xi32, #tpu.memory_space<vmem>>, vector<1x16xi32>,
        %get3A_731 = vector.shape_cast %get3A_730 : vector<1x16xi32> to vector<16xi32>
        %ge3A = vector.broadcast %add3A_110 : i32 to vector<16xi32>
        %ge3A_732 = arith.cmpi sge, %get3A_724, %ge3A : vector<16xi32>
        %add3A_733 = arith.constant 256 : i32
        %add3A_734 = arith.addi %add3A_110, %add3A_733 : i32
        %lt3A = vector.broadcast %add3A_734 : i32 to vector<16xi32>
        %lt3A_735 = arith.cmpi slt, %get3A_724, %lt3A : vector<16xi32>
        %and3A = arith.andi %ge3A_732, %lt3A_735 : vector<16xi1>
        %sub3A = vector.broadcast %add3A_110 : i32 to vector<16xi32>
        %sub3A_736 = arith.subi %get3A_724, %sub3A : vector<16xi32>
        %mul3A_737 = arith.constant 4096 : i32
        %mul3A_738 = vector.broadcast %mul3A_737 : i32 to vector<16xi32>
        %mul3A_739 = arith.muli %sub3A_736, %mul3A_738 : vector<16xi32>
        %add3A_740 = arith.addi %mul3A_739, %get3A_731 : vector<16xi32>
        %jit3A = arith.constant 1048576 : i32
        %broadcast_in_dim3A_741 = vector.broadcast %jit3A : i32 to vector<16xi32>
        %select_n3A = arith.select %and3A, %add3A_740, %broadcast_in_dim3A_741 : vector<16xi1>, vector<16xi32>
        %mul3A_742 = arith.constant 16 : i32
        %mul3A_743 = arith.muli %scan3A_718, %mul3A_742 : i32
        %swap3A_744 = arith.constant 19 : i32
        %swap3A_745 = arith.index_cast %swap3A_744 : i32 to index
        %swap3A_746 = arith.index_cast %mul3A_743 : i32 to index
        %swap3A_747 = tpu.vector_load %arg10[%swap3A_745, %swap3A_746] {strides = array<i32>} : memref<32x128xi32, #tpu.memory_space<vmem>>, vector<1x16xi32>,
        %swap3A_748 = vector.shape_cast %swap3A_747 : vector<1x16xi32> to vector<16xi32>
        %swap3A_749 = vector.shape_cast %select_n3A : vector<16xi32> to vector<1x16xi32>
        tpu.vector_store %arg10[%swap3A_745, %swap3A_746], %swap3A_749 {strides = array<i32>} : memref<32x128xi32, #tpu.memory_space<vmem>>, vector<1x16xi32>,
      }
      %scan3A_355 = arith.constant 8 : i32
      %dma_start3A_356 = arith.constant 19 : i32
      %dma_start3A_357 = arith.constant 0 : i32
      %dma_start3A_358 = tpu.memref_slice %arg10[%dma_start3A_356, %dma_start3A_357] : memref<32x128xi32, #tpu.memory_space<vmem>> -> memref<1x128xi32, #tpu.memory_space<vmem>>
      %dma_start3A_359 = tpu.memref_squeeze %dma_start3A_358 : memref<1x128xi32, #tpu.memory_space<vmem>> -> memref<128xi32, #tpu.memory_space<vmem>>
      %dma_start3A_360 = arith.constant 0 : i32
      %dma_start3A_361 = tpu.memref_slice %arg15[%dma_start3A_360] : memref<1048584xf32, #tpu.memory_space<vmem_shared>> -> memref<1048584xf32, #tpu.memory_space<vmem_shared>>
      tpu.enqueue_indirect_dma source(%arg11 : memref<128xf32, #tpu.memory_space<vmem>>) target(%dma_start3A_361 : memref<1048584xf32, #tpu.memory_space<vmem_shared>>) offsets(%dma_start3A_359 : memref<128xi32, #tpu.memory_space<vmem>>) semaphore(%arg16 : memref<!tpu.dma_semaphore, #tpu.memory_space<semaphore_mem>>)
      %scan3A_362 = arith.constant 0 : i32
      %scan3A_363 = arith.constant 0 : i32
      %scan3A_364 = arith.constant 8 : i32
      %scan3A_365 = arith.addi %scan3A_363, %scan3A_364 : i32
      %scan3A_366 = arith.constant 1 : i32
      scf.for %scan3A_718 = %scan3A_363 to %scan3A_365 step %scan3A_366  : i32 {
        %mul3A_719 = arith.constant 16 : i32
        %mul3A_720 = arith.muli %scan3A_718, %mul3A_719 : i32
        %get3A = arith.constant 20 : i32
        %get3A_721 = arith.index_cast %get3A : i32 to index
        %get3A_722 = arith.index_cast %mul3A_720 : i32 to index
        %get3A_723 = tpu.vector_load %arg8[%get3A_721, %get3A_722] {strides = array<i32>} : memref<32x128xi32, #tpu.memory_space<vmem>>, vector<1x16xi32>,
        %get3A_724 = vector.shape_cast %get3A_723 : vector<1x16xi32> to vector<16xi32>
        %mul3A_725 = arith.constant 16 : i32
        %mul3A_726 = arith.muli %scan3A_718, %mul3A_725 : i32
        %get3A_727 = arith.constant 20 : i32
        %get3A_728 = arith.index_cast %get3A_727 : i32 to index
        %get3A_729 = arith.index_cast %mul3A_726 : i32 to index
        %get3A_730 = tpu.vector_load %arg9[%get3A_728, %get3A_729] {strides = array<i32>} : memref<32x128xi32, #tpu.memory_space<vmem>>, vector<1x16xi32>,
        %get3A_731 = vector.shape_cast %get3A_730 : vector<1x16xi32> to vector<16xi32>
        %ge3A = vector.broadcast %add3A_110 : i32 to vector<16xi32>
        %ge3A_732 = arith.cmpi sge, %get3A_724, %ge3A : vector<16xi32>
        %add3A_733 = arith.constant 256 : i32
        %add3A_734 = arith.addi %add3A_110, %add3A_733 : i32
        %lt3A = vector.broadcast %add3A_734 : i32 to vector<16xi32>
        %lt3A_735 = arith.cmpi slt, %get3A_724, %lt3A : vector<16xi32>
        %and3A = arith.andi %ge3A_732, %lt3A_735 : vector<16xi1>
        %sub3A = vector.broadcast %add3A_110 : i32 to vector<16xi32>
        %sub3A_736 = arith.subi %get3A_724, %sub3A : vector<16xi32>
        %mul3A_737 = arith.constant 4096 : i32
        %mul3A_738 = vector.broadcast %mul3A_737 : i32 to vector<16xi32>
        %mul3A_739 = arith.muli %sub3A_736, %mul3A_738 : vector<16xi32>
        %add3A_740 = arith.addi %mul3A_739, %get3A_731 : vector<16xi32>
        %jit3A = arith.constant 1048576 : i32
        %broadcast_in_dim3A_741 = vector.broadcast %jit3A : i32 to vector<16xi32>
        %select_n3A = arith.select %and3A, %add3A_740, %broadcast_in_dim3A_741 : vector<16xi1>, vector<16xi32>
        %mul3A_742 = arith.constant 16 : i32
        %mul3A_743 = arith.muli %scan3A_718, %mul3A_742 : i32
        %swap3A_744 = arith.constant 20 : i32
        %swap3A_745 = arith.index_cast %swap3A_744 : i32 to index
        %swap3A_746 = arith.index_cast %mul3A_743 : i32 to index
        %swap3A_747 = tpu.vector_load %arg10[%swap3A_745, %swap3A_746] {strides = array<i32>} : memref<32x128xi32, #tpu.memory_space<vmem>>, vector<1x16xi32>,
        %swap3A_748 = vector.shape_cast %swap3A_747 : vector<1x16xi32> to vector<16xi32>
        %swap3A_749 = vector.shape_cast %select_n3A : vector<16xi32> to vector<1x16xi32>
        tpu.vector_store %arg10[%swap3A_745, %swap3A_746], %swap3A_749 {strides = array<i32>} : memref<32x128xi32, #tpu.memory_space<vmem>>, vector<1x16xi32>,
      }
      %scan3A_367 = arith.constant 8 : i32
      %dma_start3A_368 = arith.constant 20 : i32
      %dma_start3A_369 = arith.constant 0 : i32
      %dma_start3A_370 = tpu.memref_slice %arg10[%dma_start3A_368, %dma_start3A_369] : memref<32x128xi32, #tpu.memory_space<vmem>> -> memref<1x128xi32, #tpu.memory_space<vmem>>
      %dma_start3A_371 = tpu.memref_squeeze %dma_start3A_370 : memref<1x128xi32, #tpu.memory_space<vmem>> -> memref<128xi32, #tpu.memory_space<vmem>>
      %dma_start3A_372 = arith.constant 0 : i32
      %dma_start3A_373 = tpu.memref_slice %arg15[%dma_start3A_372] : memref<1048584xf32, #tpu.memory_space<vmem_shared>> -> memref<1048584xf32, #tpu.memory_space<vmem_shared>>
      tpu.enqueue_indirect_dma source(%arg11 : memref<128xf32, #tpu.memory_space<vmem>>) target(%dma_start3A_373 : memref<1048584xf32, #tpu.memory_space<vmem_shared>>) offsets(%dma_start3A_371 : memref<128xi32, #tpu.memory_space<vmem>>) semaphore(%arg16 : memref<!tpu.dma_semaphore, #tpu.memory_space<semaphore_mem>>)
      %scan3A_374 = arith.constant 0 : i32
      %scan3A_375 = arith.constant 0 : i32
      %scan3A_376 = arith.constant 8 : i32
      %scan3A_377 = arith.addi %scan3A_375, %scan3A_376 : i32
      %scan3A_378 = arith.constant 1 : i32
      scf.for %scan3A_718 = %scan3A_375 to %scan3A_377 step %scan3A_378  : i32 {
        %mul3A_719 = arith.constant 16 : i32
        %mul3A_720 = arith.muli %scan3A_718, %mul3A_719 : i32
        %get3A = arith.constant 21 : i32
        %get3A_721 = arith.index_cast %get3A : i32 to index
        %get3A_722 = arith.index_cast %mul3A_720 : i32 to index
        %get3A_723 = tpu.vector_load %arg8[%get3A_721, %get3A_722] {strides = array<i32>} : memref<32x128xi32, #tpu.memory_space<vmem>>, vector<1x16xi32>,
        %get3A_724 = vector.shape_cast %get3A_723 : vector<1x16xi32> to vector<16xi32>
        %mul3A_725 = arith.constant 16 : i32
        %mul3A_726 = arith.muli %scan3A_718, %mul3A_725 : i32
        %get3A_727 = arith.constant 21 : i32
        %get3A_728 = arith.index_cast %get3A_727 : i32 to index
        %get3A_729 = arith.index_cast %mul3A_726 : i32 to index
        %get3A_730 = tpu.vector_load %arg9[%get3A_728, %get3A_729] {strides = array<i32>} : memref<32x128xi32, #tpu.memory_space<vmem>>, vector<1x16xi32>,
        %get3A_731 = vector.shape_cast %get3A_730 : vector<1x16xi32> to vector<16xi32>
        %ge3A = vector.broadcast %add3A_110 : i32 to vector<16xi32>
        %ge3A_732 = arith.cmpi sge, %get3A_724, %ge3A : vector<16xi32>
        %add3A_733 = arith.constant 256 : i32
        %add3A_734 = arith.addi %add3A_110, %add3A_733 : i32
        %lt3A = vector.broadcast %add3A_734 : i32 to vector<16xi32>
        %lt3A_735 = arith.cmpi slt, %get3A_724, %lt3A : vector<16xi32>
        %and3A = arith.andi %ge3A_732, %lt3A_735 : vector<16xi1>
        %sub3A = vector.broadcast %add3A_110 : i32 to vector<16xi32>
        %sub3A_736 = arith.subi %get3A_724, %sub3A : vector<16xi32>
        %mul3A_737 = arith.constant 4096 : i32
        %mul3A_738 = vector.broadcast %mul3A_737 : i32 to vector<16xi32>
        %mul3A_739 = arith.muli %sub3A_736, %mul3A_738 : vector<16xi32>
        %add3A_740 = arith.addi %mul3A_739, %get3A_731 : vector<16xi32>
        %jit3A = arith.constant 1048576 : i32
        %broadcast_in_dim3A_741 = vector.broadcast %jit3A : i32 to vector<16xi32>
        %select_n3A = arith.select %and3A, %add3A_740, %broadcast_in_dim3A_741 : vector<16xi1>, vector<16xi32>
        %mul3A_742 = arith.constant 16 : i32
        %mul3A_743 = arith.muli %scan3A_718, %mul3A_742 : i32
        %swap3A_744 = arith.constant 21 : i32
        %swap3A_745 = arith.index_cast %swap3A_744 : i32 to index
        %swap3A_746 = arith.index_cast %mul3A_743 : i32 to index
        %swap3A_747 = tpu.vector_load %arg10[%swap3A_745, %swap3A_746] {strides = array<i32>} : memref<32x128xi32, #tpu.memory_space<vmem>>, vector<1x16xi32>,
        %swap3A_748 = vector.shape_cast %swap3A_747 : vector<1x16xi32> to vector<16xi32>
        %swap3A_749 = vector.shape_cast %select_n3A : vector<16xi32> to vector<1x16xi32>
        tpu.vector_store %arg10[%swap3A_745, %swap3A_746], %swap3A_749 {strides = array<i32>} : memref<32x128xi32, #tpu.memory_space<vmem>>, vector<1x16xi32>,
      }
      %scan3A_379 = arith.constant 8 : i32
      %dma_start3A_380 = arith.constant 21 : i32
      %dma_start3A_381 = arith.constant 0 : i32
      %dma_start3A_382 = tpu.memref_slice %arg10[%dma_start3A_380, %dma_start3A_381] : memref<32x128xi32, #tpu.memory_space<vmem>> -> memref<1x128xi32, #tpu.memory_space<vmem>>
      %dma_start3A_383 = tpu.memref_squeeze %dma_start3A_382 : memref<1x128xi32, #tpu.memory_space<vmem>> -> memref<128xi32, #tpu.memory_space<vmem>>
      %dma_start3A_384 = arith.constant 0 : i32
      %dma_start3A_385 = tpu.memref_slice %arg15[%dma_start3A_384] : memref<1048584xf32, #tpu.memory_space<vmem_shared>> -> memref<1048584xf32, #tpu.memory_space<vmem_shared>>
      tpu.enqueue_indirect_dma source(%arg11 : memref<128xf32, #tpu.memory_space<vmem>>) target(%dma_start3A_385 : memref<1048584xf32, #tpu.memory_space<vmem_shared>>) offsets(%dma_start3A_383 : memref<128xi32, #tpu.memory_space<vmem>>) semaphore(%arg16 : memref<!tpu.dma_semaphore, #tpu.memory_space<semaphore_mem>>)
      %scan3A_386 = arith.constant 0 : i32
      %scan3A_387 = arith.constant 0 : i32
      %scan3A_388 = arith.constant 8 : i32
      %scan3A_389 = arith.addi %scan3A_387, %scan3A_388 : i32
      %scan3A_390 = arith.constant 1 : i32
      scf.for %scan3A_718 = %scan3A_387 to %scan3A_389 step %scan3A_390  : i32 {
        %mul3A_719 = arith.constant 16 : i32
        %mul3A_720 = arith.muli %scan3A_718, %mul3A_719 : i32
        %get3A = arith.constant 22 : i32
        %get3A_721 = arith.index_cast %get3A : i32 to index
        %get3A_722 = arith.index_cast %mul3A_720 : i32 to index
        %get3A_723 = tpu.vector_load %arg8[%get3A_721, %get3A_722] {strides = array<i32>} : memref<32x128xi32, #tpu.memory_space<vmem>>, vector<1x16xi32>,
        %get3A_724 = vector.shape_cast %get3A_723 : vector<1x16xi32> to vector<16xi32>
        %mul3A_725 = arith.constant 16 : i32
        %mul3A_726 = arith.muli %scan3A_718, %mul3A_725 : i32
        %get3A_727 = arith.constant 22 : i32
        %get3A_728 = arith.index_cast %get3A_727 : i32 to index
        %get3A_729 = arith.index_cast %mul3A_726 : i32 to index
        %get3A_730 = tpu.vector_load %arg9[%get3A_728, %get3A_729] {strides = array<i32>} : memref<32x128xi32, #tpu.memory_space<vmem>>, vector<1x16xi32>,
        %get3A_731 = vector.shape_cast %get3A_730 : vector<1x16xi32> to vector<16xi32>
        %ge3A = vector.broadcast %add3A_110 : i32 to vector<16xi32>
        %ge3A_732 = arith.cmpi sge, %get3A_724, %ge3A : vector<16xi32>
        %add3A_733 = arith.constant 256 : i32
        %add3A_734 = arith.addi %add3A_110, %add3A_733 : i32
        %lt3A = vector.broadcast %add3A_734 : i32 to vector<16xi32>
        %lt3A_735 = arith.cmpi slt, %get3A_724, %lt3A : vector<16xi32>
        %and3A = arith.andi %ge3A_732, %lt3A_735 : vector<16xi1>
        %sub3A = vector.broadcast %add3A_110 : i32 to vector<16xi32>
        %sub3A_736 = arith.subi %get3A_724, %sub3A : vector<16xi32>
        %mul3A_737 = arith.constant 4096 : i32
        %mul3A_738 = vector.broadcast %mul3A_737 : i32 to vector<16xi32>
        %mul3A_739 = arith.muli %sub3A_736, %mul3A_738 : vector<16xi32>
        %add3A_740 = arith.addi %mul3A_739, %get3A_731 : vector<16xi32>
        %jit3A = arith.constant 1048576 : i32
        %broadcast_in_dim3A_741 = vector.broadcast %jit3A : i32 to vector<16xi32>
        %select_n3A = arith.select %and3A, %add3A_740, %broadcast_in_dim3A_741 : vector<16xi1>, vector<16xi32>
        %mul3A_742 = arith.constant 16 : i32
        %mul3A_743 = arith.muli %scan3A_718, %mul3A_742 : i32
        %swap3A_744 = arith.constant 22 : i32
        %swap3A_745 = arith.index_cast %swap3A_744 : i32 to index
        %swap3A_746 = arith.index_cast %mul3A_743 : i32 to index
        %swap3A_747 = tpu.vector_load %arg10[%swap3A_745, %swap3A_746] {strides = array<i32>} : memref<32x128xi32, #tpu.memory_space<vmem>>, vector<1x16xi32>,
        %swap3A_748 = vector.shape_cast %swap3A_747 : vector<1x16xi32> to vector<16xi32>
        %swap3A_749 = vector.shape_cast %select_n3A : vector<16xi32> to vector<1x16xi32>
        tpu.vector_store %arg10[%swap3A_745, %swap3A_746], %swap3A_749 {strides = array<i32>} : memref<32x128xi32, #tpu.memory_space<vmem>>, vector<1x16xi32>,
      }
      %scan3A_391 = arith.constant 8 : i32
      %dma_start3A_392 = arith.constant 22 : i32
      %dma_start3A_393 = arith.constant 0 : i32
      %dma_start3A_394 = tpu.memref_slice %arg10[%dma_start3A_392, %dma_start3A_393] : memref<32x128xi32, #tpu.memory_space<vmem>> -> memref<1x128xi32, #tpu.memory_space<vmem>>
      %dma_start3A_395 = tpu.memref_squeeze %dma_start3A_394 : memref<1x128xi32, #tpu.memory_space<vmem>> -> memref<128xi32, #tpu.memory_space<vmem>>
      %dma_start3A_396 = arith.constant 0 : i32
      %dma_start3A_397 = tpu.memref_slice %arg15[%dma_start3A_396] : memref<1048584xf32, #tpu.memory_space<vmem_shared>> -> memref<1048584xf32, #tpu.memory_space<vmem_shared>>
      tpu.enqueue_indirect_dma source(%arg11 : memref<128xf32, #tpu.memory_space<vmem>>) target(%dma_start3A_397 : memref<1048584xf32, #tpu.memory_space<vmem_shared>>) offsets(%dma_start3A_395 : memref<128xi32, #tpu.memory_space<vmem>>) semaphore(%arg16 : memref<!tpu.dma_semaphore, #tpu.memory_space<semaphore_mem>>)
      %scan3A_398 = arith.constant 0 : i32
      %scan3A_399 = arith.constant 0 : i32
      %scan3A_400 = arith.constant 8 : i32
      %scan3A_401 = arith.addi %scan3A_399, %scan3A_400 : i32
      %scan3A_402 = arith.constant 1 : i32
      scf.for %scan3A_718 = %scan3A_399 to %scan3A_401 step %scan3A_402  : i32 {
        %mul3A_719 = arith.constant 16 : i32
        %mul3A_720 = arith.muli %scan3A_718, %mul3A_719 : i32
        %get3A = arith.constant 23 : i32
        %get3A_721 = arith.index_cast %get3A : i32 to index
        %get3A_722 = arith.index_cast %mul3A_720 : i32 to index
        %get3A_723 = tpu.vector_load %arg8[%get3A_721, %get3A_722] {strides = array<i32>} : memref<32x128xi32, #tpu.memory_space<vmem>>, vector<1x16xi32>,
        %get3A_724 = vector.shape_cast %get3A_723 : vector<1x16xi32> to vector<16xi32>
        %mul3A_725 = arith.constant 16 : i32
        %mul3A_726 = arith.muli %scan3A_718, %mul3A_725 : i32
        %get3A_727 = arith.constant 23 : i32
        %get3A_728 = arith.index_cast %get3A_727 : i32 to index
        %get3A_729 = arith.index_cast %mul3A_726 : i32 to index
        %get3A_730 = tpu.vector_load %arg9[%get3A_728, %get3A_729] {strides = array<i32>} : memref<32x128xi32, #tpu.memory_space<vmem>>, vector<1x16xi32>,
        %get3A_731 = vector.shape_cast %get3A_730 : vector<1x16xi32> to vector<16xi32>
        %ge3A = vector.broadcast %add3A_110 : i32 to vector<16xi32>
        %ge3A_732 = arith.cmpi sge, %get3A_724, %ge3A : vector<16xi32>
        %add3A_733 = arith.constant 256 : i32
        %add3A_734 = arith.addi %add3A_110, %add3A_733 : i32
        %lt3A = vector.broadcast %add3A_734 : i32 to vector<16xi32>
        %lt3A_735 = arith.cmpi slt, %get3A_724, %lt3A : vector<16xi32>
        %and3A = arith.andi %ge3A_732, %lt3A_735 : vector<16xi1>
        %sub3A = vector.broadcast %add3A_110 : i32 to vector<16xi32>
        %sub3A_736 = arith.subi %get3A_724, %sub3A : vector<16xi32>
        %mul3A_737 = arith.constant 4096 : i32
        %mul3A_738 = vector.broadcast %mul3A_737 : i32 to vector<16xi32>
        %mul3A_739 = arith.muli %sub3A_736, %mul3A_738 : vector<16xi32>
        %add3A_740 = arith.addi %mul3A_739, %get3A_731 : vector<16xi32>
        %jit3A = arith.constant 1048576 : i32
        %broadcast_in_dim3A_741 = vector.broadcast %jit3A : i32 to vector<16xi32>
        %select_n3A = arith.select %and3A, %add3A_740, %broadcast_in_dim3A_741 : vector<16xi1>, vector<16xi32>
        %mul3A_742 = arith.constant 16 : i32
        %mul3A_743 = arith.muli %scan3A_718, %mul3A_742 : i32
        %swap3A_744 = arith.constant 23 : i32
        %swap3A_745 = arith.index_cast %swap3A_744 : i32 to index
        %swap3A_746 = arith.index_cast %mul3A_743 : i32 to index
        %swap3A_747 = tpu.vector_load %arg10[%swap3A_745, %swap3A_746] {strides = array<i32>} : memref<32x128xi32, #tpu.memory_space<vmem>>, vector<1x16xi32>,
        %swap3A_748 = vector.shape_cast %swap3A_747 : vector<1x16xi32> to vector<16xi32>
        %swap3A_749 = vector.shape_cast %select_n3A : vector<16xi32> to vector<1x16xi32>
        tpu.vector_store %arg10[%swap3A_745, %swap3A_746], %swap3A_749 {strides = array<i32>} : memref<32x128xi32, #tpu.memory_space<vmem>>, vector<1x16xi32>,
      }
      %scan3A_403 = arith.constant 8 : i32
      %dma_start3A_404 = arith.constant 23 : i32
      %dma_start3A_405 = arith.constant 0 : i32
      %dma_start3A_406 = tpu.memref_slice %arg10[%dma_start3A_404, %dma_start3A_405] : memref<32x128xi32, #tpu.memory_space<vmem>> -> memref<1x128xi32, #tpu.memory_space<vmem>>
      %dma_start3A_407 = tpu.memref_squeeze %dma_start3A_406 : memref<1x128xi32, #tpu.memory_space<vmem>> -> memref<128xi32, #tpu.memory_space<vmem>>
      %dma_start3A_408 = arith.constant 0 : i32
      %dma_start3A_409 = tpu.memref_slice %arg15[%dma_start3A_408] : memref<1048584xf32, #tpu.memory_space<vmem_shared>> -> memref<1048584xf32, #tpu.memory_space<vmem_shared>>
      tpu.enqueue_indirect_dma source(%arg11 : memref<128xf32, #tpu.memory_space<vmem>>) target(%dma_start3A_409 : memref<1048584xf32, #tpu.memory_space<vmem_shared>>) offsets(%dma_start3A_407 : memref<128xi32, #tpu.memory_space<vmem>>) semaphore(%arg16 : memref<!tpu.dma_semaphore, #tpu.memory_space<semaphore_mem>>)
      %scan3A_410 = arith.constant 0 : i32
      %scan3A_411 = arith.constant 0 : i32
      %scan3A_412 = arith.constant 8 : i32
      %scan3A_413 = arith.addi %scan3A_411, %scan3A_412 : i32
      %scan3A_414 = arith.constant 1 : i32
      scf.for %scan3A_718 = %scan3A_411 to %scan3A_413 step %scan3A_414  : i32 {
        %mul3A_719 = arith.constant 16 : i32
        %mul3A_720 = arith.muli %scan3A_718, %mul3A_719 : i32
        %get3A = arith.constant 24 : i32
        %get3A_721 = arith.index_cast %get3A : i32 to index
        %get3A_722 = arith.index_cast %mul3A_720 : i32 to index
        %get3A_723 = tpu.vector_load %arg8[%get3A_721, %get3A_722] {strides = array<i32>} : memref<32x128xi32, #tpu.memory_space<vmem>>, vector<1x16xi32>,
        %get3A_724 = vector.shape_cast %get3A_723 : vector<1x16xi32> to vector<16xi32>
        %mul3A_725 = arith.constant 16 : i32
        %mul3A_726 = arith.muli %scan3A_718, %mul3A_725 : i32
        %get3A_727 = arith.constant 24 : i32
        %get3A_728 = arith.index_cast %get3A_727 : i32 to index
        %get3A_729 = arith.index_cast %mul3A_726 : i32 to index
        %get3A_730 = tpu.vector_load %arg9[%get3A_728, %get3A_729] {strides = array<i32>} : memref<32x128xi32, #tpu.memory_space<vmem>>, vector<1x16xi32>,
        %get3A_731 = vector.shape_cast %get3A_730 : vector<1x16xi32> to vector<16xi32>
        %ge3A = vector.broadcast %add3A_110 : i32 to vector<16xi32>
        %ge3A_732 = arith.cmpi sge, %get3A_724, %ge3A : vector<16xi32>
        %add3A_733 = arith.constant 256 : i32
        %add3A_734 = arith.addi %add3A_110, %add3A_733 : i32
        %lt3A = vector.broadcast %add3A_734 : i32 to vector<16xi32>
        %lt3A_735 = arith.cmpi slt, %get3A_724, %lt3A : vector<16xi32>
        %and3A = arith.andi %ge3A_732, %lt3A_735 : vector<16xi1>
        %sub3A = vector.broadcast %add3A_110 : i32 to vector<16xi32>
        %sub3A_736 = arith.subi %get3A_724, %sub3A : vector<16xi32>
        %mul3A_737 = arith.constant 4096 : i32
        %mul3A_738 = vector.broadcast %mul3A_737 : i32 to vector<16xi32>
        %mul3A_739 = arith.muli %sub3A_736, %mul3A_738 : vector<16xi32>
        %add3A_740 = arith.addi %mul3A_739, %get3A_731 : vector<16xi32>
        %jit3A = arith.constant 1048576 : i32
        %broadcast_in_dim3A_741 = vector.broadcast %jit3A : i32 to vector<16xi32>
        %select_n3A = arith.select %and3A, %add3A_740, %broadcast_in_dim3A_741 : vector<16xi1>, vector<16xi32>
        %mul3A_742 = arith.constant 16 : i32
        %mul3A_743 = arith.muli %scan3A_718, %mul3A_742 : i32
        %swap3A_744 = arith.constant 24 : i32
        %swap3A_745 = arith.index_cast %swap3A_744 : i32 to index
        %swap3A_746 = arith.index_cast %mul3A_743 : i32 to index
        %swap3A_747 = tpu.vector_load %arg10[%swap3A_745, %swap3A_746] {strides = array<i32>} : memref<32x128xi32, #tpu.memory_space<vmem>>, vector<1x16xi32>,
        %swap3A_748 = vector.shape_cast %swap3A_747 : vector<1x16xi32> to vector<16xi32>
        %swap3A_749 = vector.shape_cast %select_n3A : vector<16xi32> to vector<1x16xi32>
        tpu.vector_store %arg10[%swap3A_745, %swap3A_746], %swap3A_749 {strides = array<i32>} : memref<32x128xi32, #tpu.memory_space<vmem>>, vector<1x16xi32>,
      }
      %scan3A_415 = arith.constant 8 : i32
      %dma_start3A_416 = arith.constant 24 : i32
      %dma_start3A_417 = arith.constant 0 : i32
      %dma_start3A_418 = tpu.memref_slice %arg10[%dma_start3A_416, %dma_start3A_417] : memref<32x128xi32, #tpu.memory_space<vmem>> -> memref<1x128xi32, #tpu.memory_space<vmem>>
      %dma_start3A_419 = tpu.memref_squeeze %dma_start3A_418 : memref<1x128xi32, #tpu.memory_space<vmem>> -> memref<128xi32, #tpu.memory_space<vmem>>
      %dma_start3A_420 = arith.constant 0 : i32
      %dma_start3A_421 = tpu.memref_slice %arg15[%dma_start3A_420] : memref<1048584xf32, #tpu.memory_space<vmem_shared>> -> memref<1048584xf32, #tpu.memory_space<vmem_shared>>
      tpu.enqueue_indirect_dma source(%arg11 : memref<128xf32, #tpu.memory_space<vmem>>) target(%dma_start3A_421 : memref<1048584xf32, #tpu.memory_space<vmem_shared>>) offsets(%dma_start3A_419 : memref<128xi32, #tpu.memory_space<vmem>>) semaphore(%arg16 : memref<!tpu.dma_semaphore, #tpu.memory_space<semaphore_mem>>)
      %scan3A_422 = arith.constant 0 : i32
      %scan3A_423 = arith.constant 0 : i32
      %scan3A_424 = arith.constant 8 : i32
      %scan3A_425 = arith.addi %scan3A_423, %scan3A_424 : i32
      %scan3A_426 = arith.constant 1 : i32
      scf.for %scan3A_718 = %scan3A_423 to %scan3A_425 step %scan3A_426  : i32 {
        %mul3A_719 = arith.constant 16 : i32
        %mul3A_720 = arith.muli %scan3A_718, %mul3A_719 : i32
        %get3A = arith.constant 25 : i32
        %get3A_721 = arith.index_cast %get3A : i32 to index
        %get3A_722 = arith.index_cast %mul3A_720 : i32 to index
        %get3A_723 = tpu.vector_load %arg8[%get3A_721, %get3A_722] {strides = array<i32>} : memref<32x128xi32, #tpu.memory_space<vmem>>, vector<1x16xi32>,
        %get3A_724 = vector.shape_cast %get3A_723 : vector<1x16xi32> to vector<16xi32>
        %mul3A_725 = arith.constant 16 : i32
        %mul3A_726 = arith.muli %scan3A_718, %mul3A_725 : i32
        %get3A_727 = arith.constant 25 : i32
        %get3A_728 = arith.index_cast %get3A_727 : i32 to index
        %get3A_729 = arith.index_cast %mul3A_726 : i32 to index
        %get3A_730 = tpu.vector_load %arg9[%get3A_728, %get3A_729] {strides = array<i32>} : memref<32x128xi32, #tpu.memory_space<vmem>>, vector<1x16xi32>,
        %get3A_731 = vector.shape_cast %get3A_730 : vector<1x16xi32> to vector<16xi32>
        %ge3A = vector.broadcast %add3A_110 : i32 to vector<16xi32>
        %ge3A_732 = arith.cmpi sge, %get3A_724, %ge3A : vector<16xi32>
        %add3A_733 = arith.constant 256 : i32
        %add3A_734 = arith.addi %add3A_110, %add3A_733 : i32
        %lt3A = vector.broadcast %add3A_734 : i32 to vector<16xi32>
        %lt3A_735 = arith.cmpi slt, %get3A_724, %lt3A : vector<16xi32>
        %and3A = arith.andi %ge3A_732, %lt3A_735 : vector<16xi1>
        %sub3A = vector.broadcast %add3A_110 : i32 to vector<16xi32>
        %sub3A_736 = arith.subi %get3A_724, %sub3A : vector<16xi32>
        %mul3A_737 = arith.constant 4096 : i32
        %mul3A_738 = vector.broadcast %mul3A_737 : i32 to vector<16xi32>
        %mul3A_739 = arith.muli %sub3A_736, %mul3A_738 : vector<16xi32>
        %add3A_740 = arith.addi %mul3A_739, %get3A_731 : vector<16xi32>
        %jit3A = arith.constant 1048576 : i32
        %broadcast_in_dim3A_741 = vector.broadcast %jit3A : i32 to vector<16xi32>
        %select_n3A = arith.select %and3A, %add3A_740, %broadcast_in_dim3A_741 : vector<16xi1>, vector<16xi32>
        %mul3A_742 = arith.constant 16 : i32
        %mul3A_743 = arith.muli %scan3A_718, %mul3A_742 : i32
        %swap3A_744 = arith.constant 25 : i32
        %swap3A_745 = arith.index_cast %swap3A_744 : i32 to index
        %swap3A_746 = arith.index_cast %mul3A_743 : i32 to index
        %swap3A_747 = tpu.vector_load %arg10[%swap3A_745, %swap3A_746] {strides = array<i32>} : memref<32x128xi32, #tpu.memory_space<vmem>>, vector<1x16xi32>,
        %swap3A_748 = vector.shape_cast %swap3A_747 : vector<1x16xi32> to vector<16xi32>
        %swap3A_749 = vector.shape_cast %select_n3A : vector<16xi32> to vector<1x16xi32>
        tpu.vector_store %arg10[%swap3A_745, %swap3A_746], %swap3A_749 {strides = array<i32>} : memref<32x128xi32, #tpu.memory_space<vmem>>, vector<1x16xi32>,
      }
      %scan3A_427 = arith.constant 8 : i32
      %dma_start3A_428 = arith.constant 25 : i32
      %dma_start3A_429 = arith.constant 0 : i32
      %dma_start3A_430 = tpu.memref_slice %arg10[%dma_start3A_428, %dma_start3A_429] : memref<32x128xi32, #tpu.memory_space<vmem>> -> memref<1x128xi32, #tpu.memory_space<vmem>>
      %dma_start3A_431 = tpu.memref_squeeze %dma_start3A_430 : memref<1x128xi32, #tpu.memory_space<vmem>> -> memref<128xi32, #tpu.memory_space<vmem>>
      %dma_start3A_432 = arith.constant 0 : i32
      %dma_start3A_433 = tpu.memref_slice %arg15[%dma_start3A_432] : memref<1048584xf32, #tpu.memory_space<vmem_shared>> -> memref<1048584xf32, #tpu.memory_space<vmem_shared>>
      tpu.enqueue_indirect_dma source(%arg11 : memref<128xf32, #tpu.memory_space<vmem>>) target(%dma_start3A_433 : memref<1048584xf32, #tpu.memory_space<vmem_shared>>) offsets(%dma_start3A_431 : memref<128xi32, #tpu.memory_space<vmem>>) semaphore(%arg16 : memref<!tpu.dma_semaphore, #tpu.memory_space<semaphore_mem>>)
      %scan3A_434 = arith.constant 0 : i32
      %scan3A_435 = arith.constant 0 : i32
      %scan3A_436 = arith.constant 8 : i32
      %scan3A_437 = arith.addi %scan3A_435, %scan3A_436 : i32
      %scan3A_438 = arith.constant 1 : i32
      scf.for %scan3A_718 = %scan3A_435 to %scan3A_437 step %scan3A_438  : i32 {
        %mul3A_719 = arith.constant 16 : i32
        %mul3A_720 = arith.muli %scan3A_718, %mul3A_719 : i32
        %get3A = arith.constant 26 : i32
        %get3A_721 = arith.index_cast %get3A : i32 to index
        %get3A_722 = arith.index_cast %mul3A_720 : i32 to index
        %get3A_723 = tpu.vector_load %arg8[%get3A_721, %get3A_722] {strides = array<i32>} : memref<32x128xi32, #tpu.memory_space<vmem>>, vector<1x16xi32>,
        %get3A_724 = vector.shape_cast %get3A_723 : vector<1x16xi32> to vector<16xi32>
        %mul3A_725 = arith.constant 16 : i32
        %mul3A_726 = arith.muli %scan3A_718, %mul3A_725 : i32
        %get3A_727 = arith.constant 26 : i32
        %get3A_728 = arith.index_cast %get3A_727 : i32 to index
        %get3A_729 = arith.index_cast %mul3A_726 : i32 to index
        %get3A_730 = tpu.vector_load %arg9[%get3A_728, %get3A_729] {strides = array<i32>} : memref<32x128xi32, #tpu.memory_space<vmem>>, vector<1x16xi32>,
        %get3A_731 = vector.shape_cast %get3A_730 : vector<1x16xi32> to vector<16xi32>
        %ge3A = vector.broadcast %add3A_110 : i32 to vector<16xi32>
        %ge3A_732 = arith.cmpi sge, %get3A_724, %ge3A : vector<16xi32>
        %add3A_733 = arith.constant 256 : i32
        %add3A_734 = arith.addi %add3A_110, %add3A_733 : i32
        %lt3A = vector.broadcast %add3A_734 : i32 to vector<16xi32>
        %lt3A_735 = arith.cmpi slt, %get3A_724, %lt3A : vector<16xi32>
        %and3A = arith.andi %ge3A_732, %lt3A_735 : vector<16xi1>
        %sub3A = vector.broadcast %add3A_110 : i32 to vector<16xi32>
        %sub3A_736 = arith.subi %get3A_724, %sub3A : vector<16xi32>
        %mul3A_737 = arith.constant 4096 : i32
        %mul3A_738 = vector.broadcast %mul3A_737 : i32 to vector<16xi32>
        %mul3A_739 = arith.muli %sub3A_736, %mul3A_738 : vector<16xi32>
        %add3A_740 = arith.addi %mul3A_739, %get3A_731 : vector<16xi32>
        %jit3A = arith.constant 1048576 : i32
        %broadcast_in_dim3A_741 = vector.broadcast %jit3A : i32 to vector<16xi32>
        %select_n3A = arith.select %and3A, %add3A_740, %broadcast_in_dim3A_741 : vector<16xi1>, vector<16xi32>
        %mul3A_742 = arith.constant 16 : i32
        %mul3A_743 = arith.muli %scan3A_718, %mul3A_742 : i32
        %swap3A_744 = arith.constant 26 : i32
        %swap3A_745 = arith.index_cast %swap3A_744 : i32 to index
        %swap3A_746 = arith.index_cast %mul3A_743 : i32 to index
        %swap3A_747 = tpu.vector_load %arg10[%swap3A_745, %swap3A_746] {strides = array<i32>} : memref<32x128xi32, #tpu.memory_space<vmem>>, vector<1x16xi32>,
        %swap3A_748 = vector.shape_cast %swap3A_747 : vector<1x16xi32> to vector<16xi32>
        %swap3A_749 = vector.shape_cast %select_n3A : vector<16xi32> to vector<1x16xi32>
        tpu.vector_store %arg10[%swap3A_745, %swap3A_746], %swap3A_749 {strides = array<i32>} : memref<32x128xi32, #tpu.memory_space<vmem>>, vector<1x16xi32>,
      }
      %scan3A_439 = arith.constant 8 : i32
      %dma_start3A_440 = arith.constant 26 : i32
      %dma_start3A_441 = arith.constant 0 : i32
      %dma_start3A_442 = tpu.memref_slice %arg10[%dma_start3A_440, %dma_start3A_441] : memref<32x128xi32, #tpu.memory_space<vmem>> -> memref<1x128xi32, #tpu.memory_space<vmem>>
      %dma_start3A_443 = tpu.memref_squeeze %dma_start3A_442 : memref<1x128xi32, #tpu.memory_space<vmem>> -> memref<128xi32, #tpu.memory_space<vmem>>
      %dma_start3A_444 = arith.constant 0 : i32
      %dma_start3A_445 = tpu.memref_slice %arg15[%dma_start3A_444] : memref<1048584xf32, #tpu.memory_space<vmem_shared>> -> memref<1048584xf32, #tpu.memory_space<vmem_shared>>
      tpu.enqueue_indirect_dma source(%arg11 : memref<128xf32, #tpu.memory_space<vmem>>) target(%dma_start3A_445 : memref<1048584xf32, #tpu.memory_space<vmem_shared>>) offsets(%dma_start3A_443 : memref<128xi32, #tpu.memory_space<vmem>>) semaphore(%arg16 : memref<!tpu.dma_semaphore, #tpu.memory_space<semaphore_mem>>)
      %scan3A_446 = arith.constant 0 : i32
      %scan3A_447 = arith.constant 0 : i32
      %scan3A_448 = arith.constant 8 : i32
      %scan3A_449 = arith.addi %scan3A_447, %scan3A_448 : i32
      %scan3A_450 = arith.constant 1 : i32
      scf.for %scan3A_718 = %scan3A_447 to %scan3A_449 step %scan3A_450  : i32 {
        %mul3A_719 = arith.constant 16 : i32
        %mul3A_720 = arith.muli %scan3A_718, %mul3A_719 : i32
        %get3A = arith.constant 27 : i32
        %get3A_721 = arith.index_cast %get3A : i32 to index
        %get3A_722 = arith.index_cast %mul3A_720 : i32 to index
        %get3A_723 = tpu.vector_load %arg8[%get3A_721, %get3A_722] {strides = array<i32>} : memref<32x128xi32, #tpu.memory_space<vmem>>, vector<1x16xi32>,
        %get3A_724 = vector.shape_cast %get3A_723 : vector<1x16xi32> to vector<16xi32>
        %mul3A_725 = arith.constant 16 : i32
        %mul3A_726 = arith.muli %scan3A_718, %mul3A_725 : i32
        %get3A_727 = arith.constant 27 : i32
        %get3A_728 = arith.index_cast %get3A_727 : i32 to index
        %get3A_729 = arith.index_cast %mul3A_726 : i32 to index
        %get3A_730 = tpu.vector_load %arg9[%get3A_728, %get3A_729] {strides = array<i32>} : memref<32x128xi32, #tpu.memory_space<vmem>>, vector<1x16xi32>,
        %get3A_731 = vector.shape_cast %get3A_730 : vector<1x16xi32> to vector<16xi32>
        %ge3A = vector.broadcast %add3A_110 : i32 to vector<16xi32>
        %ge3A_732 = arith.cmpi sge, %get3A_724, %ge3A : vector<16xi32>
        %add3A_733 = arith.constant 256 : i32
        %add3A_734 = arith.addi %add3A_110, %add3A_733 : i32
        %lt3A = vector.broadcast %add3A_734 : i32 to vector<16xi32>
        %lt3A_735 = arith.cmpi slt, %get3A_724, %lt3A : vector<16xi32>
        %and3A = arith.andi %ge3A_732, %lt3A_735 : vector<16xi1>
        %sub3A = vector.broadcast %add3A_110 : i32 to vector<16xi32>
        %sub3A_736 = arith.subi %get3A_724, %sub3A : vector<16xi32>
        %mul3A_737 = arith.constant 4096 : i32
        %mul3A_738 = vector.broadcast %mul3A_737 : i32 to vector<16xi32>
        %mul3A_739 = arith.muli %sub3A_736, %mul3A_738 : vector<16xi32>
        %add3A_740 = arith.addi %mul3A_739, %get3A_731 : vector<16xi32>
        %jit3A = arith.constant 1048576 : i32
        %broadcast_in_dim3A_741 = vector.broadcast %jit3A : i32 to vector<16xi32>
        %select_n3A = arith.select %and3A, %add3A_740, %broadcast_in_dim3A_741 : vector<16xi1>, vector<16xi32>
        %mul3A_742 = arith.constant 16 : i32
        %mul3A_743 = arith.muli %scan3A_718, %mul3A_742 : i32
        %swap3A_744 = arith.constant 27 : i32
        %swap3A_745 = arith.index_cast %swap3A_744 : i32 to index
        %swap3A_746 = arith.index_cast %mul3A_743 : i32 to index
        %swap3A_747 = tpu.vector_load %arg10[%swap3A_745, %swap3A_746] {strides = array<i32>} : memref<32x128xi32, #tpu.memory_space<vmem>>, vector<1x16xi32>,
        %swap3A_748 = vector.shape_cast %swap3A_747 : vector<1x16xi32> to vector<16xi32>
        %swap3A_749 = vector.shape_cast %select_n3A : vector<16xi32> to vector<1x16xi32>
        tpu.vector_store %arg10[%swap3A_745, %swap3A_746], %swap3A_749 {strides = array<i32>} : memref<32x128xi32, #tpu.memory_space<vmem>>, vector<1x16xi32>,
      }
      %scan3A_451 = arith.constant 8 : i32
      %dma_start3A_452 = arith.constant 27 : i32
      %dma_start3A_453 = arith.constant 0 : i32
      %dma_start3A_454 = tpu.memref_slice %arg10[%dma_start3A_452, %dma_start3A_453] : memref<32x128xi32, #tpu.memory_space<vmem>> -> memref<1x128xi32, #tpu.memory_space<vmem>>
      %dma_start3A_455 = tpu.memref_squeeze %dma_start3A_454 : memref<1x128xi32, #tpu.memory_space<vmem>> -> memref<128xi32, #tpu.memory_space<vmem>>
      %dma_start3A_456 = arith.constant 0 : i32
      %dma_start3A_457 = tpu.memref_slice %arg15[%dma_start3A_456] : memref<1048584xf32, #tpu.memory_space<vmem_shared>> -> memref<1048584xf32, #tpu.memory_space<vmem_shared>>
      tpu.enqueue_indirect_dma source(%arg11 : memref<128xf32, #tpu.memory_space<vmem>>) target(%dma_start3A_457 : memref<1048584xf32, #tpu.memory_space<vmem_shared>>) offsets(%dma_start3A_455 : memref<128xi32, #tpu.memory_space<vmem>>) semaphore(%arg16 : memref<!tpu.dma_semaphore, #tpu.memory_space<semaphore_mem>>)
      %scan3A_458 = arith.constant 0 : i32
      %scan3A_459 = arith.constant 0 : i32
      %scan3A_460 = arith.constant 8 : i32
      %scan3A_461 = arith.addi %scan3A_459, %scan3A_460 : i32
      %scan3A_462 = arith.constant 1 : i32
      scf.for %scan3A_718 = %scan3A_459 to %scan3A_461 step %scan3A_462  : i32 {
        %mul3A_719 = arith.constant 16 : i32
        %mul3A_720 = arith.muli %scan3A_718, %mul3A_719 : i32
        %get3A = arith.constant 28 : i32
        %get3A_721 = arith.index_cast %get3A : i32 to index
        %get3A_722 = arith.index_cast %mul3A_720 : i32 to index
        %get3A_723 = tpu.vector_load %arg8[%get3A_721, %get3A_722] {strides = array<i32>} : memref<32x128xi32, #tpu.memory_space<vmem>>, vector<1x16xi32>,
        %get3A_724 = vector.shape_cast %get3A_723 : vector<1x16xi32> to vector<16xi32>
        %mul3A_725 = arith.constant 16 : i32
        %mul3A_726 = arith.muli %scan3A_718, %mul3A_725 : i32
        %get3A_727 = arith.constant 28 : i32
        %get3A_728 = arith.index_cast %get3A_727 : i32 to index
        %get3A_729 = arith.index_cast %mul3A_726 : i32 to index
        %get3A_730 = tpu.vector_load %arg9[%get3A_728, %get3A_729] {strides = array<i32>} : memref<32x128xi32, #tpu.memory_space<vmem>>, vector<1x16xi32>,
        %get3A_731 = vector.shape_cast %get3A_730 : vector<1x16xi32> to vector<16xi32>
        %ge3A = vector.broadcast %add3A_110 : i32 to vector<16xi32>
        %ge3A_732 = arith.cmpi sge, %get3A_724, %ge3A : vector<16xi32>
        %add3A_733 = arith.constant 256 : i32
        %add3A_734 = arith.addi %add3A_110, %add3A_733 : i32
        %lt3A = vector.broadcast %add3A_734 : i32 to vector<16xi32>
        %lt3A_735 = arith.cmpi slt, %get3A_724, %lt3A : vector<16xi32>
        %and3A = arith.andi %ge3A_732, %lt3A_735 : vector<16xi1>
        %sub3A = vector.broadcast %add3A_110 : i32 to vector<16xi32>
        %sub3A_736 = arith.subi %get3A_724, %sub3A : vector<16xi32>
        %mul3A_737 = arith.constant 4096 : i32
        %mul3A_738 = vector.broadcast %mul3A_737 : i32 to vector<16xi32>
        %mul3A_739 = arith.muli %sub3A_736, %mul3A_738 : vector<16xi32>
        %add3A_740 = arith.addi %mul3A_739, %get3A_731 : vector<16xi32>
        %jit3A = arith.constant 1048576 : i32
        %broadcast_in_dim3A_741 = vector.broadcast %jit3A : i32 to vector<16xi32>
        %select_n3A = arith.select %and3A, %add3A_740, %broadcast_in_dim3A_741 : vector<16xi1>, vector<16xi32>
        %mul3A_742 = arith.constant 16 : i32
        %mul3A_743 = arith.muli %scan3A_718, %mul3A_742 : i32
        %swap3A_744 = arith.constant 28 : i32
        %swap3A_745 = arith.index_cast %swap3A_744 : i32 to index
        %swap3A_746 = arith.index_cast %mul3A_743 : i32 to index
        %swap3A_747 = tpu.vector_load %arg10[%swap3A_745, %swap3A_746] {strides = array<i32>} : memref<32x128xi32, #tpu.memory_space<vmem>>, vector<1x16xi32>,
        %swap3A_748 = vector.shape_cast %swap3A_747 : vector<1x16xi32> to vector<16xi32>
        %swap3A_749 = vector.shape_cast %select_n3A : vector<16xi32> to vector<1x16xi32>
        tpu.vector_store %arg10[%swap3A_745, %swap3A_746], %swap3A_749 {strides = array<i32>} : memref<32x128xi32, #tpu.memory_space<vmem>>, vector<1x16xi32>,
      }
      %scan3A_463 = arith.constant 8 : i32
      %dma_start3A_464 = arith.constant 28 : i32
      %dma_start3A_465 = arith.constant 0 : i32
      %dma_start3A_466 = tpu.memref_slice %arg10[%dma_start3A_464, %dma_start3A_465] : memref<32x128xi32, #tpu.memory_space<vmem>> -> memref<1x128xi32, #tpu.memory_space<vmem>>
      %dma_start3A_467 = tpu.memref_squeeze %dma_start3A_466 : memref<1x128xi32, #tpu.memory_space<vmem>> -> memref<128xi32, #tpu.memory_space<vmem>>
      %dma_start3A_468 = arith.constant 0 : i32
      %dma_start3A_469 = tpu.memref_slice %arg15[%dma_start3A_468] : memref<1048584xf32, #tpu.memory_space<vmem_shared>> -> memref<1048584xf32, #tpu.memory_space<vmem_shared>>
      tpu.enqueue_indirect_dma source(%arg11 : memref<128xf32, #tpu.memory_space<vmem>>) target(%dma_start3A_469 : memref<1048584xf32, #tpu.memory_space<vmem_shared>>) offsets(%dma_start3A_467 : memref<128xi32, #tpu.memory_space<vmem>>) semaphore(%arg16 : memref<!tpu.dma_semaphore, #tpu.memory_space<semaphore_mem>>)
      %scan3A_470 = arith.constant 0 : i32
      %scan3A_471 = arith.constant 0 : i32
      %scan3A_472 = arith.constant 8 : i32
      %scan3A_473 = arith.addi %scan3A_471, %scan3A_472 : i32
      %scan3A_474 = arith.constant 1 : i32
      scf.for %scan3A_718 = %scan3A_471 to %scan3A_473 step %scan3A_474  : i32 {
        %mul3A_719 = arith.constant 16 : i32
        %mul3A_720 = arith.muli %scan3A_718, %mul3A_719 : i32
        %get3A = arith.constant 29 : i32
        %get3A_721 = arith.index_cast %get3A : i32 to index
        %get3A_722 = arith.index_cast %mul3A_720 : i32 to index
        %get3A_723 = tpu.vector_load %arg8[%get3A_721, %get3A_722] {strides = array<i32>} : memref<32x128xi32, #tpu.memory_space<vmem>>, vector<1x16xi32>,
        %get3A_724 = vector.shape_cast %get3A_723 : vector<1x16xi32> to vector<16xi32>
        %mul3A_725 = arith.constant 16 : i32
        %mul3A_726 = arith.muli %scan3A_718, %mul3A_725 : i32
        %get3A_727 = arith.constant 29 : i32
        %get3A_728 = arith.index_cast %get3A_727 : i32 to index
        %get3A_729 = arith.index_cast %mul3A_726 : i32 to index
        %get3A_730 = tpu.vector_load %arg9[%get3A_728, %get3A_729] {strides = array<i32>} : memref<32x128xi32, #tpu.memory_space<vmem>>, vector<1x16xi32>,
        %get3A_731 = vector.shape_cast %get3A_730 : vector<1x16xi32> to vector<16xi32>
        %ge3A = vector.broadcast %add3A_110 : i32 to vector<16xi32>
        %ge3A_732 = arith.cmpi sge, %get3A_724, %ge3A : vector<16xi32>
        %add3A_733 = arith.constant 256 : i32
        %add3A_734 = arith.addi %add3A_110, %add3A_733 : i32
        %lt3A = vector.broadcast %add3A_734 : i32 to vector<16xi32>
        %lt3A_735 = arith.cmpi slt, %get3A_724, %lt3A : vector<16xi32>
        %and3A = arith.andi %ge3A_732, %lt3A_735 : vector<16xi1>
        %sub3A = vector.broadcast %add3A_110 : i32 to vector<16xi32>
        %sub3A_736 = arith.subi %get3A_724, %sub3A : vector<16xi32>
        %mul3A_737 = arith.constant 4096 : i32
        %mul3A_738 = vector.broadcast %mul3A_737 : i32 to vector<16xi32>
        %mul3A_739 = arith.muli %sub3A_736, %mul3A_738 : vector<16xi32>
        %add3A_740 = arith.addi %mul3A_739, %get3A_731 : vector<16xi32>
        %jit3A = arith.constant 1048576 : i32
        %broadcast_in_dim3A_741 = vector.broadcast %jit3A : i32 to vector<16xi32>
        %select_n3A = arith.select %and3A, %add3A_740, %broadcast_in_dim3A_741 : vector<16xi1>, vector<16xi32>
        %mul3A_742 = arith.constant 16 : i32
        %mul3A_743 = arith.muli %scan3A_718, %mul3A_742 : i32
        %swap3A_744 = arith.constant 29 : i32
        %swap3A_745 = arith.index_cast %swap3A_744 : i32 to index
        %swap3A_746 = arith.index_cast %mul3A_743 : i32 to index
        %swap3A_747 = tpu.vector_load %arg10[%swap3A_745, %swap3A_746] {strides = array<i32>} : memref<32x128xi32, #tpu.memory_space<vmem>>, vector<1x16xi32>,
        %swap3A_748 = vector.shape_cast %swap3A_747 : vector<1x16xi32> to vector<16xi32>
        %swap3A_749 = vector.shape_cast %select_n3A : vector<16xi32> to vector<1x16xi32>
        tpu.vector_store %arg10[%swap3A_745, %swap3A_746], %swap3A_749 {strides = array<i32>} : memref<32x128xi32, #tpu.memory_space<vmem>>, vector<1x16xi32>,
      }
      %scan3A_475 = arith.constant 8 : i32
      %dma_start3A_476 = arith.constant 29 : i32
      %dma_start3A_477 = arith.constant 0 : i32
      %dma_start3A_478 = tpu.memref_slice %arg10[%dma_start3A_476, %dma_start3A_477] : memref<32x128xi32, #tpu.memory_space<vmem>> -> memref<1x128xi32, #tpu.memory_space<vmem>>
      %dma_start3A_479 = tpu.memref_squeeze %dma_start3A_478 : memref<1x128xi32, #tpu.memory_space<vmem>> -> memref<128xi32, #tpu.memory_space<vmem>>
      %dma_start3A_480 = arith.constant 0 : i32
      %dma_start3A_481 = tpu.memref_slice %arg15[%dma_start3A_480] : memref<1048584xf32, #tpu.memory_space<vmem_shared>> -> memref<1048584xf32, #tpu.memory_space<vmem_shared>>
      tpu.enqueue_indirect_dma source(%arg11 : memref<128xf32, #tpu.memory_space<vmem>>) target(%dma_start3A_481 : memref<1048584xf32, #tpu.memory_space<vmem_shared>>) offsets(%dma_start3A_479 : memref<128xi32, #tpu.memory_space<vmem>>) semaphore(%arg16 : memref<!tpu.dma_semaphore, #tpu.memory_space<semaphore_mem>>)
      %scan3A_482 = arith.constant 0 : i32
      %scan3A_483 = arith.constant 0 : i32
      %scan3A_484 = arith.constant 8 : i32
      %scan3A_485 = arith.addi %scan3A_483, %scan3A_484 : i32
      %scan3A_486 = arith.constant 1 : i32
      scf.for %scan3A_718 = %scan3A_483 to %scan3A_485 step %scan3A_486  : i32 {
        %mul3A_719 = arith.constant 16 : i32
        %mul3A_720 = arith.muli %scan3A_718, %mul3A_719 : i32
        %get3A = arith.constant 30 : i32
        %get3A_721 = arith.index_cast %get3A : i32 to index
        %get3A_722 = arith.index_cast %mul3A_720 : i32 to index
        %get3A_723 = tpu.vector_load %arg8[%get3A_721, %get3A_722] {strides = array<i32>} : memref<32x128xi32, #tpu.memory_space<vmem>>, vector<1x16xi32>,
        %get3A_724 = vector.shape_cast %get3A_723 : vector<1x16xi32> to vector<16xi32>
        %mul3A_725 = arith.constant 16 : i32
        %mul3A_726 = arith.muli %scan3A_718, %mul3A_725 : i32
        %get3A_727 = arith.constant 30 : i32
        %get3A_728 = arith.index_cast %get3A_727 : i32 to index
        %get3A_729 = arith.index_cast %mul3A_726 : i32 to index
        %get3A_730 = tpu.vector_load %arg9[%get3A_728, %get3A_729] {strides = array<i32>} : memref<32x128xi32, #tpu.memory_space<vmem>>, vector<1x16xi32>,
        %get3A_731 = vector.shape_cast %get3A_730 : vector<1x16xi32> to vector<16xi32>
        %ge3A = vector.broadcast %add3A_110 : i32 to vector<16xi32>
        %ge3A_732 = arith.cmpi sge, %get3A_724, %ge3A : vector<16xi32>
        %add3A_733 = arith.constant 256 : i32
        %add3A_734 = arith.addi %add3A_110, %add3A_733 : i32
        %lt3A = vector.broadcast %add3A_734 : i32 to vector<16xi32>
        %lt3A_735 = arith.cmpi slt, %get3A_724, %lt3A : vector<16xi32>
        %and3A = arith.andi %ge3A_732, %lt3A_735 : vector<16xi1>
        %sub3A = vector.broadcast %add3A_110 : i32 to vector<16xi32>
        %sub3A_736 = arith.subi %get3A_724, %sub3A : vector<16xi32>
        %mul3A_737 = arith.constant 4096 : i32
        %mul3A_738 = vector.broadcast %mul3A_737 : i32 to vector<16xi32>
        %mul3A_739 = arith.muli %sub3A_736, %mul3A_738 : vector<16xi32>
        %add3A_740 = arith.addi %mul3A_739, %get3A_731 : vector<16xi32>
        %jit3A = arith.constant 1048576 : i32
        %broadcast_in_dim3A_741 = vector.broadcast %jit3A : i32 to vector<16xi32>
        %select_n3A = arith.select %and3A, %add3A_740, %broadcast_in_dim3A_741 : vector<16xi1>, vector<16xi32>
        %mul3A_742 = arith.constant 16 : i32
        %mul3A_743 = arith.muli %scan3A_718, %mul3A_742 : i32
        %swap3A_744 = arith.constant 30 : i32
        %swap3A_745 = arith.index_cast %swap3A_744 : i32 to index
        %swap3A_746 = arith.index_cast %mul3A_743 : i32 to index
        %swap3A_747 = tpu.vector_load %arg10[%swap3A_745, %swap3A_746] {strides = array<i32>} : memref<32x128xi32, #tpu.memory_space<vmem>>, vector<1x16xi32>,
        %swap3A_748 = vector.shape_cast %swap3A_747 : vector<1x16xi32> to vector<16xi32>
        %swap3A_749 = vector.shape_cast %select_n3A : vector<16xi32> to vector<1x16xi32>
        tpu.vector_store %arg10[%swap3A_745, %swap3A_746], %swap3A_749 {strides = array<i32>} : memref<32x128xi32, #tpu.memory_space<vmem>>, vector<1x16xi32>,
      }
      %scan3A_487 = arith.constant 8 : i32
      %dma_start3A_488 = arith.constant 30 : i32
      %dma_start3A_489 = arith.constant 0 : i32
      %dma_start3A_490 = tpu.memref_slice %arg10[%dma_start3A_488, %dma_start3A_489] : memref<32x128xi32, #tpu.memory_space<vmem>> -> memref<1x128xi32, #tpu.memory_space<vmem>>
      %dma_start3A_491 = tpu.memref_squeeze %dma_start3A_490 : memref<1x128xi32, #tpu.memory_space<vmem>> -> memref<128xi32, #tpu.memory_space<vmem>>
      %dma_start3A_492 = arith.constant 0 : i32
      %dma_start3A_493 = tpu.memref_slice %arg15[%dma_start3A_492] : memref<1048584xf32, #tpu.memory_space<vmem_shared>> -> memref<1048584xf32, #tpu.memory_space<vmem_shared>>
      tpu.enqueue_indirect_dma source(%arg11 : memref<128xf32, #tpu.memory_space<vmem>>) target(%dma_start3A_493 : memref<1048584xf32, #tpu.memory_space<vmem_shared>>) offsets(%dma_start3A_491 : memref<128xi32, #tpu.memory_space<vmem>>) semaphore(%arg16 : memref<!tpu.dma_semaphore, #tpu.memory_space<semaphore_mem>>)
      %scan3A_494 = arith.constant 0 : i32
      %scan3A_495 = arith.constant 0 : i32
      %scan3A_496 = arith.constant 8 : i32
      %scan3A_497 = arith.addi %scan3A_495, %scan3A_496 : i32
      %scan3A_498 = arith.constant 1 : i32
      scf.for %scan3A_718 = %scan3A_495 to %scan3A_497 step %scan3A_498  : i32 {
        %mul3A_719 = arith.constant 16 : i32
        %mul3A_720 = arith.muli %scan3A_718, %mul3A_719 : i32
        %get3A = arith.constant 31 : i32
        %get3A_721 = arith.index_cast %get3A : i32 to index
        %get3A_722 = arith.index_cast %mul3A_720 : i32 to index
        %get3A_723 = tpu.vector_load %arg8[%get3A_721, %get3A_722] {strides = array<i32>} : memref<32x128xi32, #tpu.memory_space<vmem>>, vector<1x16xi32>,
        %get3A_724 = vector.shape_cast %get3A_723 : vector<1x16xi32> to vector<16xi32>
        %mul3A_725 = arith.constant 16 : i32
        %mul3A_726 = arith.muli %scan3A_718, %mul3A_725 : i32
        %get3A_727 = arith.constant 31 : i32
        %get3A_728 = arith.index_cast %get3A_727 : i32 to index
        %get3A_729 = arith.index_cast %mul3A_726 : i32 to index
        %get3A_730 = tpu.vector_load %arg9[%get3A_728, %get3A_729] {strides = array<i32>} : memref<32x128xi32, #tpu.memory_space<vmem>>, vector<1x16xi32>,
        %get3A_731 = vector.shape_cast %get3A_730 : vector<1x16xi32> to vector<16xi32>
        %ge3A = vector.broadcast %add3A_110 : i32 to vector<16xi32>
        %ge3A_732 = arith.cmpi sge, %get3A_724, %ge3A : vector<16xi32>
        %add3A_733 = arith.constant 256 : i32
        %add3A_734 = arith.addi %add3A_110, %add3A_733 : i32
        %lt3A = vector.broadcast %add3A_734 : i32 to vector<16xi32>
        %lt3A_735 = arith.cmpi slt, %get3A_724, %lt3A : vector<16xi32>
        %and3A = arith.andi %ge3A_732, %lt3A_735 : vector<16xi1>
        %sub3A = vector.broadcast %add3A_110 : i32 to vector<16xi32>
        %sub3A_736 = arith.subi %get3A_724, %sub3A : vector<16xi32>
        %mul3A_737 = arith.constant 4096 : i32
        %mul3A_738 = vector.broadcast %mul3A_737 : i32 to vector<16xi32>
        %mul3A_739 = arith.muli %sub3A_736, %mul3A_738 : vector<16xi32>
        %add3A_740 = arith.addi %mul3A_739, %get3A_731 : vector<16xi32>
        %jit3A = arith.constant 1048576 : i32
        %broadcast_in_dim3A_741 = vector.broadcast %jit3A : i32 to vector<16xi32>
        %select_n3A = arith.select %and3A, %add3A_740, %broadcast_in_dim3A_741 : vector<16xi1>, vector<16xi32>
        %mul3A_742 = arith.constant 16 : i32
        %mul3A_743 = arith.muli %scan3A_718, %mul3A_742 : i32
        %swap3A_744 = arith.constant 31 : i32
        %swap3A_745 = arith.index_cast %swap3A_744 : i32 to index
        %swap3A_746 = arith.index_cast %mul3A_743 : i32 to index
        %swap3A_747 = tpu.vector_load %arg10[%swap3A_745, %swap3A_746] {strides = array<i32>} : memref<32x128xi32, #tpu.memory_space<vmem>>, vector<1x16xi32>,
        %swap3A_748 = vector.shape_cast %swap3A_747 : vector<1x16xi32> to vector<16xi32>
        %swap3A_749 = vector.shape_cast %select_n3A : vector<16xi32> to vector<1x16xi32>
        tpu.vector_store %arg10[%swap3A_745, %swap3A_746], %swap3A_749 {strides = array<i32>} : memref<32x128xi32, #tpu.memory_space<vmem>>, vector<1x16xi32>,
      }
      %scan3A_499 = arith.constant 8 : i32
      %dma_start3A_500 = arith.constant 31 : i32
      %dma_start3A_501 = arith.constant 0 : i32
      %dma_start3A_502 = tpu.memref_slice %arg10[%dma_start3A_500, %dma_start3A_501] : memref<32x128xi32, #tpu.memory_space<vmem>> -> memref<1x128xi32, #tpu.memory_space<vmem>>
      %dma_start3A_503 = tpu.memref_squeeze %dma_start3A_502 : memref<1x128xi32, #tpu.memory_space<vmem>> -> memref<128xi32, #tpu.memory_space<vmem>>
      %dma_start3A_504 = arith.constant 0 : i32
      %dma_start3A_505 = tpu.memref_slice %arg15[%dma_start3A_504] : memref<1048584xf32, #tpu.memory_space<vmem_shared>> -> memref<1048584xf32, #tpu.memory_space<vmem_shared>>
      tpu.enqueue_indirect_dma source(%arg11 : memref<128xf32, #tpu.memory_space<vmem>>) target(%dma_start3A_505 : memref<1048584xf32, #tpu.memory_space<vmem_shared>>) offsets(%dma_start3A_503 : memref<128xi32, #tpu.memory_space<vmem>>) semaphore(%arg16 : memref<!tpu.dma_semaphore, #tpu.memory_space<semaphore_mem>>)
      %dma_wait3A_506 = arith.constant 0 : i32
      %dma_wait3A_507 = arith.constant 0 : i32
      %dma_wait3A_508 = tpu.memref_slice %arg10[%dma_wait3A_506, %dma_wait3A_507] : memref<32x128xi32, #tpu.memory_space<vmem>> -> memref<1x128xi32, #tpu.memory_space<vmem>>
      %dma_wait3A_509 = tpu.memref_squeeze %dma_wait3A_508 : memref<1x128xi32, #tpu.memory_space<vmem>> -> memref<128xi32, #tpu.memory_space<vmem>>
      %dma_wait3A_510 = arith.constant 0 : i32
      %dma_wait3A_511 = tpu.memref_slice %arg15[%dma_wait3A_510] : memref<1048584xf32, #tpu.memory_space<vmem_shared>> -> memref<1048584xf32, #tpu.memory_space<vmem_shared>>
      tpu.wait_indirect_dma semaphore(%arg16 : memref<!tpu.dma_semaphore, #tpu.memory_space<semaphore_mem>>) src(%arg11 : memref<128xf32, #tpu.memory_space<vmem>>) dst(%dma_wait3A_511 : memref<1048584xf32, #tpu.memory_space<vmem_shared>>)
      %dma_wait3A_512 = arith.constant 1 : i32
      %dma_wait3A_513 = arith.constant 0 : i32
      %dma_wait3A_514 = tpu.memref_slice %arg10[%dma_wait3A_512, %dma_wait3A_513] : memref<32x128xi32, #tpu.memory_space<vmem>> -> memref<1x128xi32, #tpu.memory_space<vmem>>
      %dma_wait3A_515 = tpu.memref_squeeze %dma_wait3A_514 : memref<1x128xi32, #tpu.memory_space<vmem>> -> memref<128xi32, #tpu.memory_space<vmem>>
      %dma_wait3A_516 = arith.constant 0 : i32
      %dma_wait3A_517 = tpu.memref_slice %arg15[%dma_wait3A_516] : memref<1048584xf32, #tpu.memory_space<vmem_shared>> -> memref<1048584xf32, #tpu.memory_space<vmem_shared>>
      tpu.wait_indirect_dma semaphore(%arg16 : memref<!tpu.dma_semaphore, #tpu.memory_space<semaphore_mem>>) src(%arg11 : memref<128xf32, #tpu.memory_space<vmem>>) dst(%dma_wait3A_517 : memref<1048584xf32, #tpu.memory_space<vmem_shared>>)
      %dma_wait3A_518 = arith.constant 2 : i32
      %dma_wait3A_519 = arith.constant 0 : i32
      %dma_wait3A_520 = tpu.memref_slice %arg10[%dma_wait3A_518, %dma_wait3A_519] : memref<32x128xi32, #tpu.memory_space<vmem>> -> memref<1x128xi32, #tpu.memory_space<vmem>>
      %dma_wait3A_521 = tpu.memref_squeeze %dma_wait3A_520 : memref<1x128xi32, #tpu.memory_space<vmem>> -> memref<128xi32, #tpu.memory_space<vmem>>
      %dma_wait3A_522 = arith.constant 0 : i32
      %dma_wait3A_523 = tpu.memref_slice %arg15[%dma_wait3A_522] : memref<1048584xf32, #tpu.memory_space<vmem_shared>> -> memref<1048584xf32, #tpu.memory_space<vmem_shared>>
      tpu.wait_indirect_dma semaphore(%arg16 : memref<!tpu.dma_semaphore, #tpu.memory_space<semaphore_mem>>) src(%arg11 : memref<128xf32, #tpu.memory_space<vmem>>) dst(%dma_wait3A_523 : memref<1048584xf32, #tpu.memory_space<vmem_shared>>)
      %dma_wait3A_524 = arith.constant 3 : i32
      %dma_wait3A_525 = arith.constant 0 : i32
      %dma_wait3A_526 = tpu.memref_slice %arg10[%dma_wait3A_524, %dma_wait3A_525] : memref<32x128xi32, #tpu.memory_space<vmem>> -> memref<1x128xi32, #tpu.memory_space<vmem>>
      %dma_wait3A_527 = tpu.memref_squeeze %dma_wait3A_526 : memref<1x128xi32, #tpu.memory_space<vmem>> -> memref<128xi32, #tpu.memory_space<vmem>>
      %dma_wait3A_528 = arith.constant 0 : i32
      %dma_wait3A_529 = tpu.memref_slice %arg15[%dma_wait3A_528] : memref<1048584xf32, #tpu.memory_space<vmem_shared>> -> memref<1048584xf32, #tpu.memory_space<vmem_shared>>
      tpu.wait_indirect_dma semaphore(%arg16 : memref<!tpu.dma_semaphore, #tpu.memory_space<semaphore_mem>>) src(%arg11 : memref<128xf32, #tpu.memory_space<vmem>>) dst(%dma_wait3A_529 : memref<1048584xf32, #tpu.memory_space<vmem_shared>>)
      %dma_wait3A_530 = arith.constant 4 : i32
      %dma_wait3A_531 = arith.constant 0 : i32
      %dma_wait3A_532 = tpu.memref_slice %arg10[%dma_wait3A_530, %dma_wait3A_531] : memref<32x128xi32, #tpu.memory_space<vmem>> -> memref<1x128xi32, #tpu.memory_space<vmem>>
      %dma_wait3A_533 = tpu.memref_squeeze %dma_wait3A_532 : memref<1x128xi32, #tpu.memory_space<vmem>> -> memref<128xi32, #tpu.memory_space<vmem>>
      %dma_wait3A_534 = arith.constant 0 : i32
      %dma_wait3A_535 = tpu.memref_slice %arg15[%dma_wait3A_534] : memref<1048584xf32, #tpu.memory_space<vmem_shared>> -> memref<1048584xf32, #tpu.memory_space<vmem_shared>>
      tpu.wait_indirect_dma semaphore(%arg16 : memref<!tpu.dma_semaphore, #tpu.memory_space<semaphore_mem>>) src(%arg11 : memref<128xf32, #tpu.memory_space<vmem>>) dst(%dma_wait3A_535 : memref<1048584xf32, #tpu.memory_space<vmem_shared>>)
      %dma_wait3A_536 = arith.constant 5 : i32
      %dma_wait3A_537 = arith.constant 0 : i32
      %dma_wait3A_538 = tpu.memref_slice %arg10[%dma_wait3A_536, %dma_wait3A_537] : memref<32x128xi32, #tpu.memory_space<vmem>> -> memref<1x128xi32, #tpu.memory_space<vmem>>
      %dma_wait3A_539 = tpu.memref_squeeze %dma_wait3A_538 : memref<1x128xi32, #tpu.memory_space<vmem>> -> memref<128xi32, #tpu.memory_space<vmem>>
      %dma_wait3A_540 = arith.constant 0 : i32
      %dma_wait3A_541 = tpu.memref_slice %arg15[%dma_wait3A_540] : memref<1048584xf32, #tpu.memory_space<vmem_shared>> -> memref<1048584xf32, #tpu.memory_space<vmem_shared>>
      tpu.wait_indirect_dma semaphore(%arg16 : memref<!tpu.dma_semaphore, #tpu.memory_space<semaphore_mem>>) src(%arg11 : memref<128xf32, #tpu.memory_space<vmem>>) dst(%dma_wait3A_541 : memref<1048584xf32, #tpu.memory_space<vmem_shared>>)
      %dma_wait3A_542 = arith.constant 6 : i32
      %dma_wait3A_543 = arith.constant 0 : i32
      %dma_wait3A_544 = tpu.memref_slice %arg10[%dma_wait3A_542, %dma_wait3A_543] : memref<32x128xi32, #tpu.memory_space<vmem>> -> memref<1x128xi32, #tpu.memory_space<vmem>>
      %dma_wait3A_545 = tpu.memref_squeeze %dma_wait3A_544 : memref<1x128xi32, #tpu.memory_space<vmem>> -> memref<128xi32, #tpu.memory_space<vmem>>
      %dma_wait3A_546 = arith.constant 0 : i32
      %dma_wait3A_547 = tpu.memref_slice %arg15[%dma_wait3A_546] : memref<1048584xf32, #tpu.memory_space<vmem_shared>> -> memref<1048584xf32, #tpu.memory_space<vmem_shared>>
      tpu.wait_indirect_dma semaphore(%arg16 : memref<!tpu.dma_semaphore, #tpu.memory_space<semaphore_mem>>) src(%arg11 : memref<128xf32, #tpu.memory_space<vmem>>) dst(%dma_wait3A_547 : memref<1048584xf32, #tpu.memory_space<vmem_shared>>)
      %dma_wait3A_548 = arith.constant 7 : i32
      %dma_wait3A_549 = arith.constant 0 : i32
      %dma_wait3A_550 = tpu.memref_slice %arg10[%dma_wait3A_548, %dma_wait3A_549] : memref<32x128xi32, #tpu.memory_space<vmem>> -> memref<1x128xi32, #tpu.memory_space<vmem>>
      %dma_wait3A_551 = tpu.memref_squeeze %dma_wait3A_550 : memref<1x128xi32, #tpu.memory_space<vmem>> -> memref<128xi32, #tpu.memory_space<vmem>>
      %dma_wait3A_552 = arith.constant 0 : i32
      %dma_wait3A_553 = tpu.memref_slice %arg15[%dma_wait3A_552] : memref<1048584xf32, #tpu.memory_space<vmem_shared>> -> memref<1048584xf32, #tpu.memory_space<vmem_shared>>
      tpu.wait_indirect_dma semaphore(%arg16 : memref<!tpu.dma_semaphore, #tpu.memory_space<semaphore_mem>>) src(%arg11 : memref<128xf32, #tpu.memory_space<vmem>>) dst(%dma_wait3A_553 : memref<1048584xf32, #tpu.memory_space<vmem_shared>>)
      %dma_wait3A_554 = arith.constant 8 : i32
      %dma_wait3A_555 = arith.constant 0 : i32
      %dma_wait3A_556 = tpu.memref_slice %arg10[%dma_wait3A_554, %dma_wait3A_555] : memref<32x128xi32, #tpu.memory_space<vmem>> -> memref<1x128xi32, #tpu.memory_space<vmem>>
      %dma_wait3A_557 = tpu.memref_squeeze %dma_wait3A_556 : memref<1x128xi32, #tpu.memory_space<vmem>> -> memref<128xi32, #tpu.memory_space<vmem>>
      %dma_wait3A_558 = arith.constant 0 : i32
      %dma_wait3A_559 = tpu.memref_slice %arg15[%dma_wait3A_558] : memref<1048584xf32, #tpu.memory_space<vmem_shared>> -> memref<1048584xf32, #tpu.memory_space<vmem_shared>>
      tpu.wait_indirect_dma semaphore(%arg16 : memref<!tpu.dma_semaphore, #tpu.memory_space<semaphore_mem>>) src(%arg11 : memref<128xf32, #tpu.memory_space<vmem>>) dst(%dma_wait3A_559 : memref<1048584xf32, #tpu.memory_space<vmem_shared>>)
      %dma_wait3A_560 = arith.constant 9 : i32
      %dma_wait3A_561 = arith.constant 0 : i32
      %dma_wait3A_562 = tpu.memref_slice %arg10[%dma_wait3A_560, %dma_wait3A_561] : memref<32x128xi32, #tpu.memory_space<vmem>> -> memref<1x128xi32, #tpu.memory_space<vmem>>
      %dma_wait3A_563 = tpu.memref_squeeze %dma_wait3A_562 : memref<1x128xi32, #tpu.memory_space<vmem>> -> memref<128xi32, #tpu.memory_space<vmem>>
      %dma_wait3A_564 = arith.constant 0 : i32
      %dma_wait3A_565 = tpu.memref_slice %arg15[%dma_wait3A_564] : memref<1048584xf32, #tpu.memory_space<vmem_shared>> -> memref<1048584xf32, #tpu.memory_space<vmem_shared>>
      tpu.wait_indirect_dma semaphore(%arg16 : memref<!tpu.dma_semaphore, #tpu.memory_space<semaphore_mem>>) src(%arg11 : memref<128xf32, #tpu.memory_space<vmem>>) dst(%dma_wait3A_565 : memref<1048584xf32, #tpu.memory_space<vmem_shared>>)
      %dma_wait3A_566 = arith.constant 10 : i32
      %dma_wait3A_567 = arith.constant 0 : i32
      %dma_wait3A_568 = tpu.memref_slice %arg10[%dma_wait3A_566, %dma_wait3A_567] : memref<32x128xi32, #tpu.memory_space<vmem>> -> memref<1x128xi32, #tpu.memory_space<vmem>>
      %dma_wait3A_569 = tpu.memref_squeeze %dma_wait3A_568 : memref<1x128xi32, #tpu.memory_space<vmem>> -> memref<128xi32, #tpu.memory_space<vmem>>
      %dma_wait3A_570 = arith.constant 0 : i32
      %dma_wait3A_571 = tpu.memref_slice %arg15[%dma_wait3A_570] : memref<1048584xf32, #tpu.memory_space<vmem_shared>> -> memref<1048584xf32, #tpu.memory_space<vmem_shared>>
      tpu.wait_indirect_dma semaphore(%arg16 : memref<!tpu.dma_semaphore, #tpu.memory_space<semaphore_mem>>) src(%arg11 : memref<128xf32, #tpu.memory_space<vmem>>) dst(%dma_wait3A_571 : memref<1048584xf32, #tpu.memory_space<vmem_shared>>)
      %dma_wait3A_572 = arith.constant 11 : i32
      %dma_wait3A_573 = arith.constant 0 : i32
      %dma_wait3A_574 = tpu.memref_slice %arg10[%dma_wait3A_572, %dma_wait3A_573] : memref<32x128xi32, #tpu.memory_space<vmem>> -> memref<1x128xi32, #tpu.memory_space<vmem>>
      %dma_wait3A_575 = tpu.memref_squeeze %dma_wait3A_574 : memref<1x128xi32, #tpu.memory_space<vmem>> -> memref<128xi32, #tpu.memory_space<vmem>>
      %dma_wait3A_576 = arith.constant 0 : i32
      %dma_wait3A_577 = tpu.memref_slice %arg15[%dma_wait3A_576] : memref<1048584xf32, #tpu.memory_space<vmem_shared>> -> memref<1048584xf32, #tpu.memory_space<vmem_shared>>
      tpu.wait_indirect_dma semaphore(%arg16 : memref<!tpu.dma_semaphore, #tpu.memory_space<semaphore_mem>>) src(%arg11 : memref<128xf32, #tpu.memory_space<vmem>>) dst(%dma_wait3A_577 : memref<1048584xf32, #tpu.memory_space<vmem_shared>>)
      %dma_wait3A_578 = arith.constant 12 : i32
      %dma_wait3A_579 = arith.constant 0 : i32
      %dma_wait3A_580 = tpu.memref_slice %arg10[%dma_wait3A_578, %dma_wait3A_579] : memref<32x128xi32, #tpu.memory_space<vmem>> -> memref<1x128xi32, #tpu.memory_space<vmem>>
      %dma_wait3A_581 = tpu.memref_squeeze %dma_wait3A_580 : memref<1x128xi32, #tpu.memory_space<vmem>> -> memref<128xi32, #tpu.memory_space<vmem>>
      %dma_wait3A_582 = arith.constant 0 : i32
      %dma_wait3A_583 = tpu.memref_slice %arg15[%dma_wait3A_582] : memref<1048584xf32, #tpu.memory_space<vmem_shared>> -> memref<1048584xf32, #tpu.memory_space<vmem_shared>>
      tpu.wait_indirect_dma semaphore(%arg16 : memref<!tpu.dma_semaphore, #tpu.memory_space<semaphore_mem>>) src(%arg11 : memref<128xf32, #tpu.memory_space<vmem>>) dst(%dma_wait3A_583 : memref<1048584xf32, #tpu.memory_space<vmem_shared>>)
      %dma_wait3A_584 = arith.constant 13 : i32
      %dma_wait3A_585 = arith.constant 0 : i32
      %dma_wait3A_586 = tpu.memref_slice %arg10[%dma_wait3A_584, %dma_wait3A_585] : memref<32x128xi32, #tpu.memory_space<vmem>> -> memref<1x128xi32, #tpu.memory_space<vmem>>
      %dma_wait3A_587 = tpu.memref_squeeze %dma_wait3A_586 : memref<1x128xi32, #tpu.memory_space<vmem>> -> memref<128xi32, #tpu.memory_space<vmem>>
      %dma_wait3A_588 = arith.constant 0 : i32
      %dma_wait3A_589 = tpu.memref_slice %arg15[%dma_wait3A_588] : memref<1048584xf32, #tpu.memory_space<vmem_shared>> -> memref<1048584xf32, #tpu.memory_space<vmem_shared>>
      tpu.wait_indirect_dma semaphore(%arg16 : memref<!tpu.dma_semaphore, #tpu.memory_space<semaphore_mem>>) src(%arg11 : memref<128xf32, #tpu.memory_space<vmem>>) dst(%dma_wait3A_589 : memref<1048584xf32, #tpu.memory_space<vmem_shared>>)
      %dma_wait3A_590 = arith.constant 14 : i32
      %dma_wait3A_591 = arith.constant 0 : i32
      %dma_wait3A_592 = tpu.memref_slice %arg10[%dma_wait3A_590, %dma_wait3A_591] : memref<32x128xi32, #tpu.memory_space<vmem>> -> memref<1x128xi32, #tpu.memory_space<vmem>>
      %dma_wait3A_593 = tpu.memref_squeeze %dma_wait3A_592 : memref<1x128xi32, #tpu.memory_space<vmem>> -> memref<128xi32, #tpu.memory_space<vmem>>
      %dma_wait3A_594 = arith.constant 0 : i32
      %dma_wait3A_595 = tpu.memref_slice %arg15[%dma_wait3A_594] : memref<1048584xf32, #tpu.memory_space<vmem_shared>> -> memref<1048584xf32, #tpu.memory_space<vmem_shared>>
      tpu.wait_indirect_dma semaphore(%arg16 : memref<!tpu.dma_semaphore, #tpu.memory_space<semaphore_mem>>) src(%arg11 : memref<128xf32, #tpu.memory_space<vmem>>) dst(%dma_wait3A_595 : memref<1048584xf32, #tpu.memory_space<vmem_shared>>)
      %dma_wait3A_596 = arith.constant 15 : i32
      %dma_wait3A_597 = arith.constant 0 : i32
      %dma_wait3A_598 = tpu.memref_slice %arg10[%dma_wait3A_596, %dma_wait3A_597] : memref<32x128xi32, #tpu.memory_space<vmem>> -> memref<1x128xi32, #tpu.memory_space<vmem>>
      %dma_wait3A_599 = tpu.memref_squeeze %dma_wait3A_598 : memref<1x128xi32, #tpu.memory_space<vmem>> -> memref<128xi32, #tpu.memory_space<vmem>>
      %dma_wait3A_600 = arith.constant 0 : i32
      %dma_wait3A_601 = tpu.memref_slice %arg15[%dma_wait3A_600] : memref<1048584xf32, #tpu.memory_space<vmem_shared>> -> memref<1048584xf32, #tpu.memory_space<vmem_shared>>
      tpu.wait_indirect_dma semaphore(%arg16 : memref<!tpu.dma_semaphore, #tpu.memory_space<semaphore_mem>>) src(%arg11 : memref<128xf32, #tpu.memory_space<vmem>>) dst(%dma_wait3A_601 : memref<1048584xf32, #tpu.memory_space<vmem_shared>>)
      %dma_wait3A_602 = arith.constant 16 : i32
      %dma_wait3A_603 = arith.constant 0 : i32
      %dma_wait3A_604 = tpu.memref_slice %arg10[%dma_wait3A_602, %dma_wait3A_603] : memref<32x128xi32, #tpu.memory_space<vmem>> -> memref<1x128xi32, #tpu.memory_space<vmem>>
      %dma_wait3A_605 = tpu.memref_squeeze %dma_wait3A_604 : memref<1x128xi32, #tpu.memory_space<vmem>> -> memref<128xi32, #tpu.memory_space<vmem>>
      %dma_wait3A_606 = arith.constant 0 : i32
      %dma_wait3A_607 = tpu.memref_slice %arg15[%dma_wait3A_606] : memref<1048584xf32, #tpu.memory_space<vmem_shared>> -> memref<1048584xf32, #tpu.memory_space<vmem_shared>>
      tpu.wait_indirect_dma semaphore(%arg16 : memref<!tpu.dma_semaphore, #tpu.memory_space<semaphore_mem>>) src(%arg11 : memref<128xf32, #tpu.memory_space<vmem>>) dst(%dma_wait3A_607 : memref<1048584xf32, #tpu.memory_space<vmem_shared>>)
      %dma_wait3A_608 = arith.constant 17 : i32
      %dma_wait3A_609 = arith.constant 0 : i32
      %dma_wait3A_610 = tpu.memref_slice %arg10[%dma_wait3A_608, %dma_wait3A_609] : memref<32x128xi32, #tpu.memory_space<vmem>> -> memref<1x128xi32, #tpu.memory_space<vmem>>
      %dma_wait3A_611 = tpu.memref_squeeze %dma_wait3A_610 : memref<1x128xi32, #tpu.memory_space<vmem>> -> memref<128xi32, #tpu.memory_space<vmem>>
      %dma_wait3A_612 = arith.constant 0 : i32
      %dma_wait3A_613 = tpu.memref_slice %arg15[%dma_wait3A_612] : memref<1048584xf32, #tpu.memory_space<vmem_shared>> -> memref<1048584xf32, #tpu.memory_space<vmem_shared>>
      tpu.wait_indirect_dma semaphore(%arg16 : memref<!tpu.dma_semaphore, #tpu.memory_space<semaphore_mem>>) src(%arg11 : memref<128xf32, #tpu.memory_space<vmem>>) dst(%dma_wait3A_613 : memref<1048584xf32, #tpu.memory_space<vmem_shared>>)
      %dma_wait3A_614 = arith.constant 18 : i32
      %dma_wait3A_615 = arith.constant 0 : i32
      %dma_wait3A_616 = tpu.memref_slice %arg10[%dma_wait3A_614, %dma_wait3A_615] : memref<32x128xi32, #tpu.memory_space<vmem>> -> memref<1x128xi32, #tpu.memory_space<vmem>>
      %dma_wait3A_617 = tpu.memref_squeeze %dma_wait3A_616 : memref<1x128xi32, #tpu.memory_space<vmem>> -> memref<128xi32, #tpu.memory_space<vmem>>
      %dma_wait3A_618 = arith.constant 0 : i32
      %dma_wait3A_619 = tpu.memref_slice %arg15[%dma_wait3A_618] : memref<1048584xf32, #tpu.memory_space<vmem_shared>> -> memref<1048584xf32, #tpu.memory_space<vmem_shared>>
      tpu.wait_indirect_dma semaphore(%arg16 : memref<!tpu.dma_semaphore, #tpu.memory_space<semaphore_mem>>) src(%arg11 : memref<128xf32, #tpu.memory_space<vmem>>) dst(%dma_wait3A_619 : memref<1048584xf32, #tpu.memory_space<vmem_shared>>)
      %dma_wait3A_620 = arith.constant 19 : i32
      %dma_wait3A_621 = arith.constant 0 : i32
      %dma_wait3A_622 = tpu.memref_slice %arg10[%dma_wait3A_620, %dma_wait3A_621] : memref<32x128xi32, #tpu.memory_space<vmem>> -> memref<1x128xi32, #tpu.memory_space<vmem>>
      %dma_wait3A_623 = tpu.memref_squeeze %dma_wait3A_622 : memref<1x128xi32, #tpu.memory_space<vmem>> -> memref<128xi32, #tpu.memory_space<vmem>>
      %dma_wait3A_624 = arith.constant 0 : i32
      %dma_wait3A_625 = tpu.memref_slice %arg15[%dma_wait3A_624] : memref<1048584xf32, #tpu.memory_space<vmem_shared>> -> memref<1048584xf32, #tpu.memory_space<vmem_shared>>
      tpu.wait_indirect_dma semaphore(%arg16 : memref<!tpu.dma_semaphore, #tpu.memory_space<semaphore_mem>>) src(%arg11 : memref<128xf32, #tpu.memory_space<vmem>>) dst(%dma_wait3A_625 : memref<1048584xf32, #tpu.memory_space<vmem_shared>>)
      %dma_wait3A_626 = arith.constant 20 : i32
      %dma_wait3A_627 = arith.constant 0 : i32
      %dma_wait3A_628 = tpu.memref_slice %arg10[%dma_wait3A_626, %dma_wait3A_627] : memref<32x128xi32, #tpu.memory_space<vmem>> -> memref<1x128xi32, #tpu.memory_space<vmem>>
      %dma_wait3A_629 = tpu.memref_squeeze %dma_wait3A_628 : memref<1x128xi32, #tpu.memory_space<vmem>> -> memref<128xi32, #tpu.memory_space<vmem>>
      %dma_wait3A_630 = arith.constant 0 : i32
      %dma_wait3A_631 = tpu.memref_slice %arg15[%dma_wait3A_630] : memref<1048584xf32, #tpu.memory_space<vmem_shared>> -> memref<1048584xf32, #tpu.memory_space<vmem_shared>>
      tpu.wait_indirect_dma semaphore(%arg16 : memref<!tpu.dma_semaphore, #tpu.memory_space<semaphore_mem>>) src(%arg11 : memref<128xf32, #tpu.memory_space<vmem>>) dst(%dma_wait3A_631 : memref<1048584xf32, #tpu.memory_space<vmem_shared>>)
      %dma_wait3A_632 = arith.constant 21 : i32
      %dma_wait3A_633 = arith.constant 0 : i32
      %dma_wait3A_634 = tpu.memref_slice %arg10[%dma_wait3A_632, %dma_wait3A_633] : memref<32x128xi32, #tpu.memory_space<vmem>> -> memref<1x128xi32, #tpu.memory_space<vmem>>
      %dma_wait3A_635 = tpu.memref_squeeze %dma_wait3A_634 : memref<1x128xi32, #tpu.memory_space<vmem>> -> memref<128xi32, #tpu.memory_space<vmem>>
      %dma_wait3A_636 = arith.constant 0 : i32
      %dma_wait3A_637 = tpu.memref_slice %arg15[%dma_wait3A_636] : memref<1048584xf32, #tpu.memory_space<vmem_shared>> -> memref<1048584xf32, #tpu.memory_space<vmem_shared>>
      tpu.wait_indirect_dma semaphore(%arg16 : memref<!tpu.dma_semaphore, #tpu.memory_space<semaphore_mem>>) src(%arg11 : memref<128xf32, #tpu.memory_space<vmem>>) dst(%dma_wait3A_637 : memref<1048584xf32, #tpu.memory_space<vmem_shared>>)
      %dma_wait3A_638 = arith.constant 22 : i32
      %dma_wait3A_639 = arith.constant 0 : i32
      %dma_wait3A_640 = tpu.memref_slice %arg10[%dma_wait3A_638, %dma_wait3A_639] : memref<32x128xi32, #tpu.memory_space<vmem>> -> memref<1x128xi32, #tpu.memory_space<vmem>>
      %dma_wait3A_641 = tpu.memref_squeeze %dma_wait3A_640 : memref<1x128xi32, #tpu.memory_space<vmem>> -> memref<128xi32, #tpu.memory_space<vmem>>
      %dma_wait3A_642 = arith.constant 0 : i32
      %dma_wait3A_643 = tpu.memref_slice %arg15[%dma_wait3A_642] : memref<1048584xf32, #tpu.memory_space<vmem_shared>> -> memref<1048584xf32, #tpu.memory_space<vmem_shared>>
      tpu.wait_indirect_dma semaphore(%arg16 : memref<!tpu.dma_semaphore, #tpu.memory_space<semaphore_mem>>) src(%arg11 : memref<128xf32, #tpu.memory_space<vmem>>) dst(%dma_wait3A_643 : memref<1048584xf32, #tpu.memory_space<vmem_shared>>)
      %dma_wait3A_644 = arith.constant 23 : i32
      %dma_wait3A_645 = arith.constant 0 : i32
      %dma_wait3A_646 = tpu.memref_slice %arg10[%dma_wait3A_644, %dma_wait3A_645] : memref<32x128xi32, #tpu.memory_space<vmem>> -> memref<1x128xi32, #tpu.memory_space<vmem>>
      %dma_wait3A_647 = tpu.memref_squeeze %dma_wait3A_646 : memref<1x128xi32, #tpu.memory_space<vmem>> -> memref<128xi32, #tpu.memory_space<vmem>>
      %dma_wait3A_648 = arith.constant 0 : i32
      %dma_wait3A_649 = tpu.memref_slice %arg15[%dma_wait3A_648] : memref<1048584xf32, #tpu.memory_space<vmem_shared>> -> memref<1048584xf32, #tpu.memory_space<vmem_shared>>
      tpu.wait_indirect_dma semaphore(%arg16 : memref<!tpu.dma_semaphore, #tpu.memory_space<semaphore_mem>>) src(%arg11 : memref<128xf32, #tpu.memory_space<vmem>>) dst(%dma_wait3A_649 : memref<1048584xf32, #tpu.memory_space<vmem_shared>>)
      %dma_wait3A_650 = arith.constant 24 : i32
      %dma_wait3A_651 = arith.constant 0 : i32
      %dma_wait3A_652 = tpu.memref_slice %arg10[%dma_wait3A_650, %dma_wait3A_651] : memref<32x128xi32, #tpu.memory_space<vmem>> -> memref<1x128xi32, #tpu.memory_space<vmem>>
      %dma_wait3A_653 = tpu.memref_squeeze %dma_wait3A_652 : memref<1x128xi32, #tpu.memory_space<vmem>> -> memref<128xi32, #tpu.memory_space<vmem>>
      %dma_wait3A_654 = arith.constant 0 : i32
      %dma_wait3A_655 = tpu.memref_slice %arg15[%dma_wait3A_654] : memref<1048584xf32, #tpu.memory_space<vmem_shared>> -> memref<1048584xf32, #tpu.memory_space<vmem_shared>>
      tpu.wait_indirect_dma semaphore(%arg16 : memref<!tpu.dma_semaphore, #tpu.memory_space<semaphore_mem>>) src(%arg11 : memref<128xf32, #tpu.memory_space<vmem>>) dst(%dma_wait3A_655 : memref<1048584xf32, #tpu.memory_space<vmem_shared>>)
      %dma_wait3A_656 = arith.constant 25 : i32
      %dma_wait3A_657 = arith.constant 0 : i32
      %dma_wait3A_658 = tpu.memref_slice %arg10[%dma_wait3A_656, %dma_wait3A_657] : memref<32x128xi32, #tpu.memory_space<vmem>> -> memref<1x128xi32, #tpu.memory_space<vmem>>
      %dma_wait3A_659 = tpu.memref_squeeze %dma_wait3A_658 : memref<1x128xi32, #tpu.memory_space<vmem>> -> memref<128xi32, #tpu.memory_space<vmem>>
      %dma_wait3A_660 = arith.constant 0 : i32
      %dma_wait3A_661 = tpu.memref_slice %arg15[%dma_wait3A_660] : memref<1048584xf32, #tpu.memory_space<vmem_shared>> -> memref<1048584xf32, #tpu.memory_space<vmem_shared>>
      tpu.wait_indirect_dma semaphore(%arg16 : memref<!tpu.dma_semaphore, #tpu.memory_space<semaphore_mem>>) src(%arg11 : memref<128xf32, #tpu.memory_space<vmem>>) dst(%dma_wait3A_661 : memref<1048584xf32, #tpu.memory_space<vmem_shared>>)
      %dma_wait3A_662 = arith.constant 26 : i32
      %dma_wait3A_663 = arith.constant 0 : i32
      %dma_wait3A_664 = tpu.memref_slice %arg10[%dma_wait3A_662, %dma_wait3A_663] : memref<32x128xi32, #tpu.memory_space<vmem>> -> memref<1x128xi32, #tpu.memory_space<vmem>>
      %dma_wait3A_665 = tpu.memref_squeeze %dma_wait3A_664 : memref<1x128xi32, #tpu.memory_space<vmem>> -> memref<128xi32, #tpu.memory_space<vmem>>
      %dma_wait3A_666 = arith.constant 0 : i32
      %dma_wait3A_667 = tpu.memref_slice %arg15[%dma_wait3A_666] : memref<1048584xf32, #tpu.memory_space<vmem_shared>> -> memref<1048584xf32, #tpu.memory_space<vmem_shared>>
      tpu.wait_indirect_dma semaphore(%arg16 : memref<!tpu.dma_semaphore, #tpu.memory_space<semaphore_mem>>) src(%arg11 : memref<128xf32, #tpu.memory_space<vmem>>) dst(%dma_wait3A_667 : memref<1048584xf32, #tpu.memory_space<vmem_shared>>)
      %dma_wait3A_668 = arith.constant 27 : i32
      %dma_wait3A_669 = arith.constant 0 : i32
      %dma_wait3A_670 = tpu.memref_slice %arg10[%dma_wait3A_668, %dma_wait3A_669] : memref<32x128xi32, #tpu.memory_space<vmem>> -> memref<1x128xi32, #tpu.memory_space<vmem>>
      %dma_wait3A_671 = tpu.memref_squeeze %dma_wait3A_670 : memref<1x128xi32, #tpu.memory_space<vmem>> -> memref<128xi32, #tpu.memory_space<vmem>>
      %dma_wait3A_672 = arith.constant 0 : i32
      %dma_wait3A_673 = tpu.memref_slice %arg15[%dma_wait3A_672] : memref<1048584xf32, #tpu.memory_space<vmem_shared>> -> memref<1048584xf32, #tpu.memory_space<vmem_shared>>
      tpu.wait_indirect_dma semaphore(%arg16 : memref<!tpu.dma_semaphore, #tpu.memory_space<semaphore_mem>>) src(%arg11 : memref<128xf32, #tpu.memory_space<vmem>>) dst(%dma_wait3A_673 : memref<1048584xf32, #tpu.memory_space<vmem_shared>>)
      %dma_wait3A_674 = arith.constant 28 : i32
      %dma_wait3A_675 = arith.constant 0 : i32
      %dma_wait3A_676 = tpu.memref_slice %arg10[%dma_wait3A_674, %dma_wait3A_675] : memref<32x128xi32, #tpu.memory_space<vmem>> -> memref<1x128xi32, #tpu.memory_space<vmem>>
      %dma_wait3A_677 = tpu.memref_squeeze %dma_wait3A_676 : memref<1x128xi32, #tpu.memory_space<vmem>> -> memref<128xi32, #tpu.memory_space<vmem>>
      %dma_wait3A_678 = arith.constant 0 : i32
      %dma_wait3A_679 = tpu.memref_slice %arg15[%dma_wait3A_678] : memref<1048584xf32, #tpu.memory_space<vmem_shared>> -> memref<1048584xf32, #tpu.memory_space<vmem_shared>>
      tpu.wait_indirect_dma semaphore(%arg16 : memref<!tpu.dma_semaphore, #tpu.memory_space<semaphore_mem>>) src(%arg11 : memref<128xf32, #tpu.memory_space<vmem>>) dst(%dma_wait3A_679 : memref<1048584xf32, #tpu.memory_space<vmem_shared>>)
      %dma_wait3A_680 = arith.constant 29 : i32
      %dma_wait3A_681 = arith.constant 0 : i32
      %dma_wait3A_682 = tpu.memref_slice %arg10[%dma_wait3A_680, %dma_wait3A_681] : memref<32x128xi32, #tpu.memory_space<vmem>> -> memref<1x128xi32, #tpu.memory_space<vmem>>
      %dma_wait3A_683 = tpu.memref_squeeze %dma_wait3A_682 : memref<1x128xi32, #tpu.memory_space<vmem>> -> memref<128xi32, #tpu.memory_space<vmem>>
      %dma_wait3A_684 = arith.constant 0 : i32
      %dma_wait3A_685 = tpu.memref_slice %arg15[%dma_wait3A_684] : memref<1048584xf32, #tpu.memory_space<vmem_shared>> -> memref<1048584xf32, #tpu.memory_space<vmem_shared>>
      tpu.wait_indirect_dma semaphore(%arg16 : memref<!tpu.dma_semaphore, #tpu.memory_space<semaphore_mem>>) src(%arg11 : memref<128xf32, #tpu.memory_space<vmem>>) dst(%dma_wait3A_685 : memref<1048584xf32, #tpu.memory_space<vmem_shared>>)
      %dma_wait3A_686 = arith.constant 30 : i32
      %dma_wait3A_687 = arith.constant 0 : i32
      %dma_wait3A_688 = tpu.memref_slice %arg10[%dma_wait3A_686, %dma_wait3A_687] : memref<32x128xi32, #tpu.memory_space<vmem>> -> memref<1x128xi32, #tpu.memory_space<vmem>>
      %dma_wait3A_689 = tpu.memref_squeeze %dma_wait3A_688 : memref<1x128xi32, #tpu.memory_space<vmem>> -> memref<128xi32, #tpu.memory_space<vmem>>
      %dma_wait3A_690 = arith.constant 0 : i32
      %dma_wait3A_691 = tpu.memref_slice %arg15[%dma_wait3A_690] : memref<1048584xf32, #tpu.memory_space<vmem_shared>> -> memref<1048584xf32, #tpu.memory_space<vmem_shared>>
      tpu.wait_indirect_dma semaphore(%arg16 : memref<!tpu.dma_semaphore, #tpu.memory_space<semaphore_mem>>) src(%arg11 : memref<128xf32, #tpu.memory_space<vmem>>) dst(%dma_wait3A_691 : memref<1048584xf32, #tpu.memory_space<vmem_shared>>)
      %dma_wait3A_692 = arith.constant 31 : i32
      %dma_wait3A_693 = arith.constant 0 : i32
      %dma_wait3A_694 = tpu.memref_slice %arg10[%dma_wait3A_692, %dma_wait3A_693] : memref<32x128xi32, #tpu.memory_space<vmem>> -> memref<1x128xi32, #tpu.memory_space<vmem>>
      %dma_wait3A_695 = tpu.memref_squeeze %dma_wait3A_694 : memref<1x128xi32, #tpu.memory_space<vmem>> -> memref<128xi32, #tpu.memory_space<vmem>>
      %dma_wait3A_696 = arith.constant 0 : i32
      %dma_wait3A_697 = tpu.memref_slice %arg15[%dma_wait3A_696] : memref<1048584xf32, #tpu.memory_space<vmem_shared>> -> memref<1048584xf32, #tpu.memory_space<vmem_shared>>
      tpu.wait_indirect_dma semaphore(%arg16 : memref<!tpu.dma_semaphore, #tpu.memory_space<semaphore_mem>>) src(%arg11 : memref<128xf32, #tpu.memory_space<vmem>>) dst(%dma_wait3A_697 : memref<1048584xf32, #tpu.memory_space<vmem_shared>>)
      %barrier3A_698 = arith.constant 0 : index
      tpu.barrier barrier_id(%barrier3A_698)
      %mul3A_699 = arith.constant 4096 : i32
      %mul3A_700 = arith.muli %add3A_110, %mul3A_699 : i32
      %add3A_701 = arith.addi %mul3A_700, %mul3A_98 : i32
      %add3A_702 = arith.constant 0 : i32
      %add3A_703 = arith.addi %mul3A_98, %add3A_702 : i32
      %add3A_704 = arith.constant 0 : i32
      %add3A_705 = arith.addi %add3A_701, %add3A_704 : i32
      %dma_start3A_706 = tpu.memref_slice %arg6[%add3A_705] : memref<16777216xf32, #tpu.memory_space<hbm>> -> memref<32768xf32, #tpu.memory_space<hbm>>
      %dma_start3A_707 = tpu.memref_slice %arg15[%add3A_703] : memref<1048584xf32, #tpu.memory_space<vmem_shared>> -> memref<32768xf32, #tpu.memory_space<vmem_shared>>
      tpu.enqueue_dma source(%dma_start3A_707 : memref<32768xf32, #tpu.memory_space<vmem_shared>>) target(%dma_start3A_706 : memref<32768xf32, #tpu.memory_space<hbm>>) target_semaphore(%arg16 : memref<!tpu.dma_semaphore, #tpu.memory_space<semaphore_mem>>)
      %add3A_708 = arith.constant 32768 : i32
      %add3A_709 = arith.addi %mul3A_98, %add3A_708 : i32
      %add3A_710 = arith.constant 32768 : i32
      %add3A_711 = arith.addi %add3A_701, %add3A_710 : i32
      %dma_start3A_712 = tpu.memref_slice %arg6[%add3A_711] : memref<16777216xf32, #tpu.memory_space<hbm>> -> memref<32768xf32, #tpu.memory_space<hbm>>
      %dma_start3A_713 = tpu.memref_slice %arg15[%add3A_709] : memref<1048584xf32, #tpu.memory_space<vmem_shared>> -> memref<32768xf32, #tpu.memory_space<vmem_shared>>
      tpu.enqueue_dma source(%dma_start3A_713 : memref<32768xf32, #tpu.memory_space<vmem_shared>>) target(%dma_start3A_712 : memref<32768xf32, #tpu.memory_space<hbm>>) target_semaphore(%arg16 : memref<!tpu.dma_semaphore, #tpu.memory_space<semaphore_mem>>)
      %dma_wait3A_714 = tpu.memref_slice %arg6[%add3A_705] : memref<16777216xf32, #tpu.memory_space<hbm>> -> memref<32768xf32, #tpu.memory_space<hbm>>
      %dma_wait3A_715 = tpu.memref_slice %arg15[%add3A_703] : memref<1048584xf32, #tpu.memory_space<vmem_shared>> -> memref<32768xf32, #tpu.memory_space<vmem_shared>>
      tpu.wait_dma2 semaphore(%arg16 : memref<!tpu.dma_semaphore, #tpu.memory_space<semaphore_mem>>) src(%dma_wait3A_715 : memref<32768xf32, #tpu.memory_space<vmem_shared>>) dst(%dma_wait3A_714 : memref<32768xf32, #tpu.memory_space<hbm>>)
      %dma_wait3A_716 = tpu.memref_slice %arg6[%add3A_711] : memref<16777216xf32, #tpu.memory_space<hbm>> -> memref<32768xf32, #tpu.memory_space<hbm>>
      %dma_wait3A_717 = tpu.memref_slice %arg15[%add3A_709] : memref<1048584xf32, #tpu.memory_space<vmem_shared>> -> memref<32768xf32, #tpu.memory_space<vmem_shared>>
      tpu.wait_dma2 semaphore(%arg16 : memref<!tpu.dma_semaphore, #tpu.memory_space<semaphore_mem>>) src(%dma_wait3A_717 : memref<32768xf32, #tpu.memory_space<vmem_shared>>) dst(%dma_wait3A_716 : memref<32768xf32, #tpu.memory_space<hbm>>)
    }
    %scan3A_104 = arith.constant 8 : i32
    return
  }
}

module attributes {stable_mosaic.version = 14 : i64} {
  func.func @_edge_mlp_body(%arg0: i32, %arg1: memref<8192x1xf32, #tpu.memory_space<vmem>>, %arg2: memref<1x128xf32, #tpu.memory_space<vmem>>, %arg3: memref<1x128xf32, #tpu.memory_space<vmem>>, %arg4: memref<1x128xf32, #tpu.memory_space<vmem>>, %arg5: memref<1x1xf32, #tpu.memory_space<vmem>>, %arg6: memref<8192x1xf32, #tpu.memory_space<vmem>>) attributes {dimension_semantics = [#tpu.dimension_semantics<arbitrary>], iteration_bounds = array<i64: 8>, scalar_prefetch = 0 : i64, scratch_operands = 0 : i64, tpu.core_type = #tpu.core_type<tc>, window_params = [{transform_indices = @transform_0, window_bounds = array<i64: 8192, 1>}, {pipeline_mode = #tpu.pipeline_mode<synchronous>, transform_indices = @transform_1, window_bounds = array<i64: 1, 128>}, {pipeline_mode = #tpu.pipeline_mode<synchronous>, transform_indices = @transform_2, window_bounds = array<i64: 1, 128>}, {pipeline_mode = #tpu.pipeline_mode<synchronous>, transform_indices = @transform_3, window_bounds = array<i64: 1, 128>}, {pipeline_mode = #tpu.pipeline_mode<synchronous>, transform_indices = @transform_4, window_bounds = array<i64: 1, 1>}, {transform_indices = @transform_5, window_bounds = array<i64: 8192, 1>}]} {
    %get3A = arith.constant 0 : index
    %get3A_0 = arith.constant 0 : index
    %get3A_1 = vector.load %arg1[%get3A, %get3A_0] : memref<8192x1xf32, #tpu.memory_space<vmem>>, vector<8192x1xf32>
    %get3A_2 = arith.constant 0 : index
    %get3A_3 = arith.constant 0 : index
    %get3A_4 = vector.load %arg2[%get3A_2, %get3A_3] : memref<1x128xf32, #tpu.memory_space<vmem>>, vector<1x128xf32>
    %mul3A = vector.broadcast %get3A_1 : vector<8192x1xf32> to vector<8192x128xf32>
    %mul3A_5 = vector.broadcast %get3A_4 : vector<1x128xf32> to vector<8192x128xf32>
    %mul3A_6 = arith.mulf %mul3A, %mul3A_5 : vector<8192x128xf32>
    %get3A_7 = arith.constant 0 : index
    %get3A_8 = arith.constant 0 : index
    %get3A_9 = vector.load %arg3[%get3A_7, %get3A_8] : memref<1x128xf32, #tpu.memory_space<vmem>>, vector<1x128xf32>
    %add3A = vector.broadcast %get3A_9 : vector<1x128xf32> to vector<8192x128xf32>
    %add3A_10 = arith.addf %mul3A_6, %add3A : vector<8192x128xf32>
    %max3A = arith.constant 0.000000e+00 : f32
    %max3A_11 = vector.broadcast %max3A : f32 to vector<8192x128xf32>
    %max3A_12 = arith.maximumf %add3A_10, %max3A_11 : vector<8192x128xf32>
    %get3A_13 = arith.constant 0 : index
    %get3A_14 = arith.constant 0 : index
    %get3A_15 = vector.load %arg4[%get3A_13, %get3A_14] : memref<1x128xf32, #tpu.memory_space<vmem>>, vector<1x128xf32>
    %mul3A_16 = vector.broadcast %get3A_15 : vector<1x128xf32> to vector<8192x128xf32>
    %mul3A_17 = arith.mulf %max3A_12, %mul3A_16 : vector<8192x128xf32>
    %reduce_sum3A = arith.constant dense<0.000000e+00> : vector<8192xf32>
    %reduce_sum3A_18 = vector.multi_reduction <add>, %mul3A_17, %reduce_sum3A [1] : vector<8192x128xf32> to vector<8192xf32>
    %broadcast_in_dim3A = vector.shape_cast %reduce_sum3A_18 : vector<8192xf32> to vector<8192x1xf32>
    %get3A_19 = arith.constant 0 : index
    %get3A_20 = arith.constant 0 : index
    %get3A_21 = vector.load %arg5[%get3A_19, %get3A_20] : memref<1x1xf32, #tpu.memory_space<vmem>>, vector<1x1xf32>
    %add3A_22 = vector.broadcast %get3A_21 : vector<1x1xf32> to vector<8192x1xf32>
    %add3A_23 = arith.addf %broadcast_in_dim3A, %add3A_22 : vector<8192x1xf32>
    %swap3A = arith.constant 0 : index
    %swap3A_24 = arith.constant 0 : index
    %swap3A_25 = vector.load %arg6[%swap3A, %swap3A_24] : memref<8192x1xf32, #tpu.memory_space<vmem>>, vector<8192x1xf32>
    tpu.vector_store %arg6[%swap3A, %swap3A_24], %add3A_23 {strides = array<i32>} : memref<8192x1xf32, #tpu.memory_space<vmem>>, vector<8192x1xf32>,
    return
  }
  func.func @transform_0(%arg0: i32) -> (i32, i32) {
    %c0_i32 = arith.constant 0 : i32
    %c0_i32_0 = arith.constant 0 : i32
    return %arg0, %c0_i32 : i32, i32
  }
  func.func @transform_1(%arg0: i32) -> (i32, i32) {
    %c0_i32 = arith.constant 0 : i32
    %c0_i32_0 = arith.constant 0 : i32
    %c0_i32_1 = arith.constant 0 : i32
    return %c0_i32, %c0_i32_0 : i32, i32
  }
  func.func @transform_2(%arg0: i32) -> (i32, i32) {
    %c0_i32 = arith.constant 0 : i32
    %c0_i32_0 = arith.constant 0 : i32
    %c0_i32_1 = arith.constant 0 : i32
    return %c0_i32, %c0_i32_0 : i32, i32
  }
  func.func @transform_3(%arg0: i32) -> (i32, i32) {
    %c0_i32 = arith.constant 0 : i32
    %c0_i32_0 = arith.constant 0 : i32
    %c0_i32_1 = arith.constant 0 : i32
    return %c0_i32, %c0_i32_0 : i32, i32
  }
  func.func @transform_4(%arg0: i32) -> (i32, i32) {
    %c0_i32 = arith.constant 0 : i32
    %c0_i32_0 = arith.constant 0 : i32
    %c0_i32_1 = arith.constant 0 : i32
    return %c0_i32, %c0_i32_0 : i32, i32
  }
  func.func @transform_5(%arg0: i32) -> (i32, i32) {
    %c0_i32 = arith.constant 0 : i32
    %c0_i32_0 = arith.constant 0 : i32
    return %arg0, %c0_i32 : i32, i32
  }
}

module attributes {stable_mosaic.version = 14 : i64} {
  func.func @_node_mlp_body(%arg0: memref<2x4096xf32, #tpu.memory_space<vmem>>, %arg1: memref<1x128xf32, #tpu.memory_space<vmem>>, %arg2: memref<1x128xf32, #tpu.memory_space<vmem>>, %arg3: memref<1x128xf32, #tpu.memory_space<vmem>>, %arg4: memref<1x1xf32, #tpu.memory_space<vmem>>, %arg5: memref<4096x1xf32, #tpu.memory_space<vmem>>, %arg6: memref<4096x1xf32, #tpu.memory_space<vmem>>) attributes {dimension_semantics = [], scalar_prefetch = 0 : i64, scratch_operands = 0 : i64, tpu.core_type = #tpu.core_type<tc>} {
    %get3A = arith.constant 0 : index
    %get3A_0 = arith.constant 0 : index
    %get3A_1 = vector.load %arg0[%get3A, %get3A_0] : memref<2x4096xf32, #tpu.memory_space<vmem>>, vector<2x4096xf32>
    %reduce_sum3A = arith.constant dense<0.000000e+00> : vector<4096xf32>
    %reduce_sum3A_2 = vector.multi_reduction <add>, %get3A_1, %reduce_sum3A [0] : vector<2x4096xf32> to vector<4096xf32>
    %broadcast_in_dim3A = vector.shape_cast %reduce_sum3A_2 : vector<4096xf32> to vector<4096x1xf32>
    %get3A_3 = arith.constant 0 : index
    %get3A_4 = arith.constant 0 : index
    %get3A_5 = vector.load %arg1[%get3A_3, %get3A_4] : memref<1x128xf32, #tpu.memory_space<vmem>>, vector<1x128xf32>
    %mul3A = vector.broadcast %broadcast_in_dim3A : vector<4096x1xf32> to vector<4096x128xf32>
    %mul3A_6 = vector.broadcast %get3A_5 : vector<1x128xf32> to vector<4096x128xf32>
    %mul3A_7 = arith.mulf %mul3A, %mul3A_6 : vector<4096x128xf32>
    %get3A_8 = arith.constant 0 : index
    %get3A_9 = arith.constant 0 : index
    %get3A_10 = vector.load %arg2[%get3A_8, %get3A_9] : memref<1x128xf32, #tpu.memory_space<vmem>>, vector<1x128xf32>
    %add3A = vector.broadcast %get3A_10 : vector<1x128xf32> to vector<4096x128xf32>
    %add3A_11 = arith.addf %mul3A_7, %add3A : vector<4096x128xf32>
    %max3A = arith.constant 0.000000e+00 : f32
    %max3A_12 = vector.broadcast %max3A : f32 to vector<4096x128xf32>
    %max3A_13 = arith.maximumf %add3A_11, %max3A_12 : vector<4096x128xf32>
    %get3A_14 = arith.constant 0 : index
    %get3A_15 = arith.constant 0 : index
    %get3A_16 = vector.load %arg3[%get3A_14, %get3A_15] : memref<1x128xf32, #tpu.memory_space<vmem>>, vector<1x128xf32>
    %mul3A_17 = vector.broadcast %get3A_16 : vector<1x128xf32> to vector<4096x128xf32>
    %mul3A_18 = arith.mulf %max3A_13, %mul3A_17 : vector<4096x128xf32>
    %reduce_sum3A_19 = arith.constant dense<0.000000e+00> : vector<4096xf32>
    %reduce_sum3A_20 = vector.multi_reduction <add>, %mul3A_18, %reduce_sum3A_19 [1] : vector<4096x128xf32> to vector<4096xf32>
    %broadcast_in_dim3A_21 = vector.shape_cast %reduce_sum3A_20 : vector<4096xf32> to vector<4096x1xf32>
    %get3A_22 = arith.constant 0 : index
    %get3A_23 = arith.constant 0 : index
    %get3A_24 = vector.load %arg4[%get3A_22, %get3A_23] : memref<1x1xf32, #tpu.memory_space<vmem>>, vector<1x1xf32>
    %add3A_25 = vector.broadcast %get3A_24 : vector<1x1xf32> to vector<4096x1xf32>
    %add3A_26 = arith.addf %broadcast_in_dim3A_21, %add3A_25 : vector<4096x1xf32>
    %swap3A = arith.constant 0 : index
    %swap3A_27 = arith.constant 0 : index
    %swap3A_28 = vector.load %arg5[%swap3A, %swap3A_27] : memref<4096x1xf32, #tpu.memory_space<vmem>>, vector<4096x1xf32>
    tpu.vector_store %arg5[%swap3A, %swap3A_27], %add3A_26 {strides = array<i32>} : memref<4096x1xf32, #tpu.memory_space<vmem>>, vector<4096x1xf32>,
    %mul3A_29 = arith.mulf %add3A_26, %add3A_26 : vector<4096x1xf32>
    %swap3A_30 = arith.constant 0 : index
    %swap3A_31 = arith.constant 0 : index
    %swap3A_32 = vector.load %arg6[%swap3A_30, %swap3A_31] : memref<4096x1xf32, #tpu.memory_space<vmem>>, vector<4096x1xf32>
    tpu.vector_store %arg6[%swap3A_30, %swap3A_31], %mul3A_29 {strides = array<i32>} : memref<4096x1xf32, #tpu.memory_space<vmem>>, vector<4096x1xf32>,
    return
  }
}

module attributes {stable_mosaic.version = 14 : i64} {
  func.func @_query_body(%arg0: i32, %arg1: memref<2048xi32, #tpu.memory_space<smem>>, %arg2: memref<2048xi32, #tpu.memory_space<smem>>, %arg3: memref<1x1x4096xf32, #tpu.memory_space<vmem>>, %arg4: memref<1x1x4096xf32, #tpu.memory_space<vmem>>, %arg5: memref<1x1x4096xf32, #tpu.memory_space<vmem>>, %arg6: memref<1x1x4096xf32, #tpu.memory_space<vmem>>, %arg7: memref<1x1x4096xf32, #tpu.memory_space<vmem>>, %arg8: memref<1x1x4096xf32, #tpu.memory_space<vmem>>, %arg9: memref<1x1x4096xf32, #tpu.memory_space<vmem>>, %arg10: memref<1x1x4096xf32, #tpu.memory_space<vmem>>, %arg11: memref<1x1x4096xf32, #tpu.memory_space<vmem>>, %arg12: memref<1x1x4096xf32, #tpu.memory_space<vmem>>, %arg13: memref<1x1x4096xf32, #tpu.memory_space<vmem>>, %arg14: memref<1x1x4096xf32, #tpu.memory_space<vmem>>, %arg15: memref<1x1x4096xf32, #tpu.memory_space<vmem>>, %arg16: memref<1x1x4096xf32, #tpu.memory_space<vmem>>, %arg17: memref<1x1x4096xf32, #tpu.memory_space<vmem>>, %arg18: memref<1x1x4096xf32, #tpu.memory_space<vmem>>, %arg19: memref<1x1x4096xf32, #tpu.memory_space<vmem>>, %arg20: memref<1x1x4096xf32, #tpu.memory_space<vmem>>, %arg21: memref<1x1x4096xf32, #tpu.memory_space<vmem>>, %arg22: memref<1x1x4096xf32, #tpu.memory_space<vmem>>, %arg23: memref<1x1x4096xf32, #tpu.memory_space<vmem>>, %arg24: memref<1x1x4096xf32, #tpu.memory_space<vmem>>, %arg25: memref<1x1x4096xf32, #tpu.memory_space<vmem>>, %arg26: memref<1x1x4096xf32, #tpu.memory_space<vmem>>, %arg27: memref<1x1x4096xf32, #tpu.memory_space<vmem>>, %arg28: memref<1x1x4096xf32, #tpu.memory_space<vmem>>, %arg29: memref<1x1x4096xf32, #tpu.memory_space<vmem>>, %arg30: memref<1x1x4096xf32, #tpu.memory_space<vmem>>, %arg31: memref<1x1x4096xf32, #tpu.memory_space<vmem>>, %arg32: memref<1x1x4096xf32, #tpu.memory_space<vmem>>, %arg33: memref<1x1x4096xf32, #tpu.memory_space<vmem>>, %arg34: memref<1x1x4096xf32, #tpu.memory_space<vmem>>, %arg35: memref<1x1x4096xf32, #tpu.memory_space<vmem>>, %arg36: memref<1x1x4096xf32, #tpu.memory_space<vmem>>, %arg37: memref<1x1x4096xf32, #tpu.memory_space<vmem>>, %arg38: memref<1x1x4096xf32, #tpu.memory_space<vmem>>, %arg39: memref<1x1x4096xf32, #tpu.memory_space<vmem>>, %arg40: memref<1x1x4096xf32, #tpu.memory_space<vmem>>, %arg41: memref<1x1x4096xf32, #tpu.memory_space<vmem>>, %arg42: memref<1x1x4096xf32, #tpu.memory_space<vmem>>, %arg43: memref<1x1x4096xf32, #tpu.memory_space<vmem>>, %arg44: memref<1x1x4096xf32, #tpu.memory_space<vmem>>, %arg45: memref<1x1x4096xf32, #tpu.memory_space<vmem>>, %arg46: memref<1x1x4096xf32, #tpu.memory_space<vmem>>, %arg47: memref<1x1x4096xf32, #tpu.memory_space<vmem>>, %arg48: memref<1x1x4096xf32, #tpu.memory_space<vmem>>, %arg49: memref<1x1x4096xf32, #tpu.memory_space<vmem>>, %arg50: memref<1x1x4096xf32, #tpu.memory_space<vmem>>, %arg51: memref<1x1x4096xf32, #tpu.memory_space<vmem>>, %arg52: memref<1x1x4096xf32, #tpu.memory_space<vmem>>, %arg53: memref<1x1x4096xf32, #tpu.memory_space<vmem>>, %arg54: memref<1x1x4096xf32, #tpu.memory_space<vmem>>, %arg55: memref<1x1x4096xf32, #tpu.memory_space<vmem>>, %arg56: memref<1x1x4096xf32, #tpu.memory_space<vmem>>, %arg57: memref<1x1x4096xf32, #tpu.memory_space<vmem>>, %arg58: memref<1x1x4096xf32, #tpu.memory_space<vmem>>, %arg59: memref<1x1x4096xf32, #tpu.memory_space<vmem>>, %arg60: memref<1x1x4096xf32, #tpu.memory_space<vmem>>, %arg61: memref<1x1x4096xf32, #tpu.memory_space<vmem>>, %arg62: memref<1x1x4096xf32, #tpu.memory_space<vmem>>, %arg63: memref<1x1x4096xf32, #tpu.memory_space<vmem>>, %arg64: memref<1x1x4096xf32, #tpu.memory_space<vmem>>, %arg65: memref<1x1x4096xf32, #tpu.memory_space<vmem>>, %arg66: memref<1x1x4096xf32, #tpu.memory_space<vmem>>, %arg67: memref<1x4096xf32, #tpu.memory_space<vmem>>, %arg68: memref<1x128xf32, #tpu.memory_space<vmem>>, %arg69: memref<1x128xf32, #tpu.memory_space<vmem>>, %arg70: memref<1x128xf32, #tpu.memory_space<vmem>>, %arg71: memref<1x1xf32, #tpu.memory_space<vmem>>, %arg72: memref<32x1xf32, #tpu.memory_space<vmem>>) attributes {dimension_semantics = [#tpu.dimension_semantics<arbitrary>], iteration_bounds = array<i64: 64>, scalar_prefetch = 2 : i64, scratch_operands = 0 : i64, tpu.core_type = #tpu.core_type<tc>, window_params = [{transform_indices = @transform_0, window_bounds = array<i64: 1, 1, 4096>}, {transform_indices = @transform_1, window_bounds = array<i64: 1, 1, 4096>}, {transform_indices = @transform_2, window_bounds = array<i64: 1, 1, 4096>}, {transform_indices = @transform_3, window_bounds = array<i64: 1, 1, 4096>}, {transform_indices = @transform_4, window_bounds = array<i64: 1, 1, 4096>}, {transform_indices = @transform_5, window_bounds = array<i64: 1, 1, 4096>}, {transform_indices = @transform_6, window_bounds = array<i64: 1, 1, 4096>}, {transform_indices = @transform_7, window_bounds = array<i64: 1, 1, 4096>}, {transform_indices = @transform_8, window_bounds = array<i64: 1, 1, 4096>}, {transform_indices = @transform_9, window_bounds = array<i64: 1, 1, 4096>}, {transform_indices = @transform_10, window_bounds = array<i64: 1, 1, 4096>}, {transform_indices = @transform_11, window_bounds = array<i64: 1, 1, 4096>}, {transform_indices = @transform_12, window_bounds = array<i64: 1, 1, 4096>}, {transform_indices = @transform_13, window_bounds = array<i64: 1, 1, 4096>}, {transform_indices = @transform_14, window_bounds = array<i64: 1, 1, 4096>}, {transform_indices = @transform_15, window_bounds = array<i64: 1, 1, 4096>}, {transform_indices = @transform_16, window_bounds = array<i64: 1, 1, 4096>}, {transform_indices = @transform_17, window_bounds = array<i64: 1, 1, 4096>}, {transform_indices = @transform_18, window_bounds = array<i64: 1, 1, 4096>}, {transform_indices = @transform_19, window_bounds = array<i64: 1, 1, 4096>}, {transform_indices = @transform_20, window_bounds = array<i64: 1, 1, 4096>}, {transform_indices = @transform_21, window_bounds = array<i64: 1, 1, 4096>}, {transform_indices = @transform_22, window_bounds = array<i64: 1, 1, 4096>}, {transform_indices = @transform_23, window_bounds = array<i64: 1, 1, 4096>}, {transform_indices = @transform_24, window_bounds = array<i64: 1, 1, 4096>}, {transform_indices = @transform_25, window_bounds = array<i64: 1, 1, 4096>}, {transform_indices = @transform_26, window_bounds = array<i64: 1, 1, 4096>}, {transform_indices = @transform_27, window_bounds = array<i64: 1, 1, 4096>}, {transform_indices = @transform_28, window_bounds = array<i64: 1, 1, 4096>}, {transform_indices = @transform_29, window_bounds = array<i64: 1, 1, 4096>}, {transform_indices = @transform_30, window_bounds = array<i64: 1, 1, 4096>}, {transform_indices = @transform_31, window_bounds = array<i64: 1, 1, 4096>}, {transform_indices = @transform_32, window_bounds = array<i64: 1, 1, 4096>}, {transform_indices = @transform_33, window_bounds = array<i64: 1, 1, 4096>}, {transform_indices = @transform_34, window_bounds = array<i64: 1, 1, 4096>}, {transform_indices = @transform_35, window_bounds = array<i64: 1, 1, 4096>}, {transform_indices = @transform_36, window_bounds = array<i64: 1, 1, 4096>}, {transform_indices = @transform_37, window_bounds = array<i64: 1, 1, 4096>}, {transform_indices = @transform_38, window_bounds = array<i64: 1, 1, 4096>}, {transform_indices = @transform_39, window_bounds = array<i64: 1, 1, 4096>}, {transform_indices = @transform_40, window_bounds = array<i64: 1, 1, 4096>}, {transform_indices = @transform_41, window_bounds = array<i64: 1, 1, 4096>}, {transform_indices = @transform_42, window_bounds = array<i64: 1, 1, 4096>}, {transform_indices = @transform_43, window_bounds = array<i64: 1, 1, 4096>}, {transform_indices = @transform_44, window_bounds = array<i64: 1, 1, 4096>}, {transform_indices = @transform_45, window_bounds = array<i64: 1, 1, 4096>}, {transform_indices = @transform_46, window_bounds = array<i64: 1, 1, 4096>}, {transform_indices = @transform_47, window_bounds = array<i64: 1, 1, 4096>}, {transform_indices = @transform_48, window_bounds = array<i64: 1, 1, 4096>}, {transform_indices = @transform_49, window_bounds = array<i64: 1, 1, 4096>}, {transform_indices = @transform_50, window_bounds = array<i64: 1, 1, 4096>}, {transform_indices = @transform_51, window_bounds = array<i64: 1, 1, 4096>}, {transform_indices = @transform_52, window_bounds = array<i64: 1, 1, 4096>}, {transform_indices = @transform_53, window_bounds = array<i64: 1, 1, 4096>}, {transform_indices = @transform_54, window_bounds = array<i64: 1, 1, 4096>}, {transform_indices = @transform_55, window_bounds = array<i64: 1, 1, 4096>}, {transform_indices = @transform_56, window_bounds = array<i64: 1, 1, 4096>}, {transform_indices = @transform_57, window_bounds = array<i64: 1, 1, 4096>}, {transform_indices = @transform_58, window_bounds = array<i64: 1, 1, 4096>}, {transform_indices = @transform_59, window_bounds = array<i64: 1, 1, 4096>}, {transform_indices = @transform_60, window_bounds = array<i64: 1, 1, 4096>}, {transform_indices = @transform_61, window_bounds = array<i64: 1, 1, 4096>}, {transform_indices = @transform_62, window_bounds = array<i64: 1, 1, 4096>}, {transform_indices = @transform_63, window_bounds = array<i64: 1, 1, 4096>}, {pipeline_mode = #tpu.pipeline_mode<synchronous>, transform_indices = @transform_64, window_bounds = array<i64: 1, 4096>}, {pipeline_mode = #tpu.pipeline_mode<synchronous>, transform_indices = @transform_65, window_bounds = array<i64: 1, 128>}, {pipeline_mode = #tpu.pipeline_mode<synchronous>, transform_indices = @transform_66, window_bounds = array<i64: 1, 128>}, {pipeline_mode = #tpu.pipeline_mode<synchronous>, transform_indices = @transform_67, window_bounds = array<i64: 1, 128>}, {pipeline_mode = #tpu.pipeline_mode<synchronous>, transform_indices = @transform_68, window_bounds = array<i64: 1, 1>}, {transform_indices = @transform_69, window_bounds = array<i64: 32, 1>}]} {
    %get3A = arith.constant 0 : index
    %get3A_0 = arith.constant 0 : index
    %get3A_1 = arith.constant 0 : index
    %get3A_2 = vector.load %arg3[%get3A, %get3A_0, %get3A_1] : memref<1x1x4096xf32, #tpu.memory_space<vmem>>, vector<1x1x4096xf32>
    %get3A_3 = vector.shape_cast %get3A_2 : vector<1x1x4096xf32> to vector<1x4096xf32>
    %get3A_4 = arith.constant 0 : index
    %get3A_5 = arith.constant 0 : index
    %get3A_6 = arith.constant 0 : index
    %get3A_7 = vector.load %arg4[%get3A_4, %get3A_5, %get3A_6] : memref<1x1x4096xf32, #tpu.memory_space<vmem>>, vector<1x1x4096xf32>
    %get3A_8 = vector.shape_cast %get3A_7 : vector<1x1x4096xf32> to vector<1x4096xf32>
    %get3A_9 = arith.constant 0 : index
    %get3A_10 = arith.constant 0 : index
    %get3A_11 = arith.constant 0 : index
    %get3A_12 = vector.load %arg5[%get3A_9, %get3A_10, %get3A_11] : memref<1x1x4096xf32, #tpu.memory_space<vmem>>, vector<1x1x4096xf32>
    %get3A_13 = vector.shape_cast %get3A_12 : vector<1x1x4096xf32> to vector<1x4096xf32>
    %get3A_14 = arith.constant 0 : index
    %get3A_15 = arith.constant 0 : index
    %get3A_16 = arith.constant 0 : index
    %get3A_17 = vector.load %arg6[%get3A_14, %get3A_15, %get3A_16] : memref<1x1x4096xf32, #tpu.memory_space<vmem>>, vector<1x1x4096xf32>
    %get3A_18 = vector.shape_cast %get3A_17 : vector<1x1x4096xf32> to vector<1x4096xf32>
    %get3A_19 = arith.constant 0 : index
    %get3A_20 = arith.constant 0 : index
    %get3A_21 = arith.constant 0 : index
    %get3A_22 = vector.load %arg7[%get3A_19, %get3A_20, %get3A_21] : memref<1x1x4096xf32, #tpu.memory_space<vmem>>, vector<1x1x4096xf32>
    %get3A_23 = vector.shape_cast %get3A_22 : vector<1x1x4096xf32> to vector<1x4096xf32>
    %get3A_24 = arith.constant 0 : index
    %get3A_25 = arith.constant 0 : index
    %get3A_26 = arith.constant 0 : index
    %get3A_27 = vector.load %arg8[%get3A_24, %get3A_25, %get3A_26] : memref<1x1x4096xf32, #tpu.memory_space<vmem>>, vector<1x1x4096xf32>
    %get3A_28 = vector.shape_cast %get3A_27 : vector<1x1x4096xf32> to vector<1x4096xf32>
    %get3A_29 = arith.constant 0 : index
    %get3A_30 = arith.constant 0 : index
    %get3A_31 = arith.constant 0 : index
    %get3A_32 = vector.load %arg9[%get3A_29, %get3A_30, %get3A_31] : memref<1x1x4096xf32, #tpu.memory_space<vmem>>, vector<1x1x4096xf32>
    %get3A_33 = vector.shape_cast %get3A_32 : vector<1x1x4096xf32> to vector<1x4096xf32>
    %get3A_34 = arith.constant 0 : index
    %get3A_35 = arith.constant 0 : index
    %get3A_36 = arith.constant 0 : index
    %get3A_37 = vector.load %arg10[%get3A_34, %get3A_35, %get3A_36] : memref<1x1x4096xf32, #tpu.memory_space<vmem>>, vector<1x1x4096xf32>
    %get3A_38 = vector.shape_cast %get3A_37 : vector<1x1x4096xf32> to vector<1x4096xf32>
    %get3A_39 = arith.constant 0 : index
    %get3A_40 = arith.constant 0 : index
    %get3A_41 = arith.constant 0 : index
    %get3A_42 = vector.load %arg11[%get3A_39, %get3A_40, %get3A_41] : memref<1x1x4096xf32, #tpu.memory_space<vmem>>, vector<1x1x4096xf32>
    %get3A_43 = vector.shape_cast %get3A_42 : vector<1x1x4096xf32> to vector<1x4096xf32>
    %get3A_44 = arith.constant 0 : index
    %get3A_45 = arith.constant 0 : index
    %get3A_46 = arith.constant 0 : index
    %get3A_47 = vector.load %arg12[%get3A_44, %get3A_45, %get3A_46] : memref<1x1x4096xf32, #tpu.memory_space<vmem>>, vector<1x1x4096xf32>
    %get3A_48 = vector.shape_cast %get3A_47 : vector<1x1x4096xf32> to vector<1x4096xf32>
    %get3A_49 = arith.constant 0 : index
    %get3A_50 = arith.constant 0 : index
    %get3A_51 = arith.constant 0 : index
    %get3A_52 = vector.load %arg13[%get3A_49, %get3A_50, %get3A_51] : memref<1x1x4096xf32, #tpu.memory_space<vmem>>, vector<1x1x4096xf32>
    %get3A_53 = vector.shape_cast %get3A_52 : vector<1x1x4096xf32> to vector<1x4096xf32>
    %get3A_54 = arith.constant 0 : index
    %get3A_55 = arith.constant 0 : index
    %get3A_56 = arith.constant 0 : index
    %get3A_57 = vector.load %arg14[%get3A_54, %get3A_55, %get3A_56] : memref<1x1x4096xf32, #tpu.memory_space<vmem>>, vector<1x1x4096xf32>
    %get3A_58 = vector.shape_cast %get3A_57 : vector<1x1x4096xf32> to vector<1x4096xf32>
    %get3A_59 = arith.constant 0 : index
    %get3A_60 = arith.constant 0 : index
    %get3A_61 = arith.constant 0 : index
    %get3A_62 = vector.load %arg15[%get3A_59, %get3A_60, %get3A_61] : memref<1x1x4096xf32, #tpu.memory_space<vmem>>, vector<1x1x4096xf32>
    %get3A_63 = vector.shape_cast %get3A_62 : vector<1x1x4096xf32> to vector<1x4096xf32>
    %get3A_64 = arith.constant 0 : index
    %get3A_65 = arith.constant 0 : index
    %get3A_66 = arith.constant 0 : index
    %get3A_67 = vector.load %arg16[%get3A_64, %get3A_65, %get3A_66] : memref<1x1x4096xf32, #tpu.memory_space<vmem>>, vector<1x1x4096xf32>
    %get3A_68 = vector.shape_cast %get3A_67 : vector<1x1x4096xf32> to vector<1x4096xf32>
    %get3A_69 = arith.constant 0 : index
    %get3A_70 = arith.constant 0 : index
    %get3A_71 = arith.constant 0 : index
    %get3A_72 = vector.load %arg17[%get3A_69, %get3A_70, %get3A_71] : memref<1x1x4096xf32, #tpu.memory_space<vmem>>, vector<1x1x4096xf32>
    %get3A_73 = vector.shape_cast %get3A_72 : vector<1x1x4096xf32> to vector<1x4096xf32>
    %get3A_74 = arith.constant 0 : index
    %get3A_75 = arith.constant 0 : index
    %get3A_76 = arith.constant 0 : index
    %get3A_77 = vector.load %arg18[%get3A_74, %get3A_75, %get3A_76] : memref<1x1x4096xf32, #tpu.memory_space<vmem>>, vector<1x1x4096xf32>
    %get3A_78 = vector.shape_cast %get3A_77 : vector<1x1x4096xf32> to vector<1x4096xf32>
    %get3A_79 = arith.constant 0 : index
    %get3A_80 = arith.constant 0 : index
    %get3A_81 = arith.constant 0 : index
    %get3A_82 = vector.load %arg19[%get3A_79, %get3A_80, %get3A_81] : memref<1x1x4096xf32, #tpu.memory_space<vmem>>, vector<1x1x4096xf32>
    %get3A_83 = vector.shape_cast %get3A_82 : vector<1x1x4096xf32> to vector<1x4096xf32>
    %get3A_84 = arith.constant 0 : index
    %get3A_85 = arith.constant 0 : index
    %get3A_86 = arith.constant 0 : index
    %get3A_87 = vector.load %arg20[%get3A_84, %get3A_85, %get3A_86] : memref<1x1x4096xf32, #tpu.memory_space<vmem>>, vector<1x1x4096xf32>
    %get3A_88 = vector.shape_cast %get3A_87 : vector<1x1x4096xf32> to vector<1x4096xf32>
    %get3A_89 = arith.constant 0 : index
    %get3A_90 = arith.constant 0 : index
    %get3A_91 = arith.constant 0 : index
    %get3A_92 = vector.load %arg21[%get3A_89, %get3A_90, %get3A_91] : memref<1x1x4096xf32, #tpu.memory_space<vmem>>, vector<1x1x4096xf32>
    %get3A_93 = vector.shape_cast %get3A_92 : vector<1x1x4096xf32> to vector<1x4096xf32>
    %get3A_94 = arith.constant 0 : index
    %get3A_95 = arith.constant 0 : index
    %get3A_96 = arith.constant 0 : index
    %get3A_97 = vector.load %arg22[%get3A_94, %get3A_95, %get3A_96] : memref<1x1x4096xf32, #tpu.memory_space<vmem>>, vector<1x1x4096xf32>
    %get3A_98 = vector.shape_cast %get3A_97 : vector<1x1x4096xf32> to vector<1x4096xf32>
    %get3A_99 = arith.constant 0 : index
    %get3A_100 = arith.constant 0 : index
    %get3A_101 = arith.constant 0 : index
    %get3A_102 = vector.load %arg23[%get3A_99, %get3A_100, %get3A_101] : memref<1x1x4096xf32, #tpu.memory_space<vmem>>, vector<1x1x4096xf32>
    %get3A_103 = vector.shape_cast %get3A_102 : vector<1x1x4096xf32> to vector<1x4096xf32>
    %get3A_104 = arith.constant 0 : index
    %get3A_105 = arith.constant 0 : index
    %get3A_106 = arith.constant 0 : index
    %get3A_107 = vector.load %arg24[%get3A_104, %get3A_105, %get3A_106] : memref<1x1x4096xf32, #tpu.memory_space<vmem>>, vector<1x1x4096xf32>
    %get3A_108 = vector.shape_cast %get3A_107 : vector<1x1x4096xf32> to vector<1x4096xf32>
    %get3A_109 = arith.constant 0 : index
    %get3A_110 = arith.constant 0 : index
    %get3A_111 = arith.constant 0 : index
    %get3A_112 = vector.load %arg25[%get3A_109, %get3A_110, %get3A_111] : memref<1x1x4096xf32, #tpu.memory_space<vmem>>, vector<1x1x4096xf32>
    %get3A_113 = vector.shape_cast %get3A_112 : vector<1x1x4096xf32> to vector<1x4096xf32>
    %get3A_114 = arith.constant 0 : index
    %get3A_115 = arith.constant 0 : index
    %get3A_116 = arith.constant 0 : index
    %get3A_117 = vector.load %arg26[%get3A_114, %get3A_115, %get3A_116] : memref<1x1x4096xf32, #tpu.memory_space<vmem>>, vector<1x1x4096xf32>
    %get3A_118 = vector.shape_cast %get3A_117 : vector<1x1x4096xf32> to vector<1x4096xf32>
    %get3A_119 = arith.constant 0 : index
    %get3A_120 = arith.constant 0 : index
    %get3A_121 = arith.constant 0 : index
    %get3A_122 = vector.load %arg27[%get3A_119, %get3A_120, %get3A_121] : memref<1x1x4096xf32, #tpu.memory_space<vmem>>, vector<1x1x4096xf32>
    %get3A_123 = vector.shape_cast %get3A_122 : vector<1x1x4096xf32> to vector<1x4096xf32>
    %get3A_124 = arith.constant 0 : index
    %get3A_125 = arith.constant 0 : index
    %get3A_126 = arith.constant 0 : index
    %get3A_127 = vector.load %arg28[%get3A_124, %get3A_125, %get3A_126] : memref<1x1x4096xf32, #tpu.memory_space<vmem>>, vector<1x1x4096xf32>
    %get3A_128 = vector.shape_cast %get3A_127 : vector<1x1x4096xf32> to vector<1x4096xf32>
    %get3A_129 = arith.constant 0 : index
    %get3A_130 = arith.constant 0 : index
    %get3A_131 = arith.constant 0 : index
    %get3A_132 = vector.load %arg29[%get3A_129, %get3A_130, %get3A_131] : memref<1x1x4096xf32, #tpu.memory_space<vmem>>, vector<1x1x4096xf32>
    %get3A_133 = vector.shape_cast %get3A_132 : vector<1x1x4096xf32> to vector<1x4096xf32>
    %get3A_134 = arith.constant 0 : index
    %get3A_135 = arith.constant 0 : index
    %get3A_136 = arith.constant 0 : index
    %get3A_137 = vector.load %arg30[%get3A_134, %get3A_135, %get3A_136] : memref<1x1x4096xf32, #tpu.memory_space<vmem>>, vector<1x1x4096xf32>
    %get3A_138 = vector.shape_cast %get3A_137 : vector<1x1x4096xf32> to vector<1x4096xf32>
    %get3A_139 = arith.constant 0 : index
    %get3A_140 = arith.constant 0 : index
    %get3A_141 = arith.constant 0 : index
    %get3A_142 = vector.load %arg31[%get3A_139, %get3A_140, %get3A_141] : memref<1x1x4096xf32, #tpu.memory_space<vmem>>, vector<1x1x4096xf32>
    %get3A_143 = vector.shape_cast %get3A_142 : vector<1x1x4096xf32> to vector<1x4096xf32>
    %get3A_144 = arith.constant 0 : index
    %get3A_145 = arith.constant 0 : index
    %get3A_146 = arith.constant 0 : index
    %get3A_147 = vector.load %arg32[%get3A_144, %get3A_145, %get3A_146] : memref<1x1x4096xf32, #tpu.memory_space<vmem>>, vector<1x1x4096xf32>
    %get3A_148 = vector.shape_cast %get3A_147 : vector<1x1x4096xf32> to vector<1x4096xf32>
    %get3A_149 = arith.constant 0 : index
    %get3A_150 = arith.constant 0 : index
    %get3A_151 = arith.constant 0 : index
    %get3A_152 = vector.load %arg33[%get3A_149, %get3A_150, %get3A_151] : memref<1x1x4096xf32, #tpu.memory_space<vmem>>, vector<1x1x4096xf32>
    %get3A_153 = vector.shape_cast %get3A_152 : vector<1x1x4096xf32> to vector<1x4096xf32>
    %get3A_154 = arith.constant 0 : index
    %get3A_155 = arith.constant 0 : index
    %get3A_156 = arith.constant 0 : index
    %get3A_157 = vector.load %arg34[%get3A_154, %get3A_155, %get3A_156] : memref<1x1x4096xf32, #tpu.memory_space<vmem>>, vector<1x1x4096xf32>
    %get3A_158 = vector.shape_cast %get3A_157 : vector<1x1x4096xf32> to vector<1x4096xf32>
    %concatenate3A = tpu.concatenate %get3A_3, %get3A_8, %get3A_13, %get3A_18, %get3A_23, %get3A_28, %get3A_33, %get3A_38, %get3A_43, %get3A_48, %get3A_53, %get3A_58, %get3A_63, %get3A_68, %get3A_73, %get3A_78, %get3A_83, %get3A_88, %get3A_93, %get3A_98, %get3A_103, %get3A_108, %get3A_113, %get3A_118, %get3A_123, %get3A_128, %get3A_133, %get3A_138, %get3A_143, %get3A_148, %get3A_153, %get3A_158 in 0 : vector<1x4096xf32>, vector<1x4096xf32>, vector<1x4096xf32>, vector<1x4096xf32>, vector<1x4096xf32>, vector<1x4096xf32>, vector<1x4096xf32>, vector<1x4096xf32>, vector<1x4096xf32>, vector<1x4096xf32>, vector<1x4096xf32>, vector<1x4096xf32>, vector<1x4096xf32>, vector<1x4096xf32>, vector<1x4096xf32>, vector<1x4096xf32>, vector<1x4096xf32>, vector<1x4096xf32>, vector<1x4096xf32>, vector<1x4096xf32>, vector<1x4096xf32>, vector<1x4096xf32>, vector<1x4096xf32>, vector<1x4096xf32>, vector<1x4096xf32>, vector<1x4096xf32>, vector<1x4096xf32>, vector<1x4096xf32>, vector<1x4096xf32>, vector<1x4096xf32>, vector<1x4096xf32>, vector<1x4096xf32> -> vector<32x4096xf32>
    %get3A_159 = arith.constant 0 : index
    %get3A_160 = arith.constant 0 : index
    %get3A_161 = arith.constant 0 : index
    %get3A_162 = vector.load %arg35[%get3A_159, %get3A_160, %get3A_161] : memref<1x1x4096xf32, #tpu.memory_space<vmem>>, vector<1x1x4096xf32>
    %get3A_163 = vector.shape_cast %get3A_162 : vector<1x1x4096xf32> to vector<1x4096xf32>
    %get3A_164 = arith.constant 0 : index
    %get3A_165 = arith.constant 0 : index
    %get3A_166 = arith.constant 0 : index
    %get3A_167 = vector.load %arg36[%get3A_164, %get3A_165, %get3A_166] : memref<1x1x4096xf32, #tpu.memory_space<vmem>>, vector<1x1x4096xf32>
    %get3A_168 = vector.shape_cast %get3A_167 : vector<1x1x4096xf32> to vector<1x4096xf32>
    %get3A_169 = arith.constant 0 : index
    %get3A_170 = arith.constant 0 : index
    %get3A_171 = arith.constant 0 : index
    %get3A_172 = vector.load %arg37[%get3A_169, %get3A_170, %get3A_171] : memref<1x1x4096xf32, #tpu.memory_space<vmem>>, vector<1x1x4096xf32>
    %get3A_173 = vector.shape_cast %get3A_172 : vector<1x1x4096xf32> to vector<1x4096xf32>
    %get3A_174 = arith.constant 0 : index
    %get3A_175 = arith.constant 0 : index
    %get3A_176 = arith.constant 0 : index
    %get3A_177 = vector.load %arg38[%get3A_174, %get3A_175, %get3A_176] : memref<1x1x4096xf32, #tpu.memory_space<vmem>>, vector<1x1x4096xf32>
    %get3A_178 = vector.shape_cast %get3A_177 : vector<1x1x4096xf32> to vector<1x4096xf32>
    %get3A_179 = arith.constant 0 : index
    %get3A_180 = arith.constant 0 : index
    %get3A_181 = arith.constant 0 : index
    %get3A_182 = vector.load %arg39[%get3A_179, %get3A_180, %get3A_181] : memref<1x1x4096xf32, #tpu.memory_space<vmem>>, vector<1x1x4096xf32>
    %get3A_183 = vector.shape_cast %get3A_182 : vector<1x1x4096xf32> to vector<1x4096xf32>
    %get3A_184 = arith.constant 0 : index
    %get3A_185 = arith.constant 0 : index
    %get3A_186 = arith.constant 0 : index
    %get3A_187 = vector.load %arg40[%get3A_184, %get3A_185, %get3A_186] : memref<1x1x4096xf32, #tpu.memory_space<vmem>>, vector<1x1x4096xf32>
    %get3A_188 = vector.shape_cast %get3A_187 : vector<1x1x4096xf32> to vector<1x4096xf32>
    %get3A_189 = arith.constant 0 : index
    %get3A_190 = arith.constant 0 : index
    %get3A_191 = arith.constant 0 : index
    %get3A_192 = vector.load %arg41[%get3A_189, %get3A_190, %get3A_191] : memref<1x1x4096xf32, #tpu.memory_space<vmem>>, vector<1x1x4096xf32>
    %get3A_193 = vector.shape_cast %get3A_192 : vector<1x1x4096xf32> to vector<1x4096xf32>
    %get3A_194 = arith.constant 0 : index
    %get3A_195 = arith.constant 0 : index
    %get3A_196 = arith.constant 0 : index
    %get3A_197 = vector.load %arg42[%get3A_194, %get3A_195, %get3A_196] : memref<1x1x4096xf32, #tpu.memory_space<vmem>>, vector<1x1x4096xf32>
    %get3A_198 = vector.shape_cast %get3A_197 : vector<1x1x4096xf32> to vector<1x4096xf32>
    %get3A_199 = arith.constant 0 : index
    %get3A_200 = arith.constant 0 : index
    %get3A_201 = arith.constant 0 : index
    %get3A_202 = vector.load %arg43[%get3A_199, %get3A_200, %get3A_201] : memref<1x1x4096xf32, #tpu.memory_space<vmem>>, vector<1x1x4096xf32>
    %get3A_203 = vector.shape_cast %get3A_202 : vector<1x1x4096xf32> to vector<1x4096xf32>
    %get3A_204 = arith.constant 0 : index
    %get3A_205 = arith.constant 0 : index
    %get3A_206 = arith.constant 0 : index
    %get3A_207 = vector.load %arg44[%get3A_204, %get3A_205, %get3A_206] : memref<1x1x4096xf32, #tpu.memory_space<vmem>>, vector<1x1x4096xf32>
    %get3A_208 = vector.shape_cast %get3A_207 : vector<1x1x4096xf32> to vector<1x4096xf32>
    %get3A_209 = arith.constant 0 : index
    %get3A_210 = arith.constant 0 : index
    %get3A_211 = arith.constant 0 : index
    %get3A_212 = vector.load %arg45[%get3A_209, %get3A_210, %get3A_211] : memref<1x1x4096xf32, #tpu.memory_space<vmem>>, vector<1x1x4096xf32>
    %get3A_213 = vector.shape_cast %get3A_212 : vector<1x1x4096xf32> to vector<1x4096xf32>
    %get3A_214 = arith.constant 0 : index
    %get3A_215 = arith.constant 0 : index
    %get3A_216 = arith.constant 0 : index
    %get3A_217 = vector.load %arg46[%get3A_214, %get3A_215, %get3A_216] : memref<1x1x4096xf32, #tpu.memory_space<vmem>>, vector<1x1x4096xf32>
    %get3A_218 = vector.shape_cast %get3A_217 : vector<1x1x4096xf32> to vector<1x4096xf32>
    %get3A_219 = arith.constant 0 : index
    %get3A_220 = arith.constant 0 : index
    %get3A_221 = arith.constant 0 : index
    %get3A_222 = vector.load %arg47[%get3A_219, %get3A_220, %get3A_221] : memref<1x1x4096xf32, #tpu.memory_space<vmem>>, vector<1x1x4096xf32>
    %get3A_223 = vector.shape_cast %get3A_222 : vector<1x1x4096xf32> to vector<1x4096xf32>
    %get3A_224 = arith.constant 0 : index
    %get3A_225 = arith.constant 0 : index
    %get3A_226 = arith.constant 0 : index
    %get3A_227 = vector.load %arg48[%get3A_224, %get3A_225, %get3A_226] : memref<1x1x4096xf32, #tpu.memory_space<vmem>>, vector<1x1x4096xf32>
    %get3A_228 = vector.shape_cast %get3A_227 : vector<1x1x4096xf32> to vector<1x4096xf32>
    %get3A_229 = arith.constant 0 : index
    %get3A_230 = arith.constant 0 : index
    %get3A_231 = arith.constant 0 : index
    %get3A_232 = vector.load %arg49[%get3A_229, %get3A_230, %get3A_231] : memref<1x1x4096xf32, #tpu.memory_space<vmem>>, vector<1x1x4096xf32>
    %get3A_233 = vector.shape_cast %get3A_232 : vector<1x1x4096xf32> to vector<1x4096xf32>
    %get3A_234 = arith.constant 0 : index
    %get3A_235 = arith.constant 0 : index
    %get3A_236 = arith.constant 0 : index
    %get3A_237 = vector.load %arg50[%get3A_234, %get3A_235, %get3A_236] : memref<1x1x4096xf32, #tpu.memory_space<vmem>>, vector<1x1x4096xf32>
    %get3A_238 = vector.shape_cast %get3A_237 : vector<1x1x4096xf32> to vector<1x4096xf32>
    %get3A_239 = arith.constant 0 : index
    %get3A_240 = arith.constant 0 : index
    %get3A_241 = arith.constant 0 : index
    %get3A_242 = vector.load %arg51[%get3A_239, %get3A_240, %get3A_241] : memref<1x1x4096xf32, #tpu.memory_space<vmem>>, vector<1x1x4096xf32>
    %get3A_243 = vector.shape_cast %get3A_242 : vector<1x1x4096xf32> to vector<1x4096xf32>
    %get3A_244 = arith.constant 0 : index
    %get3A_245 = arith.constant 0 : index
    %get3A_246 = arith.constant 0 : index
    %get3A_247 = vector.load %arg52[%get3A_244, %get3A_245, %get3A_246] : memref<1x1x4096xf32, #tpu.memory_space<vmem>>, vector<1x1x4096xf32>
    %get3A_248 = vector.shape_cast %get3A_247 : vector<1x1x4096xf32> to vector<1x4096xf32>
    %get3A_249 = arith.constant 0 : index
    %get3A_250 = arith.constant 0 : index
    %get3A_251 = arith.constant 0 : index
    %get3A_252 = vector.load %arg53[%get3A_249, %get3A_250, %get3A_251] : memref<1x1x4096xf32, #tpu.memory_space<vmem>>, vector<1x1x4096xf32>
    %get3A_253 = vector.shape_cast %get3A_252 : vector<1x1x4096xf32> to vector<1x4096xf32>
    %get3A_254 = arith.constant 0 : index
    %get3A_255 = arith.constant 0 : index
    %get3A_256 = arith.constant 0 : index
    %get3A_257 = vector.load %arg54[%get3A_254, %get3A_255, %get3A_256] : memref<1x1x4096xf32, #tpu.memory_space<vmem>>, vector<1x1x4096xf32>
    %get3A_258 = vector.shape_cast %get3A_257 : vector<1x1x4096xf32> to vector<1x4096xf32>
    %get3A_259 = arith.constant 0 : index
    %get3A_260 = arith.constant 0 : index
    %get3A_261 = arith.constant 0 : index
    %get3A_262 = vector.load %arg55[%get3A_259, %get3A_260, %get3A_261] : memref<1x1x4096xf32, #tpu.memory_space<vmem>>, vector<1x1x4096xf32>
    %get3A_263 = vector.shape_cast %get3A_262 : vector<1x1x4096xf32> to vector<1x4096xf32>
    %get3A_264 = arith.constant 0 : index
    %get3A_265 = arith.constant 0 : index
    %get3A_266 = arith.constant 0 : index
    %get3A_267 = vector.load %arg56[%get3A_264, %get3A_265, %get3A_266] : memref<1x1x4096xf32, #tpu.memory_space<vmem>>, vector<1x1x4096xf32>
    %get3A_268 = vector.shape_cast %get3A_267 : vector<1x1x4096xf32> to vector<1x4096xf32>
    %get3A_269 = arith.constant 0 : index
    %get3A_270 = arith.constant 0 : index
    %get3A_271 = arith.constant 0 : index
    %get3A_272 = vector.load %arg57[%get3A_269, %get3A_270, %get3A_271] : memref<1x1x4096xf32, #tpu.memory_space<vmem>>, vector<1x1x4096xf32>
    %get3A_273 = vector.shape_cast %get3A_272 : vector<1x1x4096xf32> to vector<1x4096xf32>
    %get3A_274 = arith.constant 0 : index
    %get3A_275 = arith.constant 0 : index
    %get3A_276 = arith.constant 0 : index
    %get3A_277 = vector.load %arg58[%get3A_274, %get3A_275, %get3A_276] : memref<1x1x4096xf32, #tpu.memory_space<vmem>>, vector<1x1x4096xf32>
    %get3A_278 = vector.shape_cast %get3A_277 : vector<1x1x4096xf32> to vector<1x4096xf32>
    %get3A_279 = arith.constant 0 : index
    %get3A_280 = arith.constant 0 : index
    %get3A_281 = arith.constant 0 : index
    %get3A_282 = vector.load %arg59[%get3A_279, %get3A_280, %get3A_281] : memref<1x1x4096xf32, #tpu.memory_space<vmem>>, vector<1x1x4096xf32>
    %get3A_283 = vector.shape_cast %get3A_282 : vector<1x1x4096xf32> to vector<1x4096xf32>
    %get3A_284 = arith.constant 0 : index
    %get3A_285 = arith.constant 0 : index
    %get3A_286 = arith.constant 0 : index
    %get3A_287 = vector.load %arg60[%get3A_284, %get3A_285, %get3A_286] : memref<1x1x4096xf32, #tpu.memory_space<vmem>>, vector<1x1x4096xf32>
    %get3A_288 = vector.shape_cast %get3A_287 : vector<1x1x4096xf32> to vector<1x4096xf32>
    %get3A_289 = arith.constant 0 : index
    %get3A_290 = arith.constant 0 : index
    %get3A_291 = arith.constant 0 : index
    %get3A_292 = vector.load %arg61[%get3A_289, %get3A_290, %get3A_291] : memref<1x1x4096xf32, #tpu.memory_space<vmem>>, vector<1x1x4096xf32>
    %get3A_293 = vector.shape_cast %get3A_292 : vector<1x1x4096xf32> to vector<1x4096xf32>
    %get3A_294 = arith.constant 0 : index
    %get3A_295 = arith.constant 0 : index
    %get3A_296 = arith.constant 0 : index
    %get3A_297 = vector.load %arg62[%get3A_294, %get3A_295, %get3A_296] : memref<1x1x4096xf32, #tpu.memory_space<vmem>>, vector<1x1x4096xf32>
    %get3A_298 = vector.shape_cast %get3A_297 : vector<1x1x4096xf32> to vector<1x4096xf32>
    %get3A_299 = arith.constant 0 : index
    %get3A_300 = arith.constant 0 : index
    %get3A_301 = arith.constant 0 : index
    %get3A_302 = vector.load %arg63[%get3A_299, %get3A_300, %get3A_301] : memref<1x1x4096xf32, #tpu.memory_space<vmem>>, vector<1x1x4096xf32>
    %get3A_303 = vector.shape_cast %get3A_302 : vector<1x1x4096xf32> to vector<1x4096xf32>
    %get3A_304 = arith.constant 0 : index
    %get3A_305 = arith.constant 0 : index
    %get3A_306 = arith.constant 0 : index
    %get3A_307 = vector.load %arg64[%get3A_304, %get3A_305, %get3A_306] : memref<1x1x4096xf32, #tpu.memory_space<vmem>>, vector<1x1x4096xf32>
    %get3A_308 = vector.shape_cast %get3A_307 : vector<1x1x4096xf32> to vector<1x4096xf32>
    %get3A_309 = arith.constant 0 : index
    %get3A_310 = arith.constant 0 : index
    %get3A_311 = arith.constant 0 : index
    %get3A_312 = vector.load %arg65[%get3A_309, %get3A_310, %get3A_311] : memref<1x1x4096xf32, #tpu.memory_space<vmem>>, vector<1x1x4096xf32>
    %get3A_313 = vector.shape_cast %get3A_312 : vector<1x1x4096xf32> to vector<1x4096xf32>
    %get3A_314 = arith.constant 0 : index
    %get3A_315 = arith.constant 0 : index
    %get3A_316 = arith.constant 0 : index
    %get3A_317 = vector.load %arg66[%get3A_314, %get3A_315, %get3A_316] : memref<1x1x4096xf32, #tpu.memory_space<vmem>>, vector<1x1x4096xf32>
    %get3A_318 = vector.shape_cast %get3A_317 : vector<1x1x4096xf32> to vector<1x4096xf32>
    %concatenate3A_319 = tpu.concatenate %get3A_163, %get3A_168, %get3A_173, %get3A_178, %get3A_183, %get3A_188, %get3A_193, %get3A_198, %get3A_203, %get3A_208, %get3A_213, %get3A_218, %get3A_223, %get3A_228, %get3A_233, %get3A_238, %get3A_243, %get3A_248, %get3A_253, %get3A_258, %get3A_263, %get3A_268, %get3A_273, %get3A_278, %get3A_283, %get3A_288, %get3A_293, %get3A_298, %get3A_303, %get3A_308, %get3A_313, %get3A_318 in 0 : vector<1x4096xf32>, vector<1x4096xf32>, vector<1x4096xf32>, vector<1x4096xf32>, vector<1x4096xf32>, vector<1x4096xf32>, vector<1x4096xf32>, vector<1x4096xf32>, vector<1x4096xf32>, vector<1x4096xf32>, vector<1x4096xf32>, vector<1x4096xf32>, vector<1x4096xf32>, vector<1x4096xf32>, vector<1x4096xf32>, vector<1x4096xf32>, vector<1x4096xf32>, vector<1x4096xf32>, vector<1x4096xf32>, vector<1x4096xf32>, vector<1x4096xf32>, vector<1x4096xf32>, vector<1x4096xf32>, vector<1x4096xf32>, vector<1x4096xf32>, vector<1x4096xf32>, vector<1x4096xf32>, vector<1x4096xf32>, vector<1x4096xf32>, vector<1x4096xf32>, vector<1x4096xf32>, vector<1x4096xf32> -> vector<32x4096xf32>
    %get3A_320 = arith.constant 0 : index
    %get3A_321 = arith.constant 0 : index
    %get3A_322 = vector.load %arg67[%get3A_320, %get3A_321] : memref<1x4096xf32, #tpu.memory_space<vmem>>, vector<1x4096xf32>
    %mul3A = arith.mulf %concatenate3A, %concatenate3A_319 : vector<32x4096xf32>
    %mul3A_323 = vector.broadcast %get3A_322 : vector<1x4096xf32> to vector<32x4096xf32>
    %mul3A_324 = arith.mulf %mul3A, %mul3A_323 : vector<32x4096xf32>
    %reduce_sum3A = arith.constant dense<0.000000e+00> : vector<32xf32>
    %reduce_sum3A_325 = vector.multi_reduction <add>, %mul3A_324, %reduce_sum3A [1] : vector<32x4096xf32> to vector<32xf32>
    %broadcast_in_dim3A = vector.shape_cast %reduce_sum3A_325 : vector<32xf32> to vector<32x1xf32>
    %mul3A_326 = vector.broadcast %get3A_322 : vector<1x4096xf32> to vector<32x4096xf32>
    %mul3A_327 = arith.mulf %concatenate3A, %mul3A_326 : vector<32x4096xf32>
    %reduce_sum3A_328 = arith.constant dense<0.000000e+00> : vector<32xf32>
    %reduce_sum3A_329 = vector.multi_reduction <add>, %mul3A_327, %reduce_sum3A_328 [1] : vector<32x4096xf32> to vector<32xf32>
    %broadcast_in_dim3A_330 = vector.shape_cast %reduce_sum3A_329 : vector<32xf32> to vector<32x1xf32>
    %add3A = arith.constant 1.3653333E-12 : f32
    %add3A_331 = vector.broadcast %add3A : f32 to vector<32x1xf32>
    %add3A_332 = arith.addf %broadcast_in_dim3A_330, %add3A_331 : vector<32x1xf32>
    %mul3A_333 = vector.broadcast %get3A_322 : vector<1x4096xf32> to vector<32x4096xf32>
    %mul3A_334 = arith.mulf %concatenate3A_319, %mul3A_333 : vector<32x4096xf32>
    %reduce_sum3A_335 = arith.constant dense<0.000000e+00> : vector<32xf32>
    %reduce_sum3A_336 = vector.multi_reduction <add>, %mul3A_334, %reduce_sum3A_335 [1] : vector<32x4096xf32> to vector<32xf32>
    %broadcast_in_dim3A_337 = vector.shape_cast %reduce_sum3A_336 : vector<32xf32> to vector<32x1xf32>
    %add3A_338 = arith.constant 1.3653333E-12 : f32
    %add3A_339 = vector.broadcast %add3A_338 : f32 to vector<32x1xf32>
    %add3A_340 = arith.addf %broadcast_in_dim3A_337, %add3A_339 : vector<32x1xf32>
    %mul3A_341 = arith.mulf %add3A_332, %add3A_340 : vector<32x1xf32>
    %rsqrt3A = math.rsqrt %mul3A_341 : vector<32x1xf32>
    %mul3A_342 = arith.mulf %broadcast_in_dim3A, %rsqrt3A : vector<32x1xf32>
    %get3A_343 = arith.constant 0 : index
    %get3A_344 = arith.constant 0 : index
    %get3A_345 = vector.load %arg68[%get3A_343, %get3A_344] : memref<1x128xf32, #tpu.memory_space<vmem>>, vector<1x128xf32>
    %mul3A_346 = vector.broadcast %mul3A_342 : vector<32x1xf32> to vector<32x128xf32>
    %mul3A_347 = vector.broadcast %get3A_345 : vector<1x128xf32> to vector<32x128xf32>
    %mul3A_348 = arith.mulf %mul3A_346, %mul3A_347 : vector<32x128xf32>
    %get3A_349 = arith.constant 0 : index
    %get3A_350 = arith.constant 0 : index
    %get3A_351 = vector.load %arg69[%get3A_349, %get3A_350] : memref<1x128xf32, #tpu.memory_space<vmem>>, vector<1x128xf32>
    %add3A_352 = vector.broadcast %get3A_351 : vector<1x128xf32> to vector<32x128xf32>
    %add3A_353 = arith.addf %mul3A_348, %add3A_352 : vector<32x128xf32>
    %max3A = arith.constant 0.000000e+00 : f32
    %max3A_354 = vector.broadcast %max3A : f32 to vector<32x128xf32>
    %max3A_355 = arith.maximumf %add3A_353, %max3A_354 : vector<32x128xf32>
    %get3A_356 = arith.constant 0 : index
    %get3A_357 = arith.constant 0 : index
    %get3A_358 = vector.load %arg70[%get3A_356, %get3A_357] : memref<1x128xf32, #tpu.memory_space<vmem>>, vector<1x128xf32>
    %mul3A_359 = vector.broadcast %get3A_358 : vector<1x128xf32> to vector<32x128xf32>
    %mul3A_360 = arith.mulf %max3A_355, %mul3A_359 : vector<32x128xf32>
    %reduce_sum3A_361 = arith.constant dense<0.000000e+00> : vector<32xf32>
    %reduce_sum3A_362 = vector.multi_reduction <add>, %mul3A_360, %reduce_sum3A_361 [1] : vector<32x128xf32> to vector<32xf32>
    %broadcast_in_dim3A_363 = vector.shape_cast %reduce_sum3A_362 : vector<32xf32> to vector<32x1xf32>
    %get3A_364 = arith.constant 0 : index
    %get3A_365 = arith.constant 0 : index
    %get3A_366 = vector.load %arg71[%get3A_364, %get3A_365] : memref<1x1xf32, #tpu.memory_space<vmem>>, vector<1x1xf32>
    %add3A_367 = vector.broadcast %get3A_366 : vector<1x1xf32> to vector<32x1xf32>
    %add3A_368 = arith.addf %broadcast_in_dim3A_363, %add3A_367 : vector<32x1xf32>
    %swap3A = arith.constant 0 : index
    %swap3A_369 = arith.constant 0 : index
    %swap3A_370 = vector.load %arg72[%swap3A, %swap3A_369] : memref<32x1xf32, #tpu.memory_space<vmem>>, vector<32x1xf32>
    tpu.vector_store %arg72[%swap3A, %swap3A_369], %add3A_368 {strides = array<i32>} : memref<32x1xf32, #tpu.memory_space<vmem>>, vector<32x1xf32>,
    return
  }
  func.func @transform_0(%arg0: i32, %arg1: memref<2048xi32, #tpu.memory_space<smem>>, %arg2: memref<2048xi32, #tpu.memory_space<smem>>) -> (i32, i32, i32) {
    %mul3A = arith.constant 32 : i32
    %mul3A_0 = arith.muli %arg0, %mul3A : i32
    %add3A = arith.constant 0 : i32
    %add3A_1 = arith.addi %mul3A_0, %add3A : i32
    %get3A = arith.index_cast %add3A_1 : i32 to index
    %get3A_2 = memref.load %arg1[%get3A] : memref<2048xi32, #tpu.memory_space<smem>>
    %c0_i32 = arith.constant 0 : i32
    %c0_i32_3 = arith.constant 0 : i32
    %c0_i32_4 = arith.constant 0 : i32
    return %get3A_2, %c0_i32, %c0_i32_3 : i32, i32, i32
  }
  func.func @transform_1(%arg0: i32, %arg1: memref<2048xi32, #tpu.memory_space<smem>>, %arg2: memref<2048xi32, #tpu.memory_space<smem>>) -> (i32, i32, i32) {
    %mul3A = arith.constant 32 : i32
    %mul3A_0 = arith.muli %arg0, %mul3A : i32
    %add3A = arith.constant 1 : i32
    %add3A_1 = arith.addi %mul3A_0, %add3A : i32
    %get3A = arith.index_cast %add3A_1 : i32 to index
    %get3A_2 = memref.load %arg1[%get3A] : memref<2048xi32, #tpu.memory_space<smem>>
    %c0_i32 = arith.constant 0 : i32
    %c0_i32_3 = arith.constant 0 : i32
    %c0_i32_4 = arith.constant 0 : i32
    return %get3A_2, %c0_i32, %c0_i32_3 : i32, i32, i32
  }
  func.func @transform_2(%arg0: i32, %arg1: memref<2048xi32, #tpu.memory_space<smem>>, %arg2: memref<2048xi32, #tpu.memory_space<smem>>) -> (i32, i32, i32) {
    %mul3A = arith.constant 32 : i32
    %mul3A_0 = arith.muli %arg0, %mul3A : i32
    %add3A = arith.constant 2 : i32
    %add3A_1 = arith.addi %mul3A_0, %add3A : i32
    %get3A = arith.index_cast %add3A_1 : i32 to index
    %get3A_2 = memref.load %arg1[%get3A] : memref<2048xi32, #tpu.memory_space<smem>>
    %c0_i32 = arith.constant 0 : i32
    %c0_i32_3 = arith.constant 0 : i32
    %c0_i32_4 = arith.constant 0 : i32
    return %get3A_2, %c0_i32, %c0_i32_3 : i32, i32, i32
  }
  func.func @transform_3(%arg0: i32, %arg1: memref<2048xi32, #tpu.memory_space<smem>>, %arg2: memref<2048xi32, #tpu.memory_space<smem>>) -> (i32, i32, i32) {
    %mul3A = arith.constant 32 : i32
    %mul3A_0 = arith.muli %arg0, %mul3A : i32
    %add3A = arith.constant 3 : i32
    %add3A_1 = arith.addi %mul3A_0, %add3A : i32
    %get3A = arith.index_cast %add3A_1 : i32 to index
    %get3A_2 = memref.load %arg1[%get3A] : memref<2048xi32, #tpu.memory_space<smem>>
    %c0_i32 = arith.constant 0 : i32
    %c0_i32_3 = arith.constant 0 : i32
    %c0_i32_4 = arith.constant 0 : i32
    return %get3A_2, %c0_i32, %c0_i32_3 : i32, i32, i32
  }
  func.func @transform_4(%arg0: i32, %arg1: memref<2048xi32, #tpu.memory_space<smem>>, %arg2: memref<2048xi32, #tpu.memory_space<smem>>) -> (i32, i32, i32) {
    %mul3A = arith.constant 32 : i32
    %mul3A_0 = arith.muli %arg0, %mul3A : i32
    %add3A = arith.constant 4 : i32
    %add3A_1 = arith.addi %mul3A_0, %add3A : i32
    %get3A = arith.index_cast %add3A_1 : i32 to index
    %get3A_2 = memref.load %arg1[%get3A] : memref<2048xi32, #tpu.memory_space<smem>>
    %c0_i32 = arith.constant 0 : i32
    %c0_i32_3 = arith.constant 0 : i32
    %c0_i32_4 = arith.constant 0 : i32
    return %get3A_2, %c0_i32, %c0_i32_3 : i32, i32, i32
  }
  func.func @transform_5(%arg0: i32, %arg1: memref<2048xi32, #tpu.memory_space<smem>>, %arg2: memref<2048xi32, #tpu.memory_space<smem>>) -> (i32, i32, i32) {
    %mul3A = arith.constant 32 : i32
    %mul3A_0 = arith.muli %arg0, %mul3A : i32
    %add3A = arith.constant 5 : i32
    %add3A_1 = arith.addi %mul3A_0, %add3A : i32
    %get3A = arith.index_cast %add3A_1 : i32 to index
    %get3A_2 = memref.load %arg1[%get3A] : memref<2048xi32, #tpu.memory_space<smem>>
    %c0_i32 = arith.constant 0 : i32
    %c0_i32_3 = arith.constant 0 : i32
    %c0_i32_4 = arith.constant 0 : i32
    return %get3A_2, %c0_i32, %c0_i32_3 : i32, i32, i32
  }
  func.func @transform_6(%arg0: i32, %arg1: memref<2048xi32, #tpu.memory_space<smem>>, %arg2: memref<2048xi32, #tpu.memory_space<smem>>) -> (i32, i32, i32) {
    %mul3A = arith.constant 32 : i32
    %mul3A_0 = arith.muli %arg0, %mul3A : i32
    %add3A = arith.constant 6 : i32
    %add3A_1 = arith.addi %mul3A_0, %add3A : i32
    %get3A = arith.index_cast %add3A_1 : i32 to index
    %get3A_2 = memref.load %arg1[%get3A] : memref<2048xi32, #tpu.memory_space<smem>>
    %c0_i32 = arith.constant 0 : i32
    %c0_i32_3 = arith.constant 0 : i32
    %c0_i32_4 = arith.constant 0 : i32
    return %get3A_2, %c0_i32, %c0_i32_3 : i32, i32, i32
  }
  func.func @transform_7(%arg0: i32, %arg1: memref<2048xi32, #tpu.memory_space<smem>>, %arg2: memref<2048xi32, #tpu.memory_space<smem>>) -> (i32, i32, i32) {
    %mul3A = arith.constant 32 : i32
    %mul3A_0 = arith.muli %arg0, %mul3A : i32
    %add3A = arith.constant 7 : i32
    %add3A_1 = arith.addi %mul3A_0, %add3A : i32
    %get3A = arith.index_cast %add3A_1 : i32 to index
    %get3A_2 = memref.load %arg1[%get3A] : memref<2048xi32, #tpu.memory_space<smem>>
    %c0_i32 = arith.constant 0 : i32
    %c0_i32_3 = arith.constant 0 : i32
    %c0_i32_4 = arith.constant 0 : i32
    return %get3A_2, %c0_i32, %c0_i32_3 : i32, i32, i32
  }
  func.func @transform_8(%arg0: i32, %arg1: memref<2048xi32, #tpu.memory_space<smem>>, %arg2: memref<2048xi32, #tpu.memory_space<smem>>) -> (i32, i32, i32) {
    %mul3A = arith.constant 32 : i32
    %mul3A_0 = arith.muli %arg0, %mul3A : i32
    %add3A = arith.constant 8 : i32
    %add3A_1 = arith.addi %mul3A_0, %add3A : i32
    %get3A = arith.index_cast %add3A_1 : i32 to index
    %get3A_2 = memref.load %arg1[%get3A] : memref<2048xi32, #tpu.memory_space<smem>>
    %c0_i32 = arith.constant 0 : i32
    %c0_i32_3 = arith.constant 0 : i32
    %c0_i32_4 = arith.constant 0 : i32
    return %get3A_2, %c0_i32, %c0_i32_3 : i32, i32, i32
  }
  func.func @transform_9(%arg0: i32, %arg1: memref<2048xi32, #tpu.memory_space<smem>>, %arg2: memref<2048xi32, #tpu.memory_space<smem>>) -> (i32, i32, i32) {
    %mul3A = arith.constant 32 : i32
    %mul3A_0 = arith.muli %arg0, %mul3A : i32
    %add3A = arith.constant 9 : i32
    %add3A_1 = arith.addi %mul3A_0, %add3A : i32
    %get3A = arith.index_cast %add3A_1 : i32 to index
    %get3A_2 = memref.load %arg1[%get3A] : memref<2048xi32, #tpu.memory_space<smem>>
    %c0_i32 = arith.constant 0 : i32
    %c0_i32_3 = arith.constant 0 : i32
    %c0_i32_4 = arith.constant 0 : i32
    return %get3A_2, %c0_i32, %c0_i32_3 : i32, i32, i32
  }
  func.func @transform_10(%arg0: i32, %arg1: memref<2048xi32, #tpu.memory_space<smem>>, %arg2: memref<2048xi32, #tpu.memory_space<smem>>) -> (i32, i32, i32) {
    %mul3A = arith.constant 32 : i32
    %mul3A_0 = arith.muli %arg0, %mul3A : i32
    %add3A = arith.constant 10 : i32
    %add3A_1 = arith.addi %mul3A_0, %add3A : i32
    %get3A = arith.index_cast %add3A_1 : i32 to index
    %get3A_2 = memref.load %arg1[%get3A] : memref<2048xi32, #tpu.memory_space<smem>>
    %c0_i32 = arith.constant 0 : i32
    %c0_i32_3 = arith.constant 0 : i32
    %c0_i32_4 = arith.constant 0 : i32
    return %get3A_2, %c0_i32, %c0_i32_3 : i32, i32, i32
  }
  func.func @transform_11(%arg0: i32, %arg1: memref<2048xi32, #tpu.memory_space<smem>>, %arg2: memref<2048xi32, #tpu.memory_space<smem>>) -> (i32, i32, i32) {
    %mul3A = arith.constant 32 : i32
    %mul3A_0 = arith.muli %arg0, %mul3A : i32
    %add3A = arith.constant 11 : i32
    %add3A_1 = arith.addi %mul3A_0, %add3A : i32
    %get3A = arith.index_cast %add3A_1 : i32 to index
    %get3A_2 = memref.load %arg1[%get3A] : memref<2048xi32, #tpu.memory_space<smem>>
    %c0_i32 = arith.constant 0 : i32
    %c0_i32_3 = arith.constant 0 : i32
    %c0_i32_4 = arith.constant 0 : i32
    return %get3A_2, %c0_i32, %c0_i32_3 : i32, i32, i32
  }
  func.func @transform_12(%arg0: i32, %arg1: memref<2048xi32, #tpu.memory_space<smem>>, %arg2: memref<2048xi32, #tpu.memory_space<smem>>) -> (i32, i32, i32) {
    %mul3A = arith.constant 32 : i32
    %mul3A_0 = arith.muli %arg0, %mul3A : i32
    %add3A = arith.constant 12 : i32
    %add3A_1 = arith.addi %mul3A_0, %add3A : i32
    %get3A = arith.index_cast %add3A_1 : i32 to index
    %get3A_2 = memref.load %arg1[%get3A] : memref<2048xi32, #tpu.memory_space<smem>>
    %c0_i32 = arith.constant 0 : i32
    %c0_i32_3 = arith.constant 0 : i32
    %c0_i32_4 = arith.constant 0 : i32
    return %get3A_2, %c0_i32, %c0_i32_3 : i32, i32, i32
  }
  func.func @transform_13(%arg0: i32, %arg1: memref<2048xi32, #tpu.memory_space<smem>>, %arg2: memref<2048xi32, #tpu.memory_space<smem>>) -> (i32, i32, i32) {
    %mul3A = arith.constant 32 : i32
    %mul3A_0 = arith.muli %arg0, %mul3A : i32
    %add3A = arith.constant 13 : i32
    %add3A_1 = arith.addi %mul3A_0, %add3A : i32
    %get3A = arith.index_cast %add3A_1 : i32 to index
    %get3A_2 = memref.load %arg1[%get3A] : memref<2048xi32, #tpu.memory_space<smem>>
    %c0_i32 = arith.constant 0 : i32
    %c0_i32_3 = arith.constant 0 : i32
    %c0_i32_4 = arith.constant 0 : i32
    return %get3A_2, %c0_i32, %c0_i32_3 : i32, i32, i32
  }
  func.func @transform_14(%arg0: i32, %arg1: memref<2048xi32, #tpu.memory_space<smem>>, %arg2: memref<2048xi32, #tpu.memory_space<smem>>) -> (i32, i32, i32) {
    %mul3A = arith.constant 32 : i32
    %mul3A_0 = arith.muli %arg0, %mul3A : i32
    %add3A = arith.constant 14 : i32
    %add3A_1 = arith.addi %mul3A_0, %add3A : i32
    %get3A = arith.index_cast %add3A_1 : i32 to index
    %get3A_2 = memref.load %arg1[%get3A] : memref<2048xi32, #tpu.memory_space<smem>>
    %c0_i32 = arith.constant 0 : i32
    %c0_i32_3 = arith.constant 0 : i32
    %c0_i32_4 = arith.constant 0 : i32
    return %get3A_2, %c0_i32, %c0_i32_3 : i32, i32, i32
  }
  func.func @transform_15(%arg0: i32, %arg1: memref<2048xi32, #tpu.memory_space<smem>>, %arg2: memref<2048xi32, #tpu.memory_space<smem>>) -> (i32, i32, i32) {
    %mul3A = arith.constant 32 : i32
    %mul3A_0 = arith.muli %arg0, %mul3A : i32
    %add3A = arith.constant 15 : i32
    %add3A_1 = arith.addi %mul3A_0, %add3A : i32
    %get3A = arith.index_cast %add3A_1 : i32 to index
    %get3A_2 = memref.load %arg1[%get3A] : memref<2048xi32, #tpu.memory_space<smem>>
    %c0_i32 = arith.constant 0 : i32
    %c0_i32_3 = arith.constant 0 : i32
    %c0_i32_4 = arith.constant 0 : i32
    return %get3A_2, %c0_i32, %c0_i32_3 : i32, i32, i32
  }
  func.func @transform_16(%arg0: i32, %arg1: memref<2048xi32, #tpu.memory_space<smem>>, %arg2: memref<2048xi32, #tpu.memory_space<smem>>) -> (i32, i32, i32) {
    %mul3A = arith.constant 32 : i32
    %mul3A_0 = arith.muli %arg0, %mul3A : i32
    %add3A = arith.constant 16 : i32
    %add3A_1 = arith.addi %mul3A_0, %add3A : i32
    %get3A = arith.index_cast %add3A_1 : i32 to index
    %get3A_2 = memref.load %arg1[%get3A] : memref<2048xi32, #tpu.memory_space<smem>>
    %c0_i32 = arith.constant 0 : i32
    %c0_i32_3 = arith.constant 0 : i32
    %c0_i32_4 = arith.constant 0 : i32
    return %get3A_2, %c0_i32, %c0_i32_3 : i32, i32, i32
  }
  func.func @transform_17(%arg0: i32, %arg1: memref<2048xi32, #tpu.memory_space<smem>>, %arg2: memref<2048xi32, #tpu.memory_space<smem>>) -> (i32, i32, i32) {
    %mul3A = arith.constant 32 : i32
    %mul3A_0 = arith.muli %arg0, %mul3A : i32
    %add3A = arith.constant 17 : i32
    %add3A_1 = arith.addi %mul3A_0, %add3A : i32
    %get3A = arith.index_cast %add3A_1 : i32 to index
    %get3A_2 = memref.load %arg1[%get3A] : memref<2048xi32, #tpu.memory_space<smem>>
    %c0_i32 = arith.constant 0 : i32
    %c0_i32_3 = arith.constant 0 : i32
    %c0_i32_4 = arith.constant 0 : i32
    return %get3A_2, %c0_i32, %c0_i32_3 : i32, i32, i32
  }
  func.func @transform_18(%arg0: i32, %arg1: memref<2048xi32, #tpu.memory_space<smem>>, %arg2: memref<2048xi32, #tpu.memory_space<smem>>) -> (i32, i32, i32) {
    %mul3A = arith.constant 32 : i32
    %mul3A_0 = arith.muli %arg0, %mul3A : i32
    %add3A = arith.constant 18 : i32
    %add3A_1 = arith.addi %mul3A_0, %add3A : i32
    %get3A = arith.index_cast %add3A_1 : i32 to index
    %get3A_2 = memref.load %arg1[%get3A] : memref<2048xi32, #tpu.memory_space<smem>>
    %c0_i32 = arith.constant 0 : i32
    %c0_i32_3 = arith.constant 0 : i32
    %c0_i32_4 = arith.constant 0 : i32
    return %get3A_2, %c0_i32, %c0_i32_3 : i32, i32, i32
  }
  func.func @transform_19(%arg0: i32, %arg1: memref<2048xi32, #tpu.memory_space<smem>>, %arg2: memref<2048xi32, #tpu.memory_space<smem>>) -> (i32, i32, i32) {
    %mul3A = arith.constant 32 : i32
    %mul3A_0 = arith.muli %arg0, %mul3A : i32
    %add3A = arith.constant 19 : i32
    %add3A_1 = arith.addi %mul3A_0, %add3A : i32
    %get3A = arith.index_cast %add3A_1 : i32 to index
    %get3A_2 = memref.load %arg1[%get3A] : memref<2048xi32, #tpu.memory_space<smem>>
    %c0_i32 = arith.constant 0 : i32
    %c0_i32_3 = arith.constant 0 : i32
    %c0_i32_4 = arith.constant 0 : i32
    return %get3A_2, %c0_i32, %c0_i32_3 : i32, i32, i32
  }
  func.func @transform_20(%arg0: i32, %arg1: memref<2048xi32, #tpu.memory_space<smem>>, %arg2: memref<2048xi32, #tpu.memory_space<smem>>) -> (i32, i32, i32) {
    %mul3A = arith.constant 32 : i32
    %mul3A_0 = arith.muli %arg0, %mul3A : i32
    %add3A = arith.constant 20 : i32
    %add3A_1 = arith.addi %mul3A_0, %add3A : i32
    %get3A = arith.index_cast %add3A_1 : i32 to index
    %get3A_2 = memref.load %arg1[%get3A] : memref<2048xi32, #tpu.memory_space<smem>>
    %c0_i32 = arith.constant 0 : i32
    %c0_i32_3 = arith.constant 0 : i32
    %c0_i32_4 = arith.constant 0 : i32
    return %get3A_2, %c0_i32, %c0_i32_3 : i32, i32, i32
  }
  func.func @transform_21(%arg0: i32, %arg1: memref<2048xi32, #tpu.memory_space<smem>>, %arg2: memref<2048xi32, #tpu.memory_space<smem>>) -> (i32, i32, i32) {
    %mul3A = arith.constant 32 : i32
    %mul3A_0 = arith.muli %arg0, %mul3A : i32
    %add3A = arith.constant 21 : i32
    %add3A_1 = arith.addi %mul3A_0, %add3A : i32
    %get3A = arith.index_cast %add3A_1 : i32 to index
    %get3A_2 = memref.load %arg1[%get3A] : memref<2048xi32, #tpu.memory_space<smem>>
    %c0_i32 = arith.constant 0 : i32
    %c0_i32_3 = arith.constant 0 : i32
    %c0_i32_4 = arith.constant 0 : i32
    return %get3A_2, %c0_i32, %c0_i32_3 : i32, i32, i32
  }
  func.func @transform_22(%arg0: i32, %arg1: memref<2048xi32, #tpu.memory_space<smem>>, %arg2: memref<2048xi32, #tpu.memory_space<smem>>) -> (i32, i32, i32) {
    %mul3A = arith.constant 32 : i32
    %mul3A_0 = arith.muli %arg0, %mul3A : i32
    %add3A = arith.constant 22 : i32
    %add3A_1 = arith.addi %mul3A_0, %add3A : i32
    %get3A = arith.index_cast %add3A_1 : i32 to index
    %get3A_2 = memref.load %arg1[%get3A] : memref<2048xi32, #tpu.memory_space<smem>>
    %c0_i32 = arith.constant 0 : i32
    %c0_i32_3 = arith.constant 0 : i32
    %c0_i32_4 = arith.constant 0 : i32
    return %get3A_2, %c0_i32, %c0_i32_3 : i32, i32, i32
  }
  func.func @transform_23(%arg0: i32, %arg1: memref<2048xi32, #tpu.memory_space<smem>>, %arg2: memref<2048xi32, #tpu.memory_space<smem>>) -> (i32, i32, i32) {
    %mul3A = arith.constant 32 : i32
    %mul3A_0 = arith.muli %arg0, %mul3A : i32
    %add3A = arith.constant 23 : i32
    %add3A_1 = arith.addi %mul3A_0, %add3A : i32
    %get3A = arith.index_cast %add3A_1 : i32 to index
    %get3A_2 = memref.load %arg1[%get3A] : memref<2048xi32, #tpu.memory_space<smem>>
    %c0_i32 = arith.constant 0 : i32
    %c0_i32_3 = arith.constant 0 : i32
    %c0_i32_4 = arith.constant 0 : i32
    return %get3A_2, %c0_i32, %c0_i32_3 : i32, i32, i32
  }
  func.func @transform_24(%arg0: i32, %arg1: memref<2048xi32, #tpu.memory_space<smem>>, %arg2: memref<2048xi32, #tpu.memory_space<smem>>) -> (i32, i32, i32) {
    %mul3A = arith.constant 32 : i32
    %mul3A_0 = arith.muli %arg0, %mul3A : i32
    %add3A = arith.constant 24 : i32
    %add3A_1 = arith.addi %mul3A_0, %add3A : i32
    %get3A = arith.index_cast %add3A_1 : i32 to index
    %get3A_2 = memref.load %arg1[%get3A] : memref<2048xi32, #tpu.memory_space<smem>>
    %c0_i32 = arith.constant 0 : i32
    %c0_i32_3 = arith.constant 0 : i32
    %c0_i32_4 = arith.constant 0 : i32
    return %get3A_2, %c0_i32, %c0_i32_3 : i32, i32, i32
  }
  func.func @transform_25(%arg0: i32, %arg1: memref<2048xi32, #tpu.memory_space<smem>>, %arg2: memref<2048xi32, #tpu.memory_space<smem>>) -> (i32, i32, i32) {
    %mul3A = arith.constant 32 : i32
    %mul3A_0 = arith.muli %arg0, %mul3A : i32
    %add3A = arith.constant 25 : i32
    %add3A_1 = arith.addi %mul3A_0, %add3A : i32
    %get3A = arith.index_cast %add3A_1 : i32 to index
    %get3A_2 = memref.load %arg1[%get3A] : memref<2048xi32, #tpu.memory_space<smem>>
    %c0_i32 = arith.constant 0 : i32
    %c0_i32_3 = arith.constant 0 : i32
    %c0_i32_4 = arith.constant 0 : i32
    return %get3A_2, %c0_i32, %c0_i32_3 : i32, i32, i32
  }
  func.func @transform_26(%arg0: i32, %arg1: memref<2048xi32, #tpu.memory_space<smem>>, %arg2: memref<2048xi32, #tpu.memory_space<smem>>) -> (i32, i32, i32) {
    %mul3A = arith.constant 32 : i32
    %mul3A_0 = arith.muli %arg0, %mul3A : i32
    %add3A = arith.constant 26 : i32
    %add3A_1 = arith.addi %mul3A_0, %add3A : i32
    %get3A = arith.index_cast %add3A_1 : i32 to index
    %get3A_2 = memref.load %arg1[%get3A] : memref<2048xi32, #tpu.memory_space<smem>>
    %c0_i32 = arith.constant 0 : i32
    %c0_i32_3 = arith.constant 0 : i32
    %c0_i32_4 = arith.constant 0 : i32
    return %get3A_2, %c0_i32, %c0_i32_3 : i32, i32, i32
  }
  func.func @transform_27(%arg0: i32, %arg1: memref<2048xi32, #tpu.memory_space<smem>>, %arg2: memref<2048xi32, #tpu.memory_space<smem>>) -> (i32, i32, i32) {
    %mul3A = arith.constant 32 : i32
    %mul3A_0 = arith.muli %arg0, %mul3A : i32
    %add3A = arith.constant 27 : i32
    %add3A_1 = arith.addi %mul3A_0, %add3A : i32
    %get3A = arith.index_cast %add3A_1 : i32 to index
    %get3A_2 = memref.load %arg1[%get3A] : memref<2048xi32, #tpu.memory_space<smem>>
    %c0_i32 = arith.constant 0 : i32
    %c0_i32_3 = arith.constant 0 : i32
    %c0_i32_4 = arith.constant 0 : i32
    return %get3A_2, %c0_i32, %c0_i32_3 : i32, i32, i32
  }
  func.func @transform_28(%arg0: i32, %arg1: memref<2048xi32, #tpu.memory_space<smem>>, %arg2: memref<2048xi32, #tpu.memory_space<smem>>) -> (i32, i32, i32) {
    %mul3A = arith.constant 32 : i32
    %mul3A_0 = arith.muli %arg0, %mul3A : i32
    %add3A = arith.constant 28 : i32
    %add3A_1 = arith.addi %mul3A_0, %add3A : i32
    %get3A = arith.index_cast %add3A_1 : i32 to index
    %get3A_2 = memref.load %arg1[%get3A] : memref<2048xi32, #tpu.memory_space<smem>>
    %c0_i32 = arith.constant 0 : i32
    %c0_i32_3 = arith.constant 0 : i32
    %c0_i32_4 = arith.constant 0 : i32
    return %get3A_2, %c0_i32, %c0_i32_3 : i32, i32, i32
  }
  func.func @transform_29(%arg0: i32, %arg1: memref<2048xi32, #tpu.memory_space<smem>>, %arg2: memref<2048xi32, #tpu.memory_space<smem>>) -> (i32, i32, i32) {
    %mul3A = arith.constant 32 : i32
    %mul3A_0 = arith.muli %arg0, %mul3A : i32
    %add3A = arith.constant 29 : i32
    %add3A_1 = arith.addi %mul3A_0, %add3A : i32
    %get3A = arith.index_cast %add3A_1 : i32 to index
    %get3A_2 = memref.load %arg1[%get3A] : memref<2048xi32, #tpu.memory_space<smem>>
    %c0_i32 = arith.constant 0 : i32
    %c0_i32_3 = arith.constant 0 : i32
    %c0_i32_4 = arith.constant 0 : i32
    return %get3A_2, %c0_i32, %c0_i32_3 : i32, i32, i32
  }
  func.func @transform_30(%arg0: i32, %arg1: memref<2048xi32, #tpu.memory_space<smem>>, %arg2: memref<2048xi32, #tpu.memory_space<smem>>) -> (i32, i32, i32) {
    %mul3A = arith.constant 32 : i32
    %mul3A_0 = arith.muli %arg0, %mul3A : i32
    %add3A = arith.constant 30 : i32
    %add3A_1 = arith.addi %mul3A_0, %add3A : i32
    %get3A = arith.index_cast %add3A_1 : i32 to index
    %get3A_2 = memref.load %arg1[%get3A] : memref<2048xi32, #tpu.memory_space<smem>>
    %c0_i32 = arith.constant 0 : i32
    %c0_i32_3 = arith.constant 0 : i32
    %c0_i32_4 = arith.constant 0 : i32
    return %get3A_2, %c0_i32, %c0_i32_3 : i32, i32, i32
  }
  func.func @transform_31(%arg0: i32, %arg1: memref<2048xi32, #tpu.memory_space<smem>>, %arg2: memref<2048xi32, #tpu.memory_space<smem>>) -> (i32, i32, i32) {
    %mul3A = arith.constant 32 : i32
    %mul3A_0 = arith.muli %arg0, %mul3A : i32
    %add3A = arith.constant 31 : i32
    %add3A_1 = arith.addi %mul3A_0, %add3A : i32
    %get3A = arith.index_cast %add3A_1 : i32 to index
    %get3A_2 = memref.load %arg1[%get3A] : memref<2048xi32, #tpu.memory_space<smem>>
    %c0_i32 = arith.constant 0 : i32
    %c0_i32_3 = arith.constant 0 : i32
    %c0_i32_4 = arith.constant 0 : i32
    return %get3A_2, %c0_i32, %c0_i32_3 : i32, i32, i32
  }
  func.func @transform_32(%arg0: i32, %arg1: memref<2048xi32, #tpu.memory_space<smem>>, %arg2: memref<2048xi32, #tpu.memory_space<smem>>) -> (i32, i32, i32) {
    %mul3A = arith.constant 32 : i32
    %mul3A_0 = arith.muli %arg0, %mul3A : i32
    %add3A = arith.constant 0 : i32
    %add3A_1 = arith.addi %mul3A_0, %add3A : i32
    %get3A = arith.index_cast %add3A_1 : i32 to index
    %get3A_2 = memref.load %arg2[%get3A] : memref<2048xi32, #tpu.memory_space<smem>>
    %c0_i32 = arith.constant 0 : i32
    %c0_i32_3 = arith.constant 0 : i32
    %c0_i32_4 = arith.constant 0 : i32
    return %get3A_2, %c0_i32, %c0_i32_3 : i32, i32, i32
  }
  func.func @transform_33(%arg0: i32, %arg1: memref<2048xi32, #tpu.memory_space<smem>>, %arg2: memref<2048xi32, #tpu.memory_space<smem>>) -> (i32, i32, i32) {
    %mul3A = arith.constant 32 : i32
    %mul3A_0 = arith.muli %arg0, %mul3A : i32
    %add3A = arith.constant 1 : i32
    %add3A_1 = arith.addi %mul3A_0, %add3A : i32
    %get3A = arith.index_cast %add3A_1 : i32 to index
    %get3A_2 = memref.load %arg2[%get3A] : memref<2048xi32, #tpu.memory_space<smem>>
    %c0_i32 = arith.constant 0 : i32
    %c0_i32_3 = arith.constant 0 : i32
    %c0_i32_4 = arith.constant 0 : i32
    return %get3A_2, %c0_i32, %c0_i32_3 : i32, i32, i32
  }
  func.func @transform_34(%arg0: i32, %arg1: memref<2048xi32, #tpu.memory_space<smem>>, %arg2: memref<2048xi32, #tpu.memory_space<smem>>) -> (i32, i32, i32) {
    %mul3A = arith.constant 32 : i32
    %mul3A_0 = arith.muli %arg0, %mul3A : i32
    %add3A = arith.constant 2 : i32
    %add3A_1 = arith.addi %mul3A_0, %add3A : i32
    %get3A = arith.index_cast %add3A_1 : i32 to index
    %get3A_2 = memref.load %arg2[%get3A] : memref<2048xi32, #tpu.memory_space<smem>>
    %c0_i32 = arith.constant 0 : i32
    %c0_i32_3 = arith.constant 0 : i32
    %c0_i32_4 = arith.constant 0 : i32
    return %get3A_2, %c0_i32, %c0_i32_3 : i32, i32, i32
  }
  func.func @transform_35(%arg0: i32, %arg1: memref<2048xi32, #tpu.memory_space<smem>>, %arg2: memref<2048xi32, #tpu.memory_space<smem>>) -> (i32, i32, i32) {
    %mul3A = arith.constant 32 : i32
    %mul3A_0 = arith.muli %arg0, %mul3A : i32
    %add3A = arith.constant 3 : i32
    %add3A_1 = arith.addi %mul3A_0, %add3A : i32
    %get3A = arith.index_cast %add3A_1 : i32 to index
    %get3A_2 = memref.load %arg2[%get3A] : memref<2048xi32, #tpu.memory_space<smem>>
    %c0_i32 = arith.constant 0 : i32
    %c0_i32_3 = arith.constant 0 : i32
    %c0_i32_4 = arith.constant 0 : i32
    return %get3A_2, %c0_i32, %c0_i32_3 : i32, i32, i32
  }
  func.func @transform_36(%arg0: i32, %arg1: memref<2048xi32, #tpu.memory_space<smem>>, %arg2: memref<2048xi32, #tpu.memory_space<smem>>) -> (i32, i32, i32) {
    %mul3A = arith.constant 32 : i32
    %mul3A_0 = arith.muli %arg0, %mul3A : i32
    %add3A = arith.constant 4 : i32
    %add3A_1 = arith.addi %mul3A_0, %add3A : i32
    %get3A = arith.index_cast %add3A_1 : i32 to index
    %get3A_2 = memref.load %arg2[%get3A] : memref<2048xi32, #tpu.memory_space<smem>>
    %c0_i32 = arith.constant 0 : i32
    %c0_i32_3 = arith.constant 0 : i32
    %c0_i32_4 = arith.constant 0 : i32
    return %get3A_2, %c0_i32, %c0_i32_3 : i32, i32, i32
  }
  func.func @transform_37(%arg0: i32, %arg1: memref<2048xi32, #tpu.memory_space<smem>>, %arg2: memref<2048xi32, #tpu.memory_space<smem>>) -> (i32, i32, i32) {
    %mul3A = arith.constant 32 : i32
    %mul3A_0 = arith.muli %arg0, %mul3A : i32
    %add3A = arith.constant 5 : i32
    %add3A_1 = arith.addi %mul3A_0, %add3A : i32
    %get3A = arith.index_cast %add3A_1 : i32 to index
    %get3A_2 = memref.load %arg2[%get3A] : memref<2048xi32, #tpu.memory_space<smem>>
    %c0_i32 = arith.constant 0 : i32
    %c0_i32_3 = arith.constant 0 : i32
    %c0_i32_4 = arith.constant 0 : i32
    return %get3A_2, %c0_i32, %c0_i32_3 : i32, i32, i32
  }
  func.func @transform_38(%arg0: i32, %arg1: memref<2048xi32, #tpu.memory_space<smem>>, %arg2: memref<2048xi32, #tpu.memory_space<smem>>) -> (i32, i32, i32) {
    %mul3A = arith.constant 32 : i32
    %mul3A_0 = arith.muli %arg0, %mul3A : i32
    %add3A = arith.constant 6 : i32
    %add3A_1 = arith.addi %mul3A_0, %add3A : i32
    %get3A = arith.index_cast %add3A_1 : i32 to index
    %get3A_2 = memref.load %arg2[%get3A] : memref<2048xi32, #tpu.memory_space<smem>>
    %c0_i32 = arith.constant 0 : i32
    %c0_i32_3 = arith.constant 0 : i32
    %c0_i32_4 = arith.constant 0 : i32
    return %get3A_2, %c0_i32, %c0_i32_3 : i32, i32, i32
  }
  func.func @transform_39(%arg0: i32, %arg1: memref<2048xi32, #tpu.memory_space<smem>>, %arg2: memref<2048xi32, #tpu.memory_space<smem>>) -> (i32, i32, i32) {
    %mul3A = arith.constant 32 : i32
    %mul3A_0 = arith.muli %arg0, %mul3A : i32
    %add3A = arith.constant 7 : i32
    %add3A_1 = arith.addi %mul3A_0, %add3A : i32
    %get3A = arith.index_cast %add3A_1 : i32 to index
    %get3A_2 = memref.load %arg2[%get3A] : memref<2048xi32, #tpu.memory_space<smem>>
    %c0_i32 = arith.constant 0 : i32
    %c0_i32_3 = arith.constant 0 : i32
    %c0_i32_4 = arith.constant 0 : i32
    return %get3A_2, %c0_i32, %c0_i32_3 : i32, i32, i32
  }
  func.func @transform_40(%arg0: i32, %arg1: memref<2048xi32, #tpu.memory_space<smem>>, %arg2: memref<2048xi32, #tpu.memory_space<smem>>) -> (i32, i32, i32) {
    %mul3A = arith.constant 32 : i32
    %mul3A_0 = arith.muli %arg0, %mul3A : i32
    %add3A = arith.constant 8 : i32
    %add3A_1 = arith.addi %mul3A_0, %add3A : i32
    %get3A = arith.index_cast %add3A_1 : i32 to index
    %get3A_2 = memref.load %arg2[%get3A] : memref<2048xi32, #tpu.memory_space<smem>>
    %c0_i32 = arith.constant 0 : i32
    %c0_i32_3 = arith.constant 0 : i32
    %c0_i32_4 = arith.constant 0 : i32
    return %get3A_2, %c0_i32, %c0_i32_3 : i32, i32, i32
  }
  func.func @transform_41(%arg0: i32, %arg1: memref<2048xi32, #tpu.memory_space<smem>>, %arg2: memref<2048xi32, #tpu.memory_space<smem>>) -> (i32, i32, i32) {
    %mul3A = arith.constant 32 : i32
    %mul3A_0 = arith.muli %arg0, %mul3A : i32
    %add3A = arith.constant 9 : i32
    %add3A_1 = arith.addi %mul3A_0, %add3A : i32
    %get3A = arith.index_cast %add3A_1 : i32 to index
    %get3A_2 = memref.load %arg2[%get3A] : memref<2048xi32, #tpu.memory_space<smem>>
    %c0_i32 = arith.constant 0 : i32
    %c0_i32_3 = arith.constant 0 : i32
    %c0_i32_4 = arith.constant 0 : i32
    return %get3A_2, %c0_i32, %c0_i32_3 : i32, i32, i32
  }
  func.func @transform_42(%arg0: i32, %arg1: memref<2048xi32, #tpu.memory_space<smem>>, %arg2: memref<2048xi32, #tpu.memory_space<smem>>) -> (i32, i32, i32) {
    %mul3A = arith.constant 32 : i32
    %mul3A_0 = arith.muli %arg0, %mul3A : i32
    %add3A = arith.constant 10 : i32
    %add3A_1 = arith.addi %mul3A_0, %add3A : i32
    %get3A = arith.index_cast %add3A_1 : i32 to index
    %get3A_2 = memref.load %arg2[%get3A] : memref<2048xi32, #tpu.memory_space<smem>>
    %c0_i32 = arith.constant 0 : i32
    %c0_i32_3 = arith.constant 0 : i32
    %c0_i32_4 = arith.constant 0 : i32
    return %get3A_2, %c0_i32, %c0_i32_3 : i32, i32, i32
  }
  func.func @transform_43(%arg0: i32, %arg1: memref<2048xi32, #tpu.memory_space<smem>>, %arg2: memref<2048xi32, #tpu.memory_space<smem>>) -> (i32, i32, i32) {
    %mul3A = arith.constant 32 : i32
    %mul3A_0 = arith.muli %arg0, %mul3A : i32
    %add3A = arith.constant 11 : i32
    %add3A_1 = arith.addi %mul3A_0, %add3A : i32
    %get3A = arith.index_cast %add3A_1 : i32 to index
    %get3A_2 = memref.load %arg2[%get3A] : memref<2048xi32, #tpu.memory_space<smem>>
    %c0_i32 = arith.constant 0 : i32
    %c0_i32_3 = arith.constant 0 : i32
    %c0_i32_4 = arith.constant 0 : i32
    return %get3A_2, %c0_i32, %c0_i32_3 : i32, i32, i32
  }
  func.func @transform_44(%arg0: i32, %arg1: memref<2048xi32, #tpu.memory_space<smem>>, %arg2: memref<2048xi32, #tpu.memory_space<smem>>) -> (i32, i32, i32) {
    %mul3A = arith.constant 32 : i32
    %mul3A_0 = arith.muli %arg0, %mul3A : i32
    %add3A = arith.constant 12 : i32
    %add3A_1 = arith.addi %mul3A_0, %add3A : i32
    %get3A = arith.index_cast %add3A_1 : i32 to index
    %get3A_2 = memref.load %arg2[%get3A] : memref<2048xi32, #tpu.memory_space<smem>>
    %c0_i32 = arith.constant 0 : i32
    %c0_i32_3 = arith.constant 0 : i32
    %c0_i32_4 = arith.constant 0 : i32
    return %get3A_2, %c0_i32, %c0_i32_3 : i32, i32, i32
  }
  func.func @transform_45(%arg0: i32, %arg1: memref<2048xi32, #tpu.memory_space<smem>>, %arg2: memref<2048xi32, #tpu.memory_space<smem>>) -> (i32, i32, i32) {
    %mul3A = arith.constant 32 : i32
    %mul3A_0 = arith.muli %arg0, %mul3A : i32
    %add3A = arith.constant 13 : i32
    %add3A_1 = arith.addi %mul3A_0, %add3A : i32
    %get3A = arith.index_cast %add3A_1 : i32 to index
    %get3A_2 = memref.load %arg2[%get3A] : memref<2048xi32, #tpu.memory_space<smem>>
    %c0_i32 = arith.constant 0 : i32
    %c0_i32_3 = arith.constant 0 : i32
    %c0_i32_4 = arith.constant 0 : i32
    return %get3A_2, %c0_i32, %c0_i32_3 : i32, i32, i32
  }
  func.func @transform_46(%arg0: i32, %arg1: memref<2048xi32, #tpu.memory_space<smem>>, %arg2: memref<2048xi32, #tpu.memory_space<smem>>) -> (i32, i32, i32) {
    %mul3A = arith.constant 32 : i32
    %mul3A_0 = arith.muli %arg0, %mul3A : i32
    %add3A = arith.constant 14 : i32
    %add3A_1 = arith.addi %mul3A_0, %add3A : i32
    %get3A = arith.index_cast %add3A_1 : i32 to index
    %get3A_2 = memref.load %arg2[%get3A] : memref<2048xi32, #tpu.memory_space<smem>>
    %c0_i32 = arith.constant 0 : i32
    %c0_i32_3 = arith.constant 0 : i32
    %c0_i32_4 = arith.constant 0 : i32
    return %get3A_2, %c0_i32, %c0_i32_3 : i32, i32, i32
  }
  func.func @transform_47(%arg0: i32, %arg1: memref<2048xi32, #tpu.memory_space<smem>>, %arg2: memref<2048xi32, #tpu.memory_space<smem>>) -> (i32, i32, i32) {
    %mul3A = arith.constant 32 : i32
    %mul3A_0 = arith.muli %arg0, %mul3A : i32
    %add3A = arith.constant 15 : i32
    %add3A_1 = arith.addi %mul3A_0, %add3A : i32
    %get3A = arith.index_cast %add3A_1 : i32 to index
    %get3A_2 = memref.load %arg2[%get3A] : memref<2048xi32, #tpu.memory_space<smem>>
    %c0_i32 = arith.constant 0 : i32
    %c0_i32_3 = arith.constant 0 : i32
    %c0_i32_4 = arith.constant 0 : i32
    return %get3A_2, %c0_i32, %c0_i32_3 : i32, i32, i32
  }
  func.func @transform_48(%arg0: i32, %arg1: memref<2048xi32, #tpu.memory_space<smem>>, %arg2: memref<2048xi32, #tpu.memory_space<smem>>) -> (i32, i32, i32) {
    %mul3A = arith.constant 32 : i32
    %mul3A_0 = arith.muli %arg0, %mul3A : i32
    %add3A = arith.constant 16 : i32
    %add3A_1 = arith.addi %mul3A_0, %add3A : i32
    %get3A = arith.index_cast %add3A_1 : i32 to index
    %get3A_2 = memref.load %arg2[%get3A] : memref<2048xi32, #tpu.memory_space<smem>>
    %c0_i32 = arith.constant 0 : i32
    %c0_i32_3 = arith.constant 0 : i32
    %c0_i32_4 = arith.constant 0 : i32
    return %get3A_2, %c0_i32, %c0_i32_3 : i32, i32, i32
  }
  func.func @transform_49(%arg0: i32, %arg1: memref<2048xi32, #tpu.memory_space<smem>>, %arg2: memref<2048xi32, #tpu.memory_space<smem>>) -> (i32, i32, i32) {
    %mul3A = arith.constant 32 : i32
    %mul3A_0 = arith.muli %arg0, %mul3A : i32
    %add3A = arith.constant 17 : i32
    %add3A_1 = arith.addi %mul3A_0, %add3A : i32
    %get3A = arith.index_cast %add3A_1 : i32 to index
    %get3A_2 = memref.load %arg2[%get3A] : memref<2048xi32, #tpu.memory_space<smem>>
    %c0_i32 = arith.constant 0 : i32
    %c0_i32_3 = arith.constant 0 : i32
    %c0_i32_4 = arith.constant 0 : i32
    return %get3A_2, %c0_i32, %c0_i32_3 : i32, i32, i32
  }
  func.func @transform_50(%arg0: i32, %arg1: memref<2048xi32, #tpu.memory_space<smem>>, %arg2: memref<2048xi32, #tpu.memory_space<smem>>) -> (i32, i32, i32) {
    %mul3A = arith.constant 32 : i32
    %mul3A_0 = arith.muli %arg0, %mul3A : i32
    %add3A = arith.constant 18 : i32
    %add3A_1 = arith.addi %mul3A_0, %add3A : i32
    %get3A = arith.index_cast %add3A_1 : i32 to index
    %get3A_2 = memref.load %arg2[%get3A] : memref<2048xi32, #tpu.memory_space<smem>>
    %c0_i32 = arith.constant 0 : i32
    %c0_i32_3 = arith.constant 0 : i32
    %c0_i32_4 = arith.constant 0 : i32
    return %get3A_2, %c0_i32, %c0_i32_3 : i32, i32, i32
  }
  func.func @transform_51(%arg0: i32, %arg1: memref<2048xi32, #tpu.memory_space<smem>>, %arg2: memref<2048xi32, #tpu.memory_space<smem>>) -> (i32, i32, i32) {
    %mul3A = arith.constant 32 : i32
    %mul3A_0 = arith.muli %arg0, %mul3A : i32
    %add3A = arith.constant 19 : i32
    %add3A_1 = arith.addi %mul3A_0, %add3A : i32
    %get3A = arith.index_cast %add3A_1 : i32 to index
    %get3A_2 = memref.load %arg2[%get3A] : memref<2048xi32, #tpu.memory_space<smem>>
    %c0_i32 = arith.constant 0 : i32
    %c0_i32_3 = arith.constant 0 : i32
    %c0_i32_4 = arith.constant 0 : i32
    return %get3A_2, %c0_i32, %c0_i32_3 : i32, i32, i32
  }
  func.func @transform_52(%arg0: i32, %arg1: memref<2048xi32, #tpu.memory_space<smem>>, %arg2: memref<2048xi32, #tpu.memory_space<smem>>) -> (i32, i32, i32) {
    %mul3A = arith.constant 32 : i32
    %mul3A_0 = arith.muli %arg0, %mul3A : i32
    %add3A = arith.constant 20 : i32
    %add3A_1 = arith.addi %mul3A_0, %add3A : i32
    %get3A = arith.index_cast %add3A_1 : i32 to index
    %get3A_2 = memref.load %arg2[%get3A] : memref<2048xi32, #tpu.memory_space<smem>>
    %c0_i32 = arith.constant 0 : i32
    %c0_i32_3 = arith.constant 0 : i32
    %c0_i32_4 = arith.constant 0 : i32
    return %get3A_2, %c0_i32, %c0_i32_3 : i32, i32, i32
  }
  func.func @transform_53(%arg0: i32, %arg1: memref<2048xi32, #tpu.memory_space<smem>>, %arg2: memref<2048xi32, #tpu.memory_space<smem>>) -> (i32, i32, i32) {
    %mul3A = arith.constant 32 : i32
    %mul3A_0 = arith.muli %arg0, %mul3A : i32
    %add3A = arith.constant 21 : i32
    %add3A_1 = arith.addi %mul3A_0, %add3A : i32
    %get3A = arith.index_cast %add3A_1 : i32 to index
    %get3A_2 = memref.load %arg2[%get3A] : memref<2048xi32, #tpu.memory_space<smem>>
    %c0_i32 = arith.constant 0 : i32
    %c0_i32_3 = arith.constant 0 : i32
    %c0_i32_4 = arith.constant 0 : i32
    return %get3A_2, %c0_i32, %c0_i32_3 : i32, i32, i32
  }
  func.func @transform_54(%arg0: i32, %arg1: memref<2048xi32, #tpu.memory_space<smem>>, %arg2: memref<2048xi32, #tpu.memory_space<smem>>) -> (i32, i32, i32) {
    %mul3A = arith.constant 32 : i32
    %mul3A_0 = arith.muli %arg0, %mul3A : i32
    %add3A = arith.constant 22 : i32
    %add3A_1 = arith.addi %mul3A_0, %add3A : i32
    %get3A = arith.index_cast %add3A_1 : i32 to index
    %get3A_2 = memref.load %arg2[%get3A] : memref<2048xi32, #tpu.memory_space<smem>>
    %c0_i32 = arith.constant 0 : i32
    %c0_i32_3 = arith.constant 0 : i32
    %c0_i32_4 = arith.constant 0 : i32
    return %get3A_2, %c0_i32, %c0_i32_3 : i32, i32, i32
  }
  func.func @transform_55(%arg0: i32, %arg1: memref<2048xi32, #tpu.memory_space<smem>>, %arg2: memref<2048xi32, #tpu.memory_space<smem>>) -> (i32, i32, i32) {
    %mul3A = arith.constant 32 : i32
    %mul3A_0 = arith.muli %arg0, %mul3A : i32
    %add3A = arith.constant 23 : i32
    %add3A_1 = arith.addi %mul3A_0, %add3A : i32
    %get3A = arith.index_cast %add3A_1 : i32 to index
    %get3A_2 = memref.load %arg2[%get3A] : memref<2048xi32, #tpu.memory_space<smem>>
    %c0_i32 = arith.constant 0 : i32
    %c0_i32_3 = arith.constant 0 : i32
    %c0_i32_4 = arith.constant 0 : i32
    return %get3A_2, %c0_i32, %c0_i32_3 : i32, i32, i32
  }
  func.func @transform_56(%arg0: i32, %arg1: memref<2048xi32, #tpu.memory_space<smem>>, %arg2: memref<2048xi32, #tpu.memory_space<smem>>) -> (i32, i32, i32) {
    %mul3A = arith.constant 32 : i32
    %mul3A_0 = arith.muli %arg0, %mul3A : i32
    %add3A = arith.constant 24 : i32
    %add3A_1 = arith.addi %mul3A_0, %add3A : i32
    %get3A = arith.index_cast %add3A_1 : i32 to index
    %get3A_2 = memref.load %arg2[%get3A] : memref<2048xi32, #tpu.memory_space<smem>>
    %c0_i32 = arith.constant 0 : i32
    %c0_i32_3 = arith.constant 0 : i32
    %c0_i32_4 = arith.constant 0 : i32
    return %get3A_2, %c0_i32, %c0_i32_3 : i32, i32, i32
  }
  func.func @transform_57(%arg0: i32, %arg1: memref<2048xi32, #tpu.memory_space<smem>>, %arg2: memref<2048xi32, #tpu.memory_space<smem>>) -> (i32, i32, i32) {
    %mul3A = arith.constant 32 : i32
    %mul3A_0 = arith.muli %arg0, %mul3A : i32
    %add3A = arith.constant 25 : i32
    %add3A_1 = arith.addi %mul3A_0, %add3A : i32
    %get3A = arith.index_cast %add3A_1 : i32 to index
    %get3A_2 = memref.load %arg2[%get3A] : memref<2048xi32, #tpu.memory_space<smem>>
    %c0_i32 = arith.constant 0 : i32
    %c0_i32_3 = arith.constant 0 : i32
    %c0_i32_4 = arith.constant 0 : i32
    return %get3A_2, %c0_i32, %c0_i32_3 : i32, i32, i32
  }
  func.func @transform_58(%arg0: i32, %arg1: memref<2048xi32, #tpu.memory_space<smem>>, %arg2: memref<2048xi32, #tpu.memory_space<smem>>) -> (i32, i32, i32) {
    %mul3A = arith.constant 32 : i32
    %mul3A_0 = arith.muli %arg0, %mul3A : i32
    %add3A = arith.constant 26 : i32
    %add3A_1 = arith.addi %mul3A_0, %add3A : i32
    %get3A = arith.index_cast %add3A_1 : i32 to index
    %get3A_2 = memref.load %arg2[%get3A] : memref<2048xi32, #tpu.memory_space<smem>>
    %c0_i32 = arith.constant 0 : i32
    %c0_i32_3 = arith.constant 0 : i32
    %c0_i32_4 = arith.constant 0 : i32
    return %get3A_2, %c0_i32, %c0_i32_3 : i32, i32, i32
  }
  func.func @transform_59(%arg0: i32, %arg1: memref<2048xi32, #tpu.memory_space<smem>>, %arg2: memref<2048xi32, #tpu.memory_space<smem>>) -> (i32, i32, i32) {
    %mul3A = arith.constant 32 : i32
    %mul3A_0 = arith.muli %arg0, %mul3A : i32
    %add3A = arith.constant 27 : i32
    %add3A_1 = arith.addi %mul3A_0, %add3A : i32
    %get3A = arith.index_cast %add3A_1 : i32 to index
    %get3A_2 = memref.load %arg2[%get3A] : memref<2048xi32, #tpu.memory_space<smem>>
    %c0_i32 = arith.constant 0 : i32
    %c0_i32_3 = arith.constant 0 : i32
    %c0_i32_4 = arith.constant 0 : i32
    return %get3A_2, %c0_i32, %c0_i32_3 : i32, i32, i32
  }
  func.func @transform_60(%arg0: i32, %arg1: memref<2048xi32, #tpu.memory_space<smem>>, %arg2: memref<2048xi32, #tpu.memory_space<smem>>) -> (i32, i32, i32) {
    %mul3A = arith.constant 32 : i32
    %mul3A_0 = arith.muli %arg0, %mul3A : i32
    %add3A = arith.constant 28 : i32
    %add3A_1 = arith.addi %mul3A_0, %add3A : i32
    %get3A = arith.index_cast %add3A_1 : i32 to index
    %get3A_2 = memref.load %arg2[%get3A] : memref<2048xi32, #tpu.memory_space<smem>>
    %c0_i32 = arith.constant 0 : i32
    %c0_i32_3 = arith.constant 0 : i32
    %c0_i32_4 = arith.constant 0 : i32
    return %get3A_2, %c0_i32, %c0_i32_3 : i32, i32, i32
  }
  func.func @transform_61(%arg0: i32, %arg1: memref<2048xi32, #tpu.memory_space<smem>>, %arg2: memref<2048xi32, #tpu.memory_space<smem>>) -> (i32, i32, i32) {
    %mul3A = arith.constant 32 : i32
    %mul3A_0 = arith.muli %arg0, %mul3A : i32
    %add3A = arith.constant 29 : i32
    %add3A_1 = arith.addi %mul3A_0, %add3A : i32
    %get3A = arith.index_cast %add3A_1 : i32 to index
    %get3A_2 = memref.load %arg2[%get3A] : memref<2048xi32, #tpu.memory_space<smem>>
    %c0_i32 = arith.constant 0 : i32
    %c0_i32_3 = arith.constant 0 : i32
    %c0_i32_4 = arith.constant 0 : i32
    return %get3A_2, %c0_i32, %c0_i32_3 : i32, i32, i32
  }
  func.func @transform_62(%arg0: i32, %arg1: memref<2048xi32, #tpu.memory_space<smem>>, %arg2: memref<2048xi32, #tpu.memory_space<smem>>) -> (i32, i32, i32) {
    %mul3A = arith.constant 32 : i32
    %mul3A_0 = arith.muli %arg0, %mul3A : i32
    %add3A = arith.constant 30 : i32
    %add3A_1 = arith.addi %mul3A_0, %add3A : i32
    %get3A = arith.index_cast %add3A_1 : i32 to index
    %get3A_2 = memref.load %arg2[%get3A] : memref<2048xi32, #tpu.memory_space<smem>>
    %c0_i32 = arith.constant 0 : i32
    %c0_i32_3 = arith.constant 0 : i32
    %c0_i32_4 = arith.constant 0 : i32
    return %get3A_2, %c0_i32, %c0_i32_3 : i32, i32, i32
  }
  func.func @transform_63(%arg0: i32, %arg1: memref<2048xi32, #tpu.memory_space<smem>>, %arg2: memref<2048xi32, #tpu.memory_space<smem>>) -> (i32, i32, i32) {
    %mul3A = arith.constant 32 : i32
    %mul3A_0 = arith.muli %arg0, %mul3A : i32
    %add3A = arith.constant 31 : i32
    %add3A_1 = arith.addi %mul3A_0, %add3A : i32
    %get3A = arith.index_cast %add3A_1 : i32 to index
    %get3A_2 = memref.load %arg2[%get3A] : memref<2048xi32, #tpu.memory_space<smem>>
    %c0_i32 = arith.constant 0 : i32
    %c0_i32_3 = arith.constant 0 : i32
    %c0_i32_4 = arith.constant 0 : i32
    return %get3A_2, %c0_i32, %c0_i32_3 : i32, i32, i32
  }
  func.func @transform_64(%arg0: i32, %arg1: memref<2048xi32, #tpu.memory_space<smem>>, %arg2: memref<2048xi32, #tpu.memory_space<smem>>) -> (i32, i32) {
    %c0_i32 = arith.constant 0 : i32
    %c0_i32_0 = arith.constant 0 : i32
    %c0_i32_1 = arith.constant 0 : i32
    return %c0_i32, %c0_i32_0 : i32, i32
  }
  func.func @transform_65(%arg0: i32, %arg1: memref<2048xi32, #tpu.memory_space<smem>>, %arg2: memref<2048xi32, #tpu.memory_space<smem>>) -> (i32, i32) {
    %c0_i32 = arith.constant 0 : i32
    %c0_i32_0 = arith.constant 0 : i32
    %c0_i32_1 = arith.constant 0 : i32
    return %c0_i32, %c0_i32_0 : i32, i32
  }
  func.func @transform_66(%arg0: i32, %arg1: memref<2048xi32, #tpu.memory_space<smem>>, %arg2: memref<2048xi32, #tpu.memory_space<smem>>) -> (i32, i32) {
    %c0_i32 = arith.constant 0 : i32
    %c0_i32_0 = arith.constant 0 : i32
    %c0_i32_1 = arith.constant 0 : i32
    return %c0_i32, %c0_i32_0 : i32, i32
  }
  func.func @transform_67(%arg0: i32, %arg1: memref<2048xi32, #tpu.memory_space<smem>>, %arg2: memref<2048xi32, #tpu.memory_space<smem>>) -> (i32, i32) {
    %c0_i32 = arith.constant 0 : i32
    %c0_i32_0 = arith.constant 0 : i32
    %c0_i32_1 = arith.constant 0 : i32
    return %c0_i32, %c0_i32_0 : i32, i32
  }
  func.func @transform_68(%arg0: i32, %arg1: memref<2048xi32, #tpu.memory_space<smem>>, %arg2: memref<2048xi32, #tpu.memory_space<smem>>) -> (i32, i32) {
    %c0_i32 = arith.constant 0 : i32
    %c0_i32_0 = arith.constant 0 : i32
    %c0_i32_1 = arith.constant 0 : i32
    return %c0_i32, %c0_i32_0 : i32, i32
  }
  func.func @transform_69(%arg0: i32, %arg1: memref<2048xi32, #tpu.memory_space<smem>>, %arg2: memref<2048xi32, #tpu.memory_space<smem>>) -> (i32, i32) {
    %c0_i32 = arith.constant 0 : i32
    %c0_i32_0 = arith.constant 0 : i32
    return %arg0, %c0_i32 : i32, i32
  }
}

</mosaic_0001>

<sc_bundles>
// kernel: kernel.6.cloned.1.call-start
scs
__scs_entry_jumppad:
0x0: {  	(pc) =	sbr.rel $0x88, $3  }
0x1: {  	(tag) =	ssettag $0x0;
	lr =	simm.s32 $0x1  }
0x2: {  	[smem:$0x3F92] =	sst lr;
	_ =	strace $0xD0000000  }
0x3: {  	_ = 	snop  }
0x4: {  	_ = 	snop  }
0x5: {  	_ = 	snop  }
0x6: {  	_ = 	snop  }
0x7: {  	_ = 	snop  }
__scs_overlays_trampoline_lowered:
0x8: {  	[smem:$0x3FA1] =	sst s0  }
0x9: {  	[smem:$0x3FA2] =	sst s1  }
0xa: {  	[smem:$0x3FA3] =	sst s2  }
0xb: {  	[smem:$0x3FA4] =	sst s3  }
0xc: {  	[smem:$0x3FA5] =	sst s4  }
0xd: {  	[smem:$0x3FA6] =	sst s5  }
0xe: {  	[smem:$0x3FA7] =	sst s6  }
0xf: {  	[smem:$0x3FA8] =	sst s7  }
0x10: {  	[smem:$0x3FA9] =	sst s8  }
0x11: {  	[smem:$0x3FAA] =	sst s9;
	s0 =	simm.s32 @!p0 $0x0  }
0x12: {  	s1 =	sld [smem:$0x3F90];
	s0 =	simm.s32 @p0 $0x1  }
0x13: {  	[smem:$0x3FAB] =	sst s0;
	s0 =	simm.s32 @!p1 $0x0  }
0x14: {  	s2 =	sld [smem:$0x3F8F];
	s0 =	simm.s32 @p1 $0x1  }
0x15: {  	[smem:$0x3FAC] =	sst s0;
	s0 =	simm.s32 @!p2 $0x0  }
0x16: {  	s3 =	sld [smem:$0x3FDB];
	s0 =	simm.s32 @p2 $0x1  }
0x17: {  	s4 =	simm.s32 $0x1BF5;
	[smem:$0x3FAE] =	sst s0  }
0x18: {  	s0 =	sld [smem:$0x3F91];
	_ =	swait.ge [sflag:s4], $0x0  }
0x19: {  	s7 =	sld [smem:$0x3F92]  }
0x1a: {  	s8 =	sadd.s32 $0xFFFFE003, lr  }
0x1b: {  	s9 =	sadd.s32 $0xFFFFFEF7, lr;
	s5 =	simm.s32 $0xFFFFFFFF;
	p2 =	slt.u32 s8, $0xFFFFF086  }
0x1c: {  	p1 =	slt.u32 s9, $0xF7A;
	s5 =	simm.s32 @!p2 $0x0  }
0x1d: {  	s5 =	simm.s32 @p1 $0x1;
	p0 =	seq.s32 s7, s2  }
0x1e: {  	s7 =	smul.u32 @!p0 $0xF7A, s2;
	p2 =	seq.s32 @!p0 s5, $0x0  }
0x1f: {  	s9 =	smul.u32 $0xF7A, s1;
	s8 =	simm.s32 @!p0 $0x1BF5;
	p2 =	por !p2, p0  }
0x20: {  	[sflag:s8] =	ssyncset.s32 @!p0 $0xFFFFF086;
	s6 =	sadd.s32 @!p0 s3, s7;
	s7 =	simm.s32 @!p0 $0x108  }
0x21: {  	s3 =	sadd.s32 s3, s9;
	s6 =	sadd.s32 @!p0 $0x88, s6;
	s7 =	simm.s32 @p2 $0x1082  }
0x22: {  	[simem:s7], [sflag:s8] =	dma.local @!p0 [hbm:s6], $0xF7A  }
0x23: {  	s9 =	sor.u32 $0xD0000000, s2;
	s6 =	simm.s32 $0x108;
	_ =	swait.ge @!p0 [sflag:s8], $0x0  }
0x24: {  	s3 =	sadd.s32 $0x88, s3;
	s6 =	simm.s32 @!p1 $0x1082;
	[sflag:s4] =	ssyncset.s32 $0xFFFFF086  }
0x25: {  	[simem:s6], [sflag:s4] =	dma.local [hbm:s3], $0xF7A  }
0x26: {  	[smem:$0x3F92] =	sst s1;
	(tag) =	ssettag s2;
	_ =	strace s9  }
0x27: {  	s1 =	sld [smem:$0x3FA2]  }
0x28: {  	s2 =	sld [smem:$0x3FA3]  }
0x29: {  	s4 =	sld [smem:$0x3FA5]  }
0x2a: {  	p0 =	seq.s32 s5, $0x0;
	s5 =	sld [smem:$0x3FA6]  }
0x2b: {  	s6 =	sld [smem:$0x3FA7]  }
0x2c: {  	s7 =	sld [smem:$0x3FA8]  }
0x2d: {  	s3 =	simm.s32 $0x108;
	s8 =	sld [smem:$0x3FA9]  }
0x2e: {  	s3 =	simm.s32 @!p0 $0x1082;
	s9 =	sld [smem:$0x3FAA]  }
0x2f: {  	lr =	sadd.s32 s0, s3;
	s0 =	sld [smem:$0x3FA1]  }
0x30: {  	s3 =	sld [smem:$0x3FA4]  }
0x31: {  	[smem:$0x3FAD] =	sst s10  }
0x32: {  	s10 =	sld [smem:$0x3FAB];
	_ =	sdelay $0x3  }
0x33: {  	p0 =	seq.s32 s10, $0x1;
	s10 =	sld [smem:$0x3FAD];
	_ =	sdelay $0x3  }
0x34: {  	[smem:$0x3FAD] =	sst s10  }
0x35: {  	s10 =	sld [smem:$0x3FAC];
	_ =	sdelay $0x3  }
0x36: {  	p1 =	seq.s32 s10, $0x1;
	s10 =	sld [smem:$0x3FAD];
	_ =	sdelay $0x3  }
0x37: {  	[smem:$0x3FAD] =	sst s10  }
0x38: {  	s10 =	sld [smem:$0x3FAE]  }
0x39: {  	_ = 	snop;
	(pc) =	sbr.ind lr, $3  }
0x3a: {  	_ = 	snop  }
0x3b: {  	_ = 	snop  }
0x3c: {  	p2 =	seq.s32 s10, $0x1;
	s10 =	sld [smem:$0x3FAD]  }
0x3d: {  	_ =	shalt  }
0x3e: {  	_ =	shalt  }
0x3f: {  	_ =	shalt  }
0x40: {  	_ =	shalt  }
0x41: {  	_ =	shalt  }
0x42: {  	_ =	shalt  }
0x43: {  	_ =	shalt  }
0x44: {  	_ =	shalt  }
0x45: {  	_ =	shalt  }
0x46: {  	_ =	shalt  }
0x47: {  	_ =	shalt  }
0x48: {  	_ =	shalt  }
0x49: {  	_ =	shalt  }
0x4a: {  	_ =	shalt  }
0x4b: {  	_ =	shalt  }
0x4c: {  	_ =	shalt  }
0x4d: {  	_ =	shalt  }
0x4e: {  	_ =	shalt  }
0x4f: {  	_ =	shalt  }
0x50: {  	_ =	shalt  }
0x51: {  	_ =	shalt  }
0x52: {  	_ =	shalt  }
0x53: {  	_ =	shalt  }
0x54: {  	_ =	shalt  }
0x55: {  	_ =	shalt  }
0x56: {  	_ =	shalt  }
0x57: {  	_ =	shalt  }
0x58: {  	_ =	shalt  }
0x59: {  	_ =	shalt  }
0x5a: {  	_ =	shalt  }
0x5b: {  	_ =	shalt  }
0x5c: {  	_ =	shalt  }
0x5d: {  	_ =	shalt  }
0x5e: {  	_ =	shalt  }
0x5f: {  	_ =	shalt  }
0x60: {  	_ =	shalt  }
0x61: {  	_ =	shalt  }
0x62: {  	_ =	shalt  }
0x63: {  	_ =	shalt  }
0x64: {  	_ =	shalt  }
0x65: {  	_ =	shalt  }
0x66: {  	_ =	shalt  }
0x67: {  	_ =	shalt  }
0x68: {  	_ =	shalt  }
0x69: {  	_ =	shalt  }
0x6a: {  	_ =	shalt  }
0x6b: {  	_ =	shalt  }
0x6c: {  	_ =	shalt  }
0x6d: {  	_ =	shalt  }
0x6e: {  	_ =	shalt  }
0x6f: {  	_ =	shalt  }
0x70: {  	_ =	shalt  }
0x71: {  	_ =	shalt  }
0x72: {  	_ =	shalt  }
0x73: {  	_ =	shalt  }
0x74: {  	_ =	shalt  }
0x75: {  	_ =	shalt  }
0x76: {  	_ =	shalt  }
0x77: {  	_ =	shalt  }
0x78: {  	_ =	shalt  }
0x79: {  	_ =	shalt  }
0x7a: {  	_ =	shalt  }
0x7b: {  	_ =	shalt  }
0x7c: {  	_ =	shalt  }
0x7d: {  	_ =	shalt  }
0x7e: {  	_ =	shalt  }
0x7f: {  	_ =	shalt  }
0x80: {  	_ =	shalt  }
0x81: {  	_ =	shalt  }
0x82: {  	_ =	shalt  }
0x83: {  	_ =	shalt  }
0x84: {  	_ =	shalt  }
0x85: {  	_ =	shalt  }
0x86: {  	_ =	shalt  }
0x87: {  	_ =	shalt  }
.Lfunc_end0:
.L_simem_size_0:
called_computation_lowered:
.L_overlay_start_0:
0x88: {  	s2 =	sld [smem:$0x3FD9]  }
0x89: {  	s3 =	sld [smem:$0x3FFE];
	_ =	sdelay $0x1  }
0x8a: {  	s1 =	srdreg.scid  }
0x8b: {  	s0 =	sand.u32 $0x1, s1  }
0x8c: {  	s16 =	sshll.u32 s0, $0xA;
	s2 =	sadd.s32 s3, s2  }
0x8d: {  	s2 =	sadd.s32 s2, s16  }
0x8e: {  	[smem:$0x3FB9] =	sst s2  }
0x8f: {  	_ = 	snop  }
0x90: {  	(tm) =	ssettm $0x1  }
0x91: {  	s17 =	sld [smem:$0x3FFB];
	_ =	sdelay $0x3  }
0x92: {  	_ =	strace s17  }
0x93: {  	s2 =	sld [smem:$0x3FFC];
	_ =	sdelay $0x3  }
0x94: {  	_ =	strace s2  }
0x95: {  	s2 =	sld [smem:$0x3FFD];
	_ =	sdelay $0x3  }
0x96: {  	_ =	strace s2  }
0x97: {  	_ =	strace $0x8FFFFFFF  }
0x98: {  	s18 =	sld [smem:$0x3FDB];
	_ =	sdelay $0x1  }
0x99: {  	s19 =	simm.s32 $_scs_section_size  }
0x9a: {  	s4 =	simm.s32 $_size__tile_overlayer_lowered;
	s5 =	simm.s32 $_tile_overlayer_lowered  }
0x9b: {  	s22 =	simm.s32 $0x1BFF;
	s21 =	sshll.u32 s5, $0x1;
	s2 =	sadd.s32 s19, s18  }
0x9c: {  	s6 =	simm.s32 $0x0;
	s20 =	sshll.u32 s4, $0x1;
	s4 =	sadd.s32 s21, s2  }
0x9d: {  	[timem:s6], [sflag:s22] =	dma.local [hbm:s4], s20  }
0x9e: {  	_ =	swait.ge [sflag:s22], s20  }
0x9f: {  	s3 =	ssub.s32 $0x0, s20;
	[sflag:s22] =	ssyncset.done $0x0  }
0xa0: {  	[sflag:s22] =	ssyncadd.s32 s3;
	_ =	sdelay $0x1  }
0xa1: {  	s23 =	simm.s32 $0x1B8B  }
0xa2: {  	_ =	swait.ge [sflag:s23], $0x1  }
0xa3: {  	[sflag:s23] =	ssyncset.done $0x0  }
0xa4: {  	s25 =	simm.s32 $0x1B8E;
	s24 =	sld [smem:$0x3FFE];
	[sflag:s23] =	ssyncadd.s32 $0xFFFFFFFF  }
0xa5: {  	s26 =	simm.s32 $execute0_lowered;
	[smem:$0x3FD2] =	sst s25  }
0xa6: {  	s4 =	sshll.u32 s26, $0x1;
	_ =	strace $0x80000046;
	[dreg:$0x1] =	wrdreg $0xFFFFFFFF  }
0xa7: {  	s28 =	simm.s32 $_size_execute0_lowered;
	s2 =	sadd.s32 s2, s4;
	[dreg:$0x0] =	wrdreg $0x0  }
0xa8: {  	s4 =	sshll.u32 s28, $0x1;
	[dreg:$0x2] =	wrdreg s2  }
0xa9: {  	[dreg:$0x3] =	wrdreg s4  }
0xaa: {  	[dreg:$0x4] =	wrdreg $0xC0  }
0xab: {  	_ =	task [dreg:s6], $0x5FFFF  }
0xac: {  	[dreg:$0x1] =	wrdreg $0xFFFFFFFF  }
0xad: {  	[dreg:$0x0] =	wrdreg $0x60  }
0xae: {  	[dreg:$0x2] =	wrdreg s24  }
0xaf: {  	[dreg:$0x3] =	wrdreg $0xC0800  }
0xb0: {  	[dreg:$0x4] =	wrdreg $0xC1800  }
0xb1: {  	[dreg:$0x5] =	wrdreg $0x9  }
0xb2: {  	_ =	task.clear_ibuf [dreg:s6], $0x6FFFF;
	_ =	strace $0x90000046  }
0xb3: {  	s29 =	simm.s32 $0x9;
	_ =	strace $0x80000048  }
0xb4: {  	_ =	swait.ge [sflag:s29], $0x1  }
0xb5: {  	[sflag:s29] =	ssyncadd.s32 $0xFFFFFFFF  }
0xb6: {  	_ =	strace $0x90000048  }
0xb7: {  	_ =	sfence  }
0xb8: {  	s30 =	sld [smem:$0x0];
	_ =	sdelay $0x2  }
0xb9: {  	s31 =	sshll.u32 s1, $0xD;
	s1 =	sshrl.u32 s1, $0x2  }
0xba: {  	s3 =	sand.u32 $0x4000, s31;
	s1 =	sadd.s32 s1, s30  }
0xbb: {  	s0 =	sor.u32 s3, s0;
	s1 =	sshll.u32 s1, $0x11  }
0xbc: {  	s0 =	sor.u32 s1, s0  }
0xbd: {  	s0 =	sadd.s32 $0x8F2B, s0  }
0xbe: {  	[sflag:s0] =	ssyncadd.remote.s32 $0x1  }
0xbf: {  	_ =	sfence.sel $0xFFFF  }
0xc0: {  	[dreg:$0x0] =	wrdreg $0xFFFFFFFF;
	(pc) =	sbr.abs _section_cstart, $3  }
0xc1: {  	[dreg:$0x1] =	wrdreg $0xFFFFFFFF  }
0xc2: {  	_ =	task.clear_ibuf [dreg:s6], $0x2FFFF;
	_ =	strace $0x9FFFFFFF  }
0xc3: {  	(tm) =	ssettm $0x7FFFFFFF  }
tec
execute0_lowered:
.L_overlay_start_1:
0x0: {  	(tag) =	ssettag $0x1  }
0x1: {  	s0 =	rddreg [dreg:$0x0]  }
0x2: {  	s1 =	rddreg [dreg:$0x1]  }
0x3: {  	s2 =	rddreg [dreg:$0x2];
	s3 =	simm.s32 $0x0;
	s4 =	stileid.u32  }
0x4: {  	s6 =	srdreg.scid;
	s25 =	simm.s32 $0xA000;
	s26 =	simm.s32 $0xA080  }
0x5: {  	s16 =	simm.s32 $0xA400;
	s17 =	simm.s32 $0xA480;
	s18 =	simm.s32 $0xA500  }
0x6: {  	s19 =	simm.s32 $0xA580;
	s20 =	simm.s32 $0xA600;
	s21 =	simm.s32 $0xA680  }
0x7: {  	s28 =	simm.s32 $0xAB00;
	s29 =	simm.s32 $0xAB80;
	s30 =	simm.s32 $0xAC00  }
0x8: {  	s31 =	simm.s32 $0xAC80;
	[smem:$0x7FF] =	sst s3;
	s5 =	sshll.u32 s4, $0x9  }
0x9: {  	s6 =	sand.u32 $0x1, s6;
	_ =	strace $0x80000047;
	[dreg:$0x5] =	wrdreg s25  }
0xa: {  	s8 =	sadd.s32 $0x1E00, s0;
	s10 =	sshll.u32 s4, $0x8;
	[dreg:$0x6] =	wrdreg s26  }
0xb: {  	s22 =	sshll.u32 s4, $0x10;
	p0 =	sne.s32 s4, $0x0;
	[dreg:$0xd] =	wrdreg s16  }
0xc: {  	s7 =	sadd.s32 s5, s0;
	s9 =	sshll.u32 s6, $0xC;
	[dreg:$0xe] =	wrdreg s17  }
0xd: {  	s11 =	sshll.u32 s6, $0x17;
	s13 =	ssub.s32 $0x2, s6;
	[dreg:$0xf] =	wrdreg s18  }
0xe: {  	s14 =	sshll.u32 s6, $0x4;
	s6 =	sshll.u32 s6, $0xB;
	[dreg:$0x10] =	wrdreg s19  }
0xf: {  	s5 =	sadd.s32 s8, s5;
	s17 =	simm.s32 $0x80;
	[dreg:$0x11] =	wrdreg s20  }
0x10: {  	[dreg:$0x12] =	wrdreg s21;
	s25 =	simm.s32 $0xA880;
	s26 =	simm.s32 $0xA900  }
0x11: {  	s18 =	simm.s32 $0xAD80;
	s19 =	simm.s32 $0xAE00;
	[dreg:$0x4] =	wrdreg s6  }
0x12: {  	s20 =	simm.s32 $0xAE80;
	s21 =	simm.s32 $0xAF00;
	[dreg:$0x1c] =	wrdreg s5  }
0x13: {  	s9 =	sor.u32 s10, s9;
	s11 =	sor.u32 s22, s11;
	[dreg:$0x16] =	wrdreg s25  }
0x14: {  	s14 =	sadd.s32 s14, s0;
	s7 =	sadd.s32 $0x3E00, s7;
	[dreg:$0x17] =	wrdreg s26  }
0x15: {  	s10 =	sadd.s32 s22, s2;
	s22 =	simm.s32 $0xA700;
	[dreg:$0x1b] =	wrdreg s7  }
0x16: {  	s12 =	sadd.s32 s9, s0;
	s9 =	sadd.s32 s8, s9;
	[dreg:$0x13] =	wrdreg s22  }
0x17: {  	s16 =	simm.s32 $0x0;
	s24 =	sadd.s32 $0x7E00, s14;
	[dreg:$0x18] =	wrdreg s9  }
0x18: {  	s15 =	sshrl.u32 s13, $0x1;
	s7 =	simm.s32 $0xA100;
	[dreg:$0x1a] =	wrdreg s24  }
0x19: {  	s25 =	simm.s32 $0xAA00;
	s8 =	simm.s32 $0xA180;
	[dreg:$0x7] =	wrdreg s7  }
0x1a: {  	s26 =	simm.s32 $0xAA80;
	s14 =	simm.s32 $0xA300;
	[dreg:$0x8] =	wrdreg s8  }
0x1b: {  	s13 =	ssub.s32 s13, s15;
	s15 =	simm.s32 $0xA380;
	[dreg:$0xb] =	wrdreg s14  }
0x1c: {  	s11 =	sshrl.u32 s11, $0x3;
	s23 =	sadd.s32 $0x5E00, s12;
	[dreg:$0xc] =	wrdreg s15  }
0x1d: {  	s22 =	simm.s32 $0x1;
	s12 =	smax.u32 s13, $0x1;
	[dreg:$0x19] =	wrdreg s23  }
0x1e: {  	s0 =	sadd.s32 s11, s0;
	s9 =	simm.s32 $0xA200;
	[dreg:$0x1d] =	wrdreg s12  }
0x1f: {  	s11 =	sadd.s32 $0x8000, s10;
	s13 =	simm.s32 $0xA280;
	[dreg:$0x9] =	wrdreg s9  }
0x20: {  	s15 =	simm.s32 $0x2;
	s24 =	simm.s32 $0xA800;
	[dreg:$0xa] =	wrdreg s13  }
0x21: {  	s14 =	simm.s32 $0xAF80;
	s0 =	sadd.s32 $0x9200, s0;
	[dreg:$0x15] =	wrdreg s24  }
0x22: {  	s23 =	simm.s32 $0xA780;
	s24 =	simm.s32 $0xA980;
	[dreg:$0x1e] =	wrdreg s0  }
0x23: {  	v0 =	vimm.f32 $0.0e+00;
	v1 =	vimm.f32 $1.000000000e+00;
	[dreg:$0x14] =	wrdreg s23;
	s23 =	simm.s32 $0xB000;
	s0 =	simm.s32 $0xAD00  }
.LBB2_1:
0x24: {  	s5 =	simm.s32 $0x40;
	s7 =	simm.s32 $0x0  }
.LBB2_2:
0x25: {  	p1 =	sne.s32 s5, $0x1FFC0;
	[tilespmem:s7+$0x0] =	vst v0;
	s7 =	smov.u32 s5;
	s5 =	sadd.s32 $0x40, s5  }
.Ltmp0:
0x26: {  	(pc) =	sbr.rel @p1 .LBB2_2-.Ltmp0, $2  }
0x27: {  	_ =	sdelay $0x2  }
0x28: {  	s7 =	sshra.s32 s7, $0x2  }
0x29: {  	[tilespmem:s7+$0x0] =	vst v0  }
0x2a: {  	[tilespmem:$0xB000] =	vst v1  }
0x2b: {  	[tilespmem:$0xB010] =	vst v1  }
0x2c: {  	[tilespmem:$0xB020] =	vst v1  }
0x2d: {  	[tilespmem:$0xB030] =	vst v1  }
0x2e: {  	[tilespmem:$0xB040] =	vst v1  }
0x2f: {  	[tilespmem:$0xB050] =	vst v1  }
0x30: {  	[tilespmem:$0xB060] =	vst v1  }
0x31: {  	s5 =	simm.s32 @!p0 $0x0;
	[tilespmem:$0xB070] =	vst v1  }
0x32: {  	[spmem:s1] =	stream.linear.scatter @!p0 [tilespmem:s5], [sflag:$0x2], $0x1000, $0x38;
	[tilespmem:$0x1C188] =	vst v63  }
0x33: {  	s5 =	simm.s32 @!p0 $0x2  }
0x34: {  	_ =	swait.ge @!p0 [sflag:s5], $0x1000  }
0x35: {  	[sflag:s5] =	ssyncset.done @!p0 $0x0  }
0x36: {  	[sflag:s5] =	ssyncadd.s32 @!p0 $0xFFFFF000  }
0x37: {  	[bflag:$0x0] =	sbarrier.arrive $0xFFFF  }
0x38: {  	s6 =	simm.s32 $0xB080;
	s8 =	rddreg [dreg:$0x18]  }
0x39: {  	[tilespmem:s6], [sflag:$0x2] =	stream.linear.gather [hbm4b:s8+s3], $0x800, $0x38;
	[tilespmem:$0x1C188] =	vst v63  }
0x3a: {  	_ =	swait.ge [sflag:s15], $0x800  }
0x3b: {  	[sflag:s15] =	ssyncset.done $0x0  }
0x3c: {  	s8 =	simm.s32 $0xB880;
	s9 =	rddreg [dreg:$0x19];
	[sflag:s15] =	ssyncadd.s32 $0xFFFFF800  }
0x3d: {  	[tilespmem:s8], [sflag:$0x2] =	stream.linear.gather [hbm4b:s9+s3], $0x800, $0x38;
	[tilespmem:$0x1C188] =	vst v63  }
0x3e: {  	_ =	swait.ge [sflag:s15], $0x800  }
0x3f: {  	[sflag:s15] =	ssyncset.done $0x0  }
0x40: {  	[sflag:s15] =	ssyncadd.s32 $0xFFFFF800  }
0x41: {  	[spmem:s1] =	stream.indirect.scatter.add.f32 [tilespmem:s8], [sflag:$0x2], $0x1, s6, s17, $0xb8;
	[tilespmem:$0x1C188] =	vst v63  }
0x42: {  	_ =	swait.ge [sflag:s15], $0x80  }
0x43: {  	[sflag:s15] =	ssyncset.done $0x0  }
0x44: {  	s12 =	simm.s32 $0xB100;
	s13 =	simm.s32 $0xB900;
	[sflag:s15] =	ssyncadd.s32 $0xFFFFFF80  }
0x45: {  	[spmem:s1] =	stream.indirect.scatter.add.f32 [tilespmem:s13], [sflag:$0x2], $0x1, s12, s17, $0xb8;
	[tilespmem:$0x1C188] =	vst v63  }
0x46: {  	_ =	swait.ge [sflag:s15], $0x80  }
0x47: {  	[sflag:s15] =	ssyncset.done $0x0  }
0x48: {  	s9 =	simm.s32 $0xB980;
	s8 =	simm.s32 $0xB180;
	[sflag:s15] =	ssyncadd.s32 $0xFFFFFF80  }
0x49: {  	[spmem:s1] =	stream.indirect.scatter.add.f32 [tilespmem:s9], [sflag:$0x2], $0x1, s8, s17, $0xb8;
	[tilespmem:$0x1C188] =	vst v63  }
0x4a: {  	_ =	swait.ge [sflag:s15], $0x80  }
0x4b: {  	[sflag:s15] =	ssyncset.done $0x0  }
0x4c: {  	s12 =	simm.s32 $0xB200;
	s13 =	simm.s32 $0xBA00;
	[sflag:s15] =	ssyncadd.s32 $0xFFFFFF80  }
0x4d: {  	[spmem:s1] =	stream.indirect.scatter.add.f32 [tilespmem:s13], [sflag:$0x2], $0x1, s12, s17, $0xb8;
	[tilespmem:$0x1C188] =	vst v63  }
0x4e: {  	_ =	swait.ge [sflag:s15], $0x80  }
0x4f: {  	[sflag:s15] =	ssyncset.done $0x0  }
0x50: {  	s8 =	simm.s32 $0xB280;
	s9 =	simm.s32 $0xBA80;
	[sflag:s15] =	ssyncadd.s32 $0xFFFFFF80  }
0x51: {  	[spmem:s1] =	stream.indirect.scatter.add.f32 [tilespmem:s9], [sflag:$0x2], $0x1, s8, s17, $0xb8;
	[tilespmem:$0x1C188] =	vst v63  }
0x52: {  	_ =	swait.ge [sflag:s15], $0x80  }
0x53: {  	[sflag:s15] =	ssyncset.done $0x0  }
0x54: {  	s12 =	simm.s32 $0xB300;
	s13 =	simm.s32 $0xBB00;
	[sflag:s15] =	ssyncadd.s32 $0xFFFFFF80  }
0x55: {  	[spmem:s1] =	stream.indirect.scatter.add.f32 [tilespmem:s13], [sflag:$0x2], $0x1, s12, s17, $0xb8;
	[tilespmem:$0x1C188] =	vst v63  }
0x56: {  	_ =	swait.ge [sflag:s15], $0x80  }
0x57: {  	[sflag:s15] =	ssyncset.done $0x0  }
0x58: {  	s8 =	simm.s32 $0xB380;
	s9 =	simm.s32 $0xBB80;
	[sflag:s15] =	ssyncadd.s32 $0xFFFFFF80  }
0x59: {  	[spmem:s1] =	stream.indirect.scatter.add.f32 [tilespmem:s9], [sflag:$0x2], $0x1, s8, s17, $0xb8;
	[tilespmem:$0x1C188] =	vst v63  }
0x5a: {  	_ =	swait.ge [sflag:s15], $0x80  }
0x5b: {  	[sflag:s15] =	ssyncset.done $0x0  }
0x5c: {  	s12 =	simm.s32 $0xB400;
	s13 =	simm.s32 $0xBC00;
	[sflag:s15] =	ssyncadd.s32 $0xFFFFFF80  }
0x5d: {  	[spmem:s1] =	stream.indirect.scatter.add.f32 [tilespmem:s13], [sflag:$0x2], $0x1, s12, s17, $0xb8;
	[tilespmem:$0x1C188] =	vst v63  }
0x5e: {  	_ =	swait.ge [sflag:s15], $0x80  }
0x5f: {  	[sflag:s15] =	ssyncset.done $0x0  }
0x60: {  	s8 =	simm.s32 $0xB480;
	s9 =	simm.s32 $0xBC80;
	[sflag:s15] =	ssyncadd.s32 $0xFFFFFF80  }
0x61: {  	[spmem:s1] =	stream.indirect.scatter.add.f32 [tilespmem:s9], [sflag:$0x2], $0x1, s8, s17, $0xb8;
	[tilespmem:$0x1C188] =	vst v63  }
0x62: {  	_ =	swait.ge [sflag:s15], $0x80  }
0x63: {  	[sflag:s15] =	ssyncset.done $0x0  }
0x64: {  	s12 =	simm.s32 $0xB500;
	s13 =	simm.s32 $0xBD00;
	[sflag:s15] =	ssyncadd.s32 $0xFFFFFF80  }
0x65: {  	[spmem:s1] =	stream.indirect.scatter.add.f32 [tilespmem:s13], [sflag:$0x2], $0x1, s12, s17, $0xb8;
	[tilespmem:$0x1C188] =	vst v63  }
0x66: {  	_ =	swait.ge [sflag:s15], $0x80  }
0x67: {  	[sflag:s15] =	ssyncset.done $0x0  }
0x68: {  	s8 =	simm.s32 $0xB580;
	s9 =	simm.s32 $0xBD80;
	[sflag:s15] =	ssyncadd.s32 $0xFFFFFF80  }
0x69: {  	[spmem:s1] =	stream.indirect.scatter.add.f32 [tilespmem:s9], [sflag:$0x2], $0x1, s8, s17, $0xb8;
	[tilespmem:$0x1C188] =	vst v63  }
0x6a: {  	_ =	swait.ge [sflag:s15], $0x80  }
0x6b: {  	[sflag:s15] =	ssyncset.done $0x0  }
0x6c: {  	s12 =	simm.s32 $0xB600;
	s13 =	simm.s32 $0xBE00;
	[sflag:s15] =	ssyncadd.s32 $0xFFFFFF80  }
0x6d: {  	[spmem:s1] =	stream.indirect.scatter.add.f32 [tilespmem:s13], [sflag:$0x2], $0x1, s12, s17, $0xb8;
	[tilespmem:$0x1C188] =	vst v63  }
0x6e: {  	_ =	swait.ge [sflag:s15], $0x80  }
0x6f: {  	[sflag:s15] =	ssyncset.done $0x0  }
0x70: {  	s8 =	simm.s32 $0xB680;
	s9 =	simm.s32 $0xBE80;
	[sflag:s15] =	ssyncadd.s32 $0xFFFFFF80  }
0x71: {  	[spmem:s1] =	stream.indirect.scatter.add.f32 [tilespmem:s9], [sflag:$0x2], $0x1, s8, s17, $0xb8;
	[tilespmem:$0x1C188] =	vst v63  }
0x72: {  	_ =	swait.ge [sflag:s15], $0x80  }
0x73: {  	[sflag:s15] =	ssyncset.done $0x0  }
0x74: {  	s12 =	simm.s32 $0xB700;
	s13 =	simm.s32 $0xBF00;
	[sflag:s15] =	ssyncadd.s32 $0xFFFFFF80  }
0x75: {  	[spmem:s1] =	stream.indirect.scatter.add.f32 [tilespmem:s13], [sflag:$0x2], $0x1, s12, s17, $0xb8;
	[tilespmem:$0x1C188] =	vst v63  }
0x76: {  	_ =	swait.ge [sflag:s15], $0x80  }
0x77: {  	[sflag:s15] =	ssyncset.done $0x0  }
0x78: {  	s8 =	simm.s32 $0xB780;
	s9 =	simm.s32 $0xBF80;
	[sflag:s15] =	ssyncadd.s32 $0xFFFFFF80  }
0x79: {  	[spmem:s1] =	stream.indirect.scatter.add.f32 [tilespmem:s9], [sflag:$0x2], $0x1, s8, s17, $0xb8;
	[tilespmem:$0x1C188] =	vst v63  }
0x7a: {  	_ =	swait.ge [sflag:s15], $0x80  }
0x7b: {  	[sflag:s15] =	ssyncset.done $0x0  }
0x7c: {  	s12 =	simm.s32 $0xB800;
	s13 =	simm.s32 $0xC000;
	[sflag:s15] =	ssyncadd.s32 $0xFFFFFF80  }
0x7d: {  	[spmem:s1] =	stream.indirect.scatter.add.f32 [tilespmem:s13], [sflag:$0x2], $0x1, s12, s17, $0xb8;
	[tilespmem:$0x1C188] =	vst v63  }
0x7e: {  	_ =	swait.ge [sflag:s15], $0x80  }
0x7f: {  	[sflag:s15] =	ssyncset.done $0x0  }
0x80: {  	s7 =	sshrl.u32 @!p0 s1, $0x3;
	[sflag:s15] =	ssyncadd.s32 $0xFFFFFF80  }
0x81: {  	s8 =	simm.s32 @!p0 $0x1;
	s9 =	simm.s32 @!p0 $0x10;
	[bflag:$0x0] =	sbarrier.arrive $0xFFFF  }
0x82: {  	s13 =	simm.s32 @!p0 $0x20;
	s12 =	simm.s32 @!p0 $0x1C02;
	s6 =	rddreg [dreg:$0x1a]  }
0x83: {  	[hbm:s6@s13], [sflag:s12] =	dma.strided @!p0 [spmem:s7@s9], $0x200, s8, $0x10   }
0x84: {  	_ =	swait.ge @!p0 [sflag:s5], $0x200  }
0x85: {  	s9 =	simm.s32 $0x8000;
	[sflag:s5] =	ssyncset.done @!p0 $0x0  }
0x86: {  	s8 =	rddreg [dreg:$0x1b];
	[sflag:s5] =	ssyncadd.s32 @!p0 $0xFFFFFE00;
	s5 =	simm.s32 $0x0  }
0x87: {  	[tilespmem:s9], [sflag:$0x2] =	stream.linear.gather [hbm4b:s8+s5], $0x1000, $0x38;
	[tilespmem:$0x1C188] =	vst v63  }
0x88: {  	_ =	swait.ge [sflag:s15], $0x1000  }
0x89: {  	[sflag:s15] =	ssyncset.done $0x0  }
0x8a: {  	s13 =	simm.s32 $0x9000;
	s12 =	rddreg [dreg:$0x1c];
	[sflag:s15] =	ssyncadd.s32 $0xFFFFF000  }
0x8b: {  	[tilespmem:s13], [sflag:$0x2] =	stream.linear.gather [hbm4b:s12+s5], $0x1000, $0x38;
	[tilespmem:$0x1C188] =	vst v63  }
0x8c: {  	_ =	swait.ge [sflag:s15], $0x1000  }
0x8d: {  	[sflag:s15] =	ssyncset.done $0x0  }
0x8e: {  	s13 =	rddreg [dreg:$0x1e];
	[sflag:s15] =	ssyncadd.s32 $0xFFFFF000  }
.LBB2_4:
0x8f: {  	[spmem:s10] =	stream.linear.scatter [tilespmem:s3], [sflag:$0x1], $0x8000, $0x38;
	[tilespmem:$0x1C188] =	vst v63  }
0x90: {  	_ = 	snop  }
0x91: {  	[spmem:s11] =	stream.linear.scatter [tilespmem:s3], [sflag:$0x1], $0x8000, $0x38;
	[tilespmem:$0x1C188] =	vst v63  }
0x92: {  	s7 =	rddreg [dreg:$0x4];
	_ =	swait.ge [sflag:s22], $0x8000  }
0x93: {  	[sflag:s22] =	ssyncset.done $0x0  }
0x94: {  	[sflag:s22] =	ssyncadd.s32 $0xFFFF8000  }
0x95: {  	_ =	swait.ge [sflag:s22], $0x8000  }
0x96: {  	[sflag:s22] =	ssyncset.done $0x0  }
0x97: {  	[sflag:s22] =	ssyncadd.s32 $0xFFFF8000  }
0x98: {  	[bflag:$0x0] =	sbarrier.arrive $0xFFFF  }
0x99: {  	v3 =	vld [tilespmem:$0x8000]  }
0x9a: {  	v5 =	vld [tilespmem:$0x8010]  }
0x9b: {  	v8 =	vld [tilespmem:$0x8020]  }
0x9c: {  	s7 =	sadd.s32 s5, s7;
	v22 =	vld [tilespmem:$0x8030]  }
0x9d: {  	v2 =	vmov s7;
	v26 =	vld [tilespmem:$0x8040]  }
0x9e: {  	s8 =	sadd.s32 $0x100, s7;
	v11 =	vld [tilespmem:$0x8050];
	v7 =	vsub.s32 v3, v2  }
0x9f: {  	v30 =	vld [tilespmem:$0x8060];
	vm0 =	vge.s32 v3, s7;
	vm1 =	vlt.s32 v3, s8;
	v23 =	vsub.s32 v5, v2  }
0xa0: {  	v14 =	vld [tilespmem:$0x8070];
	vm14 =	vge.s32 v5, s7;
	vm2 =	vlt.s32 v5, s8;
	vm5 =	vge.s32 v8, s7  }
0xa1: {  	vm6 =	vlt.s32 v8, s8;
	v25 =	vsub.s32 v8, v2;
	v10 =	vsub.s32 v22, v2  }
0xa2: {  	v4 =	vld [tilespmem:$0x9000];
	vm7 =	vge.s32 v22, s7;
	vm3 =	vlt.s32 v22, s8;
	vm8 =	vge.s32 v26, s7  }
0xa3: {  	v6 =	vld [tilespmem:$0x9010];
	vm9 =	vlt.s32 v26, s8;
	v8 =	vsub.s32 v26, v2;
	v13 =	vsub.s32 v11, v2  }
0xa4: {  	v24 =	vld [tilespmem:$0x9030];
	vm10 =	vge.s32 v11, s7;
	vm11 =	vlt.s32 v11, s8;
	v34 =	vsub.s32 v30, v2  }
0xa5: {  	v29 =	vld [tilespmem:$0x9050];
	vm12 =	vge.s32 v30, s7;
	vm13 =	vlt.s32 v30, s8;
	v37 =	vsub.s32 v14, v2  }
0xa6: {  	v9 =	vld [tilespmem:$0x9020];
	v3 =	vshll.u32 v7, $0xC;
	vm0 =	vmand vm0, vm1;
	vm15 =	vmand vm14, vm2  }
0xa7: {  	v12 =	vld [tilespmem:$0x9060];
	vm1 =	vmand vm5, vm6;
	v27 =	vshll.u32 v10, $0xC;
	vm2 =	vmand vm7, vm3  }
0xa8: {  	v28 =	vld [tilespmem:$0x9040];
	v8 =	vshll.u32 v8, $0xC;
	v31 =	vshll.u32 v13, $0xC;
	v35 =	vshll.u32 v34, $0xC  }
0xa9: {  	vm14 =	vge.s32 v14, s7;
	v3 =	vadd.s32 v4, v3;
	v4 =	vshll.u32 v23, $0xC  }
0xaa: {  	v5 =	vadd.s32 v24, v27;
	v7 =	vadd.s32 v29, v31;
	v3 =	vnsel vm0, $0x100000, v3  }
0xab: {  	v32 =	vld [tilespmem:$0x9070];
	v4 =	vadd.s32 v6, v4;
	v6 =	vshll.u32 v25, $0xC;
	v5 =	vnsel vm2, $0x100000, v5;
	[tilespmem:$0xA000] =	vst v3  }
0xac: {  	v36 =	vadd.s32 v12, v35;
	v6 =	vadd.s32 v9, v6;
	v4 =	vnsel vm15, $0x100000, v4;
	[tilespmem:$0xA030] =	vst v5  }
0xad: {  	vm0 =	vmand vm8, vm9;
	v3 =	vadd.s32 v28, v8;
	v6 =	vnsel vm1, $0x100000, v6;
	[tilespmem:$0xA010] =	vst v4  }
0xae: {  	vm15 =	vlt.s32 v14, s8;
	vm1 =	vmand vm10, vm11;
	v3 =	vnsel vm0, $0x100000, v3;
	[tilespmem:$0xA020] =	vst v6  }
0xaf: {  	vm0 =	vmand vm12, vm13;
	v33 =	vnsel vm1, $0x100000, v7;
	[tilespmem:$0xA040] =	vst v3;
	v3 =	vshll.u32 v37, $0xC  }
0xb0: {  	vm4 =	vmand vm14, vm15;
	v38 =	vnsel vm0, $0x100000, v36;
	[tilespmem:$0xA050] =	vst v33;
	v3 =	vadd.s32 v32, v3  }
0xb1: {  	[tilespmem:$0xA060] =	vst v38;
	v3 =	vnsel vm4, $0x100000, v3  }
0xb2: {  	s9 =	rddreg [dreg:$0x5];
	[tilespmem:$0xA070] =	vst v3  }
0xb3: {  	[spmem:s2] =	stream.indirect.scatter [tilespmem:s23], [sflag:$0x1], $0x1, s9, s17, $0xb8;
	[tilespmem:$0x1C188] =	vst v63  }
0xb4: {  	v3 =	vld [tilespmem:$0x8080]  }
0xb5: {  	v40 =	vld [tilespmem:$0x8090]  }
0xb6: {  	v43 =	vld [tilespmem:$0x80A0]  }
0xb7: {  	v44 =	vld [tilespmem:$0x80B0]  }
0xb8: {  	v49 =	vld [tilespmem:$0x80C0]  }
0xb9: {  	v51 =	vld [tilespmem:$0x80D0]  }
0xba: {  	v55 =	vld [tilespmem:$0x80E0];
	v42 =	vsub.s32 v3, v2  }
0xbb: {  	v58 =	vld [tilespmem:$0x80F0];
	vm5 =	vge.s32 v3, s7;
	vm6 =	vlt.s32 v3, s8;
	v45 =	vsub.s32 v40, v2  }
0xbc: {  	vm7 =	vge.s32 v40, s7;
	vm8 =	vlt.s32 v40, s8;
	vm10 =	vge.s32 v43, s7  }
0xbd: {  	vm11 =	vlt.s32 v43, s8;
	v48 =	vsub.s32 v43, v2;
	v50 =	vsub.s32 v44, v2  }
0xbe: {  	v39 =	vld [tilespmem:$0x9080];
	vm12 =	vge.s32 v44, s7;
	vm13 =	vlt.s32 v44, s8;
	vm14 =	vge.s32 v49, s7  }
0xbf: {  	v41 =	vld [tilespmem:$0x9090];
	vm15 =	vlt.s32 v49, s8;
	v8 =	vsub.s32 v49, v2;
	v57 =	vsub.s32 v51, v2  }
0xc0: {  	v46 =	vld [tilespmem:$0x90A0];
	vm4 =	vge.s32 v51, s7;
	v62 =	vsub.s32 v55, v2;
	v10 =	vsub.s32 v58, v2  }
0xc1: {  	v47 =	vld [tilespmem:$0x90B0];
	v3 =	vshll.u32 v42, $0xC;
	vm0 =	vmand vm5, vm6;
	v4 =	vshll.u32 v45, $0xC  }
0xc2: {  	v54 =	vld [tilespmem:$0x90D0];
	vm9 =	vmand vm7, vm8;
	vm1 =	vmand vm10, vm11;
	v6 =	vshll.u32 v48, $0xC  }
0xc3: {  	v56 =	vld [tilespmem:$0x90E0];
	v52 =	vshll.u32 v50, $0xC;
	vm2 =	vmand vm12, vm13;
	v8 =	vshll.u32 v8, $0xC  }
0xc4: {  	v53 =	vld [tilespmem:$0x90C0];
	vm5 =	vlt.s32 v51, s8;
	v59 =	vshll.u32 v57, $0xC;
	vm6 =	vge.s32 v55, s7  }
0xc5: {  	vm7 =	vlt.s32 v55, s8;
	v63 =	vshll.u32 v62, $0xC;
	v3 =	vadd.s32 v39, v3  }
0xc6: {  	vm8 =	vge.s32 v58, s7;
	v4 =	vadd.s32 v41, v4;
	v3 =	vnsel vm0, $0x100000, v3  }
0xc7: {  	v60 =	vld [tilespmem:$0x90F0];
	v6 =	vadd.s32 v46, v6;
	v5 =	vadd.s32 v47, v52;
	v4 =	vnsel vm9, $0x100000, v4;
	[tilespmem:$0xA080] =	vst v3  }
0xc8: {  	v7 =	vadd.s32 v54, v59;
	v9 =	vadd.s32 v56, v63;
	v6 =	vnsel vm1, $0x100000, v6;
	[tilespmem:$0xA090] =	vst v4  }
0xc9: {  	v5 =	vnsel vm2, $0x100000, v5;
	vm0 =	vmand vm14, vm15;
	v3 =	vadd.s32 v53, v8;
	[tilespmem:$0xA0A0] =	vst v6  }
0xca: {  	vm1 =	vmand vm4, vm5;
	vm9 =	vlt.s32 v58, s8;
	[tilespmem:$0xA0B0] =	vst v5;
	v3 =	vnsel vm0, $0x100000, v3  }
0xcb: {  	v61 =	vnsel vm1, $0x100000, v7;
	vm0 =	vmand vm6, vm7;
	[tilespmem:$0xA0C0] =	vst v3;
	v3 =	vshll.u32 v10, $0xC  }
0xcc: {  	vm10 =	vmand vm8, vm9;
	[tilespmem:$0xA0D0] =	vst v61;
	v11 =	vnsel vm0, $0x100000, v9;
	v3 =	vadd.s32 v60, v3  }
0xcd: {  	[tilespmem:$0xA0E0] =	vst v11;
	v3 =	vnsel vm10, $0x100000, v3  }
0xce: {  	s12 =	rddreg [dreg:$0x6];
	[tilespmem:$0xA0F0] =	vst v3  }
0xcf: {  	[spmem:s2] =	stream.indirect.scatter [tilespmem:s23], [sflag:$0x1], $0x1, s12, s17, $0xb8;
	[tilespmem:$0x1C188] =	vst v63  }
0xd0: {  	v3 =	vld [tilespmem:$0x8100]  }
0xd1: {  	v13 =	vld [tilespmem:$0x8110]  }
0xd2: {  	v16 =	vld [tilespmem:$0x8120]  }
0xd3: {  	v17 =	vld [tilespmem:$0x8130]  }
0xd4: {  	v22 =	vld [tilespmem:$0x8140]  }
0xd5: {  	v24 =	vld [tilespmem:$0x8150]  }
0xd6: {  	v28 =	vld [tilespmem:$0x8160];
	v15 =	vsub.s32 v3, v2  }
0xd7: {  	v31 =	vld [tilespmem:$0x8170];
	vm11 =	vge.s32 v3, s7;
	vm12 =	vlt.s32 v3, s8;
	v18 =	vsub.s32 v13, v2  }
0xd8: {  	vm13 =	vge.s32 v13, s7;
	vm14 =	vlt.s32 v13, s8;
	vm4 =	vge.s32 v16, s7  }
0xd9: {  	vm5 =	vlt.s32 v16, s8;
	v21 =	vsub.s32 v16, v2;
	v23 =	vsub.s32 v17, v2  }
0xda: {  	v12 =	vld [tilespmem:$0x9100];
	vm6 =	vge.s32 v17, s7;
	vm7 =	vlt.s32 v17, s8;
	vm8 =	vge.s32 v22, s7  }
0xdb: {  	v14 =	vld [tilespmem:$0x9110];
	vm9 =	vlt.s32 v22, s8;
	v8 =	vsub.s32 v22, v2;
	v30 =	vsub.s32 v24, v2  }
0xdc: {  	v19 =	vld [tilespmem:$0x9120];
	vm10 =	vge.s32 v24, s7;
	v35 =	vsub.s32 v28, v2;
	v38 =	vsub.s32 v31, v2  }
0xdd: {  	v20 =	vld [tilespmem:$0x9130];
	v3 =	vshll.u32 v15, $0xC;
	vm0 =	vmand vm11, vm12;
	v4 =	vshll.u32 v18, $0xC  }
0xde: {  	v27 =	vld [tilespmem:$0x9150];
	vm15 =	vmand vm13, vm14;
	vm1 =	vmand vm4, vm5;
	v6 =	vshll.u32 v21, $0xC  }
0xdf: {  	v29 =	vld [tilespmem:$0x9160];
	v25 =	vshll.u32 v23, $0xC;
	vm2 =	vmand vm6, vm7;
	v8 =	vshll.u32 v8, $0xC  }
0xe0: {  	v26 =	vld [tilespmem:$0x9140];
	vm11 =	vlt.s32 v24, s8;
	v32 =	vshll.u32 v30, $0xC;
	vm12 =	vge.s32 v28, s7  }
0xe1: {  	vm13 =	vlt.s32 v28, s8;
	v36 =	vshll.u32 v35, $0xC;
	v3 =	vadd.s32 v12, v3  }
0xe2: {  	vm14 =	vge.s32 v31, s7;
	v4 =	vadd.s32 v14, v4;
	v3 =	vnsel vm0, $0x100000, v3  }
0xe3: {  	v33 =	vld [tilespmem:$0x9170];
	v6 =	vadd.s32 v19, v6;
	v5 =	vadd.s32 v20, v25;
	v4 =	vnsel vm15, $0x100000, v4;
	[tilespmem:$0xA100] =	vst v3  }
0xe4: {  	v7 =	vadd.s32 v27, v32;
	v37 =	vadd.s32 v29, v36;
	v6 =	vnsel vm1, $0x100000, v6;
	[tilespmem:$0xA110] =	vst v4  }
0xe5: {  	v5 =	vnsel vm2, $0x100000, v5;
	vm0 =	vmand vm8, vm9;
	v3 =	vadd.s32 v26, v8;
	[tilespmem:$0xA120] =	vst v6  }
0xe6: {  	vm1 =	vmand vm10, vm11;
	vm15 =	vlt.s32 v31, s8;
	[tilespmem:$0xA130] =	vst v5;
	v3 =	vnsel vm0, $0x100000, v3  }
0xe7: {  	v34 =	vnsel vm1, $0x100000, v7;
	vm0 =	vmand vm12, vm13;
	[tilespmem:$0xA140] =	vst v3;
	v3 =	vshll.u32 v38, $0xC  }
0xe8: {  	vm4 =	vmand vm14, vm15;
	[tilespmem:$0xA150] =	vst v34;
	v39 =	vnsel vm0, $0x100000, v37;
	v3 =	vadd.s32 v33, v3  }
0xe9: {  	[tilespmem:$0xA160] =	vst v39;
	v3 =	vnsel vm4, $0x100000, v3  }
0xea: {  	s6 =	rddreg [dreg:$0x7];
	[tilespmem:$0xA170] =	vst v3  }
0xeb: {  	[spmem:s2] =	stream.indirect.scatter [tilespmem:s23], [sflag:$0x1], $0x1, s6, s17, $0xb8;
	[tilespmem:$0x1C188] =	vst v63  }
0xec: {  	v3 =	vld [tilespmem:$0x8180]  }
0xed: {  	v41 =	vld [tilespmem:$0x8190]  }
0xee: {  	v44 =	vld [tilespmem:$0x81A0]  }
0xef: {  	v45 =	vld [tilespmem:$0x81B0]  }
0xf0: {  	v50 =	vld [tilespmem:$0x81C0]  }
0xf1: {  	v52 =	vld [tilespmem:$0x81D0]  }
0xf2: {  	v56 =	vld [tilespmem:$0x81E0];
	v43 =	vsub.s32 v3, v2  }
0xf3: {  	v59 =	vld [tilespmem:$0x81F0];
	vm5 =	vge.s32 v3, s7;
	vm6 =	vlt.s32 v3, s8;
	v46 =	vsub.s32 v41, v2  }
0xf4: {  	vm7 =	vge.s32 v41, s7;
	vm8 =	vlt.s32 v41, s8;
	vm10 =	vge.s32 v44, s7  }
0xf5: {  	vm11 =	vlt.s32 v44, s8;
	v49 =	vsub.s32 v44, v2;
	v51 =	vsub.s32 v45, v2  }
0xf6: {  	v40 =	vld [tilespmem:$0x9180];
	vm12 =	vge.s32 v45, s7;
	vm13 =	vlt.s32 v45, s8;
	vm14 =	vge.s32 v50, s7  }
0xf7: {  	v42 =	vld [tilespmem:$0x9190];
	vm15 =	vlt.s32 v50, s8;
	v8 =	vsub.s32 v50, v2;
	v58 =	vsub.s32 v52, v2  }
0xf8: {  	v47 =	vld [tilespmem:$0x91A0];
	vm4 =	vge.s32 v52, s7;
	v63 =	vsub.s32 v56, v2;
	v11 =	vsub.s32 v59, v2  }
0xf9: {  	v48 =	vld [tilespmem:$0x91B0];
	v3 =	vshll.u32 v43, $0xC;
	vm0 =	vmand vm5, vm6;
	v4 =	vshll.u32 v46, $0xC  }
0xfa: {  	v55 =	vld [tilespmem:$0x91D0];
	vm9 =	vmand vm7, vm8;
	vm1 =	vmand vm10, vm11;
	v6 =	vshll.u32 v49, $0xC  }
0xfb: {  	v57 =	vld [tilespmem:$0x91E0];
	v53 =	vshll.u32 v51, $0xC;
	vm2 =	vmand vm12, vm13;
	v8 =	vshll.u32 v8, $0xC  }
0xfc: {  	v54 =	vld [tilespmem:$0x91C0];
	vm5 =	vlt.s32 v52, s8;
	v60 =	vshll.u32 v58, $0xC;
	vm6 =	vge.s32 v56, s7  }
0xfd: {  	vm7 =	vlt.s32 v56, s8;
	v9 =	vshll.u32 v63, $0xC;
	v3 =	vadd.s32 v40, v3  }
0xfe: {  	vm8 =	vge.s32 v59, s7;
	v4 =	vadd.s32 v42, v4;
	v3 =	vnsel vm0, $0x100000, v3  }
0xff: {  	v61 =	vld [tilespmem:$0x91F0];
	v6 =	vadd.s32 v47, v6;
	v5 =	vadd.s32 v48, v53;
	v4 =	vnsel vm9, $0x100000, v4;
	[tilespmem:$0xA180] =	vst v3  }
0x100: {  	v7 =	vadd.s32 v55, v60;
	v10 =	vadd.s32 v57, v9;
	v6 =	vnsel vm1, $0x100000, v6;
	[tilespmem:$0xA190] =	vst v4  }
0x101: {  	v5 =	vnsel vm2, $0x100000, v5;
	vm0 =	vmand vm14, vm15;
	v3 =	vadd.s32 v54, v8;
	[tilespmem:$0xA1A0] =	vst v6  }
0x102: {  	vm1 =	vmand vm4, vm5;
	vm9 =	vlt.s32 v59, s8;
	[tilespmem:$0xA1B0] =	vst v5;
	v3 =	vnsel vm0, $0x100000, v3  }
0x103: {  	v62 =	vnsel vm1, $0x100000, v7;
	vm0 =	vmand vm6, vm7;
	[tilespmem:$0xA1C0] =	vst v3;
	v3 =	vshll.u32 v11, $0xC  }
0x104: {  	vm10 =	vmand vm8, vm9;
	[tilespmem:$0xA1D0] =	vst v62;
	v12 =	vnsel vm0, $0x100000, v10;
	v3 =	vadd.s32 v61, v3  }
0x105: {  	[tilespmem:$0xA1E0] =	vst v12;
	v3 =	vnsel vm10, $0x100000, v3  }
0x106: {  	s12 =	rddreg [dreg:$0x8];
	[tilespmem:$0xA1F0] =	vst v3  }
0x107: {  	[spmem:s2] =	stream.indirect.scatter [tilespmem:s23], [sflag:$0x1], $0x1, s12, s17, $0xb8;
	[tilespmem:$0x1C188] =	vst v63  }
0x108: {  	v3 =	vld [tilespmem:$0x8200]  }
0x109: {  	v14 =	vld [tilespmem:$0x8210]  }
0x10a: {  	v17 =	vld [tilespmem:$0x8220]  }
0x10b: {  	v18 =	vld [tilespmem:$0x8230]  }
0x10c: {  	v23 =	vld [tilespmem:$0x8240]  }
0x10d: {  	v25 =	vld [tilespmem:$0x8250]  }
0x10e: {  	v29 =	vld [tilespmem:$0x8260];
	v16 =	vsub.s32 v3, v2  }
0x10f: {  	v32 =	vld [tilespmem:$0x8270];
	vm11 =	vge.s32 v3, s7;
	vm12 =	vlt.s32 v3, s8;
	v19 =	vsub.s32 v14, v2  }
0x110: {  	vm13 =	vge.s32 v14, s7;
	vm14 =	vlt.s32 v14, s8;
	vm4 =	vge.s32 v17, s7  }
0x111: {  	vm5 =	vlt.s32 v17, s8;
	v22 =	vsub.s32 v17, v2;
	v24 =	vsub.s32 v18, v2  }
0x112: {  	v13 =	vld [tilespmem:$0x9200];
	vm6 =	vge.s32 v18, s7;
	vm7 =	vlt.s32 v18, s8;
	vm8 =	vge.s32 v23, s7  }
0x113: {  	v15 =	vld [tilespmem:$0x9210];
	vm9 =	vlt.s32 v23, s8;
	v8 =	vsub.s32 v23, v2;
	v31 =	vsub.s32 v25, v2  }
0x114: {  	v20 =	vld [tilespmem:$0x9220];
	vm10 =	vge.s32 v25, s7;
	v36 =	vsub.s32 v29, v2;
	v39 =	vsub.s32 v32, v2  }
0x115: {  	v21 =	vld [tilespmem:$0x9230];
	v3 =	vshll.u32 v16, $0xC;
	vm0 =	vmand vm11, vm12;
	v4 =	vshll.u32 v19, $0xC  }
0x116: {  	v28 =	vld [tilespmem:$0x9250];
	vm15 =	vmand vm13, vm14;
	vm1 =	vmand vm4, vm5;
	v6 =	vshll.u32 v22, $0xC  }
0x117: {  	v30 =	vld [tilespmem:$0x9260];
	v26 =	vshll.u32 v24, $0xC;
	vm2 =	vmand vm6, vm7;
	v8 =	vshll.u32 v8, $0xC  }
0x118: {  	v27 =	vld [tilespmem:$0x9240];
	vm11 =	vlt.s32 v25, s8;
	v33 =	vshll.u32 v31, $0xC;
	vm12 =	vge.s32 v29, s7  }
0x119: {  	vm13 =	vlt.s32 v29, s8;
	v37 =	vshll.u32 v36, $0xC;
	v3 =	vadd.s32 v13, v3  }
0x11a: {  	vm14 =	vge.s32 v32, s7;
	v4 =	vadd.s32 v15, v4;
	v3 =	vnsel vm0, $0x100000, v3  }
0x11b: {  	v34 =	vld [tilespmem:$0x9270];
	v6 =	vadd.s32 v20, v6;
	v5 =	vadd.s32 v21, v26;
	v4 =	vnsel vm15, $0x100000, v4;
	[tilespmem:$0xA200] =	vst v3  }
0x11c: {  	v7 =	vadd.s32 v28, v33;
	v38 =	vadd.s32 v30, v37;
	v6 =	vnsel vm1, $0x100000, v6;
	[tilespmem:$0xA210] =	vst v4  }
0x11d: {  	v5 =	vnsel vm2, $0x100000, v5;
	vm0 =	vmand vm8, vm9;
	v3 =	vadd.s32 v27, v8;
	[tilespmem:$0xA220] =	vst v6  }
0x11e: {  	vm1 =	vmand vm10, vm11;
	vm15 =	vlt.s32 v32, s8;
	[tilespmem:$0xA230] =	vst v5;
	v3 =	vnsel vm0, $0x100000, v3  }
0x11f: {  	v35 =	vnsel vm1, $0x100000, v7;
	vm0 =	vmand vm12, vm13;
	[tilespmem:$0xA240] =	vst v3;
	v3 =	vshll.u32 v39, $0xC  }
0x120: {  	vm4 =	vmand vm14, vm15;
	[tilespmem:$0xA250] =	vst v35;
	v40 =	vnsel vm0, $0x100000, v38;
	v3 =	vadd.s32 v34, v3  }
0x121: {  	[tilespmem:$0xA260] =	vst v40;
	v3 =	vnsel vm4, $0x100000, v3  }
0x122: {  	s6 =	rddreg [dreg:$0x9];
	[tilespmem:$0xA270] =	vst v3  }
0x123: {  	[spmem:s2] =	stream.indirect.scatter [tilespmem:s23], [sflag:$0x1], $0x1, s6, s17, $0xb8;
	[tilespmem:$0x1C188] =	vst v63  }
0x124: {  	v3 =	vld [tilespmem:$0x8280]  }
0x125: {  	v42 =	vld [tilespmem:$0x8290]  }
0x126: {  	v45 =	vld [tilespmem:$0x82A0]  }
0x127: {  	v46 =	vld [tilespmem:$0x82B0]  }
0x128: {  	v51 =	vld [tilespmem:$0x82C0]  }
0x129: {  	v53 =	vld [tilespmem:$0x82D0]  }
0x12a: {  	v57 =	vld [tilespmem:$0x82E0];
	v44 =	vsub.s32 v3, v2  }
0x12b: {  	v60 =	vld [tilespmem:$0x82F0];
	vm5 =	vge.s32 v3, s7;
	vm6 =	vlt.s32 v3, s8;
	v47 =	vsub.s32 v42, v2  }
0x12c: {  	vm7 =	vge.s32 v42, s7;
	vm8 =	vlt.s32 v42, s8;
	vm10 =	vge.s32 v45, s7  }
0x12d: {  	vm11 =	vlt.s32 v45, s8;
	v50 =	vsub.s32 v45, v2;
	v52 =	vsub.s32 v46, v2  }
0x12e: {  	v41 =	vld [tilespmem:$0x9280];
	vm12 =	vge.s32 v46, s7;
	vm13 =	vlt.s32 v46, s8;
	vm14 =	vge.s32 v51, s7  }
0x12f: {  	v43 =	vld [tilespmem:$0x9290];
	vm15 =	vlt.s32 v51, s8;
	v8 =	vsub.s32 v51, v2;
	v59 =	vsub.s32 v53, v2  }
0x130: {  	v48 =	vld [tilespmem:$0x92A0];
	vm4 =	vge.s32 v53, s7;
	v10 =	vsub.s32 v57, v2;
	v13 =	vsub.s32 v60, v2  }
0x131: {  	v49 =	vld [tilespmem:$0x92B0];
	v3 =	vshll.u32 v44, $0xC;
	vm0 =	vmand vm5, vm6;
	v4 =	vshll.u32 v47, $0xC  }
0x132: {  	v56 =	vld [tilespmem:$0x92D0];
	vm9 =	vmand vm7, vm8;
	vm1 =	vmand vm10, vm11;
	v6 =	vshll.u32 v50, $0xC  }
0x133: {  	v58 =	vld [tilespmem:$0x92E0];
	v54 =	vshll.u32 v52, $0xC;
	vm2 =	vmand vm12, vm13;
	v8 =	vshll.u32 v8, $0xC  }
0x134: {  	v55 =	vld [tilespmem:$0x92C0];
	vm5 =	vlt.s32 v53, s8;
	v61 =	vshll.u32 v59, $0xC;
	vm6 =	vge.s32 v57, s7  }
0x135: {  	vm7 =	vlt.s32 v57, s8;
	v11 =	vshll.u32 v10, $0xC;
	v3 =	vadd.s32 v41, v3  }
0x136: {  	vm8 =	vge.s32 v60, s7;
	v4 =	vadd.s32 v43, v4;
	v3 =	vnsel vm0, $0x100000, v3  }
0x137: {  	v62 =	vld [tilespmem:$0x92F0];
	v6 =	vadd.s32 v48, v6;
	v5 =	vadd.s32 v49, v54;
	v4 =	vnsel vm9, $0x100000, v4;
	[tilespmem:$0xA280] =	vst v3  }
0x138: {  	v7 =	vadd.s32 v56, v61;
	v12 =	vadd.s32 v58, v11;
	v6 =	vnsel vm1, $0x100000, v6;
	[tilespmem:$0xA290] =	vst v4  }
0x139: {  	v5 =	vnsel vm2, $0x100000, v5;
	vm0 =	vmand vm14, vm15;
	v3 =	vadd.s32 v55, v8;
	[tilespmem:$0xA2A0] =	vst v6  }
0x13a: {  	vm1 =	vmand vm4, vm5;
	vm9 =	vlt.s32 v60, s8;
	[tilespmem:$0xA2B0] =	vst v5;
	v3 =	vnsel vm0, $0x100000, v3  }
0x13b: {  	v63 =	vnsel vm1, $0x100000, v7;
	vm0 =	vmand vm6, vm7;
	[tilespmem:$0xA2C0] =	vst v3;
	v3 =	vshll.u32 v13, $0xC  }
0x13c: {  	vm10 =	vmand vm8, vm9;
	[tilespmem:$0xA2D0] =	vst v63;
	v15 =	vnsel vm0, $0x100000, v12;
	v3 =	vadd.s32 v62, v3  }
0x13d: {  	[tilespmem:$0xA2E0] =	vst v15;
	v3 =	vnsel vm10, $0x100000, v3  }
0x13e: {  	s12 =	rddreg [dreg:$0xa];
	[tilespmem:$0xA2F0] =	vst v3  }
0x13f: {  	[spmem:s2] =	stream.indirect.scatter [tilespmem:s23], [sflag:$0x1], $0x1, s12, s17, $0xb8;
	[tilespmem:$0x1C188] =	vst v63  }
0x140: {  	v3 =	vld [tilespmem:$0x8300]  }
0x141: {  	v17 =	vld [tilespmem:$0x8310]  }
0x142: {  	v20 =	vld [tilespmem:$0x8320]  }
0x143: {  	v21 =	vld [tilespmem:$0x8330]  }
0x144: {  	v26 =	vld [tilespmem:$0x8340]  }
0x145: {  	v28 =	vld [tilespmem:$0x8350]  }
0x146: {  	v32 =	vld [tilespmem:$0x8360];
	v19 =	vsub.s32 v3, v2  }
0x147: {  	v35 =	vld [tilespmem:$0x8370];
	vm11 =	vge.s32 v3, s7;
	vm12 =	vlt.s32 v3, s8;
	v22 =	vsub.s32 v17, v2  }
0x148: {  	vm13 =	vge.s32 v17, s7;
	vm14 =	vlt.s32 v17, s8;
	vm4 =	vge.s32 v20, s7  }
0x149: {  	vm5 =	vlt.s32 v20, s8;
	v25 =	vsub.s32 v20, v2;
	v27 =	vsub.s32 v21, v2  }
0x14a: {  	v16 =	vld [tilespmem:$0x9300];
	vm6 =	vge.s32 v21, s7;
	vm7 =	vlt.s32 v21, s8;
	vm8 =	vge.s32 v26, s7  }
0x14b: {  	v18 =	vld [tilespmem:$0x9310];
	vm9 =	vlt.s32 v26, s8;
	v8 =	vsub.s32 v26, v2;
	v34 =	vsub.s32 v28, v2  }
0x14c: {  	v23 =	vld [tilespmem:$0x9320];
	vm10 =	vge.s32 v28, s7;
	v39 =	vsub.s32 v32, v2;
	v42 =	vsub.s32 v35, v2  }
0x14d: {  	v24 =	vld [tilespmem:$0x9330];
	v3 =	vshll.u32 v19, $0xC;
	vm0 =	vmand vm11, vm12;
	v4 =	vshll.u32 v22, $0xC  }
0x14e: {  	v31 =	vld [tilespmem:$0x9350];
	vm15 =	vmand vm13, vm14;
	vm1 =	vmand vm4, vm5;
	v6 =	vshll.u32 v25, $0xC  }
0x14f: {  	v33 =	vld [tilespmem:$0x9360];
	v29 =	vshll.u32 v27, $0xC;
	vm2 =	vmand vm6, vm7;
	v8 =	vshll.u32 v8, $0xC  }
0x150: {  	v30 =	vld [tilespmem:$0x9340];
	vm11 =	vlt.s32 v28, s8;
	v36 =	vshll.u32 v34, $0xC;
	vm12 =	vge.s32 v32, s7  }
0x151: {  	vm13 =	vlt.s32 v32, s8;
	v40 =	vshll.u32 v39, $0xC;
	v3 =	vadd.s32 v16, v3  }
0x152: {  	vm14 =	vge.s32 v35, s7;
	v4 =	vadd.s32 v18, v4;
	v3 =	vnsel vm0, $0x100000, v3  }
0x153: {  	v37 =	vld [tilespmem:$0x9370];
	v6 =	vadd.s32 v23, v6;
	v5 =	vadd.s32 v24, v29;
	v4 =	vnsel vm15, $0x100000, v4;
	[tilespmem:$0xA300] =	vst v3  }
0x154: {  	v7 =	vadd.s32 v31, v36;
	v41 =	vadd.s32 v33, v40;
	v6 =	vnsel vm1, $0x100000, v6;
	[tilespmem:$0xA310] =	vst v4  }
0x155: {  	v5 =	vnsel vm2, $0x100000, v5;
	vm0 =	vmand vm8, vm9;
	v3 =	vadd.s32 v30, v8;
	[tilespmem:$0xA320] =	vst v6  }
0x156: {  	vm1 =	vmand vm10, vm11;
	vm15 =	vlt.s32 v35, s8;
	[tilespmem:$0xA330] =	vst v5;
	v3 =	vnsel vm0, $0x100000, v3  }
0x157: {  	v38 =	vnsel vm1, $0x100000, v7;
	vm0 =	vmand vm12, vm13;
	[tilespmem:$0xA340] =	vst v3;
	v3 =	vshll.u32 v42, $0xC  }
0x158: {  	vm4 =	vmand vm14, vm15;
	[tilespmem:$0xA350] =	vst v38;
	v43 =	vnsel vm0, $0x100000, v41;
	v3 =	vadd.s32 v37, v3  }
0x159: {  	[tilespmem:$0xA360] =	vst v43;
	v3 =	vnsel vm4, $0x100000, v3  }
0x15a: {  	s6 =	rddreg [dreg:$0xb];
	[tilespmem:$0xA370] =	vst v3  }
0x15b: {  	[spmem:s2] =	stream.indirect.scatter [tilespmem:s23], [sflag:$0x1], $0x1, s6, s17, $0xb8;
	[tilespmem:$0x1C188] =	vst v63  }
0x15c: {  	v3 =	vld [tilespmem:$0x8380]  }
0x15d: {  	v45 =	vld [tilespmem:$0x8390]  }
0x15e: {  	v48 =	vld [tilespmem:$0x83A0]  }
0x15f: {  	v49 =	vld [tilespmem:$0x83B0]  }
0x160: {  	v54 =	vld [tilespmem:$0x83C0]  }
0x161: {  	v56 =	vld [tilespmem:$0x83D0]  }
0x162: {  	v60 =	vld [tilespmem:$0x83E0];
	v47 =	vsub.s32 v3, v2  }
0x163: {  	v63 =	vld [tilespmem:$0x83F0];
	vm5 =	vge.s32 v3, s7;
	vm6 =	vlt.s32 v3, s8;
	v50 =	vsub.s32 v45, v2  }
0x164: {  	vm7 =	vge.s32 v45, s7;
	vm8 =	vlt.s32 v45, s8;
	vm10 =	vge.s32 v48, s7  }
0x165: {  	vm11 =	vlt.s32 v48, s8;
	v53 =	vsub.s32 v48, v2;
	v55 =	vsub.s32 v49, v2  }
0x166: {  	v44 =	vld [tilespmem:$0x9380];
	vm12 =	vge.s32 v49, s7;
	vm13 =	vlt.s32 v49, s8;
	vm14 =	vge.s32 v54, s7  }
0x167: {  	v46 =	vld [tilespmem:$0x9390];
	vm15 =	vlt.s32 v54, s8;
	v8 =	vsub.s32 v54, v2;
	v62 =	vsub.s32 v56, v2  }
0x168: {  	v51 =	vld [tilespmem:$0x93A0];
	vm4 =	vge.s32 v56, s7;
	v18 =	vsub.s32 v60, v2;
	v21 =	vsub.s32 v63, v2  }
0x169: {  	v52 =	vld [tilespmem:$0x93B0];
	v3 =	vshll.u32 v47, $0xC;
	vm0 =	vmand vm5, vm6;
	v4 =	vshll.u32 v50, $0xC  }
0x16a: {  	v59 =	vld [tilespmem:$0x93D0];
	vm9 =	vmand vm7, vm8;
	vm1 =	vmand vm10, vm11;
	v6 =	vshll.u32 v53, $0xC  }
0x16b: {  	v61 =	vld [tilespmem:$0x93E0];
	v57 =	vshll.u32 v55, $0xC;
	vm2 =	vmand vm12, vm13;
	v8 =	vshll.u32 v8, $0xC  }
0x16c: {  	v58 =	vld [tilespmem:$0x93C0];
	vm5 =	vlt.s32 v56, s8;
	v15 =	vshll.u32 v62, $0xC;
	vm6 =	vge.s32 v60, s7  }
0x16d: {  	vm7 =	vlt.s32 v60, s8;
	v19 =	vshll.u32 v18, $0xC;
	v3 =	vadd.s32 v44, v3  }
0x16e: {  	vm8 =	vge.s32 v63, s7;
	v4 =	vadd.s32 v46, v4;
	v3 =	vnsel vm0, $0x100000, v3  }
0x16f: {  	v16 =	vld [tilespmem:$0x93F0];
	v6 =	vadd.s32 v51, v6;
	v5 =	vadd.s32 v52, v57;
	v4 =	vnsel vm9, $0x100000, v4;
	[tilespmem:$0xA380] =	vst v3  }
0x170: {  	v7 =	vadd.s32 v59, v15;
	v20 =	vadd.s32 v61, v19;
	v6 =	vnsel vm1, $0x100000, v6;
	[tilespmem:$0xA390] =	vst v4  }
0x171: {  	v5 =	vnsel vm2, $0x100000, v5;
	vm0 =	vmand vm14, vm15;
	v3 =	vadd.s32 v58, v8;
	[tilespmem:$0xA3A0] =	vst v6  }
0x172: {  	vm1 =	vmand vm4, vm5;
	vm9 =	vlt.s32 v63, s8;
	[tilespmem:$0xA3B0] =	vst v5;
	v3 =	vnsel vm0, $0x100000, v3  }
0x173: {  	v17 =	vnsel vm1, $0x100000, v7;
	vm0 =	vmand vm6, vm7;
	[tilespmem:$0xA3C0] =	vst v3;
	v3 =	vshll.u32 v21, $0xC  }
0x174: {  	vm10 =	vmand vm8, vm9;
	[tilespmem:$0xA3D0] =	vst v17;
	v22 =	vnsel vm0, $0x100000, v20;
	v3 =	vadd.s32 v16, v3  }
0x175: {  	[tilespmem:$0xA3E0] =	vst v22;
	v3 =	vnsel vm10, $0x100000, v3  }
0x176: {  	s12 =	rddreg [dreg:$0xc];
	[tilespmem:$0xA3F0] =	vst v3  }
0x177: {  	[spmem:s2] =	stream.indirect.scatter [tilespmem:s23], [sflag:$0x1], $0x1, s12, s17, $0xb8;
	[tilespmem:$0x1C188] =	vst v63  }
0x178: {  	v3 =	vld [tilespmem:$0x8400]  }
0x179: {  	v24 =	vld [tilespmem:$0x8410]  }
0x17a: {  	v27 =	vld [tilespmem:$0x8420]  }
0x17b: {  	v28 =	vld [tilespmem:$0x8430]  }
0x17c: {  	v33 =	vld [tilespmem:$0x8440]  }
0x17d: {  	v35 =	vld [tilespmem:$0x8450]  }
0x17e: {  	v39 =	vld [tilespmem:$0x8460];
	v26 =	vsub.s32 v3, v2  }
0x17f: {  	v42 =	vld [tilespmem:$0x8470];
	vm11 =	vge.s32 v3, s7;
	vm12 =	vlt.s32 v3, s8;
	v29 =	vsub.s32 v24, v2  }
0x180: {  	vm13 =	vge.s32 v24, s7;
	vm14 =	vlt.s32 v24, s8;
	vm4 =	vge.s32 v27, s7  }
0x181: {  	vm5 =	vlt.s32 v27, s8;
	v32 =	vsub.s32 v27, v2;
	v34 =	vsub.s32 v28, v2  }
0x182: {  	v23 =	vld [tilespmem:$0x9400];
	vm6 =	vge.s32 v28, s7;
	vm7 =	vlt.s32 v28, s8;
	vm8 =	vge.s32 v33, s7  }
0x183: {  	v25 =	vld [tilespmem:$0x9410];
	vm9 =	vlt.s32 v33, s8;
	v8 =	vsub.s32 v33, v2;
	v41 =	vsub.s32 v35, v2  }
0x184: {  	v30 =	vld [tilespmem:$0x9420];
	vm10 =	vge.s32 v35, s7;
	v46 =	vsub.s32 v39, v2;
	v49 =	vsub.s32 v42, v2  }
0x185: {  	v31 =	vld [tilespmem:$0x9430];
	v3 =	vshll.u32 v26, $0xC;
	vm0 =	vmand vm11, vm12;
	v4 =	vshll.u32 v29, $0xC  }
0x186: {  	v38 =	vld [tilespmem:$0x9450];
	vm15 =	vmand vm13, vm14;
	vm1 =	vmand vm4, vm5;
	v6 =	vshll.u32 v32, $0xC  }
0x187: {  	v40 =	vld [tilespmem:$0x9460];
	v36 =	vshll.u32 v34, $0xC;
	vm2 =	vmand vm6, vm7;
	v8 =	vshll.u32 v8, $0xC  }
0x188: {  	v37 =	vld [tilespmem:$0x9440];
	vm11 =	vlt.s32 v35, s8;
	v43 =	vshll.u32 v41, $0xC;
	vm12 =	vge.s32 v39, s7  }
0x189: {  	vm13 =	vlt.s32 v39, s8;
	v47 =	vshll.u32 v46, $0xC;
	v3 =	vadd.s32 v23, v3  }
0x18a: {  	vm14 =	vge.s32 v42, s7;
	v4 =	vadd.s32 v25, v4;
	v3 =	vnsel vm0, $0x100000, v3  }
0x18b: {  	v44 =	vld [tilespmem:$0x9470];
	v6 =	vadd.s32 v30, v6;
	v5 =	vadd.s32 v31, v36;
	v4 =	vnsel vm15, $0x100000, v4;
	[tilespmem:$0xA400] =	vst v3  }
0x18c: {  	v7 =	vadd.s32 v38, v43;
	v48 =	vadd.s32 v40, v47;
	v6 =	vnsel vm1, $0x100000, v6;
	[tilespmem:$0xA410] =	vst v4  }
0x18d: {  	v5 =	vnsel vm2, $0x100000, v5;
	vm0 =	vmand vm8, vm9;
	v3 =	vadd.s32 v37, v8;
	[tilespmem:$0xA420] =	vst v6  }
0x18e: {  	vm1 =	vmand vm10, vm11;
	vm15 =	vlt.s32 v42, s8;
	[tilespmem:$0xA430] =	vst v5;
	v3 =	vnsel vm0, $0x100000, v3  }
0x18f: {  	v45 =	vnsel vm1, $0x100000, v7;
	vm0 =	vmand vm12, vm13;
	[tilespmem:$0xA440] =	vst v3;
	v3 =	vshll.u32 v49, $0xC  }
0x190: {  	vm4 =	vmand vm14, vm15;
	[tilespmem:$0xA450] =	vst v45;
	v50 =	vnsel vm0, $0x100000, v48;
	v3 =	vadd.s32 v44, v3  }
0x191: {  	[tilespmem:$0xA460] =	vst v50;
	v3 =	vnsel vm4, $0x100000, v3  }
0x192: {  	s6 =	rddreg [dreg:$0xd];
	[tilespmem:$0xA470] =	vst v3  }
0x193: {  	[spmem:s2] =	stream.indirect.scatter [tilespmem:s23], [sflag:$0x1], $0x1, s6, s17, $0xb8;
	[tilespmem:$0x1C188] =	vst v63  }
0x194: {  	v3 =	vld [tilespmem:$0x8480]  }
0x195: {  	v52 =	vld [tilespmem:$0x8490]  }
0x196: {  	v55 =	vld [tilespmem:$0x84A0]  }
0x197: {  	v56 =	vld [tilespmem:$0x84B0]  }
0x198: {  	v61 =	vld [tilespmem:$0x84C0]  }
0x199: {  	v63 =	vld [tilespmem:$0x84D0]  }
0x19a: {  	v19 =	vld [tilespmem:$0x84E0];
	v54 =	vsub.s32 v3, v2  }
0x19b: {  	v22 =	vld [tilespmem:$0x84F0];
	vm5 =	vge.s32 v3, s7;
	vm6 =	vlt.s32 v3, s8;
	v57 =	vsub.s32 v52, v2  }
0x19c: {  	vm7 =	vge.s32 v52, s7;
	vm8 =	vlt.s32 v52, s8;
	vm10 =	vge.s32 v55, s7  }
0x19d: {  	vm11 =	vlt.s32 v55, s8;
	v60 =	vsub.s32 v55, v2;
	v62 =	vsub.s32 v56, v2  }
0x19e: {  	v51 =	vld [tilespmem:$0x9480];
	vm12 =	vge.s32 v56, s7;
	vm13 =	vlt.s32 v56, s8;
	vm14 =	vge.s32 v61, s7  }
0x19f: {  	v53 =	vld [tilespmem:$0x9490];
	vm15 =	vlt.s32 v61, s8;
	v8 =	vsub.s32 v61, v2;
	v21 =	vsub.s32 v63, v2  }
0x1a0: {  	v58 =	vld [tilespmem:$0x94A0];
	vm4 =	vge.s32 v63, s7;
	v26 =	vsub.s32 v19, v2;
	v29 =	vsub.s32 v22, v2  }
0x1a1: {  	v59 =	vld [tilespmem:$0x94B0];
	v3 =	vshll.u32 v54, $0xC;
	vm0 =	vmand vm5, vm6;
	v4 =	vshll.u32 v57, $0xC  }
0x1a2: {  	v18 =	vld [tilespmem:$0x94D0];
	vm9 =	vmand vm7, vm8;
	vm1 =	vmand vm10, vm11;
	v6 =	vshll.u32 v60, $0xC  }
0x1a3: {  	v20 =	vld [tilespmem:$0x94E0];
	v16 =	vshll.u32 v62, $0xC;
	vm2 =	vmand vm12, vm13;
	v8 =	vshll.u32 v8, $0xC  }
0x1a4: {  	v17 =	vld [tilespmem:$0x94C0];
	vm5 =	vlt.s32 v63, s8;
	v23 =	vshll.u32 v21, $0xC;
	vm6 =	vge.s32 v19, s7  }
0x1a5: {  	vm7 =	vlt.s32 v19, s8;
	v27 =	vshll.u32 v26, $0xC;
	v3 =	vadd.s32 v51, v3  }
0x1a6: {  	vm8 =	vge.s32 v22, s7;
	v4 =	vadd.s32 v53, v4;
	v3 =	vnsel vm0, $0x100000, v3  }
0x1a7: {  	v24 =	vld [tilespmem:$0x94F0];
	v6 =	vadd.s32 v58, v6;
	v5 =	vadd.s32 v59, v16;
	v4 =	vnsel vm9, $0x100000, v4;
	[tilespmem:$0xA480] =	vst v3  }
0x1a8: {  	v7 =	vadd.s32 v18, v23;
	v28 =	vadd.s32 v20, v27;
	v6 =	vnsel vm1, $0x100000, v6;
	[tilespmem:$0xA490] =	vst v4  }
0x1a9: {  	v5 =	vnsel vm2, $0x100000, v5;
	vm0 =	vmand vm14, vm15;
	v3 =	vadd.s32 v17, v8;
	[tilespmem:$0xA4A0] =	vst v6  }
0x1aa: {  	vm1 =	vmand vm4, vm5;
	vm9 =	vlt.s32 v22, s8;
	[tilespmem:$0xA4B0] =	vst v5;
	v3 =	vnsel vm0, $0x100000, v3  }
0x1ab: {  	v25 =	vnsel vm1, $0x100000, v7;
	vm0 =	vmand vm6, vm7;
	[tilespmem:$0xA4C0] =	vst v3;
	v3 =	vshll.u32 v29, $0xC  }
0x1ac: {  	vm10 =	vmand vm8, vm9;
	[tilespmem:$0xA4D0] =	vst v25;
	v30 =	vnsel vm0, $0x100000, v28;
	v3 =	vadd.s32 v24, v3  }
0x1ad: {  	[tilespmem:$0xA4E0] =	vst v30;
	v3 =	vnsel vm10, $0x100000, v3  }
0x1ae: {  	s12 =	rddreg [dreg:$0xe];
	[tilespmem:$0xA4F0] =	vst v3  }
0x1af: {  	[spmem:s2] =	stream.indirect.scatter [tilespmem:s23], [sflag:$0x1], $0x1, s12, s17, $0xb8;
	[tilespmem:$0x1C188] =	vst v63  }
0x1b0: {  	v3 =	vld [tilespmem:$0x8500]  }
0x1b1: {  	v32 =	vld [tilespmem:$0x8510]  }
0x1b2: {  	v35 =	vld [tilespmem:$0x8520]  }
0x1b3: {  	v36 =	vld [tilespmem:$0x8530]  }
0x1b4: {  	v41 =	vld [tilespmem:$0x8540]  }
0x1b5: {  	v43 =	vld [tilespmem:$0x8550]  }
0x1b6: {  	v47 =	vld [tilespmem:$0x8560];
	v34 =	vsub.s32 v3, v2  }
0x1b7: {  	v50 =	vld [tilespmem:$0x8570];
	vm11 =	vge.s32 v3, s7;
	vm12 =	vlt.s32 v3, s8;
	v37 =	vsub.s32 v32, v2  }
0x1b8: {  	vm13 =	vge.s32 v32, s7;
	vm14 =	vlt.s32 v32, s8;
	vm4 =	vge.s32 v35, s7  }
0x1b9: {  	vm5 =	vlt.s32 v35, s8;
	v40 =	vsub.s32 v35, v2;
	v42 =	vsub.s32 v36, v2  }
0x1ba: {  	v31 =	vld [tilespmem:$0x9500];
	vm6 =	vge.s32 v36, s7;
	vm7 =	vlt.s32 v36, s8;
	vm8 =	vge.s32 v41, s7  }
0x1bb: {  	v33 =	vld [tilespmem:$0x9510];
	vm9 =	vlt.s32 v41, s8;
	v8 =	vsub.s32 v41, v2;
	v49 =	vsub.s32 v43, v2  }
0x1bc: {  	v38 =	vld [tilespmem:$0x9520];
	vm10 =	vge.s32 v43, s7;
	v54 =	vsub.s32 v47, v2;
	v57 =	vsub.s32 v50, v2  }
0x1bd: {  	v39 =	vld [tilespmem:$0x9530];
	v3 =	vshll.u32 v34, $0xC;
	vm0 =	vmand vm11, vm12;
	v4 =	vshll.u32 v37, $0xC  }
0x1be: {  	v46 =	vld [tilespmem:$0x9550];
	vm15 =	vmand vm13, vm14;
	vm1 =	vmand vm4, vm5;
	v6 =	vshll.u32 v40, $0xC  }
0x1bf: {  	v48 =	vld [tilespmem:$0x9560];
	v44 =	vshll.u32 v42, $0xC;
	vm2 =	vmand vm6, vm7;
	v8 =	vshll.u32 v8, $0xC  }
0x1c0: {  	v45 =	vld [tilespmem:$0x9540];
	vm11 =	vlt.s32 v43, s8;
	v51 =	vshll.u32 v49, $0xC;
	vm12 =	vge.s32 v47, s7  }
0x1c1: {  	vm13 =	vlt.s32 v47, s8;
	v55 =	vshll.u32 v54, $0xC;
	v3 =	vadd.s32 v31, v3  }
0x1c2: {  	vm14 =	vge.s32 v50, s7;
	v4 =	vadd.s32 v33, v4;
	v3 =	vnsel vm0, $0x100000, v3  }
0x1c3: {  	v52 =	vld [tilespmem:$0x9570];
	v6 =	vadd.s32 v38, v6;
	v5 =	vadd.s32 v39, v44;
	v4 =	vnsel vm15, $0x100000, v4;
	[tilespmem:$0xA500] =	vst v3  }
0x1c4: {  	v7 =	vadd.s32 v46, v51;
	v56 =	vadd.s32 v48, v55;
	v6 =	vnsel vm1, $0x100000, v6;
	[tilespmem:$0xA510] =	vst v4  }
0x1c5: {  	v5 =	vnsel vm2, $0x100000, v5;
	vm0 =	vmand vm8, vm9;
	v3 =	vadd.s32 v45, v8;
	[tilespmem:$0xA520] =	vst v6  }
0x1c6: {  	vm1 =	vmand vm10, vm11;
	vm15 =	vlt.s32 v50, s8;
	[tilespmem:$0xA530] =	vst v5;
	v3 =	vnsel vm0, $0x100000, v3  }
0x1c7: {  	v53 =	vnsel vm1, $0x100000, v7;
	vm0 =	vmand vm12, vm13;
	[tilespmem:$0xA540] =	vst v3;
	v3 =	vshll.u32 v57, $0xC  }
0x1c8: {  	vm4 =	vmand vm14, vm15;
	[tilespmem:$0xA550] =	vst v53;
	v58 =	vnsel vm0, $0x100000, v56;
	v3 =	vadd.s32 v52, v3  }
0x1c9: {  	[tilespmem:$0xA560] =	vst v58;
	v3 =	vnsel vm4, $0x100000, v3  }
0x1ca: {  	s6 =	rddreg [dreg:$0xf];
	[tilespmem:$0xA570] =	vst v3  }
0x1cb: {  	[spmem:s2] =	stream.indirect.scatter [tilespmem:s23], [sflag:$0x1], $0x1, s6, s17, $0xb8;
	[tilespmem:$0x1C188] =	vst v63  }
0x1cc: {  	v3 =	vld [tilespmem:$0x8580]  }
0x1cd: {  	v60 =	vld [tilespmem:$0x8590]  }
0x1ce: {  	v63 =	vld [tilespmem:$0x85A0]  }
0x1cf: {  	v12 =	vld [tilespmem:$0x85B0]  }
0x1d0: {  	v17 =	vld [tilespmem:$0x85C0]  }
0x1d1: {  	v19 =	vld [tilespmem:$0x85D0]  }
0x1d2: {  	v23 =	vld [tilespmem:$0x85E0];
	v62 =	vsub.s32 v3, v2  }
0x1d3: {  	v26 =	vld [tilespmem:$0x85F0];
	vm5 =	vge.s32 v3, s7;
	vm6 =	vlt.s32 v3, s8;
	v13 =	vsub.s32 v60, v2  }
0x1d4: {  	vm7 =	vge.s32 v60, s7;
	vm8 =	vlt.s32 v60, s8;
	vm10 =	vge.s32 v63, s7  }
0x1d5: {  	vm11 =	vlt.s32 v63, s8;
	v16 =	vsub.s32 v63, v2;
	v18 =	vsub.s32 v12, v2  }
0x1d6: {  	v59 =	vld [tilespmem:$0x9580];
	vm12 =	vge.s32 v12, s7;
	vm13 =	vlt.s32 v12, s8;
	vm14 =	vge.s32 v17, s7  }
0x1d7: {  	v61 =	vld [tilespmem:$0x9590];
	vm15 =	vlt.s32 v17, s8;
	v8 =	vsub.s32 v17, v2;
	v25 =	vsub.s32 v19, v2  }
0x1d8: {  	v14 =	vld [tilespmem:$0x95A0];
	vm4 =	vge.s32 v19, s7;
	v30 =	vsub.s32 v23, v2;
	v33 =	vsub.s32 v26, v2  }
0x1d9: {  	v15 =	vld [tilespmem:$0x95B0];
	v3 =	vshll.u32 v62, $0xC;
	vm0 =	vmand vm5, vm6;
	v4 =	vshll.u32 v13, $0xC  }
0x1da: {  	v22 =	vld [tilespmem:$0x95D0];
	vm9 =	vmand vm7, vm8;
	vm1 =	vmand vm10, vm11;
	v6 =	vshll.u32 v16, $0xC  }
0x1db: {  	v24 =	vld [tilespmem:$0x95E0];
	v20 =	vshll.u32 v18, $0xC;
	vm2 =	vmand vm12, vm13;
	v8 =	vshll.u32 v8, $0xC  }
0x1dc: {  	v21 =	vld [tilespmem:$0x95C0];
	vm5 =	vlt.s32 v19, s8;
	v27 =	vshll.u32 v25, $0xC;
	vm6 =	vge.s32 v23, s7  }
0x1dd: {  	vm7 =	vlt.s32 v23, s8;
	v31 =	vshll.u32 v30, $0xC;
	v3 =	vadd.s32 v59, v3  }
0x1de: {  	vm8 =	vge.s32 v26, s7;
	v4 =	vadd.s32 v61, v4;
	v3 =	vnsel vm0, $0x100000, v3  }
0x1df: {  	v28 =	vld [tilespmem:$0x95F0];
	v6 =	vadd.s32 v14, v6;
	v5 =	vadd.s32 v15, v20;
	v4 =	vnsel vm9, $0x100000, v4;
	[tilespmem:$0xA580] =	vst v3  }
0x1e0: {  	v7 =	vadd.s32 v22, v27;
	v32 =	vadd.s32 v24, v31;
	v6 =	vnsel vm1, $0x100000, v6;
	[tilespmem:$0xA590] =	vst v4  }
0x1e1: {  	v5 =	vnsel vm2, $0x100000, v5;
	vm0 =	vmand vm14, vm15;
	v3 =	vadd.s32 v21, v8;
	[tilespmem:$0xA5A0] =	vst v6  }
0x1e2: {  	vm1 =	vmand vm4, vm5;
	vm9 =	vlt.s32 v26, s8;
	[tilespmem:$0xA5B0] =	vst v5;
	v3 =	vnsel vm0, $0x100000, v3  }
0x1e3: {  	v29 =	vnsel vm1, $0x100000, v7;
	vm0 =	vmand vm6, vm7;
	[tilespmem:$0xA5C0] =	vst v3;
	v3 =	vshll.u32 v33, $0xC  }
0x1e4: {  	vm10 =	vmand vm8, vm9;
	[tilespmem:$0xA5D0] =	vst v29;
	v34 =	vnsel vm0, $0x100000, v32;
	v3 =	vadd.s32 v28, v3  }
0x1e5: {  	[tilespmem:$0xA5E0] =	vst v34;
	v3 =	vnsel vm10, $0x100000, v3  }
0x1e6: {  	s12 =	rddreg [dreg:$0x10];
	[tilespmem:$0xA5F0] =	vst v3  }
0x1e7: {  	[spmem:s2] =	stream.indirect.scatter [tilespmem:s23], [sflag:$0x1], $0x1, s12, s17, $0xb8;
	[tilespmem:$0x1C188] =	vst v63  }
0x1e8: {  	v3 =	vld [tilespmem:$0x8600]  }
0x1e9: {  	v36 =	vld [tilespmem:$0x8610]  }
0x1ea: {  	v39 =	vld [tilespmem:$0x8620]  }
0x1eb: {  	v40 =	vld [tilespmem:$0x8630]  }
0x1ec: {  	v45 =	vld [tilespmem:$0x8640]  }
0x1ed: {  	v47 =	vld [tilespmem:$0x8650]  }
0x1ee: {  	v51 =	vld [tilespmem:$0x8660];
	v38 =	vsub.s32 v3, v2  }
0x1ef: {  	v54 =	vld [tilespmem:$0x8670];
	vm11 =	vge.s32 v3, s7;
	vm12 =	vlt.s32 v3, s8;
	v41 =	vsub.s32 v36, v2  }
0x1f0: {  	vm13 =	vge.s32 v36, s7;
	vm14 =	vlt.s32 v36, s8;
	vm4 =	vge.s32 v39, s7  }
0x1f1: {  	vm5 =	vlt.s32 v39, s8;
	v44 =	vsub.s32 v39, v2;
	v46 =	vsub.s32 v40, v2  }
0x1f2: {  	v35 =	vld [tilespmem:$0x9600];
	vm6 =	vge.s32 v40, s7;
	vm7 =	vlt.s32 v40, s8;
	vm8 =	vge.s32 v45, s7  }
0x1f3: {  	v37 =	vld [tilespmem:$0x9610];
	vm9 =	vlt.s32 v45, s8;
	v8 =	vsub.s32 v45, v2;
	v53 =	vsub.s32 v47, v2  }
0x1f4: {  	v42 =	vld [tilespmem:$0x9620];
	vm10 =	vge.s32 v47, s7;
	v58 =	vsub.s32 v51, v2;
	v61 =	vsub.s32 v54, v2  }
0x1f5: {  	v43 =	vld [tilespmem:$0x9630];
	v3 =	vshll.u32 v38, $0xC;
	vm0 =	vmand vm11, vm12;
	v4 =	vshll.u32 v41, $0xC  }
0x1f6: {  	v50 =	vld [tilespmem:$0x9650];
	vm15 =	vmand vm13, vm14;
	vm1 =	vmand vm4, vm5;
	v6 =	vshll.u32 v44, $0xC  }
0x1f7: {  	v52 =	vld [tilespmem:$0x9660];
	v48 =	vshll.u32 v46, $0xC;
	vm2 =	vmand vm6, vm7;
	v8 =	vshll.u32 v8, $0xC  }
0x1f8: {  	v49 =	vld [tilespmem:$0x9640];
	vm11 =	vlt.s32 v47, s8;
	v55 =	vshll.u32 v53, $0xC;
	vm12 =	vge.s32 v51, s7  }
0x1f9: {  	vm13 =	vlt.s32 v51, s8;
	v59 =	vshll.u32 v58, $0xC;
	v3 =	vadd.s32 v35, v3  }
0x1fa: {  	vm14 =	vge.s32 v54, s7;
	v4 =	vadd.s32 v37, v4;
	v3 =	vnsel vm0, $0x100000, v3  }
0x1fb: {  	v56 =	vld [tilespmem:$0x9670];
	v6 =	vadd.s32 v42, v6;
	v5 =	vadd.s32 v43, v48;
	v4 =	vnsel vm15, $0x100000, v4;
	[tilespmem:$0xA600] =	vst v3  }
0x1fc: {  	v7 =	vadd.s32 v50, v55;
	v60 =	vadd.s32 v52, v59;
	v6 =	vnsel vm1, $0x100000, v6;
	[tilespmem:$0xA610] =	vst v4  }
0x1fd: {  	v5 =	vnsel vm2, $0x100000, v5;
	vm0 =	vmand vm8, vm9;
	v3 =	vadd.s32 v49, v8;
	[tilespmem:$0xA620] =	vst v6  }
0x1fe: {  	vm1 =	vmand vm10, vm11;
	vm15 =	vlt.s32 v54, s8;
	[tilespmem:$0xA630] =	vst v5;
	v3 =	vnsel vm0, $0x100000, v3  }
0x1ff: {  	v57 =	vnsel vm1, $0x100000, v7;
	vm0 =	vmand vm12, vm13;
	[tilespmem:$0xA640] =	vst v3;
	v3 =	vshll.u32 v61, $0xC  }
0x200: {  	vm4 =	vmand vm14, vm15;
	[tilespmem:$0xA650] =	vst v57;
	v62 =	vnsel vm0, $0x100000, v60;
	v3 =	vadd.s32 v56, v3  }
0x201: {  	[tilespmem:$0xA660] =	vst v62;
	v3 =	vnsel vm4, $0x100000, v3  }
0x202: {  	s6 =	rddreg [dreg:$0x11];
	[tilespmem:$0xA670] =	vst v3  }
0x203: {  	[spmem:s2] =	stream.indirect.scatter [tilespmem:s23], [sflag:$0x1], $0x1, s6, s17, $0xb8;
	[tilespmem:$0x1C188] =	vst v63  }
0x204: {  	v3 =	vld [tilespmem:$0x8680]  }
0x205: {  	v12 =	vld [tilespmem:$0x8690]  }
0x206: {  	v15 =	vld [tilespmem:$0x86A0]  }
0x207: {  	v16 =	vld [tilespmem:$0x86B0]  }
0x208: {  	v21 =	vld [tilespmem:$0x86C0]  }
0x209: {  	v23 =	vld [tilespmem:$0x86D0]  }
0x20a: {  	v27 =	vld [tilespmem:$0x86E0];
	v14 =	vsub.s32 v3, v2  }
0x20b: {  	v30 =	vld [tilespmem:$0x86F0];
	vm5 =	vge.s32 v3, s7;
	vm6 =	vlt.s32 v3, s8;
	v17 =	vsub.s32 v12, v2  }
0x20c: {  	vm7 =	vge.s32 v12, s7;
	vm8 =	vlt.s32 v12, s8;
	vm10 =	vge.s32 v15, s7  }
0x20d: {  	vm11 =	vlt.s32 v15, s8;
	v20 =	vsub.s32 v15, v2;
	v22 =	vsub.s32 v16, v2  }
0x20e: {  	v63 =	vld [tilespmem:$0x9680];
	vm12 =	vge.s32 v16, s7;
	vm13 =	vlt.s32 v16, s8;
	vm14 =	vge.s32 v21, s7  }
0x20f: {  	v13 =	vld [tilespmem:$0x9690];
	vm15 =	vlt.s32 v21, s8;
	v8 =	vsub.s32 v21, v2;
	v29 =	vsub.s32 v23, v2  }
0x210: {  	v18 =	vld [tilespmem:$0x96A0];
	vm4 =	vge.s32 v23, s7;
	v34 =	vsub.s32 v27, v2;
	v37 =	vsub.s32 v30, v2  }
0x211: {  	v19 =	vld [tilespmem:$0x96B0];
	v3 =	vshll.u32 v14, $0xC;
	vm0 =	vmand vm5, vm6;
	v4 =	vshll.u32 v17, $0xC  }
0x212: {  	v26 =	vld [tilespmem:$0x96D0];
	vm9 =	vmand vm7, vm8;
	vm1 =	vmand vm10, vm11;
	v6 =	vshll.u32 v20, $0xC  }
0x213: {  	v28 =	vld [tilespmem:$0x96E0];
	v24 =	vshll.u32 v22, $0xC;
	vm2 =	vmand vm12, vm13;
	v8 =	vshll.u32 v8, $0xC  }
0x214: {  	v25 =	vld [tilespmem:$0x96C0];
	vm5 =	vlt.s32 v23, s8;
	v31 =	vshll.u32 v29, $0xC;
	vm6 =	vge.s32 v27, s7  }
0x215: {  	vm7 =	vlt.s32 v27, s8;
	v35 =	vshll.u32 v34, $0xC;
	v3 =	vadd.s32 v63, v3  }
0x216: {  	vm8 =	vge.s32 v30, s7;
	v4 =	vadd.s32 v13, v4;
	v3 =	vnsel vm0, $0x100000, v3  }
0x217: {  	v32 =	vld [tilespmem:$0x96F0];
	v6 =	vadd.s32 v18, v6;
	v5 =	vadd.s32 v19, v24;
	v4 =	vnsel vm9, $0x100000, v4;
	[tilespmem:$0xA680] =	vst v3  }
0x218: {  	v7 =	vadd.s32 v26, v31;
	v36 =	vadd.s32 v28, v35;
	v6 =	vnsel vm1, $0x100000, v6;
	[tilespmem:$0xA690] =	vst v4  }
0x219: {  	v5 =	vnsel vm2, $0x100000, v5;
	vm0 =	vmand vm14, vm15;
	v3 =	vadd.s32 v25, v8;
	[tilespmem:$0xA6A0] =	vst v6  }
0x21a: {  	vm1 =	vmand vm4, vm5;
	vm9 =	vlt.s32 v30, s8;
	[tilespmem:$0xA6B0] =	vst v5;
	v3 =	vnsel vm0, $0x100000, v3  }
0x21b: {  	v33 =	vnsel vm1, $0x100000, v7;
	vm0 =	vmand vm6, vm7;
	[tilespmem:$0xA6C0] =	vst v3;
	v3 =	vshll.u32 v37, $0xC  }
0x21c: {  	vm10 =	vmand vm8, vm9;
	[tilespmem:$0xA6D0] =	vst v33;
	v38 =	vnsel vm0, $0x100000, v36;
	v3 =	vadd.s32 v32, v3  }
0x21d: {  	[tilespmem:$0xA6E0] =	vst v38;
	v3 =	vnsel vm10, $0x100000, v3  }
0x21e: {  	s12 =	rddreg [dreg:$0x12];
	[tilespmem:$0xA6F0] =	vst v3  }
0x21f: {  	[spmem:s2] =	stream.indirect.scatter [tilespmem:s23], [sflag:$0x1], $0x1, s12, s17, $0xb8;
	[tilespmem:$0x1C188] =	vst v63  }
0x220: {  	v3 =	vld [tilespmem:$0x8700]  }
0x221: {  	v40 =	vld [tilespmem:$0x8710]  }
0x222: {  	v43 =	vld [tilespmem:$0x8720]  }
0x223: {  	v44 =	vld [tilespmem:$0x8730]  }
0x224: {  	v49 =	vld [tilespmem:$0x8740]  }
0x225: {  	v51 =	vld [tilespmem:$0x8750]  }
0x226: {  	v55 =	vld [tilespmem:$0x8760];
	v42 =	vsub.s32 v3, v2  }
0x227: {  	v58 =	vld [tilespmem:$0x8770];
	vm11 =	vge.s32 v3, s7;
	vm12 =	vlt.s32 v3, s8;
	v45 =	vsub.s32 v40, v2  }
0x228: {  	vm13 =	vge.s32 v40, s7;
	vm14 =	vlt.s32 v40, s8;
	vm4 =	vge.s32 v43, s7  }
0x229: {  	vm5 =	vlt.s32 v43, s8;
	v48 =	vsub.s32 v43, v2;
	v50 =	vsub.s32 v44, v2  }
0x22a: {  	v39 =	vld [tilespmem:$0x9700];
	vm6 =	vge.s32 v44, s7;
	vm7 =	vlt.s32 v44, s8;
	vm8 =	vge.s32 v49, s7  }
0x22b: {  	v41 =	vld [tilespmem:$0x9710];
	vm9 =	vlt.s32 v49, s8;
	v8 =	vsub.s32 v49, v2;
	v57 =	vsub.s32 v51, v2  }
0x22c: {  	v46 =	vld [tilespmem:$0x9720];
	vm10 =	vge.s32 v51, s7;
	v62 =	vsub.s32 v55, v2;
	v10 =	vsub.s32 v58, v2  }
0x22d: {  	v47 =	vld [tilespmem:$0x9730];
	v3 =	vshll.u32 v42, $0xC;
	vm0 =	vmand vm11, vm12;
	v4 =	vshll.u32 v45, $0xC  }
0x22e: {  	v54 =	vld [tilespmem:$0x9750];
	vm15 =	vmand vm13, vm14;
	vm1 =	vmand vm4, vm5;
	v6 =	vshll.u32 v48, $0xC  }
0x22f: {  	v56 =	vld [tilespmem:$0x9760];
	v52 =	vshll.u32 v50, $0xC;
	vm2 =	vmand vm6, vm7;
	v8 =	vshll.u32 v8, $0xC  }
0x230: {  	v53 =	vld [tilespmem:$0x9740];
	vm11 =	vlt.s32 v51, s8;
	v59 =	vshll.u32 v57, $0xC;
	vm12 =	vge.s32 v55, s7  }
0x231: {  	vm13 =	vlt.s32 v55, s8;
	v63 =	vshll.u32 v62, $0xC;
	v3 =	vadd.s32 v39, v3  }
0x232: {  	vm14 =	vge.s32 v58, s7;
	v4 =	vadd.s32 v41, v4;
	v3 =	vnsel vm0, $0x100000, v3  }
0x233: {  	v60 =	vld [tilespmem:$0x9770];
	v6 =	vadd.s32 v46, v6;
	v5 =	vadd.s32 v47, v52;
	v4 =	vnsel vm15, $0x100000, v4;
	[tilespmem:$0xA700] =	vst v3  }
0x234: {  	v7 =	vadd.s32 v54, v59;
	v9 =	vadd.s32 v56, v63;
	v6 =	vnsel vm1, $0x100000, v6;
	[tilespmem:$0xA710] =	vst v4  }
0x235: {  	v5 =	vnsel vm2, $0x100000, v5;
	vm0 =	vmand vm8, vm9;
	v3 =	vadd.s32 v53, v8;
	[tilespmem:$0xA720] =	vst v6  }
0x236: {  	vm1 =	vmand vm10, vm11;
	vm15 =	vlt.s32 v58, s8;
	[tilespmem:$0xA730] =	vst v5;
	v3 =	vnsel vm0, $0x100000, v3  }
0x237: {  	v61 =	vnsel vm1, $0x100000, v7;
	vm0 =	vmand vm12, vm13;
	[tilespmem:$0xA740] =	vst v3;
	v3 =	vshll.u32 v10, $0xC  }
0x238: {  	vm4 =	vmand vm14, vm15;
	[tilespmem:$0xA750] =	vst v61;
	v11 =	vnsel vm0, $0x100000, v9;
	v3 =	vadd.s32 v60, v3  }
0x239: {  	[tilespmem:$0xA760] =	vst v11;
	v3 =	vnsel vm4, $0x100000, v3  }
0x23a: {  	[tilespmem:$0xA770] =	vst v3  }
0x23b: {  	s6 =	rddreg [dreg:$0x13]  }
0x23c: {  	[spmem:s2] =	stream.indirect.scatter [tilespmem:s23], [sflag:$0x1], $0x1, s6, s17, $0xb8;
	[tilespmem:$0x1C188] =	vst v63  }
0x23d: {  	v3 =	vld [tilespmem:$0x8780]  }
0x23e: {  	v13 =	vld [tilespmem:$0x8790]  }
0x23f: {  	v16 =	vld [tilespmem:$0x87A0]  }
0x240: {  	v17 =	vld [tilespmem:$0x87B0]  }
0x241: {  	v22 =	vld [tilespmem:$0x87C0]  }
0x242: {  	v24 =	vld [tilespmem:$0x87D0]  }
0x243: {  	v28 =	vld [tilespmem:$0x87E0];
	v15 =	vsub.s32 v3, v2  }
0x244: {  	v31 =	vld [tilespmem:$0x87F0];
	vm5 =	vge.s32 v3, s7;
	vm6 =	vlt.s32 v3, s8;
	v18 =	vsub.s32 v13, v2  }
0x245: {  	vm7 =	vge.s32 v13, s7;
	vm8 =	vlt.s32 v13, s8;
	vm10 =	vge.s32 v16, s7  }
0x246: {  	vm11 =	vlt.s32 v16, s8;
	v21 =	vsub.s32 v16, v2;
	v23 =	vsub.s32 v17, v2  }
0x247: {  	v12 =	vld [tilespmem:$0x9780];
	vm12 =	vge.s32 v17, s7;
	vm13 =	vlt.s32 v17, s8;
	vm14 =	vge.s32 v22, s7  }
0x248: {  	v14 =	vld [tilespmem:$0x9790];
	vm15 =	vlt.s32 v22, s8;
	v8 =	vsub.s32 v22, v2;
	v30 =	vsub.s32 v24, v2  }
0x249: {  	v19 =	vld [tilespmem:$0x97A0];
	vm4 =	vge.s32 v24, s7;
	v35 =	vsub.s32 v28, v2;
	v38 =	vsub.s32 v31, v2  }
0x24a: {  	v20 =	vld [tilespmem:$0x97B0];
	v3 =	vshll.u32 v15, $0xC;
	vm0 =	vmand vm5, vm6;
	v4 =	vshll.u32 v18, $0xC  }
0x24b: {  	v27 =	vld [tilespmem:$0x97D0];
	vm9 =	vmand vm7, vm8;
	vm1 =	vmand vm10, vm11;
	v6 =	vshll.u32 v21, $0xC  }
0x24c: {  	v29 =	vld [tilespmem:$0x97E0];
	v25 =	vshll.u32 v23, $0xC;
	vm2 =	vmand vm12, vm13;
	v8 =	vshll.u32 v8, $0xC  }
0x24d: {  	v26 =	vld [tilespmem:$0x97C0];
	vm5 =	vlt.s32 v24, s8;
	v32 =	vshll.u32 v30, $0xC;
	vm6 =	vge.s32 v28, s7  }
0x24e: {  	vm7 =	vlt.s32 v28, s8;
	v36 =	vshll.u32 v35, $0xC;
	v3 =	vadd.s32 v12, v3  }
0x24f: {  	vm8 =	vge.s32 v31, s7;
	v4 =	vadd.s32 v14, v4;
	v3 =	vnsel vm0, $0x100000, v3  }
0x250: {  	v33 =	vld [tilespmem:$0x97F0];
	v6 =	vadd.s32 v19, v6;
	v5 =	vadd.s32 v20, v25;
	v4 =	vnsel vm9, $0x100000, v4;
	[tilespmem:$0xA780] =	vst v3  }
0x251: {  	v7 =	vadd.s32 v27, v32;
	v37 =	vadd.s32 v29, v36;
	v6 =	vnsel vm1, $0x100000, v6;
	[tilespmem:$0xA790] =	vst v4  }
0x252: {  	v5 =	vnsel vm2, $0x100000, v5;
	vm0 =	vmand vm14, vm15;
	v3 =	vadd.s32 v26, v8;
	[tilespmem:$0xA7A0] =	vst v6  }
0x253: {  	vm1 =	vmand vm4, vm5;
	vm9 =	vlt.s32 v31, s8;
	[tilespmem:$0xA7B0] =	vst v5;
	v3 =	vnsel vm0, $0x100000, v3  }
0x254: {  	v34 =	vnsel vm1, $0x100000, v7;
	vm0 =	vmand vm6, vm7;
	[tilespmem:$0xA7C0] =	vst v3;
	v3 =	vshll.u32 v38, $0xC  }
0x255: {  	vm10 =	vmand vm8, vm9;
	[tilespmem:$0xA7D0] =	vst v34;
	v39 =	vnsel vm0, $0x100000, v37;
	v3 =	vadd.s32 v33, v3  }
0x256: {  	[tilespmem:$0xA7E0] =	vst v39;
	v3 =	vnsel vm10, $0x100000, v3  }
0x257: {  	s12 =	rddreg [dreg:$0x14];
	[tilespmem:$0xA7F0] =	vst v3  }
0x258: {  	[spmem:s2] =	stream.indirect.scatter [tilespmem:s23], [sflag:$0x1], $0x1, s12, s17, $0xb8;
	[tilespmem:$0x1C188] =	vst v63  }
0x259: {  	v3 =	vld [tilespmem:$0x8800]  }
0x25a: {  	v41 =	vld [tilespmem:$0x8810]  }
0x25b: {  	v44 =	vld [tilespmem:$0x8820]  }
0x25c: {  	v45 =	vld [tilespmem:$0x8830]  }
0x25d: {  	v50 =	vld [tilespmem:$0x8840]  }
0x25e: {  	v52 =	vld [tilespmem:$0x8850]  }
0x25f: {  	v56 =	vld [tilespmem:$0x8860];
	v43 =	vsub.s32 v3, v2  }
0x260: {  	v59 =	vld [tilespmem:$0x8870];
	vm11 =	vge.s32 v3, s7;
	vm12 =	vlt.s32 v3, s8;
	v46 =	vsub.s32 v41, v2  }
0x261: {  	vm13 =	vge.s32 v41, s7;
	vm14 =	vlt.s32 v41, s8;
	vm4 =	vge.s32 v44, s7  }
0x262: {  	vm5 =	vlt.s32 v44, s8;
	v49 =	vsub.s32 v44, v2;
	v51 =	vsub.s32 v45, v2  }
0x263: {  	v40 =	vld [tilespmem:$0x9800];
	vm6 =	vge.s32 v45, s7;
	vm7 =	vlt.s32 v45, s8;
	vm8 =	vge.s32 v50, s7  }
0x264: {  	v42 =	vld [tilespmem:$0x9810];
	vm9 =	vlt.s32 v50, s8;
	v8 =	vsub.s32 v50, v2;
	v58 =	vsub.s32 v52, v2  }
0x265: {  	v47 =	vld [tilespmem:$0x9820];
	vm10 =	vge.s32 v52, s7;
	v63 =	vsub.s32 v56, v2;
	v11 =	vsub.s32 v59, v2  }
0x266: {  	v48 =	vld [tilespmem:$0x9830];
	v3 =	vshll.u32 v43, $0xC;
	vm0 =	vmand vm11, vm12;
	v4 =	vshll.u32 v46, $0xC  }
0x267: {  	v55 =	vld [tilespmem:$0x9850];
	vm15 =	vmand vm13, vm14;
	vm1 =	vmand vm4, vm5;
	v6 =	vshll.u32 v49, $0xC  }
0x268: {  	v57 =	vld [tilespmem:$0x9860];
	v53 =	vshll.u32 v51, $0xC;
	vm2 =	vmand vm6, vm7;
	v8 =	vshll.u32 v8, $0xC  }
0x269: {  	v54 =	vld [tilespmem:$0x9840];
	vm11 =	vlt.s32 v52, s8;
	v60 =	vshll.u32 v58, $0xC;
	vm12 =	vge.s32 v56, s7  }
0x26a: {  	vm13 =	vlt.s32 v56, s8;
	v9 =	vshll.u32 v63, $0xC;
	v3 =	vadd.s32 v40, v3  }
0x26b: {  	vm14 =	vge.s32 v59, s7;
	v4 =	vadd.s32 v42, v4;
	v3 =	vnsel vm0, $0x100000, v3  }
0x26c: {  	v61 =	vld [tilespmem:$0x9870];
	v6 =	vadd.s32 v47, v6;
	v5 =	vadd.s32 v48, v53;
	v4 =	vnsel vm15, $0x100000, v4;
	[tilespmem:$0xA800] =	vst v3  }
0x26d: {  	v7 =	vadd.s32 v55, v60;
	v10 =	vadd.s32 v57, v9;
	v6 =	vnsel vm1, $0x100000, v6;
	[tilespmem:$0xA810] =	vst v4  }
0x26e: {  	v5 =	vnsel vm2, $0x100000, v5;
	vm0 =	vmand vm8, vm9;
	v3 =	vadd.s32 v54, v8;
	[tilespmem:$0xA820] =	vst v6  }
0x26f: {  	vm1 =	vmand vm10, vm11;
	vm15 =	vlt.s32 v59, s8;
	[tilespmem:$0xA830] =	vst v5;
	v3 =	vnsel vm0, $0x100000, v3  }
0x270: {  	v62 =	vnsel vm1, $0x100000, v7;
	vm0 =	vmand vm12, vm13;
	[tilespmem:$0xA840] =	vst v3;
	v3 =	vshll.u32 v11, $0xC  }
0x271: {  	vm4 =	vmand vm14, vm15;
	[tilespmem:$0xA850] =	vst v62;
	v12 =	vnsel vm0, $0x100000, v10;
	v3 =	vadd.s32 v61, v3  }
0x272: {  	[tilespmem:$0xA860] =	vst v12;
	v3 =	vnsel vm4, $0x100000, v3  }
0x273: {  	s6 =	rddreg [dreg:$0x15];
	[tilespmem:$0xA870] =	vst v3  }
0x274: {  	[spmem:s2] =	stream.indirect.scatter [tilespmem:s23], [sflag:$0x1], $0x1, s6, s17, $0xb8;
	[tilespmem:$0x1C188] =	vst v63  }
0x275: {  	v3 =	vld [tilespmem:$0x8880]  }
0x276: {  	v14 =	vld [tilespmem:$0x8890]  }
0x277: {  	v17 =	vld [tilespmem:$0x88A0]  }
0x278: {  	v18 =	vld [tilespmem:$0x88B0]  }
0x279: {  	v23 =	vld [tilespmem:$0x88C0]  }
0x27a: {  	v25 =	vld [tilespmem:$0x88D0]  }
0x27b: {  	v29 =	vld [tilespmem:$0x88E0];
	v16 =	vsub.s32 v3, v2  }
0x27c: {  	v32 =	vld [tilespmem:$0x88F0];
	vm5 =	vge.s32 v3, s7;
	vm6 =	vlt.s32 v3, s8;
	v19 =	vsub.s32 v14, v2  }
0x27d: {  	vm7 =	vge.s32 v14, s7;
	vm8 =	vlt.s32 v14, s8;
	vm10 =	vge.s32 v17, s7  }
0x27e: {  	vm11 =	vlt.s32 v17, s8;
	v22 =	vsub.s32 v17, v2;
	v24 =	vsub.s32 v18, v2  }
0x27f: {  	v13 =	vld [tilespmem:$0x9880];
	vm12 =	vge.s32 v18, s7;
	vm13 =	vlt.s32 v18, s8;
	vm14 =	vge.s32 v23, s7  }
0x280: {  	v15 =	vld [tilespmem:$0x9890];
	vm15 =	vlt.s32 v23, s8;
	v8 =	vsub.s32 v23, v2;
	v31 =	vsub.s32 v25, v2  }
0x281: {  	v20 =	vld [tilespmem:$0x98A0];
	vm4 =	vge.s32 v25, s7;
	v36 =	vsub.s32 v29, v2;
	v39 =	vsub.s32 v32, v2  }
0x282: {  	v21 =	vld [tilespmem:$0x98B0];
	v3 =	vshll.u32 v16, $0xC;
	vm0 =	vmand vm5, vm6;
	v4 =	vshll.u32 v19, $0xC  }
0x283: {  	v28 =	vld [tilespmem:$0x98D0];
	vm9 =	vmand vm7, vm8;
	vm1 =	vmand vm10, vm11;
	v6 =	vshll.u32 v22, $0xC  }
0x284: {  	v30 =	vld [tilespmem:$0x98E0];
	v26 =	vshll.u32 v24, $0xC;
	vm2 =	vmand vm12, vm13;
	v8 =	vshll.u32 v8, $0xC  }
0x285: {  	v27 =	vld [tilespmem:$0x98C0];
	vm5 =	vlt.s32 v25, s8;
	v33 =	vshll.u32 v31, $0xC;
	vm6 =	vge.s32 v29, s7  }
0x286: {  	vm7 =	vlt.s32 v29, s8;
	v37 =	vshll.u32 v36, $0xC;
	v3 =	vadd.s32 v13, v3  }
0x287: {  	vm8 =	vge.s32 v32, s7;
	v4 =	vadd.s32 v15, v4;
	v3 =	vnsel vm0, $0x100000, v3  }
0x288: {  	v34 =	vld [tilespmem:$0x98F0];
	v6 =	vadd.s32 v20, v6;
	v5 =	vadd.s32 v21, v26;
	v4 =	vnsel vm9, $0x100000, v4;
	[tilespmem:$0xA880] =	vst v3  }
0x289: {  	v7 =	vadd.s32 v28, v33;
	v38 =	vadd.s32 v30, v37;
	v6 =	vnsel vm1, $0x100000, v6;
	[tilespmem:$0xA890] =	vst v4  }
0x28a: {  	v5 =	vnsel vm2, $0x100000, v5;
	vm0 =	vmand vm14, vm15;
	v3 =	vadd.s32 v27, v8;
	[tilespmem:$0xA8A0] =	vst v6  }
0x28b: {  	vm1 =	vmand vm4, vm5;
	vm9 =	vlt.s32 v32, s8;
	[tilespmem:$0xA8B0] =	vst v5;
	v3 =	vnsel vm0, $0x100000, v3  }
0x28c: {  	v35 =	vnsel vm1, $0x100000, v7;
	vm0 =	vmand vm6, vm7;
	[tilespmem:$0xA8C0] =	vst v3;
	v3 =	vshll.u32 v39, $0xC  }
0x28d: {  	vm10 =	vmand vm8, vm9;
	[tilespmem:$0xA8D0] =	vst v35;
	v40 =	vnsel vm0, $0x100000, v38;
	v3 =	vadd.s32 v34, v3  }
0x28e: {  	[tilespmem:$0xA8E0] =	vst v40;
	v3 =	vnsel vm10, $0x100000, v3  }
0x28f: {  	s12 =	rddreg [dreg:$0x16];
	[tilespmem:$0xA8F0] =	vst v3  }
0x290: {  	[spmem:s2] =	stream.indirect.scatter [tilespmem:s23], [sflag:$0x1], $0x1, s12, s17, $0xb8;
	[tilespmem:$0x1C188] =	vst v63  }
0x291: {  	v3 =	vld [tilespmem:$0x8900]  }
0x292: {  	v42 =	vld [tilespmem:$0x8910]  }
0x293: {  	v45 =	vld [tilespmem:$0x8920]  }
0x294: {  	v46 =	vld [tilespmem:$0x8930]  }
0x295: {  	v51 =	vld [tilespmem:$0x8940]  }
0x296: {  	v53 =	vld [tilespmem:$0x8950]  }
0x297: {  	v57 =	vld [tilespmem:$0x8960];
	v44 =	vsub.s32 v3, v2  }
0x298: {  	v60 =	vld [tilespmem:$0x8970];
	vm11 =	vge.s32 v3, s7;
	vm12 =	vlt.s32 v3, s8;
	v47 =	vsub.s32 v42, v2  }
0x299: {  	vm13 =	vge.s32 v42, s7;
	vm14 =	vlt.s32 v42, s8;
	vm4 =	vge.s32 v45, s7  }
0x29a: {  	vm5 =	vlt.s32 v45, s8;
	v50 =	vsub.s32 v45, v2;
	v52 =	vsub.s32 v46, v2  }
0x29b: {  	v41 =	vld [tilespmem:$0x9900];
	vm6 =	vge.s32 v46, s7;
	vm7 =	vlt.s32 v46, s8;
	vm8 =	vge.s32 v51, s7  }
0x29c: {  	v43 =	vld [tilespmem:$0x9910];
	vm9 =	vlt.s32 v51, s8;
	v8 =	vsub.s32 v51, v2;
	v59 =	vsub.s32 v53, v2  }
0x29d: {  	v48 =	vld [tilespmem:$0x9920];
	vm10 =	vge.s32 v53, s7;
	v10 =	vsub.s32 v57, v2;
	v13 =	vsub.s32 v60, v2  }
0x29e: {  	v49 =	vld [tilespmem:$0x9930];
	v3 =	vshll.u32 v44, $0xC;
	vm0 =	vmand vm11, vm12;
	v4 =	vshll.u32 v47, $0xC  }
0x29f: {  	v56 =	vld [tilespmem:$0x9950];
	vm15 =	vmand vm13, vm14;
	vm1 =	vmand vm4, vm5;
	v6 =	vshll.u32 v50, $0xC  }
0x2a0: {  	v58 =	vld [tilespmem:$0x9960];
	v54 =	vshll.u32 v52, $0xC;
	vm2 =	vmand vm6, vm7;
	v8 =	vshll.u32 v8, $0xC  }
0x2a1: {  	v55 =	vld [tilespmem:$0x9940];
	vm11 =	vlt.s32 v53, s8;
	v61 =	vshll.u32 v59, $0xC;
	vm12 =	vge.s32 v57, s7  }
0x2a2: {  	vm13 =	vlt.s32 v57, s8;
	v11 =	vshll.u32 v10, $0xC;
	v3 =	vadd.s32 v41, v3  }
0x2a3: {  	vm14 =	vge.s32 v60, s7;
	v4 =	vadd.s32 v43, v4;
	v3 =	vnsel vm0, $0x100000, v3  }
0x2a4: {  	v62 =	vld [tilespmem:$0x9970];
	v6 =	vadd.s32 v48, v6;
	v5 =	vadd.s32 v49, v54;
	v4 =	vnsel vm15, $0x100000, v4;
	[tilespmem:$0xA900] =	vst v3  }
0x2a5: {  	v7 =	vadd.s32 v56, v61;
	v12 =	vadd.s32 v58, v11;
	v6 =	vnsel vm1, $0x100000, v6;
	[tilespmem:$0xA910] =	vst v4  }
0x2a6: {  	v5 =	vnsel vm2, $0x100000, v5;
	vm0 =	vmand vm8, vm9;
	v3 =	vadd.s32 v55, v8;
	[tilespmem:$0xA920] =	vst v6  }
0x2a7: {  	vm1 =	vmand vm10, vm11;
	vm15 =	vlt.s32 v60, s8;
	[tilespmem:$0xA930] =	vst v5;
	v3 =	vnsel vm0, $0x100000, v3  }
0x2a8: {  	v63 =	vnsel vm1, $0x100000, v7;
	vm0 =	vmand vm12, vm13;
	[tilespmem:$0xA940] =	vst v3;
	v3 =	vshll.u32 v13, $0xC  }
0x2a9: {  	vm4 =	vmand vm14, vm15;
	[tilespmem:$0xA950] =	vst v63;
	v15 =	vnsel vm0, $0x100000, v12;
	v3 =	vadd.s32 v62, v3  }
0x2aa: {  	[tilespmem:$0xA960] =	vst v15;
	v3 =	vnsel vm4, $0x100000, v3  }
0x2ab: {  	s6 =	rddreg [dreg:$0x17];
	[tilespmem:$0xA970] =	vst v3  }
0x2ac: {  	[spmem:s2] =	stream.indirect.scatter [tilespmem:s23], [sflag:$0x1], $0x1, s6, s17, $0xb8;
	[tilespmem:$0x1C188] =	vst v63  }
0x2ad: {  	v3 =	vld [tilespmem:$0x8980]  }
0x2ae: {  	v17 =	vld [tilespmem:$0x8990]  }
0x2af: {  	v20 =	vld [tilespmem:$0x89A0]  }
0x2b0: {  	v21 =	vld [tilespmem:$0x89B0]  }
0x2b1: {  	v26 =	vld [tilespmem:$0x89C0]  }
0x2b2: {  	v28 =	vld [tilespmem:$0x89D0]  }
0x2b3: {  	v32 =	vld [tilespmem:$0x89E0];
	v19 =	vsub.s32 v3, v2  }
0x2b4: {  	v35 =	vld [tilespmem:$0x89F0];
	vm5 =	vge.s32 v3, s7;
	vm6 =	vlt.s32 v3, s8;
	v22 =	vsub.s32 v17, v2  }
0x2b5: {  	vm7 =	vge.s32 v17, s7;
	vm8 =	vlt.s32 v17, s8;
	vm10 =	vge.s32 v20, s7  }
0x2b6: {  	vm11 =	vlt.s32 v20, s8;
	v25 =	vsub.s32 v20, v2;
	v27 =	vsub.s32 v21, v2  }
0x2b7: {  	v16 =	vld [tilespmem:$0x9980];
	vm12 =	vge.s32 v21, s7;
	vm13 =	vlt.s32 v21, s8;
	vm14 =	vge.s32 v26, s7  }
0x2b8: {  	v18 =	vld [tilespmem:$0x9990];
	vm15 =	vlt.s32 v26, s8;
	v8 =	vsub.s32 v26, v2;
	v34 =	vsub.s32 v28, v2  }
0x2b9: {  	v23 =	vld [tilespmem:$0x99A0];
	vm4 =	vge.s32 v28, s7;
	v39 =	vsub.s32 v32, v2;
	v42 =	vsub.s32 v35, v2  }
0x2ba: {  	v24 =	vld [tilespmem:$0x99B0];
	v3 =	vshll.u32 v19, $0xC;
	vm0 =	vmand vm5, vm6;
	v4 =	vshll.u32 v22, $0xC  }
0x2bb: {  	v31 =	vld [tilespmem:$0x99D0];
	vm9 =	vmand vm7, vm8;
	vm1 =	vmand vm10, vm11;
	v6 =	vshll.u32 v25, $0xC  }
0x2bc: {  	v33 =	vld [tilespmem:$0x99E0];
	v29 =	vshll.u32 v27, $0xC;
	vm2 =	vmand vm12, vm13;
	v8 =	vshll.u32 v8, $0xC  }
0x2bd: {  	v30 =	vld [tilespmem:$0x99C0];
	vm5 =	vlt.s32 v28, s8;
	v36 =	vshll.u32 v34, $0xC;
	vm6 =	vge.s32 v32, s7  }
0x2be: {  	vm7 =	vlt.s32 v32, s8;
	v40 =	vshll.u32 v39, $0xC;
	v3 =	vadd.s32 v16, v3  }
0x2bf: {  	vm8 =	vge.s32 v35, s7;
	v4 =	vadd.s32 v18, v4;
	v3 =	vnsel vm0, $0x100000, v3  }
0x2c0: {  	v37 =	vld [tilespmem:$0x99F0];
	v6 =	vadd.s32 v23, v6;
	v5 =	vadd.s32 v24, v29;
	v4 =	vnsel vm9, $0x100000, v4;
	[tilespmem:$0xA980] =	vst v3  }
0x2c1: {  	v7 =	vadd.s32 v31, v36;
	v41 =	vadd.s32 v33, v40;
	v6 =	vnsel vm1, $0x100000, v6;
	[tilespmem:$0xA990] =	vst v4  }
0x2c2: {  	v5 =	vnsel vm2, $0x100000, v5;
	vm0 =	vmand vm14, vm15;
	v3 =	vadd.s32 v30, v8;
	[tilespmem:$0xA9A0] =	vst v6  }
0x2c3: {  	vm1 =	vmand vm4, vm5;
	vm9 =	vlt.s32 v35, s8;
	[tilespmem:$0xA9B0] =	vst v5;
	v3 =	vnsel vm0, $0x100000, v3  }
0x2c4: {  	v38 =	vnsel vm1, $0x100000, v7;
	vm0 =	vmand vm6, vm7;
	[tilespmem:$0xA9C0] =	vst v3;
	v3 =	vshll.u32 v42, $0xC  }
0x2c5: {  	vm10 =	vmand vm8, vm9;
	[tilespmem:$0xA9D0] =	vst v38;
	v43 =	vnsel vm0, $0x100000, v41;
	v3 =	vadd.s32 v37, v3  }
0x2c6: {  	[tilespmem:$0xA9E0] =	vst v43;
	v3 =	vnsel vm10, $0x100000, v3  }
0x2c7: {  	[tilespmem:$0xA9F0] =	vst v3  }
0x2c8: {  	[spmem:s2] =	stream.indirect.scatter [tilespmem:s23], [sflag:$0x1], $0x1, s24, s17, $0xb8;
	[tilespmem:$0x1C188] =	vst v63  }
0x2c9: {  	v3 =	vld [tilespmem:$0x8A00]  }
0x2ca: {  	v45 =	vld [tilespmem:$0x8A10]  }
0x2cb: {  	v48 =	vld [tilespmem:$0x8A20]  }
0x2cc: {  	v49 =	vld [tilespmem:$0x8A30]  }
0x2cd: {  	v54 =	vld [tilespmem:$0x8A40]  }
0x2ce: {  	v56 =	vld [tilespmem:$0x8A50]  }
0x2cf: {  	v60 =	vld [tilespmem:$0x8A60];
	v47 =	vsub.s32 v3, v2  }
0x2d0: {  	v63 =	vld [tilespmem:$0x8A70];
	vm11 =	vge.s32 v3, s7;
	vm12 =	vlt.s32 v3, s8;
	v50 =	vsub.s32 v45, v2  }
0x2d1: {  	vm13 =	vge.s32 v45, s7;
	vm14 =	vlt.s32 v45, s8;
	vm4 =	vge.s32 v48, s7  }
0x2d2: {  	vm5 =	vlt.s32 v48, s8;
	v53 =	vsub.s32 v48, v2;
	v55 =	vsub.s32 v49, v2  }
0x2d3: {  	v44 =	vld [tilespmem:$0x9A00];
	vm6 =	vge.s32 v49, s7;
	vm7 =	vlt.s32 v49, s8;
	vm8 =	vge.s32 v54, s7  }
0x2d4: {  	v46 =	vld [tilespmem:$0x9A10];
	vm9 =	vlt.s32 v54, s8;
	v8 =	vsub.s32 v54, v2;
	v62 =	vsub.s32 v56, v2  }
0x2d5: {  	v51 =	vld [tilespmem:$0x9A20];
	vm10 =	vge.s32 v56, s7;
	v18 =	vsub.s32 v60, v2;
	v21 =	vsub.s32 v63, v2  }
0x2d6: {  	v52 =	vld [tilespmem:$0x9A30];
	v3 =	vshll.u32 v47, $0xC;
	vm0 =	vmand vm11, vm12;
	v4 =	vshll.u32 v50, $0xC  }
0x2d7: {  	v59 =	vld [tilespmem:$0x9A50];
	vm15 =	vmand vm13, vm14;
	vm1 =	vmand vm4, vm5;
	v6 =	vshll.u32 v53, $0xC  }
0x2d8: {  	v61 =	vld [tilespmem:$0x9A60];
	v57 =	vshll.u32 v55, $0xC;
	vm2 =	vmand vm6, vm7;
	v8 =	vshll.u32 v8, $0xC  }
0x2d9: {  	v58 =	vld [tilespmem:$0x9A40];
	vm11 =	vlt.s32 v56, s8;
	v15 =	vshll.u32 v62, $0xC;
	vm12 =	vge.s32 v60, s7  }
0x2da: {  	vm13 =	vlt.s32 v60, s8;
	v19 =	vshll.u32 v18, $0xC;
	v3 =	vadd.s32 v44, v3  }
0x2db: {  	vm14 =	vge.s32 v63, s7;
	v4 =	vadd.s32 v46, v4;
	v3 =	vnsel vm0, $0x100000, v3  }
0x2dc: {  	v16 =	vld [tilespmem:$0x9A70];
	v6 =	vadd.s32 v51, v6;
	v5 =	vadd.s32 v52, v57;
	v4 =	vnsel vm15, $0x100000, v4;
	[tilespmem:$0xAA00] =	vst v3  }
0x2dd: {  	v7 =	vadd.s32 v59, v15;
	v20 =	vadd.s32 v61, v19;
	v6 =	vnsel vm1, $0x100000, v6;
	[tilespmem:$0xAA10] =	vst v4  }
0x2de: {  	v5 =	vnsel vm2, $0x100000, v5;
	vm0 =	vmand vm8, vm9;
	v3 =	vadd.s32 v58, v8;
	[tilespmem:$0xAA20] =	vst v6  }
0x2df: {  	vm1 =	vmand vm10, vm11;
	vm15 =	vlt.s32 v63, s8;
	[tilespmem:$0xAA30] =	vst v5;
	v3 =	vnsel vm0, $0x100000, v3  }
0x2e0: {  	v17 =	vnsel vm1, $0x100000, v7;
	vm0 =	vmand vm12, vm13;
	[tilespmem:$0xAA40] =	vst v3;
	v3 =	vshll.u32 v21, $0xC  }
0x2e1: {  	vm4 =	vmand vm14, vm15;
	[tilespmem:$0xAA50] =	vst v17;
	v22 =	vnsel vm0, $0x100000, v20;
	v3 =	vadd.s32 v16, v3  }
0x2e2: {  	[tilespmem:$0xAA60] =	vst v22;
	v3 =	vnsel vm4, $0x100000, v3  }
0x2e3: {  	[tilespmem:$0xAA70] =	vst v3  }
0x2e4: {  	[spmem:s2] =	stream.indirect.scatter [tilespmem:s23], [sflag:$0x1], $0x1, s25, s17, $0xb8;
	[tilespmem:$0x1C188] =	vst v63  }
0x2e5: {  	v3 =	vld [tilespmem:$0x8A80]  }
0x2e6: {  	v24 =	vld [tilespmem:$0x8A90]  }
0x2e7: {  	v27 =	vld [tilespmem:$0x8AA0]  }
0x2e8: {  	v28 =	vld [tilespmem:$0x8AB0]  }
0x2e9: {  	v33 =	vld [tilespmem:$0x8AC0]  }
0x2ea: {  	v35 =	vld [tilespmem:$0x8AD0]  }
0x2eb: {  	v39 =	vld [tilespmem:$0x8AE0];
	v26 =	vsub.s32 v3, v2  }
0x2ec: {  	v42 =	vld [tilespmem:$0x8AF0];
	vm5 =	vge.s32 v3, s7;
	vm6 =	vlt.s32 v3, s8;
	v29 =	vsub.s32 v24, v2  }
0x2ed: {  	vm7 =	vge.s32 v24, s7;
	vm8 =	vlt.s32 v24, s8;
	vm10 =	vge.s32 v27, s7  }
0x2ee: {  	vm11 =	vlt.s32 v27, s8;
	v32 =	vsub.s32 v27, v2;
	v34 =	vsub.s32 v28, v2  }
0x2ef: {  	v23 =	vld [tilespmem:$0x9A80];
	vm12 =	vge.s32 v28, s7;
	vm13 =	vlt.s32 v28, s8;
	vm14 =	vge.s32 v33, s7  }
0x2f0: {  	v25 =	vld [tilespmem:$0x9A90];
	vm15 =	vlt.s32 v33, s8;
	v8 =	vsub.s32 v33, v2;
	v41 =	vsub.s32 v35, v2  }
0x2f1: {  	v30 =	vld [tilespmem:$0x9AA0];
	vm4 =	vge.s32 v35, s7;
	v46 =	vsub.s32 v39, v2;
	v49 =	vsub.s32 v42, v2  }
0x2f2: {  	v31 =	vld [tilespmem:$0x9AB0];
	v3 =	vshll.u32 v26, $0xC;
	vm0 =	vmand vm5, vm6;
	v4 =	vshll.u32 v29, $0xC  }
0x2f3: {  	v38 =	vld [tilespmem:$0x9AD0];
	vm9 =	vmand vm7, vm8;
	vm1 =	vmand vm10, vm11;
	v6 =	vshll.u32 v32, $0xC  }
0x2f4: {  	v40 =	vld [tilespmem:$0x9AE0];
	v36 =	vshll.u32 v34, $0xC;
	vm2 =	vmand vm12, vm13;
	v8 =	vshll.u32 v8, $0xC  }
0x2f5: {  	v37 =	vld [tilespmem:$0x9AC0];
	vm5 =	vlt.s32 v35, s8;
	v43 =	vshll.u32 v41, $0xC;
	vm6 =	vge.s32 v39, s7  }
0x2f6: {  	vm7 =	vlt.s32 v39, s8;
	v47 =	vshll.u32 v46, $0xC;
	v3 =	vadd.s32 v23, v3  }
0x2f7: {  	vm8 =	vge.s32 v42, s7;
	v4 =	vadd.s32 v25, v4;
	v3 =	vnsel vm0, $0x100000, v3  }
0x2f8: {  	v44 =	vld [tilespmem:$0x9AF0];
	v6 =	vadd.s32 v30, v6;
	v5 =	vadd.s32 v31, v36;
	v4 =	vnsel vm9, $0x100000, v4;
	[tilespmem:$0xAA80] =	vst v3  }
0x2f9: {  	v7 =	vadd.s32 v38, v43;
	v48 =	vadd.s32 v40, v47;
	v6 =	vnsel vm1, $0x100000, v6;
	[tilespmem:$0xAA90] =	vst v4  }
0x2fa: {  	v5 =	vnsel vm2, $0x100000, v5;
	vm0 =	vmand vm14, vm15;
	v3 =	vadd.s32 v37, v8;
	[tilespmem:$0xAAA0] =	vst v6  }
0x2fb: {  	vm1 =	vmand vm4, vm5;
	vm9 =	vlt.s32 v42, s8;
	[tilespmem:$0xAAB0] =	vst v5;
	v3 =	vnsel vm0, $0x100000, v3  }
0x2fc: {  	v45 =	vnsel vm1, $0x100000, v7;
	vm0 =	vmand vm6, vm7;
	[tilespmem:$0xAAC0] =	vst v3;
	v3 =	vshll.u32 v49, $0xC  }
0x2fd: {  	vm10 =	vmand vm8, vm9;
	[tilespmem:$0xAAD0] =	vst v45;
	v50 =	vnsel vm0, $0x100000, v48;
	v3 =	vadd.s32 v44, v3  }
0x2fe: {  	[tilespmem:$0xAAE0] =	vst v50;
	v3 =	vnsel vm10, $0x100000, v3  }
0x2ff: {  	[tilespmem:$0xAAF0] =	vst v3  }
0x300: {  	[spmem:s2] =	stream.indirect.scatter [tilespmem:s23], [sflag:$0x1], $0x1, s26, s17, $0xb8;
	[tilespmem:$0x1C188] =	vst v63  }
0x301: {  	v3 =	vld [tilespmem:$0x8B00]  }
0x302: {  	v52 =	vld [tilespmem:$0x8B10]  }
0x303: {  	v55 =	vld [tilespmem:$0x8B20]  }
0x304: {  	v56 =	vld [tilespmem:$0x8B30]  }
0x305: {  	v61 =	vld [tilespmem:$0x8B40]  }
0x306: {  	v63 =	vld [tilespmem:$0x8B50]  }
0x307: {  	v19 =	vld [tilespmem:$0x8B60];
	v54 =	vsub.s32 v3, v2  }
0x308: {  	v22 =	vld [tilespmem:$0x8B70];
	vm11 =	vge.s32 v3, s7;
	vm12 =	vlt.s32 v3, s8;
	v57 =	vsub.s32 v52, v2  }
0x309: {  	vm13 =	vge.s32 v52, s7;
	vm14 =	vlt.s32 v52, s8;
	vm4 =	vge.s32 v55, s7  }
0x30a: {  	vm5 =	vlt.s32 v55, s8;
	v60 =	vsub.s32 v55, v2;
	v62 =	vsub.s32 v56, v2  }
0x30b: {  	v51 =	vld [tilespmem:$0x9B00];
	vm6 =	vge.s32 v56, s7;
	vm7 =	vlt.s32 v56, s8;
	vm8 =	vge.s32 v61, s7  }
0x30c: {  	v53 =	vld [tilespmem:$0x9B10];
	vm9 =	vlt.s32 v61, s8;
	v8 =	vsub.s32 v61, v2;
	v21 =	vsub.s32 v63, v2  }
0x30d: {  	v58 =	vld [tilespmem:$0x9B20];
	vm10 =	vge.s32 v63, s7;
	v26 =	vsub.s32 v19, v2;
	v29 =	vsub.s32 v22, v2  }
0x30e: {  	v59 =	vld [tilespmem:$0x9B30];
	v3 =	vshll.u32 v54, $0xC;
	vm0 =	vmand vm11, vm12;
	v4 =	vshll.u32 v57, $0xC  }
0x30f: {  	v18 =	vld [tilespmem:$0x9B50];
	vm15 =	vmand vm13, vm14;
	vm1 =	vmand vm4, vm5;
	v6 =	vshll.u32 v60, $0xC  }
0x310: {  	v20 =	vld [tilespmem:$0x9B60];
	v16 =	vshll.u32 v62, $0xC;
	vm2 =	vmand vm6, vm7;
	v8 =	vshll.u32 v8, $0xC  }
0x311: {  	v17 =	vld [tilespmem:$0x9B40];
	vm11 =	vlt.s32 v63, s8;
	v23 =	vshll.u32 v21, $0xC;
	vm12 =	vge.s32 v19, s7  }
0x312: {  	vm13 =	vlt.s32 v19, s8;
	v27 =	vshll.u32 v26, $0xC;
	v3 =	vadd.s32 v51, v3  }
0x313: {  	vm14 =	vge.s32 v22, s7;
	v4 =	vadd.s32 v53, v4;
	v3 =	vnsel vm0, $0x100000, v3  }
0x314: {  	v24 =	vld [tilespmem:$0x9B70];
	v6 =	vadd.s32 v58, v6;
	v5 =	vadd.s32 v59, v16;
	v4 =	vnsel vm15, $0x100000, v4;
	[tilespmem:$0xAB00] =	vst v3  }
0x315: {  	v7 =	vadd.s32 v18, v23;
	v28 =	vadd.s32 v20, v27;
	v6 =	vnsel vm1, $0x100000, v6;
	[tilespmem:$0xAB10] =	vst v4  }
0x316: {  	v5 =	vnsel vm2, $0x100000, v5;
	vm0 =	vmand vm8, vm9;
	v3 =	vadd.s32 v17, v8;
	[tilespmem:$0xAB20] =	vst v6  }
0x317: {  	vm1 =	vmand vm10, vm11;
	vm15 =	vlt.s32 v22, s8;
	[tilespmem:$0xAB30] =	vst v5;
	v3 =	vnsel vm0, $0x100000, v3  }
0x318: {  	v25 =	vnsel vm1, $0x100000, v7;
	vm0 =	vmand vm12, vm13;
	[tilespmem:$0xAB40] =	vst v3;
	v3 =	vshll.u32 v29, $0xC  }
0x319: {  	vm4 =	vmand vm14, vm15;
	[tilespmem:$0xAB50] =	vst v25;
	v30 =	vnsel vm0, $0x100000, v28;
	v3 =	vadd.s32 v24, v3  }
0x31a: {  	[tilespmem:$0xAB60] =	vst v30;
	v3 =	vnsel vm4, $0x100000, v3  }
0x31b: {  	[tilespmem:$0xAB70] =	vst v3  }
0x31c: {  	[spmem:s2] =	stream.indirect.scatter [tilespmem:s23], [sflag:$0x1], $0x1, s28, s17, $0xb8;
	[tilespmem:$0x1C188] =	vst v63  }
0x31d: {  	v3 =	vld [tilespmem:$0x8B80]  }
0x31e: {  	v32 =	vld [tilespmem:$0x8B90]  }
0x31f: {  	v35 =	vld [tilespmem:$0x8BA0]  }
0x320: {  	v36 =	vld [tilespmem:$0x8BB0]  }
0x321: {  	v41 =	vld [tilespmem:$0x8BC0]  }
0x322: {  	v43 =	vld [tilespmem:$0x8BD0]  }
0x323: {  	v47 =	vld [tilespmem:$0x8BE0];
	v34 =	vsub.s32 v3, v2  }
0x324: {  	v50 =	vld [tilespmem:$0x8BF0];
	vm5 =	vge.s32 v3, s7;
	vm6 =	vlt.s32 v3, s8;
	v37 =	vsub.s32 v32, v2  }
0x325: {  	vm7 =	vge.s32 v32, s7;
	vm8 =	vlt.s32 v32, s8;
	vm10 =	vge.s32 v35, s7  }
0x326: {  	vm11 =	vlt.s32 v35, s8;
	v40 =	vsub.s32 v35, v2;
	v42 =	vsub.s32 v36, v2  }
0x327: {  	v31 =	vld [tilespmem:$0x9B80];
	vm12 =	vge.s32 v36, s7;
	vm13 =	vlt.s32 v36, s8;
	vm14 =	vge.s32 v41, s7  }
0x328: {  	v33 =	vld [tilespmem:$0x9B90];
	vm15 =	vlt.s32 v41, s8;
	v8 =	vsub.s32 v41, v2;
	v49 =	vsub.s32 v43, v2  }
0x329: {  	v38 =	vld [tilespmem:$0x9BA0];
	vm4 =	vge.s32 v43, s7;
	v54 =	vsub.s32 v47, v2;
	v57 =	vsub.s32 v50, v2  }
0x32a: {  	v39 =	vld [tilespmem:$0x9BB0];
	v3 =	vshll.u32 v34, $0xC;
	vm0 =	vmand vm5, vm6;
	v4 =	vshll.u32 v37, $0xC  }
0x32b: {  	v46 =	vld [tilespmem:$0x9BD0];
	vm9 =	vmand vm7, vm8;
	vm1 =	vmand vm10, vm11;
	v6 =	vshll.u32 v40, $0xC  }
0x32c: {  	v48 =	vld [tilespmem:$0x9BE0];
	v44 =	vshll.u32 v42, $0xC;
	vm2 =	vmand vm12, vm13;
	v8 =	vshll.u32 v8, $0xC  }
0x32d: {  	v45 =	vld [tilespmem:$0x9BC0];
	vm5 =	vlt.s32 v43, s8;
	v51 =	vshll.u32 v49, $0xC;
	vm6 =	vge.s32 v47, s7  }
0x32e: {  	vm7 =	vlt.s32 v47, s8;
	v55 =	vshll.u32 v54, $0xC;
	v3 =	vadd.s32 v31, v3  }
0x32f: {  	vm8 =	vge.s32 v50, s7;
	v4 =	vadd.s32 v33, v4;
	v3 =	vnsel vm0, $0x100000, v3  }
0x330: {  	v52 =	vld [tilespmem:$0x9BF0];
	v6 =	vadd.s32 v38, v6;
	v5 =	vadd.s32 v39, v44;
	v4 =	vnsel vm9, $0x100000, v4;
	[tilespmem:$0xAB80] =	vst v3  }
0x331: {  	v7 =	vadd.s32 v46, v51;
	v56 =	vadd.s32 v48, v55;
	v6 =	vnsel vm1, $0x100000, v6;
	[tilespmem:$0xAB90] =	vst v4  }
0x332: {  	v5 =	vnsel vm2, $0x100000, v5;
	vm0 =	vmand vm14, vm15;
	v3 =	vadd.s32 v45, v8;
	[tilespmem:$0xABA0] =	vst v6  }
0x333: {  	vm1 =	vmand vm4, vm5;
	vm9 =	vlt.s32 v50, s8;
	[tilespmem:$0xABB0] =	vst v5;
	v3 =	vnsel vm0, $0x100000, v3  }
0x334: {  	v53 =	vnsel vm1, $0x100000, v7;
	vm0 =	vmand vm6, vm7;
	[tilespmem:$0xABC0] =	vst v3;
	v3 =	vshll.u32 v57, $0xC  }
0x335: {  	vm10 =	vmand vm8, vm9;
	[tilespmem:$0xABD0] =	vst v53;
	v58 =	vnsel vm0, $0x100000, v56;
	v3 =	vadd.s32 v52, v3  }
0x336: {  	[tilespmem:$0xABE0] =	vst v58;
	v3 =	vnsel vm10, $0x100000, v3  }
0x337: {  	[tilespmem:$0xABF0] =	vst v3  }
0x338: {  	[spmem:s2] =	stream.indirect.scatter [tilespmem:s23], [sflag:$0x1], $0x1, s29, s17, $0xb8;
	[tilespmem:$0x1C188] =	vst v63  }
0x339: {  	v3 =	vld [tilespmem:$0x8C00]  }
0x33a: {  	v60 =	vld [tilespmem:$0x8C10]  }
0x33b: {  	v63 =	vld [tilespmem:$0x8C20]  }
0x33c: {  	v12 =	vld [tilespmem:$0x8C30]  }
0x33d: {  	v17 =	vld [tilespmem:$0x8C40]  }
0x33e: {  	v19 =	vld [tilespmem:$0x8C50]  }
0x33f: {  	v23 =	vld [tilespmem:$0x8C60];
	v62 =	vsub.s32 v3, v2  }
0x340: {  	v26 =	vld [tilespmem:$0x8C70];
	vm11 =	vge.s32 v3, s7;
	vm12 =	vlt.s32 v3, s8;
	v13 =	vsub.s32 v60, v2  }
0x341: {  	vm13 =	vge.s32 v60, s7;
	vm14 =	vlt.s32 v60, s8;
	vm4 =	vge.s32 v63, s7  }
0x342: {  	vm5 =	vlt.s32 v63, s8;
	v16 =	vsub.s32 v63, v2;
	v18 =	vsub.s32 v12, v2  }
0x343: {  	v59 =	vld [tilespmem:$0x9C00];
	vm6 =	vge.s32 v12, s7;
	vm7 =	vlt.s32 v12, s8;
	vm8 =	vge.s32 v17, s7  }
0x344: {  	v61 =	vld [tilespmem:$0x9C10];
	vm9 =	vlt.s32 v17, s8;
	v8 =	vsub.s32 v17, v2;
	v25 =	vsub.s32 v19, v2  }
0x345: {  	v14 =	vld [tilespmem:$0x9C20];
	vm10 =	vge.s32 v19, s7;
	v30 =	vsub.s32 v23, v2;
	v33 =	vsub.s32 v26, v2  }
0x346: {  	v15 =	vld [tilespmem:$0x9C30];
	v3 =	vshll.u32 v62, $0xC;
	vm0 =	vmand vm11, vm12;
	v4 =	vshll.u32 v13, $0xC  }
0x347: {  	v22 =	vld [tilespmem:$0x9C50];
	vm15 =	vmand vm13, vm14;
	vm1 =	vmand vm4, vm5;
	v6 =	vshll.u32 v16, $0xC  }
0x348: {  	v24 =	vld [tilespmem:$0x9C60];
	v20 =	vshll.u32 v18, $0xC;
	vm2 =	vmand vm6, vm7;
	v8 =	vshll.u32 v8, $0xC  }
0x349: {  	v21 =	vld [tilespmem:$0x9C40];
	vm11 =	vlt.s32 v19, s8;
	v27 =	vshll.u32 v25, $0xC;
	vm12 =	vge.s32 v23, s7  }
0x34a: {  	vm13 =	vlt.s32 v23, s8;
	v31 =	vshll.u32 v30, $0xC;
	v3 =	vadd.s32 v59, v3  }
0x34b: {  	vm14 =	vge.s32 v26, s7;
	v4 =	vadd.s32 v61, v4;
	v3 =	vnsel vm0, $0x100000, v3  }
0x34c: {  	v28 =	vld [tilespmem:$0x9C70];
	v6 =	vadd.s32 v14, v6;
	v5 =	vadd.s32 v15, v20;
	v4 =	vnsel vm15, $0x100000, v4;
	[tilespmem:$0xAC00] =	vst v3  }
0x34d: {  	v7 =	vadd.s32 v22, v27;
	v32 =	vadd.s32 v24, v31;
	v6 =	vnsel vm1, $0x100000, v6;
	[tilespmem:$0xAC10] =	vst v4  }
0x34e: {  	v5 =	vnsel vm2, $0x100000, v5;
	vm0 =	vmand vm8, vm9;
	v3 =	vadd.s32 v21, v8;
	[tilespmem:$0xAC20] =	vst v6  }
0x34f: {  	vm1 =	vmand vm10, vm11;
	vm15 =	vlt.s32 v26, s8;
	[tilespmem:$0xAC30] =	vst v5;
	v3 =	vnsel vm0, $0x100000, v3  }
0x350: {  	v29 =	vnsel vm1, $0x100000, v7;
	vm0 =	vmand vm12, vm13;
	[tilespmem:$0xAC40] =	vst v3;
	v3 =	vshll.u32 v33, $0xC  }
0x351: {  	vm4 =	vmand vm14, vm15;
	[tilespmem:$0xAC50] =	vst v29;
	v34 =	vnsel vm0, $0x100000, v32;
	v3 =	vadd.s32 v28, v3  }
0x352: {  	[tilespmem:$0xAC60] =	vst v34;
	v3 =	vnsel vm4, $0x100000, v3  }
0x353: {  	[tilespmem:$0xAC70] =	vst v3  }
0x354: {  	[spmem:s2] =	stream.indirect.scatter [tilespmem:s23], [sflag:$0x1], $0x1, s30, s17, $0xb8;
	[tilespmem:$0x1C188] =	vst v63  }
0x355: {  	v3 =	vld [tilespmem:$0x8C80]  }
0x356: {  	v36 =	vld [tilespmem:$0x8C90]  }
0x357: {  	v39 =	vld [tilespmem:$0x8CA0]  }
0x358: {  	v40 =	vld [tilespmem:$0x8CB0]  }
0x359: {  	v45 =	vld [tilespmem:$0x8CC0]  }
0x35a: {  	v47 =	vld [tilespmem:$0x8CD0]  }
0x35b: {  	v51 =	vld [tilespmem:$0x8CE0];
	v38 =	vsub.s32 v3, v2  }
0x35c: {  	v54 =	vld [tilespmem:$0x8CF0];
	vm5 =	vge.s32 v3, s7;
	vm6 =	vlt.s32 v3, s8;
	v41 =	vsub.s32 v36, v2  }
0x35d: {  	vm7 =	vge.s32 v36, s7;
	vm8 =	vlt.s32 v36, s8;
	vm10 =	vge.s32 v39, s7  }
0x35e: {  	vm11 =	vlt.s32 v39, s8;
	v44 =	vsub.s32 v39, v2;
	v46 =	vsub.s32 v40, v2  }
0x35f: {  	v35 =	vld [tilespmem:$0x9C80];
	vm12 =	vge.s32 v40, s7;
	vm13 =	vlt.s32 v40, s8;
	vm14 =	vge.s32 v45, s7  }
0x360: {  	v37 =	vld [tilespmem:$0x9C90];
	vm15 =	vlt.s32 v45, s8;
	v8 =	vsub.s32 v45, v2;
	v53 =	vsub.s32 v47, v2  }
0x361: {  	v42 =	vld [tilespmem:$0x9CA0];
	vm4 =	vge.s32 v47, s7;
	v58 =	vsub.s32 v51, v2;
	v61 =	vsub.s32 v54, v2  }
0x362: {  	v43 =	vld [tilespmem:$0x9CB0];
	v3 =	vshll.u32 v38, $0xC;
	vm0 =	vmand vm5, vm6;
	v4 =	vshll.u32 v41, $0xC  }
0x363: {  	v50 =	vld [tilespmem:$0x9CD0];
	vm9 =	vmand vm7, vm8;
	vm1 =	vmand vm10, vm11;
	v6 =	vshll.u32 v44, $0xC  }
0x364: {  	v52 =	vld [tilespmem:$0x9CE0];
	v48 =	vshll.u32 v46, $0xC;
	vm2 =	vmand vm12, vm13;
	v8 =	vshll.u32 v8, $0xC  }
0x365: {  	v49 =	vld [tilespmem:$0x9CC0];
	vm5 =	vlt.s32 v47, s8;
	v55 =	vshll.u32 v53, $0xC;
	vm6 =	vge.s32 v51, s7  }
0x366: {  	vm7 =	vlt.s32 v51, s8;
	v59 =	vshll.u32 v58, $0xC;
	v3 =	vadd.s32 v35, v3  }
0x367: {  	vm8 =	vge.s32 v54, s7;
	v4 =	vadd.s32 v37, v4;
	v3 =	vnsel vm0, $0x100000, v3  }
0x368: {  	v56 =	vld [tilespmem:$0x9CF0];
	v6 =	vadd.s32 v42, v6;
	v5 =	vadd.s32 v43, v48;
	v4 =	vnsel vm9, $0x100000, v4;
	[tilespmem:$0xAC80] =	vst v3  }
0x369: {  	v7 =	vadd.s32 v50, v55;
	v60 =	vadd.s32 v52, v59;
	v6 =	vnsel vm1, $0x100000, v6;
	[tilespmem:$0xAC90] =	vst v4  }
0x36a: {  	v5 =	vnsel vm2, $0x100000, v5;
	vm0 =	vmand vm14, vm15;
	v3 =	vadd.s32 v49, v8;
	[tilespmem:$0xACA0] =	vst v6  }
0x36b: {  	vm1 =	vmand vm4, vm5;
	vm9 =	vlt.s32 v54, s8;
	[tilespmem:$0xACB0] =	vst v5;
	v3 =	vnsel vm0, $0x100000, v3  }
0x36c: {  	v57 =	vnsel vm1, $0x100000, v7;
	vm0 =	vmand vm6, vm7;
	[tilespmem:$0xACC0] =	vst v3;
	v3 =	vshll.u32 v61, $0xC  }
0x36d: {  	vm10 =	vmand vm8, vm9;
	[tilespmem:$0xACD0] =	vst v57;
	v62 =	vnsel vm0, $0x100000, v60;
	v3 =	vadd.s32 v56, v3  }
0x36e: {  	[tilespmem:$0xACE0] =	vst v62;
	v3 =	vnsel vm10, $0x100000, v3  }
0x36f: {  	[tilespmem:$0xACF0] =	vst v3  }
0x370: {  	[spmem:s2] =	stream.indirect.scatter [tilespmem:s23], [sflag:$0x1], $0x1, s31, s17, $0xb8;
	[tilespmem:$0x1C188] =	vst v63  }
0x371: {  	v3 =	vld [tilespmem:$0x8D00]  }
0x372: {  	v12 =	vld [tilespmem:$0x8D10]  }
0x373: {  	v15 =	vld [tilespmem:$0x8D20]  }
0x374: {  	v16 =	vld [tilespmem:$0x8D30]  }
0x375: {  	v21 =	vld [tilespmem:$0x8D40]  }
0x376: {  	v23 =	vld [tilespmem:$0x8D50]  }
0x377: {  	v27 =	vld [tilespmem:$0x8D60];
	v14 =	vsub.s32 v3, v2  }
0x378: {  	v30 =	vld [tilespmem:$0x8D70];
	vm11 =	vge.s32 v3, s7;
	vm12 =	vlt.s32 v3, s8;
	v17 =	vsub.s32 v12, v2  }
0x379: {  	vm13 =	vge.s32 v12, s7;
	vm14 =	vlt.s32 v12, s8;
	vm4 =	vge.s32 v15, s7  }
0x37a: {  	vm5 =	vlt.s32 v15, s8;
	v20 =	vsub.s32 v15, v2;
	v22 =	vsub.s32 v16, v2  }
0x37b: {  	v63 =	vld [tilespmem:$0x9D00];
	vm6 =	vge.s32 v16, s7;
	vm7 =	vlt.s32 v16, s8;
	vm8 =	vge.s32 v21, s7  }
0x37c: {  	v13 =	vld [tilespmem:$0x9D10];
	vm9 =	vlt.s32 v21, s8;
	v8 =	vsub.s32 v21, v2;
	v29 =	vsub.s32 v23, v2  }
0x37d: {  	v18 =	vld [tilespmem:$0x9D20];
	vm10 =	vge.s32 v23, s7;
	v34 =	vsub.s32 v27, v2;
	v37 =	vsub.s32 v30, v2  }
0x37e: {  	v19 =	vld [tilespmem:$0x9D30];
	v3 =	vshll.u32 v14, $0xC;
	vm0 =	vmand vm11, vm12;
	v4 =	vshll.u32 v17, $0xC  }
0x37f: {  	v26 =	vld [tilespmem:$0x9D50];
	vm15 =	vmand vm13, vm14;
	vm1 =	vmand vm4, vm5;
	v6 =	vshll.u32 v20, $0xC  }
0x380: {  	v28 =	vld [tilespmem:$0x9D60];
	v24 =	vshll.u32 v22, $0xC;
	vm2 =	vmand vm6, vm7;
	v8 =	vshll.u32 v8, $0xC  }
0x381: {  	v25 =	vld [tilespmem:$0x9D40];
	vm11 =	vlt.s32 v23, s8;
	v31 =	vshll.u32 v29, $0xC;
	vm12 =	vge.s32 v27, s7  }
0x382: {  	vm13 =	vlt.s32 v27, s8;
	v35 =	vshll.u32 v34, $0xC;
	v3 =	vadd.s32 v63, v3  }
0x383: {  	vm14 =	vge.s32 v30, s7;
	v4 =	vadd.s32 v13, v4;
	v3 =	vnsel vm0, $0x100000, v3  }
0x384: {  	v32 =	vld [tilespmem:$0x9D70];
	v6 =	vadd.s32 v18, v6;
	v5 =	vadd.s32 v19, v24;
	v4 =	vnsel vm15, $0x100000, v4;
	[tilespmem:$0xAD00] =	vst v3  }
0x385: {  	v7 =	vadd.s32 v26, v31;
	v36 =	vadd.s32 v28, v35;
	v6 =	vnsel vm1, $0x100000, v6;
	[tilespmem:$0xAD10] =	vst v4  }
0x386: {  	v5 =	vnsel vm2, $0x100000, v5;
	vm0 =	vmand vm8, vm9;
	v3 =	vadd.s32 v25, v8;
	[tilespmem:$0xAD20] =	vst v6  }
0x387: {  	vm1 =	vmand vm10, vm11;
	vm15 =	vlt.s32 v30, s8;
	[tilespmem:$0xAD30] =	vst v5;
	v3 =	vnsel vm0, $0x100000, v3  }
0x388: {  	v33 =	vnsel vm1, $0x100000, v7;
	vm0 =	vmand vm12, vm13;
	[tilespmem:$0xAD40] =	vst v3;
	v3 =	vshll.u32 v37, $0xC  }
0x389: {  	vm4 =	vmand vm14, vm15;
	[tilespmem:$0xAD50] =	vst v33;
	v38 =	vnsel vm0, $0x100000, v36;
	v3 =	vadd.s32 v32, v3  }
0x38a: {  	[tilespmem:$0xAD60] =	vst v38;
	v3 =	vnsel vm4, $0x100000, v3  }
0x38b: {  	[tilespmem:$0xAD70] =	vst v3  }
0x38c: {  	[spmem:s2] =	stream.indirect.scatter [tilespmem:s23], [sflag:$0x1], $0x1, s0, s17, $0xb8;
	[tilespmem:$0x1C188] =	vst v63  }
0x38d: {  	v3 =	vld [tilespmem:$0x8D80]  }
0x38e: {  	v40 =	vld [tilespmem:$0x8D90]  }
0x38f: {  	v43 =	vld [tilespmem:$0x8DA0]  }
0x390: {  	v44 =	vld [tilespmem:$0x8DB0]  }
0x391: {  	v49 =	vld [tilespmem:$0x8DC0]  }
0x392: {  	v51 =	vld [tilespmem:$0x8DD0]  }
0x393: {  	v55 =	vld [tilespmem:$0x8DE0];
	v42 =	vsub.s32 v3, v2  }
0x394: {  	v58 =	vld [tilespmem:$0x8DF0];
	vm5 =	vge.s32 v3, s7;
	vm6 =	vlt.s32 v3, s8;
	v45 =	vsub.s32 v40, v2  }
0x395: {  	vm7 =	vge.s32 v40, s7;
	vm8 =	vlt.s32 v40, s8;
	vm10 =	vge.s32 v43, s7  }
0x396: {  	vm11 =	vlt.s32 v43, s8;
	v48 =	vsub.s32 v43, v2;
	v50 =	vsub.s32 v44, v2  }
0x397: {  	v39 =	vld [tilespmem:$0x9D80];
	vm12 =	vge.s32 v44, s7;
	vm13 =	vlt.s32 v44, s8;
	vm14 =	vge.s32 v49, s7  }
0x398: {  	v41 =	vld [tilespmem:$0x9D90];
	vm15 =	vlt.s32 v49, s8;
	v8 =	vsub.s32 v49, v2;
	v57 =	vsub.s32 v51, v2  }
0x399: {  	v46 =	vld [tilespmem:$0x9DA0];
	vm4 =	vge.s32 v51, s7;
	v62 =	vsub.s32 v55, v2;
	v10 =	vsub.s32 v58, v2  }
0x39a: {  	v47 =	vld [tilespmem:$0x9DB0];
	v3 =	vshll.u32 v42, $0xC;
	vm0 =	vmand vm5, vm6;
	v4 =	vshll.u32 v45, $0xC  }
0x39b: {  	v54 =	vld [tilespmem:$0x9DD0];
	vm9 =	vmand vm7, vm8;
	vm1 =	vmand vm10, vm11;
	v6 =	vshll.u32 v48, $0xC  }
0x39c: {  	v56 =	vld [tilespmem:$0x9DE0];
	v52 =	vshll.u32 v50, $0xC;
	vm2 =	vmand vm12, vm13;
	v8 =	vshll.u32 v8, $0xC  }
0x39d: {  	v53 =	vld [tilespmem:$0x9DC0];
	vm5 =	vlt.s32 v51, s8;
	v59 =	vshll.u32 v57, $0xC;
	vm6 =	vge.s32 v55, s7  }
0x39e: {  	vm7 =	vlt.s32 v55, s8;
	v63 =	vshll.u32 v62, $0xC;
	v3 =	vadd.s32 v39, v3  }
0x39f: {  	vm8 =	vge.s32 v58, s7;
	v4 =	vadd.s32 v41, v4;
	v3 =	vnsel vm0, $0x100000, v3  }
0x3a0: {  	v60 =	vld [tilespmem:$0x9DF0];
	v6 =	vadd.s32 v46, v6;
	v5 =	vadd.s32 v47, v52;
	v4 =	vnsel vm9, $0x100000, v4;
	[tilespmem:$0xAD80] =	vst v3  }
0x3a1: {  	v7 =	vadd.s32 v54, v59;
	v9 =	vadd.s32 v56, v63;
	v6 =	vnsel vm1, $0x100000, v6;
	[tilespmem:$0xAD90] =	vst v4  }
0x3a2: {  	v5 =	vnsel vm2, $0x100000, v5;
	vm0 =	vmand vm14, vm15;
	v3 =	vadd.s32 v53, v8;
	[tilespmem:$0xADA0] =	vst v6  }
0x3a3: {  	vm1 =	vmand vm4, vm5;
	vm9 =	vlt.s32 v58, s8;
	[tilespmem:$0xADB0] =	vst v5;
	v3 =	vnsel vm0, $0x100000, v3  }
0x3a4: {  	v61 =	vnsel vm1, $0x100000, v7;
	vm0 =	vmand vm6, vm7;
	[tilespmem:$0xADC0] =	vst v3;
	v3 =	vshll.u32 v10, $0xC  }
0x3a5: {  	vm10 =	vmand vm8, vm9;
	[tilespmem:$0xADD0] =	vst v61;
	v11 =	vnsel vm0, $0x100000, v9;
	v3 =	vadd.s32 v60, v3  }
0x3a6: {  	[tilespmem:$0xADE0] =	vst v11;
	v3 =	vnsel vm10, $0x100000, v3  }
0x3a7: {  	[tilespmem:$0xADF0] =	vst v3  }
0x3a8: {  	[spmem:s2] =	stream.indirect.scatter [tilespmem:s23], [sflag:$0x1], $0x1, s18, s17, $0xb8;
	[tilespmem:$0x1C188] =	vst v63  }
0x3a9: {  	v3 =	vld [tilespmem:$0x8E00]  }
0x3aa: {  	v13 =	vld [tilespmem:$0x8E10]  }
0x3ab: {  	v16 =	vld [tilespmem:$0x8E20]  }
0x3ac: {  	v17 =	vld [tilespmem:$0x8E30]  }
0x3ad: {  	v22 =	vld [tilespmem:$0x8E40]  }
0x3ae: {  	v24 =	vld [tilespmem:$0x8E50]  }
0x3af: {  	v28 =	vld [tilespmem:$0x8E60];
	v15 =	vsub.s32 v3, v2  }
0x3b0: {  	v31 =	vld [tilespmem:$0x8E70];
	vm11 =	vge.s32 v3, s7;
	vm12 =	vlt.s32 v3, s8;
	v18 =	vsub.s32 v13, v2  }
0x3b1: {  	vm13 =	vge.s32 v13, s7;
	vm14 =	vlt.s32 v13, s8;
	vm6 =	vge.s32 v16, s7  }
0x3b2: {  	vm7 =	vlt.s32 v16, s8;
	v21 =	vsub.s32 v16, v2;
	v23 =	vsub.s32 v17, v2  }
0x3b3: {  	v12 =	vld [tilespmem:$0x9E00];
	vm8 =	vge.s32 v17, s7;
	vm9 =	vlt.s32 v17, s8;
	vm10 =	vge.s32 v22, s7  }
0x3b4: {  	v14 =	vld [tilespmem:$0x9E10];
	v8 =	vsub.s32 v22, v2;
	v30 =	vsub.s32 v24, v2;
	v35 =	vsub.s32 v28, v2  }
0x3b5: {  	v19 =	vld [tilespmem:$0x9E20];
	v38 =	vsub.s32 v31, v2;
	vm4 =	vge.s32 v31, s7;
	vm5 =	vlt.s32 v31, s8  }
0x3b6: {  	v20 =	vld [tilespmem:$0x9E30];
	v3 =	vshll.u32 v15, $0xC;
	vm0 =	vmand vm11, vm12;
	v4 =	vshll.u32 v18, $0xC  }
0x3b7: {  	v27 =	vld [tilespmem:$0x9E50];
	vm15 =	vmand vm13, vm14;
	vm1 =	vmand vm6, vm7;
	v6 =	vshll.u32 v21, $0xC  }
0x3b8: {  	v29 =	vld [tilespmem:$0x9E60];
	v25 =	vshll.u32 v23, $0xC;
	vm2 =	vmand vm8, vm9;
	vm11 =	vlt.s32 v22, s8  }
0x3b9: {  	v26 =	vld [tilespmem:$0x9E40];
	v8 =	vshll.u32 v8, $0xC;
	vm12 =	vge.s32 v24, s7;
	vm13 =	vlt.s32 v24, s8  }
0x3ba: {  	v32 =	vshll.u32 v30, $0xC;
	vm14 =	vge.s32 v28, s7;
	v3 =	vadd.s32 v12, v3  }
0x3bb: {  	v36 =	vshll.u32 v35, $0xC;
	v4 =	vadd.s32 v14, v4;
	v3 =	vnsel vm0, $0x100000, v3  }
0x3bc: {  	v33 =	vld [tilespmem:$0x9E70];
	v6 =	vadd.s32 v19, v6;
	v5 =	vadd.s32 v20, v25;
	v4 =	vnsel vm15, $0x100000, v4;
	[tilespmem:$0xAE00] =	vst v3  }
0x3bd: {  	v7 =	vadd.s32 v27, v32;
	v37 =	vadd.s32 v29, v36;
	v6 =	vnsel vm1, $0x100000, v6;
	[tilespmem:$0xAE10] =	vst v4  }
0x3be: {  	v5 =	vnsel vm2, $0x100000, v5;
	vm0 =	vmand vm10, vm11;
	v3 =	vadd.s32 v26, v8;
	[tilespmem:$0xAE20] =	vst v6  }
0x3bf: {  	vm1 =	vmand vm12, vm13;
	vm15 =	vlt.s32 v28, s8;
	[tilespmem:$0xAE30] =	vst v5;
	v3 =	vnsel vm0, $0x100000, v3  }
0x3c0: {  	v34 =	vnsel vm1, $0x100000, v7;
	vm0 =	vmand vm14, vm15;
	[tilespmem:$0xAE40] =	vst v3;
	v3 =	vshll.u32 v38, $0xC  }
0x3c1: {  	vm6 =	vmand vm4, vm5;
	[tilespmem:$0xAE50] =	vst v34;
	v39 =	vnsel vm0, $0x100000, v37;
	v3 =	vadd.s32 v33, v3  }
0x3c2: {  	[tilespmem:$0xAE60] =	vst v39;
	v3 =	vnsel vm6, $0x100000, v3  }
0x3c3: {  	[tilespmem:$0xAE70] =	vst v3  }
0x3c4: {  	[spmem:s2] =	stream.indirect.scatter [tilespmem:s23], [sflag:$0x1], $0x1, s19, s17, $0xb8;
	[tilespmem:$0x1C188] =	vst v63  }
0x3c5: {  	v3 =	vld [tilespmem:$0x8E80]  }
0x3c6: {  	v41 =	vld [tilespmem:$0x8E90]  }
0x3c7: {  	v44 =	vld [tilespmem:$0x8EA0]  }
0x3c8: {  	v45 =	vld [tilespmem:$0x8EB0]  }
0x3c9: {  	v50 =	vld [tilespmem:$0x8EC0]  }
0x3ca: {  	v52 =	vld [tilespmem:$0x8ED0]  }
0x3cb: {  	v56 =	vld [tilespmem:$0x8EE0];
	v43 =	vsub.s32 v3, v2  }
0x3cc: {  	v59 =	vld [tilespmem:$0x8EF0];
	vm7 =	vge.s32 v3, s7;
	vm8 =	vlt.s32 v3, s8;
	v46 =	vsub.s32 v41, v2  }
0x3cd: {  	vm9 =	vge.s32 v41, s7;
	vm10 =	vlt.s32 v41, s8;
	vm12 =	vge.s32 v44, s7  }
0x3ce: {  	vm13 =	vlt.s32 v44, s8;
	v49 =	vsub.s32 v44, v2;
	v51 =	vsub.s32 v45, v2  }
0x3cf: {  	v40 =	vld [tilespmem:$0x9E80];
	vm14 =	vge.s32 v45, s7;
	vm15 =	vlt.s32 v45, s8;
	vm4 =	vge.s32 v50, s7  }
0x3d0: {  	v42 =	vld [tilespmem:$0x9E90];
	vm5 =	vlt.s32 v50, s8;
	v8 =	vsub.s32 v50, v2;
	v58 =	vsub.s32 v52, v2  }
0x3d1: {  	v47 =	vld [tilespmem:$0x9EA0];
	vm6 =	vge.s32 v52, s7;
	v63 =	vsub.s32 v56, v2;
	v12 =	vsub.s32 v59, v2  }
0x3d2: {  	v48 =	vld [tilespmem:$0x9EB0];
	v3 =	vshll.u32 v43, $0xC;
	vm0 =	vmand vm7, vm8;
	v4 =	vshll.u32 v46, $0xC  }
0x3d3: {  	v55 =	vld [tilespmem:$0x9ED0];
	vm11 =	vmand vm9, vm10;
	vm1 =	vmand vm12, vm13;
	v6 =	vshll.u32 v49, $0xC  }
0x3d4: {  	v57 =	vld [tilespmem:$0x9EE0];
	v53 =	vshll.u32 v51, $0xC;
	vm2 =	vmand vm14, vm15;
	v8 =	vshll.u32 v8, $0xC  }
0x3d5: {  	v54 =	vld [tilespmem:$0x9EC0];
	vm7 =	vlt.s32 v52, s8;
	v60 =	vshll.u32 v58, $0xC;
	vm8 =	vge.s32 v56, s7  }
0x3d6: {  	vm9 =	vlt.s32 v56, s8;
	v10 =	vshll.u32 v63, $0xC;
	v3 =	vadd.s32 v40, v3  }
0x3d7: {  	vm10 =	vge.s32 v59, s7;
	v4 =	vadd.s32 v42, v4;
	v3 =	vnsel vm0, $0x100000, v3  }
0x3d8: {  	v61 =	vld [tilespmem:$0x9EF0];
	v6 =	vadd.s32 v47, v6;
	v5 =	vadd.s32 v48, v53;
	v4 =	vnsel vm11, $0x100000, v4;
	[tilespmem:$0xAE80] =	vst v3  }
0x3d9: {  	v7 =	vadd.s32 v55, v60;
	v11 =	vadd.s32 v57, v10;
	v6 =	vnsel vm1, $0x100000, v6;
	[tilespmem:$0xAE90] =	vst v4  }
0x3da: {  	v5 =	vnsel vm2, $0x100000, v5;
	vm0 =	vmand vm4, vm5;
	v3 =	vadd.s32 v54, v8;
	[tilespmem:$0xAEA0] =	vst v6  }
0x3db: {  	vm1 =	vmand vm6, vm7;
	vm11 =	vlt.s32 v59, s8;
	[tilespmem:$0xAEB0] =	vst v5;
	v3 =	vnsel vm0, $0x100000, v3  }
0x3dc: {  	v62 =	vnsel vm1, $0x100000, v7;
	vm0 =	vmand vm8, vm9;
	[tilespmem:$0xAEC0] =	vst v3;
	v3 =	vshll.u32 v12, $0xC  }
0x3dd: {  	vm12 =	vmand vm10, vm11;
	[tilespmem:$0xAED0] =	vst v62;
	v13 =	vnsel vm0, $0x100000, v11;
	v3 =	vadd.s32 v61, v3  }
0x3de: {  	[tilespmem:$0xAEE0] =	vst v13;
	v3 =	vnsel vm12, $0x100000, v3  }
0x3df: {  	[tilespmem:$0xAEF0] =	vst v3  }
0x3e0: {  	[spmem:s2] =	stream.indirect.scatter [tilespmem:s23], [sflag:$0x1], $0x1, s20, s17, $0xb8;
	[tilespmem:$0x1C188] =	vst v63  }
0x3e1: {  	v3 =	vld [tilespmem:$0x8F00]  }
0x3e2: {  	v15 =	vld [tilespmem:$0x8F10]  }
0x3e3: {  	v18 =	vld [tilespmem:$0x8F20]  }
0x3e4: {  	v21 =	vld [tilespmem:$0x8F30]  }
0x3e5: {  	v23 =	vld [tilespmem:$0x8F40]  }
0x3e6: {  	v24 =	vld [tilespmem:$0x8F50]  }
0x3e7: {  	v28 =	vld [tilespmem:$0x8F60];
	v17 =	vsub.s32 v3, v2  }
0x3e8: {  	v31 =	vld [tilespmem:$0x8F70];
	vm13 =	vge.s32 v3, s7;
	vm14 =	vlt.s32 v3, s8;
	v20 =	vsub.s32 v15, v2  }
0x3e9: {  	vm15 =	vge.s32 v15, s7;
	vm4 =	vlt.s32 v15, s8;
	vm6 =	vge.s32 v18, s7  }
0x3ea: {  	vm7 =	vlt.s32 v18, s8;
	v8 =	vsub.s32 v18, v2;
	vm9 =	vge.s32 v21, s7  }
0x3eb: {  	vm10 =	vlt.s32 v21, s8;
	v9 =	vsub.s32 v21, v2;
	vm11 =	vge.s32 v23, s7  }
0x3ec: {  	v14 =	vld [tilespmem:$0x9F00];
	vm12 =	vlt.s32 v23, s8;
	v6 =	vsub.s32 v23, v2;
	v30 =	vsub.s32 v24, v2  }
0x3ed: {  	v16 =	vld [tilespmem:$0x9F10];
	v36 =	vsub.s32 v28, v2;
	v38 =	vsub.s32 v31, v2;
	v3 =	vshll.u32 v17, $0xC  }
0x3ee: {  	v19 =	vld [tilespmem:$0x9F20];
	vm0 =	vmand vm13, vm14;
	v4 =	vshll.u32 v20, $0xC;
	vm5 =	vmand vm15, vm4  }
0x3ef: {  	v22 =	vld [tilespmem:$0x9F30];
	vm8 =	vmand vm6, vm7;
	v8 =	vshll.u32 v8, $0xC;
	vm1 =	vmand vm9, vm10  }
0x3f0: {  	v27 =	vld [tilespmem:$0x9F50];
	v26 =	vshll.u32 v9, $0xC;
	vm13 =	vmand vm11, vm12;
	vm14 =	vge.s32 v24, s7  }
0x3f1: {  	v25 =	vld [tilespmem:$0x9F40];
	vm15 =	vlt.s32 v24, s8;
	v6 =	vshll.u32 v6, $0xC;
	v32 =	vshll.u32 v30, $0xC  }
0x3f2: {  	vm4 =	vge.s32 v28, s7;
	vm6 =	vge.s32 v31, s7;
	v3 =	vadd.s32 v14, v3  }
0x3f3: {  	v29 =	vld [tilespmem:$0x9F60];
	vm7 =	vlt.s32 v31, s8;
	v4 =	vadd.s32 v16, v4;
	v3 =	vnsel vm0, $0x100000, v3  }
0x3f4: {  	v34 =	vld [tilespmem:$0x9F70];
	v7 =	vadd.s32 v19, v8;
	v5 =	vadd.s32 v22, v26;
	v4 =	vnsel vm5, $0x100000, v4;
	[tilespmem:$0xAF00] =	vst v3  }
0x3f5: {  	v33 =	vadd.s32 v27, v32;
	v7 =	vnsel vm8, $0x100000, v7;
	v5 =	vnsel vm1, $0x100000, v5;
	[tilespmem:$0xAF10] =	vst v4  }
0x3f6: {  	vm1 =	vmand vm14, vm15;
	vm5 =	vlt.s32 v28, s8;
	v3 =	vadd.s32 v25, v6;
	[tilespmem:$0xAF20] =	vst v7  }
0x3f7: {  	v35 =	vnsel vm1, $0x100000, v33;
	v6 =	vshll.u32 v36, $0xC;
	[tilespmem:$0xAF30] =	vst v5;
	v3 =	vnsel vm13, $0x100000, v3  }
0x3f8: {  	vm0 =	vmand vm4, vm5;
	v37 =	vadd.s32 v29, v6;
	[tilespmem:$0xAF40] =	vst v3;
	v3 =	vshll.u32 v38, $0xC  }
0x3f9: {  	vm8 =	vmand vm6, vm7;
	[tilespmem:$0xAF50] =	vst v35;
	v39 =	vnsel vm0, $0x100000, v37;
	v3 =	vadd.s32 v34, v3  }
0x3fa: {  	[tilespmem:$0xAF60] =	vst v39;
	v3 =	vnsel vm8, $0x100000, v3  }
0x3fb: {  	[tilespmem:$0xAF70] =	vst v3  }
0x3fc: {  	[spmem:s2] =	stream.indirect.scatter [tilespmem:s23], [sflag:$0x1], $0x1, s21, s17, $0xb8;
	[tilespmem:$0x1C188] =	vst v63  }
0x3fd: {  	v3 =	vld [tilespmem:$0x8F80]  }
0x3fe: {  	v41 =	vld [tilespmem:$0x8F90]  }
0x3ff: {  	v43 =	vld [tilespmem:$0x8FA0]  }
0x400: {  	v46 =	vld [tilespmem:$0x8FB0]  }
0x401: {  	v49 =	vld [tilespmem:$0x8FC0]  }
0x402: {  	v52 =	vld [tilespmem:$0x8FD0];
	v42 =	vsub.s32 v3, v2  }
0x403: {  	v55 =	vld [tilespmem:$0x8FE0];
	vm9 =	vge.s32 v3, s7;
	vm10 =	vlt.s32 v3, s8;
	vm11 =	vge.s32 v41, s7  }
0x404: {  	v59 =	vld [tilespmem:$0x8FF0];
	vm12 =	vlt.s32 v41, s8;
	v5 =	vsub.s32 v41, v2;
	v48 =	vsub.s32 v43, v2  }
0x405: {  	vm13 =	vge.s32 v43, s7;
	vm14 =	vlt.s32 v43, s8;
	v53 =	vsub.s32 v46, v2  }
0x406: {  	vm15 =	vge.s32 v46, s7;
	vm4 =	vlt.s32 v46, s8;
	v56 =	vsub.s32 v49, v2  }
0x407: {  	vm5 =	vge.s32 v49, s7;
	vm6 =	vlt.s32 v49, s8;
	v58 =	vsub.s32 v52, v2  }
0x408: {  	v40 =	vld [tilespmem:$0x9F80];
	vm7 =	vge.s32 v52, s7;
	vm8 =	vlt.s32 v52, s8;
	v60 =	vsub.s32 v55, v2  }
0x409: {  	v45 =	vld [tilespmem:$0x9FA0];
	v2 =	vsub.s32 v59, v2;
	v3 =	vshll.u32 v42, $0xC;
	vm0 =	vmand vm9, vm10  }
0x40a: {  	v44 =	vld [tilespmem:$0x9F90];
	v5 =	vshll.u32 v5, $0xC;
	v50 =	vshll.u32 v48, $0xC;
	vm1 =	vmand vm13, vm14  }
0x40b: {  	v47 =	vld [tilespmem:$0x9FB0];
	v7 =	vshll.u32 v53, $0xC;
	v9 =	vshll.u32 v56, $0xC;
	v10 =	vshll.u32 v58, $0xC  }
0x40c: {  	v54 =	vld [tilespmem:$0x9FD0];
	vm9 =	vmand vm7, vm8;
	v6 =	vshll.u32 v60, $0xC;
	vm10 =	vge.s32 v55, s7  }
0x40d: {  	v57 =	vld [tilespmem:$0x9FE0];
	vm13 =	vge.s32 v59, s7;
	vm14 =	vlt.s32 v59, s8;
	v3 =	vadd.s32 v40, v3  }
0x40e: {  	v61 =	vld [tilespmem:$0x9FF0];
	v2 =	vshll.u32 v2, $0xC;
	v4 =	vadd.s32 v45, v50;
	v3 =	vnsel vm0, $0x100000, v3  }
0x40f: {  	v51 =	vld [tilespmem:$0x9FC0];
	v5 =	vadd.s32 v44, v5;
	vm0 =	vmand vm11, vm12;
	v4 =	vnsel vm1, $0x100000, v4;
	[tilespmem:$0xAF80] =	vst v3  }
0x410: {  	v7 =	vadd.s32 v47, v7;
	v5 =	vnsel vm0, $0x100000, v5;
	vm0 =	vmand vm15, vm4;
	[tilespmem:$0xAFA0] =	vst v4  }
0x411: {  	vm11 =	vlt.s32 v55, s8;
	v3 =	vadd.s32 v54, v10;
	v7 =	vnsel vm0, $0x100000, v7;
	[tilespmem:$0xAF90] =	vst v5  }
0x412: {  	v63 =	vadd.s32 v57, v6;
	vm12 =	vmand vm10, vm11;
	v3 =	vnsel vm9, $0x100000, v3;
	[tilespmem:$0xAFB0] =	vst v7  }
0x413: {  	v2 =	vadd.s32 v61, v2;
	vm15 =	vmand vm13, vm14;
	v4 =	vnsel vm12, $0x100000, v63;
	[tilespmem:$0xAFD0] =	vst v3  }
0x414: {  	v9 =	vadd.s32 v51, v9;
	vm0 =	vmand vm5, vm6;
	v2 =	vnsel vm15, $0x100000, v2;
	[tilespmem:$0xAFE0] =	vst v4  }
0x415: {  	v62 =	vnsel vm0, $0x100000, v9;
	[tilespmem:$0xAFF0] =	vst v2  }
0x416: {  	[tilespmem:$0xAFC0] =	vst v62  }
0x417: {  	[spmem:s2] =	stream.indirect.scatter [tilespmem:s23], [sflag:$0x1], $0x1, s14, s17, $0xb8;
	[tilespmem:$0x1C188] =	vst v63  }
0x418: {  	_ =	swait.ge [sflag:s22], $0x80  }
0x419: {  	[sflag:s22] =	ssyncset.done $0x0  }
0x41a: {  	[sflag:s22] =	ssyncadd.s32 $0xFFFFFF80  }
0x41b: {  	_ =	swait.ge [sflag:s22], $0x80  }
0x41c: {  	[sflag:s22] =	ssyncset.done $0x0  }
0x41d: {  	[sflag:s22] =	ssyncadd.s32 $0xFFFFFF80  }
0x41e: {  	_ =	swait.ge [sflag:s22], $0x80  }
0x41f: {  	[sflag:s22] =	ssyncset.done $0x0  }
0x420: {  	[sflag:s22] =	ssyncadd.s32 $0xFFFFFF80  }
0x421: {  	_ =	swait.ge [sflag:s22], $0x80  }
0x422: {  	[sflag:s22] =	ssyncset.done $0x0  }
0x423: {  	[sflag:s22] =	ssyncadd.s32 $0xFFFFFF80  }
0x424: {  	_ =	swait.ge [sflag:s22], $0x80  }
0x425: {  	[sflag:s22] =	ssyncset.done $0x0  }
0x426: {  	[sflag:s22] =	ssyncadd.s32 $0xFFFFFF80  }
0x427: {  	_ =	swait.ge [sflag:s22], $0x80  }
0x428: {  	[sflag:s22] =	ssyncset.done $0x0  }
0x429: {  	[sflag:s22] =	ssyncadd.s32 $0xFFFFFF80  }
0x42a: {  	_ =	swait.ge [sflag:s22], $0x80  }
0x42b: {  	[sflag:s22] =	ssyncset.done $0x0  }
0x42c: {  	[sflag:s22] =	ssyncadd.s32 $0xFFFFFF80  }
0x42d: {  	_ =	swait.ge [sflag:s22], $0x80  }
0x42e: {  	[sflag:s22] =	ssyncset.done $0x0  }
0x42f: {  	[sflag:s22] =	ssyncadd.s32 $0xFFFFFF80  }
0x430: {  	_ =	swait.ge [sflag:s22], $0x80  }
0x431: {  	[sflag:s22] =	ssyncset.done $0x0  }
0x432: {  	[sflag:s22] =	ssyncadd.s32 $0xFFFFFF80  }
0x433: {  	_ =	swait.ge [sflag:s22], $0x80  }
0x434: {  	[sflag:s22] =	ssyncset.done $0x0  }
0x435: {  	[sflag:s22] =	ssyncadd.s32 $0xFFFFFF80  }
0x436: {  	_ =	swait.ge [sflag:s22], $0x80  }
0x437: {  	[sflag:s22] =	ssyncset.done $0x0  }
0x438: {  	[sflag:s22] =	ssyncadd.s32 $0xFFFFFF80  }
0x439: {  	_ =	swait.ge [sflag:s22], $0x80  }
0x43a: {  	[sflag:s22] =	ssyncset.done $0x0  }
0x43b: {  	[sflag:s22] =	ssyncadd.s32 $0xFFFFFF80  }
0x43c: {  	_ =	swait.ge [sflag:s22], $0x80  }
0x43d: {  	[sflag:s22] =	ssyncset.done $0x0  }
0x43e: {  	[sflag:s22] =	ssyncadd.s32 $0xFFFFFF80  }
0x43f: {  	_ =	swait.ge [sflag:s22], $0x80  }
0x440: {  	[sflag:s22] =	ssyncset.done $0x0  }
0x441: {  	[sflag:s22] =	ssyncadd.s32 $0xFFFFFF80  }
0x442: {  	_ =	swait.ge [sflag:s22], $0x80  }
0x443: {  	[sflag:s22] =	ssyncset.done $0x0  }
0x444: {  	[sflag:s22] =	ssyncadd.s32 $0xFFFFFF80  }
0x445: {  	_ =	swait.ge [sflag:s22], $0x80  }
0x446: {  	[sflag:s22] =	ssyncset.done $0x0  }
0x447: {  	[sflag:s22] =	ssyncadd.s32 $0xFFFFFF80  }
0x448: {  	_ =	swait.ge [sflag:s22], $0x80  }
0x449: {  	[sflag:s22] =	ssyncset.done $0x0  }
0x44a: {  	[sflag:s22] =	ssyncadd.s32 $0xFFFFFF80  }
0x44b: {  	_ =	swait.ge [sflag:s22], $0x80  }
0x44c: {  	[sflag:s22] =	ssyncset.done $0x0  }
0x44d: {  	[sflag:s22] =	ssyncadd.s32 $0xFFFFFF80  }
0x44e: {  	_ =	swait.ge [sflag:s22], $0x80  }
0x44f: {  	[sflag:s22] =	ssyncset.done $0x0  }
0x450: {  	[sflag:s22] =	ssyncadd.s32 $0xFFFFFF80  }
0x451: {  	_ =	swait.ge [sflag:s22], $0x80  }
0x452: {  	[sflag:s22] =	ssyncset.done $0x0  }
0x453: {  	[sflag:s22] =	ssyncadd.s32 $0xFFFFFF80  }
0x454: {  	_ =	swait.ge [sflag:s22], $0x80  }
0x455: {  	[sflag:s22] =	ssyncset.done $0x0  }
0x456: {  	[sflag:s22] =	ssyncadd.s32 $0xFFFFFF80  }
0x457: {  	_ =	swait.ge [sflag:s22], $0x80  }
0x458: {  	[sflag:s22] =	ssyncset.done $0x0  }
0x459: {  	[sflag:s22] =	ssyncadd.s32 $0xFFFFFF80  }
0x45a: {  	_ =	swait.ge [sflag:s22], $0x80  }
0x45b: {  	[sflag:s22] =	ssyncset.done $0x0  }
0x45c: {  	[sflag:s22] =	ssyncadd.s32 $0xFFFFFF80  }
0x45d: {  	_ =	swait.ge [sflag:s22], $0x80  }
0x45e: {  	[sflag:s22] =	ssyncset.done $0x0  }
0x45f: {  	[sflag:s22] =	ssyncadd.s32 $0xFFFFFF80  }
0x460: {  	_ =	swait.ge [sflag:s22], $0x80  }
0x461: {  	[sflag:s22] =	ssyncset.done $0x0  }
0x462: {  	[sflag:s22] =	ssyncadd.s32 $0xFFFFFF80  }
0x463: {  	_ =	swait.ge [sflag:s22], $0x80  }
0x464: {  	[sflag:s22] =	ssyncset.done $0x0  }
0x465: {  	[sflag:s22] =	ssyncadd.s32 $0xFFFFFF80  }
0x466: {  	_ =	swait.ge [sflag:s22], $0x80  }
0x467: {  	[sflag:s22] =	ssyncset.done $0x0  }
0x468: {  	[sflag:s22] =	ssyncadd.s32 $0xFFFFFF80  }
0x469: {  	_ =	swait.ge [sflag:s22], $0x80  }
0x46a: {  	[sflag:s22] =	ssyncset.done $0x0  }
0x46b: {  	[sflag:s22] =	ssyncadd.s32 $0xFFFFFF80  }
0x46c: {  	_ =	swait.ge [sflag:s22], $0x80  }
0x46d: {  	[sflag:s22] =	ssyncset.done $0x0  }
0x46e: {  	[sflag:s22] =	ssyncadd.s32 $0xFFFFFF80  }
0x46f: {  	_ =	swait.ge [sflag:s22], $0x80  }
0x470: {  	[sflag:s22] =	ssyncset.done $0x0  }
0x471: {  	[sflag:s22] =	ssyncadd.s32 $0xFFFFFF80  }
0x472: {  	_ =	swait.ge [sflag:s22], $0x80  }
0x473: {  	[sflag:s22] =	ssyncset.done $0x0  }
0x474: {  	[sflag:s22] =	ssyncadd.s32 $0xFFFFFF80  }
0x475: {  	_ =	swait.ge [sflag:s22], $0x80  }
0x476: {  	[sflag:s22] =	ssyncset.done $0x0  }
0x477: {  	s9 =	sshll.u32 s4, $0x6;
	s12 =	sadd.s32 $0xFFFFF000, s13;
	[sflag:s22] =	ssyncadd.s32 $0xFFFFFF80  }
0x478: {  	s6 =	sshrl.u32 s10, $0x3;
	s7 =	sor.u32 $0x1C01, s9;
	[bflag:$0x0] =	sbarrier.arrive $0xFFFF  }
0x479: {  	[hbm:s12], [sflag:s7] =	dma.local [spmem:s6], $0x1000  }
0x47a: {  	s12 =	sshrl.u32 s11, $0x3  }
0x47b: {  	[hbm:s13], [sflag:s7] =	dma.local [spmem:s12], $0x1000  }
0x47c: {  	p1 =	sne.s32 s5, $0x700;
	_ =	swait.ge [sflag:s22], $0x1000  }
.Ltmp1:
0x47d: {  	[sflag:s22] =	ssyncset.done $0x0;
	(pc) =	sbr.rel @p1 .LBB2_4-.Ltmp1, $4  }
0x47e: {  	[sflag:s22] =	ssyncadd.s32 $0xFFFFF000  }
0x47f: {  	_ =	swait.ge [sflag:s22], $0x1000  }
0x480: {  	[sflag:s22] =	ssyncset.done $0x0  }
0x481: {  	s5 =	sadd.s32 $0x100, s5;
	s13 =	sadd.s32 $0x20000, s13;
	[sflag:s22] =	ssyncadd.s32 $0xFFFFF000  }
0x482: {  	s16 =	sadd.s32 $0x1, s16;
	s5 =	rddreg [dreg:$0x1d]  }
0x483: {  	p1 =	sne.s32 s16, s5  }
.Ltmp2:
0x484: {  	_ = 	snop;
	(pc) =	sbr.rel @p1 .LBB2_1-.Ltmp2, $1  }
0x485: {  	_ =	sdelay $0x3  }
0x486: {  	_ =	sfence.sel $0x180000  }
0x487: {  	[bflag:$0x0] =	sbarrier.arrive $0xFFFF  }
0x488: {  	_ =	strace $0x90000047  }
0x489: {  	[bflag:$0x2] =	sbarrier.arrive $0xFFFF  }
0x48a: {  	s0 =	rddreg [dreg:$0x3]  }
0x48b: {  	s0 =	sadd.s32 @!p0 $0x100000, s0  }
0x48c: {  	[sflag:s0] =	ssyncadd.tile.s32 @!p0 $0x1;
	_ =	shalt  }
.Lfunc_end2:
_tile_overlayer_lowered:
.L_overlay_start_2:
0x48d: {  	(tag) =	ssettag $0x2  }
0x48e: {  	s0 =	rddreg [dreg:$0x0];
	s2 =	stileid.u32  }
0x48f: {  	s1 =	rddreg [dreg:$0x1];
	p0 =	sne.s32 s2, $0x0  }
0x490: {  	s3 =	rddreg [dreg:$0x2];
	[bflag:$0x3] =	sbarrier.arrive $0xFFFF;
	s2 =	simm.s32 @!p0 $0x1C02  }
0x491: {  	[timem:s3], [sflag:s2] =	dma.local @!p0 [hbm:s0], s1  }
0x492: {  	s0 =	simm.s32 @!p0 $0x2  }
0x493: {  	_ =	swait.ge @!p0 [sflag:s0], s1  }
0x494: {  	s1 =	ssub.s32 @!p0 $0x0, s1;
	[sflag:s0] =	ssyncset.done @!p0 $0x0  }
0x495: {  	[sflag:s0] =	ssyncadd.s32 @!p0 s1  }
0x496: {  	[bflag:$0x3] =	sbarrier.arrive $0xFFFF  }
0x497: {  	_ =	shalt  }

</sc_bundles>
